<compile_context>
chip_gen: v7x
topology: tpu7x:2x2x1
jax: 0.10.2.dev20260603
libtpu: 0.0.44.dev20260713+nightly
codegen_flags: <defaults>
</compile_context>

<pallas_src>
import functools
import math

import jax
import jax.numpy as jnp
from jax import lax
from jax.experimental import pallas as pl
from jax.experimental.pallas import tpu as pltpu
from jax.experimental.pallas import tpu_sc as plsc

B = 8
N = 197
D = 192
NH = 3
DH = 64
L = 6
NE = 16
HD = 768
CAP = 197
CAPP = 256
NP = 256
NTOK = B * NP
NW = 32
PERW = NTOK // NW

_f32 = jnp.float32


def _ln(x, g, b):
    m = x.mean(-1, keepdims=True)
    v = ((x - m) ** 2).mean(-1, keepdims=True)
    return (x - m) / jnp.sqrt(v + 1e-6) * g + b


def _embed_body(xp_ref, wp_ref, bp_ref, cls_ref, pos_ref, out_ref):
    y = jnp.dot(xp_ref[...], wp_ref[...]) + bp_ref[...]
    for b in range(B):
        out_ref[b, 0:1, :] = cls_ref[...] + pos_ref[0:1, :]
        out_ref[b, 1:N, :] = y[b * (N - 1):(b + 1) * (N - 1), :] + pos_ref[1:N, :]


def _embed(xp, wp, bp, cls, pos):
    return pl.pallas_call(
        _embed_body,
        out_shape=jax.ShapeDtypeStruct((B, N, D), _f32),
    )(xp, wp, bp, cls, pos)


def _layer_body(t_ref, g_ref, scl_ref, ln1g_ref, ln1b_ref, wqkv_ref, bqkv_ref,
                wproj_ref, bproj_ref, ln2g_ref, ln2b_ref, wg_ref,
                tmid_ref, u_ref, loc_ref, sclo_ref, aux_ref):
    iota_e = lax.broadcasted_iota(jnp.int32, (N, NE), 1).astype(_f32)
    ii = lax.broadcasted_iota(jnp.int32, (N, N), 0)
    jj = lax.broadcasted_iota(jnp.int32, (N, N), 1)
    tril = (jj < ii).astype(_f32)
    lane = lax.broadcasted_iota(jnp.int32, (NP,), 0)

    off = jnp.zeros((NE,), _f32)
    imp = jnp.zeros((NE,), _f32)
    for b in range(B):
        sb = scl_ref[b][:N][:, None]
        tb = t_ref[b] + jnp.where(sb > 0.0, g_ref[b, :N, :] * sb, 0.0)
        u1 = _ln(tb, ln1g_ref[...], ln1b_ref[...])
        qkv = jnp.dot(u1, wqkv_ref[...]) + bqkv_ref[...]
        outs = []
        for h in range(NH):
            q = qkv[:, h * DH:(h + 1) * DH]
            k = qkv[:, D + h * DH:D + (h + 1) * DH]
            v = qkv[:, 2 * D + h * DH:2 * D + (h + 1) * DH]
            s = jnp.dot(q, k.T) * (1.0 / math.sqrt(DH))
            p = jax.nn.softmax(s, axis=-1)
            outs.append(jnp.dot(p, v))
        o = jnp.concatenate(outs, axis=1)
        tm = tb + jnp.dot(o, wproj_ref[...]) + bproj_ref[...]
        tmid_ref[b] = tm
        u2 = _ln(tm, ln2g_ref[...], ln2b_ref[...])
        u_ref[b, :N, :] = u2

        logits = jnp.dot(u2, wg_ref[...])
        probs = jax.nn.softmax(logits, axis=-1)
        gate = jnp.max(probs, axis=-1)
        eq = probs == gate[:, None]
        idxf = jnp.min(jnp.where(eq, iota_e, 1e9), axis=-1)
        oh = (iota_e == idxf[:, None]).astype(_f32)
        cnt = jnp.dot(tril, oh)
        pos = jnp.sum((cnt + off[None, :]) * oh, axis=-1)
        keep = (pos < float(CAP)).astype(_f32)
        posc = jnp.minimum(pos, float(CAPP - 1))
        locb = (idxf * CAPP + posc).astype(jnp.int32)
        sclb = gate * keep
        loc_full = jnp.concatenate(
            [locb, jnp.full((NP - N,), CAPP - 1, jnp.int32)])
        scl_full = jnp.concatenate([sclb, jnp.zeros((NP - N,), _f32)])
        loc_ref[b] = jnp.where(lane < N, loc_full, CAPP - 1)
        sclo_ref[b] = jnp.where(lane < N, scl_full, 0.0)
        off = off + jnp.sum(oh, axis=0)
        imp = imp + jnp.sum(probs, axis=0)

    tot = float(B * N)
    aux = float(NE) * jnp.sum((imp / tot) * (off / tot))
    aux_ref[...] = aux.reshape(1, 1)


def _layer_head(t, g, scl, ln1g, ln1b, wqkv, bqkv, wproj, bproj, ln2g, ln2b, wg):
    return pl.pallas_call(
        _layer_body,
        out_shape=(
            jax.ShapeDtypeStruct((B, N, D), _f32),
            jax.ShapeDtypeStruct((B, NP, D), _f32),
            jax.ShapeDtypeStruct((B, NP), jnp.int32),
            jax.ShapeDtypeStruct((B, NP), _f32),
            jax.ShapeDtypeStruct((1, 1), _f32),
        ),
    )(t, g, scl, ln1g, ln1b, wqkv, bqkv, wproj, bproj, ln2g, ln2b, wg)


def _ffn_body(buf_ref, w1_ref, b1_ref, w2_ref, b2_ref, out_ref):
    x = buf_ref[...]
    h = jax.nn.gelu(jnp.dot(x, w1_ref[0]) + b1_ref[0])
    out_ref[...] = jnp.dot(h, w2_ref[0]) + b2_ref[0]


def _ffn(buf, w1, b1, w2, b2):
    return pl.pallas_call(
        _ffn_body,
        grid=(NE,),
        in_specs=[
            pl.BlockSpec((CAPP, D), lambda e: (e, 0)),
            pl.BlockSpec((1, D, HD), lambda e: (e, 0, 0)),
            pl.BlockSpec((1, 1, HD), lambda e: (e, 0, 0)),
            pl.BlockSpec((1, HD, D), lambda e: (e, 0, 0)),
            pl.BlockSpec((1, 1, D), lambda e: (e, 0, 0)),
        ],
        out_specs=pl.BlockSpec((CAPP, D), lambda e: (e, 0)),
        out_shape=jax.ShapeDtypeStruct((NE * CAPP, D), _f32),
    )(buf, w1, b1.reshape(NE, 1, HD), w2, b2.reshape(NE, 1, D))


def _head(t, g, scl, lnfg, lnfb, wh, bh, auxv):
    def body(t_ref, g_ref, scl_ref, lnfg_ref, lnfb_ref, wh_ref, bh_ref,
             aux_ref, logits_ref, cv_ref):
        rows = []
        for b in range(B):
            sb = scl_ref[b, 0]
            tb = t_ref[b, 0:1, :] + jnp.where(sb > 0.0,
                                              g_ref[b, 0:1, :] * sb, 0.0)
            rows.append(tb)
        tc = jnp.concatenate(rows, axis=0)
        tc = _ln(tc, lnfg_ref[...], lnfb_ref[...])
        logits_ref[...] = jnp.dot(tc, wh_ref[...]) + bh_ref[...]
        cv_ref[...] = jnp.sum(aux_ref[...]).reshape(1, 1)

    return pl.pallas_call(
        body,
        out_shape=(
            jax.ShapeDtypeStruct((B, 1000), _f32),
            jax.ShapeDtypeStruct((1, 1), _f32),
        ),
    )(t, g, scl, lnfg, lnfb, wh, bh, auxv)


@functools.lru_cache(maxsize=1)
def _sc_kernels():
    mesh = plsc.VectorSubcoreMesh(core_axis_name="c", subcore_axis_name="s")
    cparams = pltpu.CompilerParams(use_tc_tiling_on_sc=False)
    scratch = [
        pltpu.VMEM((PERW,), jnp.int32),
        pltpu.VMEM((PERW, D), _f32),
        pltpu.SemaphoreType.DMA,
    ]

    @functools.partial(
        pl.kernel,
        out_type=jax.ShapeDtypeStruct((NE * CAPP, D), _f32),
        mesh=mesh, scratch_types=scratch, compiler_params=cparams)
    def dispatch(u_hbm, loc_hbm, buf_hbm, loc_v, u_v, sem):
        wid = lax.axis_index("s") * 2 + lax.axis_index("c")
        base = wid * PERW
        pltpu.sync_copy(loc_hbm.at[pl.ds(base, PERW)], loc_v)
        pltpu.sync_copy(u_hbm.at[pl.ds(base, PERW)], u_v)
        pltpu.async_copy(u_v, buf_hbm.at[loc_v], sem).wait()

    @functools.partial(
        pl.kernel,
        out_type=jax.ShapeDtypeStruct((NTOK, D), _f32),
        mesh=mesh, scratch_types=scratch, compiler_params=cparams)
    def combine(outbuf_hbm, loc_hbm, g_hbm, loc_v, rows_v, sem):
        wid = lax.axis_index("s") * 2 + lax.axis_index("c")
        base = wid * PERW
        pltpu.sync_copy(loc_hbm.at[pl.ds(base, PERW)], loc_v)
        pltpu.async_copy(outbuf_hbm.at[loc_v], rows_v, sem).wait()
        pltpu.sync_copy(rows_v, g_hbm.at[pl.ds(base, PERW)])

    return dispatch, combine


def kernel(x, params):
    p = params
    gh = 224 // 16
    xp = (x.reshape(B, 3, gh, 16, gh, 16)
           .transpose(0, 2, 4, 1, 3, 5)
           .reshape(B * gh * gh, 3 * 16 * 16))
    t = _embed(xp, p['Wpatch'], p['bpatch'], p['cls'].reshape(1, D),
               p['pos'].reshape(N, D))

    g = jnp.zeros((B, NP, D), _f32)
    scl = jnp.zeros((B, NP), _f32)
    auxs = []
    for l in range(L):
        t, u, loc2d, scl2d, aux_l = _layer_head(
            t, g, scl, p['ln1_g'][l], p['ln1_b'][l], p['Wqkv'][l],
            p['bqkv'][l], p['Wproj'][l], p['bproj'][l], p['ln2_g'][l],
            p['ln2_b'][l], p['Wg'][l])
        dispatch, combine = _sc_kernels()
        loc = loc2d.reshape(NTOK)
        buf = dispatch(u.reshape(NTOK, D), loc)
        outbuf = _ffn(buf, p['W1'][l], p['b1'][l], p['W2'][l], p['b2'][l])
        g = combine(outbuf, loc).reshape(B, NP, D)
        scl = scl2d
        auxs.append(aux_l.reshape(1))
    auxv = jnp.concatenate(auxs + [jnp.zeros((2,), _f32)]).reshape(1, 8)
    logits, cv = _head(t, g, scl, p['lnf_g'], p['lnf_b'], p['Whead'],
                       p['bhead'], auxv)
    return logits, cv.reshape(())

# --- scband reference (transcript-rebuilt; emitter-appended) ---
"""Pipeline reference for scband-mo-evi-tfor-image-net-833223655748 (READ-ONLY COPY).

The authoritative reference and input builder live on the scoring server;
editing this copy changes nothing except your own understanding.
"""

import jax, jax.numpy as jnp
import numpy as np
import math

CFG = dict(img_size=224, patch_size=16, in_chans=3, embed_dim=192, depth=6, num_heads=3,
           num_classes=1000, moe_mlp_ratio=4.0, moe_experts=16, moe_top_k=1, batch=8)


def setup_inputs(seed: int = 0) -> dict:
    key = jax.random.key(seed)
    c = CFG
    d = c['embed_dim']; L = c['depth']; E = c['moe_experts']
    hdim = int(d * c['moe_mlp_ratio'])
    pdim = c['in_chans'] * c['patch_size'] ** 2
    n_patches = (c['img_size'] // c['patch_size']) ** 2
    ks = jax.random.split(key, 16)

    def nrm(k, shape, s=0.02):
        return jax.random.normal(k, shape, dtype=jnp.float32) * s

    params = {
        'Wpatch': nrm(ks[0], (pdim, d)), 'bpatch': jnp.zeros((d,), jnp.float32),
        'cls': nrm(ks[1], (1, 1, d)), 'pos': nrm(ks[2], (1, n_patches + 1, d)),
        'ln1_g': jnp.ones((L, d), jnp.float32), 'ln1_b': jnp.zeros((L, d), jnp.float32),
        'Wqkv': nrm(ks[3], (L, d, 3 * d)), 'bqkv': jnp.zeros((L, 3 * d), jnp.float32),
        'Wproj': nrm(ks[4], (L, d, d)), 'bproj': jnp.zeros((L, d), jnp.float32),
        'ln2_g': jnp.ones((L, d), jnp.float32), 'ln2_b': jnp.zeros((L, d), jnp.float32),
        'Wg': nrm(ks[5], (L, d, E)),
        'W1': nrm(ks[6], (L, E, d, hdim)), 'b1': jnp.zeros((L, E, hdim), jnp.float32),
        'W2': nrm(ks[7], (L, E, hdim, d)), 'b2': jnp.zeros((L, E, d), jnp.float32),
        'lnf_g': jnp.ones((d,), jnp.float32), 'lnf_b': jnp.zeros((d,), jnp.float32),
        'Whead': nrm(ks[8], (d, c['num_classes'])), 'bhead': jnp.zeros((c['num_classes'],), jnp.float32),
    }
    x = jax.random.normal(ks[9], (c['batch'], c['in_chans'], c['img_size'], c['img_size']), dtype=jnp.float32)
    return {'x': x, 'params': params}


def _ln(x, g, b):
    m = x.mean(-1, keepdims=True)
    v = ((x - m) ** 2).mean(-1, keepdims=True)
    return (x - m) / jnp.sqrt(v + 1e-6) * g + b


def _attn(x, Wqkv, bqkv, Wp, bp, H):
    B, N, d = x.shape
    dh = d // H
    qkv = (x @ Wqkv + bqkv).reshape(B, N, 3, H, dh).transpose(2, 0, 3, 1, 4)
    q, k, v = qkv[0], qkv[1], qkv[2]
    a = jax.nn.softmax((q @ k.transpose(0, 1, 3, 2)) / math.sqrt(dh), axis=-1)
    o = (a @ v).transpose(0, 2, 1, 3).reshape(B, N, d)
    return o @ Wp + bp


def _moe(x, Wg, W1, b1, W2, b2):
    # top-1 gshard-style routing with capacity buffers (scatter dispatch / gather combine)
    T, d = x.shape
    E = Wg.shape[-1]
    logits = x @ Wg
    probs = jax.nn.softmax(logits, axis=-1)
    gate = jnp.max(probs, axis=-1)
    idx = jnp.argmax(probs, axis=-1)
    capacity = int(math.ceil(2.0 * T / E))
    oh = jax.nn.one_hot(idx, E, dtype=jnp.float32)
    pos = jnp.sum((jnp.cumsum(oh, axis=0) - 1.0) * oh, axis=-1).astype(jnp.int32)
    keep = pos < capacity
    loc = jnp.where(keep, idx.astype(jnp.int32) * capacity + pos, E * capacity)
    buf = jnp.zeros((E * capacity + 1, d), x.dtype).at[loc].set(x)
    h = buf[:E * capacity].reshape(E, capacity, d)
    h = jax.nn.gelu(jnp.einsum('ecd,edh->ech', h, W1) + b1[:, None, :])
    h = jnp.einsum('ech,ehd->ecd', h, W2) + b2[:, None, :]
    outbuf = jnp.concatenate([h.reshape(E * capacity, d), jnp.zeros((1, d), x.dtype)], axis=0)
    y = outbuf[loc] * (gate * keep.astype(x.dtype))[:, None]
    importance = probs.sum(0) / T
    load = oh.sum(0) / T
    aux = E * jnp.sum(importance * load)
    return y, aux


def reference(x, params):
    p = params
    c = CFG
    B = x.shape[0]
    P = c['patch_size']
    gh = c['img_size'] // P
    xp = x.reshape(B, c['in_chans'], gh, P, gh, P).transpose(0, 2, 4, 1, 3, 5).reshape(B, gh * gh, -1)
    t = xp @ p['Wpatch'] + p['bpatch']
    t = jnp.concatenate([jnp.tile(p['cls'], (B, 1, 1)), t], axis=1) + p['pos']
    cv = jnp.asarray(0.0, jnp.float32)
    for l in range(c['depth']):
        t = t + _attn(_ln(t, p['ln1_g'][l], p['ln1_b'][l]), p['Wqkv'][l], p['bqkv'][l],
                      p['Wproj'][l], p['bproj'][l], c['num_heads'])
        u = _ln(t, p['ln2_g'][l], p['ln2_b'][l])
        Bn, Nn, dn = u.shape
        y, aux = _moe(u.reshape(Bn * Nn, dn), p['Wg'][l], p['W1'][l], p['b1'][l], p['W2'][l], p['b2'][l])
        t = t + y.reshape(Bn, Nn, dn)
        cv = cv + aux
    t = _ln(t, p['lnf_g'], p['lnf_b'])
    logits = t[:, 0] @ p['Whead'] + p['bhead']
    return logits, cv

if __name__ == "__main__":
    import jax
    _d = setup_inputs()
    print(jax.jit(kernel)(*tuple(_d.values())))

</pallas_src>

<mosaic_0001>
#map = affine_map<(d0, d1) -> (0, 0)>
#map1 = affine_map<(d0, d1) -> (0)>
module attributes {stable_mosaic.version = 14 : i64} {
  func.func @dispatch(%arg0: i32, %arg1: i32, %arg2: memref<2048x192xf32, #tpu.memory_space<hbm>>, %arg3: memref<2048xi32, #tpu.memory_space<hbm>>, %arg4: memref<4096x192xf32, #tpu.memory_space<hbm>>, %arg5: memref<64xi32, #tpu.memory_space<vmem>>, %arg6: memref<64x192xf32, #tpu.memory_space<vmem>>, %arg7: memref<!tpu.dma_semaphore, #tpu.memory_space<semaphore_mem>>) attributes {dimension_semantics = [#tpu.dimension_semantics<core_parallel>, #tpu.dimension_semantics<subcore_parallel>], iteration_bounds = array<i64: 2, 16>, scalar_prefetch = 0 : i64, scratch_operands = 3 : i64, tpu.core_type = #tpu.core_type<sc_vector_subcore>, window_params = [{transform_indices = #map}, {transform_indices = #map1}, {transform_indices = #map}]} {
    %mul3A = arith.constant 2 : i32
    %mul3A_0 = arith.muli %arg1, %mul3A : i32
    %add3A = arith.addi %mul3A_0, %arg0 : i32
    %mul3A_1 = arith.constant 64 : i32
    %mul3A_2 = arith.muli %add3A, %mul3A_1 : i32
    "tpu.region"() ({
      %run_scoped3A = tpu.sem_alloc : memref<!tpu.dma_semaphore, #tpu.memory_space<semaphore_mem>>
      %dma_start3A_7 = tpu.memref_slice %arg3[%mul3A_2] : memref<2048xi32, #tpu.memory_space<hbm>> -> memref<64xi32, #tpu.memory_space<hbm>>
      %dma_start3A_8 = tpu.memref_slice %arg3[%mul3A_2] : memref<2048xi32, #tpu.memory_space<hbm>> -> memref<64xi32, #tpu.memory_space<hbm>>
      tpu.enqueue_dma source(%dma_start3A_8 : memref<64xi32, #tpu.memory_space<hbm>>) target(%arg5 : memref<64xi32, #tpu.memory_space<vmem>>) target_semaphore(%run_scoped3A : memref<!tpu.dma_semaphore, #tpu.memory_space<semaphore_mem>>)
      %dma_wait3A_9 = tpu.memref_slice %arg3[%mul3A_2] : memref<2048xi32, #tpu.memory_space<hbm>> -> memref<64xi32, #tpu.memory_space<hbm>>
      %dma_wait3A_10 = tpu.memref_slice %arg3[%mul3A_2] : memref<2048xi32, #tpu.memory_space<hbm>> -> memref<64xi32, #tpu.memory_space<hbm>>
      tpu.wait_dma2 semaphore(%run_scoped3A : memref<!tpu.dma_semaphore, #tpu.memory_space<semaphore_mem>>) src(%dma_wait3A_10 : memref<64xi32, #tpu.memory_space<hbm>>) dst(%arg5 : memref<64xi32, #tpu.memory_space<vmem>>)
      tpu.yield
    }) : () -> ()
    "tpu.region"() ({
      %run_scoped3A = tpu.sem_alloc : memref<!tpu.dma_semaphore, #tpu.memory_space<semaphore_mem>>
      %dma_start3A_7 = arith.constant 0 : i32
      %dma_start3A_8 = tpu.memref_slice %arg2[%mul3A_2, %dma_start3A_7] : memref<2048x192xf32, #tpu.memory_space<hbm>> -> memref<64x192xf32, #tpu.memory_space<hbm>>
      %dma_start3A_9 = arith.constant 0 : i32
      %dma_start3A_10 = tpu.memref_slice %arg2[%mul3A_2, %dma_start3A_9] : memref<2048x192xf32, #tpu.memory_space<hbm>> -> memref<64x192xf32, #tpu.memory_space<hbm>>
      tpu.enqueue_dma source(%dma_start3A_10 : memref<64x192xf32, #tpu.memory_space<hbm>>) target(%arg6 : memref<64x192xf32, #tpu.memory_space<vmem>>) target_semaphore(%run_scoped3A : memref<!tpu.dma_semaphore, #tpu.memory_space<semaphore_mem>>)
      %dma_wait3A_11 = arith.constant 0 : i32
      %dma_wait3A_12 = tpu.memref_slice %arg2[%mul3A_2, %dma_wait3A_11] : memref<2048x192xf32, #tpu.memory_space<hbm>> -> memref<64x192xf32, #tpu.memory_space<hbm>>
      %dma_wait3A_13 = arith.constant 0 : i32
      %dma_wait3A_14 = tpu.memref_slice %arg2[%mul3A_2, %dma_wait3A_13] : memref<2048x192xf32, #tpu.memory_space<hbm>> -> memref<64x192xf32, #tpu.memory_space<hbm>>
      tpu.wait_dma2 semaphore(%run_scoped3A : memref<!tpu.dma_semaphore, #tpu.memory_space<semaphore_mem>>) src(%dma_wait3A_14 : memref<64x192xf32, #tpu.memory_space<hbm>>) dst(%arg6 : memref<64x192xf32, #tpu.memory_space<vmem>>)
      tpu.yield
    }) : () -> ()
    %dma_start3A = arith.constant 0 : i32
    %dma_start3A_3 = arith.constant 0 : i32
    %dma_start3A_4 = tpu.memref_slice %arg4[%dma_start3A, %dma_start3A_3] : memref<4096x192xf32, #tpu.memory_space<hbm>> -> memref<4096x192xf32, #tpu.memory_space<hbm>>
    tpu.enqueue_indirect_dma source(%arg6 : memref<64x192xf32, #tpu.memory_space<vmem>>) target(%dma_start3A_4 : memref<4096x192xf32, #tpu.memory_space<hbm>>) offsets(%arg5 : memref<64xi32, #tpu.memory_space<vmem>>) semaphore(%arg7 : memref<!tpu.dma_semaphore, #tpu.memory_space<semaphore_mem>>)
    %dma_wait3A = arith.constant 0 : i32
    %dma_wait3A_5 = arith.constant 0 : i32
    %dma_wait3A_6 = tpu.memref_slice %arg4[%dma_wait3A, %dma_wait3A_5] : memref<4096x192xf32, #tpu.memory_space<hbm>> -> memref<4096x192xf32, #tpu.memory_space<hbm>>
    tpu.wait_indirect_dma semaphore(%arg7 : memref<!tpu.dma_semaphore, #tpu.memory_space<semaphore_mem>>) src(%arg6 : memref<64x192xf32, #tpu.memory_space<vmem>>) dst(%dma_wait3A_6 : memref<4096x192xf32, #tpu.memory_space<hbm>>)
    return
  }
}

#map = affine_map<(d0, d1) -> (0, 0)>
#map1 = affine_map<(d0, d1) -> (0)>
module attributes {stable_mosaic.version = 14 : i64} {
  func.func @combine(%arg0: i32, %arg1: i32, %arg2: memref<4096x192xf32, #tpu.memory_space<hbm>>, %arg3: memref<2048xi32, #tpu.memory_space<hbm>>, %arg4: memref<2048x192xf32, #tpu.memory_space<hbm>>, %arg5: memref<64xi32, #tpu.memory_space<vmem>>, %arg6: memref<64x192xf32, #tpu.memory_space<vmem>>, %arg7: memref<!tpu.dma_semaphore, #tpu.memory_space<semaphore_mem>>) attributes {dimension_semantics = [#tpu.dimension_semantics<core_parallel>, #tpu.dimension_semantics<subcore_parallel>], iteration_bounds = array<i64: 2, 16>, scalar_prefetch = 0 : i64, scratch_operands = 3 : i64, tpu.core_type = #tpu.core_type<sc_vector_subcore>, window_params = [{transform_indices = #map}, {transform_indices = #map1}, {transform_indices = #map}]} {
    %mul3A = arith.constant 2 : i32
    %mul3A_0 = arith.muli %arg1, %mul3A : i32
    %add3A = arith.addi %mul3A_0, %arg0 : i32
    %mul3A_1 = arith.constant 64 : i32
    %mul3A_2 = arith.muli %add3A, %mul3A_1 : i32
    "tpu.region"() ({
      %run_scoped3A = tpu.sem_alloc : memref<!tpu.dma_semaphore, #tpu.memory_space<semaphore_mem>>
      %dma_start3A_7 = tpu.memref_slice %arg3[%mul3A_2] : memref<2048xi32, #tpu.memory_space<hbm>> -> memref<64xi32, #tpu.memory_space<hbm>>
      %dma_start3A_8 = tpu.memref_slice %arg3[%mul3A_2] : memref<2048xi32, #tpu.memory_space<hbm>> -> memref<64xi32, #tpu.memory_space<hbm>>
      tpu.enqueue_dma source(%dma_start3A_8 : memref<64xi32, #tpu.memory_space<hbm>>) target(%arg5 : memref<64xi32, #tpu.memory_space<vmem>>) target_semaphore(%run_scoped3A : memref<!tpu.dma_semaphore, #tpu.memory_space<semaphore_mem>>)
      %dma_wait3A_9 = tpu.memref_slice %arg3[%mul3A_2] : memref<2048xi32, #tpu.memory_space<hbm>> -> memref<64xi32, #tpu.memory_space<hbm>>
      %dma_wait3A_10 = tpu.memref_slice %arg3[%mul3A_2] : memref<2048xi32, #tpu.memory_space<hbm>> -> memref<64xi32, #tpu.memory_space<hbm>>
      tpu.wait_dma2 semaphore(%run_scoped3A : memref<!tpu.dma_semaphore, #tpu.memory_space<semaphore_mem>>) src(%dma_wait3A_10 : memref<64xi32, #tpu.memory_space<hbm>>) dst(%arg5 : memref<64xi32, #tpu.memory_space<vmem>>)
      tpu.yield
    }) : () -> ()
    %dma_start3A = arith.constant 0 : i32
    %dma_start3A_3 = arith.constant 0 : i32
    %dma_start3A_4 = tpu.memref_slice %arg2[%dma_start3A, %dma_start3A_3] : memref<4096x192xf32, #tpu.memory_space<hbm>> -> memref<4096x192xf32, #tpu.memory_space<hbm>>
    tpu.enqueue_indirect_dma source(%dma_start3A_4 : memref<4096x192xf32, #tpu.memory_space<hbm>>) target(%arg6 : memref<64x192xf32, #tpu.memory_space<vmem>>) offsets(%arg5 : memref<64xi32, #tpu.memory_space<vmem>>) semaphore(%arg7 : memref<!tpu.dma_semaphore, #tpu.memory_space<semaphore_mem>>)
    %dma_wait3A = arith.constant 0 : i32
    %dma_wait3A_5 = arith.constant 0 : i32
    %dma_wait3A_6 = tpu.memref_slice %arg2[%dma_wait3A, %dma_wait3A_5] : memref<4096x192xf32, #tpu.memory_space<hbm>> -> memref<4096x192xf32, #tpu.memory_space<hbm>>
    tpu.wait_indirect_dma semaphore(%arg7 : memref<!tpu.dma_semaphore, #tpu.memory_space<semaphore_mem>>) src(%dma_wait3A_6 : memref<4096x192xf32, #tpu.memory_space<hbm>>) dst(%arg6 : memref<64x192xf32, #tpu.memory_space<vmem>>)
    "tpu.region"() ({
      %run_scoped3A = tpu.sem_alloc : memref<!tpu.dma_semaphore, #tpu.memory_space<semaphore_mem>>
      %dma_start3A_7 = arith.constant 0 : i32
      %dma_start3A_8 = tpu.memref_slice %arg4[%mul3A_2, %dma_start3A_7] : memref<2048x192xf32, #tpu.memory_space<hbm>> -> memref<64x192xf32, #tpu.memory_space<hbm>>
      %dma_start3A_9 = arith.constant 0 : i32
      %dma_start3A_10 = tpu.memref_slice %arg4[%mul3A_2, %dma_start3A_9] : memref<2048x192xf32, #tpu.memory_space<hbm>> -> memref<64x192xf32, #tpu.memory_space<hbm>>
      tpu.enqueue_dma source(%arg6 : memref<64x192xf32, #tpu.memory_space<vmem>>) target(%dma_start3A_10 : memref<64x192xf32, #tpu.memory_space<hbm>>) target_semaphore(%run_scoped3A : memref<!tpu.dma_semaphore, #tpu.memory_space<semaphore_mem>>)
      %dma_wait3A_11 = arith.constant 0 : i32
      %dma_wait3A_12 = tpu.memref_slice %arg4[%mul3A_2, %dma_wait3A_11] : memref<2048x192xf32, #tpu.memory_space<hbm>> -> memref<64x192xf32, #tpu.memory_space<hbm>>
      %dma_wait3A_13 = arith.constant 0 : i32
      %dma_wait3A_14 = tpu.memref_slice %arg4[%mul3A_2, %dma_wait3A_13] : memref<2048x192xf32, #tpu.memory_space<hbm>> -> memref<64x192xf32, #tpu.memory_space<hbm>>
      tpu.wait_dma2 semaphore(%run_scoped3A : memref<!tpu.dma_semaphore, #tpu.memory_space<semaphore_mem>>) src(%arg6 : memref<64x192xf32, #tpu.memory_space<vmem>>) dst(%dma_wait3A_14 : memref<64x192xf32, #tpu.memory_space<hbm>>)
      tpu.yield
    }) : () -> ()
    return
  }
}

#map = affine_map<(d0, d1) -> (0, 0)>
#map1 = affine_map<(d0, d1) -> (0)>
module attributes {stable_mosaic.version = 14 : i64} {
  func.func @dispatch(%arg0: i32, %arg1: i32, %arg2: memref<2048x192xf32, #tpu.memory_space<hbm>>, %arg3: memref<2048xi32, #tpu.memory_space<hbm>>, %arg4: memref<4096x192xf32, #tpu.memory_space<hbm>>, %arg5: memref<64xi32, #tpu.memory_space<vmem>>, %arg6: memref<64x192xf32, #tpu.memory_space<vmem>>, %arg7: memref<!tpu.dma_semaphore, #tpu.memory_space<semaphore_mem>>) attributes {dimension_semantics = [#tpu.dimension_semantics<core_parallel>, #tpu.dimension_semantics<subcore_parallel>], iteration_bounds = array<i64: 2, 16>, scalar_prefetch = 0 : i64, scratch_operands = 3 : i64, tpu.core_type = #tpu.core_type<sc_vector_subcore>, window_params = [{transform_indices = #map}, {transform_indices = #map1}, {transform_indices = #map}]} {
    %mul3A = arith.constant 2 : i32
    %mul3A_0 = arith.muli %arg1, %mul3A : i32
    %add3A = arith.addi %mul3A_0, %arg0 : i32
    %mul3A_1 = arith.constant 64 : i32
    %mul3A_2 = arith.muli %add3A, %mul3A_1 : i32
    "tpu.region"() ({
      %run_scoped3A = tpu.sem_alloc : memref<!tpu.dma_semaphore, #tpu.memory_space<semaphore_mem>>
      %dma_start3A_7 = tpu.memref_slice %arg3[%mul3A_2] : memref<2048xi32, #tpu.memory_space<hbm>> -> memref<64xi32, #tpu.memory_space<hbm>>
      %dma_start3A_8 = tpu.memref_slice %arg3[%mul3A_2] : memref<2048xi32, #tpu.memory_space<hbm>> -> memref<64xi32, #tpu.memory_space<hbm>>
      tpu.enqueue_dma source(%dma_start3A_8 : memref<64xi32, #tpu.memory_space<hbm>>) target(%arg5 : memref<64xi32, #tpu.memory_space<vmem>>) target_semaphore(%run_scoped3A : memref<!tpu.dma_semaphore, #tpu.memory_space<semaphore_mem>>)
      %dma_wait3A_9 = tpu.memref_slice %arg3[%mul3A_2] : memref<2048xi32, #tpu.memory_space<hbm>> -> memref<64xi32, #tpu.memory_space<hbm>>
      %dma_wait3A_10 = tpu.memref_slice %arg3[%mul3A_2] : memref<2048xi32, #tpu.memory_space<hbm>> -> memref<64xi32, #tpu.memory_space<hbm>>
      tpu.wait_dma2 semaphore(%run_scoped3A : memref<!tpu.dma_semaphore, #tpu.memory_space<semaphore_mem>>) src(%dma_wait3A_10 : memref<64xi32, #tpu.memory_space<hbm>>) dst(%arg5 : memref<64xi32, #tpu.memory_space<vmem>>)
      tpu.yield
    }) : () -> ()
    "tpu.region"() ({
      %run_scoped3A = tpu.sem_alloc : memref<!tpu.dma_semaphore, #tpu.memory_space<semaphore_mem>>
      %dma_start3A_7 = arith.constant 0 : i32
      %dma_start3A_8 = tpu.memref_slice %arg2[%mul3A_2, %dma_start3A_7] : memref<2048x192xf32, #tpu.memory_space<hbm>> -> memref<64x192xf32, #tpu.memory_space<hbm>>
      %dma_start3A_9 = arith.constant 0 : i32
      %dma_start3A_10 = tpu.memref_slice %arg2[%mul3A_2, %dma_start3A_9] : memref<2048x192xf32, #tpu.memory_space<hbm>> -> memref<64x192xf32, #tpu.memory_space<hbm>>
      tpu.enqueue_dma source(%dma_start3A_10 : memref<64x192xf32, #tpu.memory_space<hbm>>) target(%arg6 : memref<64x192xf32, #tpu.memory_space<vmem>>) target_semaphore(%run_scoped3A : memref<!tpu.dma_semaphore, #tpu.memory_space<semaphore_mem>>)
      %dma_wait3A_11 = arith.constant 0 : i32
      %dma_wait3A_12 = tpu.memref_slice %arg2[%mul3A_2, %dma_wait3A_11] : memref<2048x192xf32, #tpu.memory_space<hbm>> -> memref<64x192xf32, #tpu.memory_space<hbm>>
      %dma_wait3A_13 = arith.constant 0 : i32
      %dma_wait3A_14 = tpu.memref_slice %arg2[%mul3A_2, %dma_wait3A_13] : memref<2048x192xf32, #tpu.memory_space<hbm>> -> memref<64x192xf32, #tpu.memory_space<hbm>>
      tpu.wait_dma2 semaphore(%run_scoped3A : memref<!tpu.dma_semaphore, #tpu.memory_space<semaphore_mem>>) src(%dma_wait3A_14 : memref<64x192xf32, #tpu.memory_space<hbm>>) dst(%arg6 : memref<64x192xf32, #tpu.memory_space<vmem>>)
      tpu.yield
    }) : () -> ()
    %dma_start3A = arith.constant 0 : i32
    %dma_start3A_3 = arith.constant 0 : i32
    %dma_start3A_4 = tpu.memref_slice %arg4[%dma_start3A, %dma_start3A_3] : memref<4096x192xf32, #tpu.memory_space<hbm>> -> memref<4096x192xf32, #tpu.memory_space<hbm>>
    tpu.enqueue_indirect_dma source(%arg6 : memref<64x192xf32, #tpu.memory_space<vmem>>) target(%dma_start3A_4 : memref<4096x192xf32, #tpu.memory_space<hbm>>) offsets(%arg5 : memref<64xi32, #tpu.memory_space<vmem>>) semaphore(%arg7 : memref<!tpu.dma_semaphore, #tpu.memory_space<semaphore_mem>>)
    %dma_wait3A = arith.constant 0 : i32
    %dma_wait3A_5 = arith.constant 0 : i32
    %dma_wait3A_6 = tpu.memref_slice %arg4[%dma_wait3A, %dma_wait3A_5] : memref<4096x192xf32, #tpu.memory_space<hbm>> -> memref<4096x192xf32, #tpu.memory_space<hbm>>
    tpu.wait_indirect_dma semaphore(%arg7 : memref<!tpu.dma_semaphore, #tpu.memory_space<semaphore_mem>>) src(%arg6 : memref<64x192xf32, #tpu.memory_space<vmem>>) dst(%dma_wait3A_6 : memref<4096x192xf32, #tpu.memory_space<hbm>>)
    return
  }
}

#map = affine_map<(d0, d1) -> (0, 0)>
#map1 = affine_map<(d0, d1) -> (0)>
module attributes {stable_mosaic.version = 14 : i64} {
  func.func @combine(%arg0: i32, %arg1: i32, %arg2: memref<4096x192xf32, #tpu.memory_space<hbm>>, %arg3: memref<2048xi32, #tpu.memory_space<hbm>>, %arg4: memref<2048x192xf32, #tpu.memory_space<hbm>>, %arg5: memref<64xi32, #tpu.memory_space<vmem>>, %arg6: memref<64x192xf32, #tpu.memory_space<vmem>>, %arg7: memref<!tpu.dma_semaphore, #tpu.memory_space<semaphore_mem>>) attributes {dimension_semantics = [#tpu.dimension_semantics<core_parallel>, #tpu.dimension_semantics<subcore_parallel>], iteration_bounds = array<i64: 2, 16>, scalar_prefetch = 0 : i64, scratch_operands = 3 : i64, tpu.core_type = #tpu.core_type<sc_vector_subcore>, window_params = [{transform_indices = #map}, {transform_indices = #map1}, {transform_indices = #map}]} {
    %mul3A = arith.constant 2 : i32
    %mul3A_0 = arith.muli %arg1, %mul3A : i32
    %add3A = arith.addi %mul3A_0, %arg0 : i32
    %mul3A_1 = arith.constant 64 : i32
    %mul3A_2 = arith.muli %add3A, %mul3A_1 : i32
    "tpu.region"() ({
      %run_scoped3A = tpu.sem_alloc : memref<!tpu.dma_semaphore, #tpu.memory_space<semaphore_mem>>
      %dma_start3A_7 = tpu.memref_slice %arg3[%mul3A_2] : memref<2048xi32, #tpu.memory_space<hbm>> -> memref<64xi32, #tpu.memory_space<hbm>>
      %dma_start3A_8 = tpu.memref_slice %arg3[%mul3A_2] : memref<2048xi32, #tpu.memory_space<hbm>> -> memref<64xi32, #tpu.memory_space<hbm>>
      tpu.enqueue_dma source(%dma_start3A_8 : memref<64xi32, #tpu.memory_space<hbm>>) target(%arg5 : memref<64xi32, #tpu.memory_space<vmem>>) target_semaphore(%run_scoped3A : memref<!tpu.dma_semaphore, #tpu.memory_space<semaphore_mem>>)
      %dma_wait3A_9 = tpu.memref_slice %arg3[%mul3A_2] : memref<2048xi32, #tpu.memory_space<hbm>> -> memref<64xi32, #tpu.memory_space<hbm>>
      %dma_wait3A_10 = tpu.memref_slice %arg3[%mul3A_2] : memref<2048xi32, #tpu.memory_space<hbm>> -> memref<64xi32, #tpu.memory_space<hbm>>
      tpu.wait_dma2 semaphore(%run_scoped3A : memref<!tpu.dma_semaphore, #tpu.memory_space<semaphore_mem>>) src(%dma_wait3A_10 : memref<64xi32, #tpu.memory_space<hbm>>) dst(%arg5 : memref<64xi32, #tpu.memory_space<vmem>>)
      tpu.yield
    }) : () -> ()
    %dma_start3A = arith.constant 0 : i32
    %dma_start3A_3 = arith.constant 0 : i32
    %dma_start3A_4 = tpu.memref_slice %arg2[%dma_start3A, %dma_start3A_3] : memref<4096x192xf32, #tpu.memory_space<hbm>> -> memref<4096x192xf32, #tpu.memory_space<hbm>>
    tpu.enqueue_indirect_dma source(%dma_start3A_4 : memref<4096x192xf32, #tpu.memory_space<hbm>>) target(%arg6 : memref<64x192xf32, #tpu.memory_space<vmem>>) offsets(%arg5 : memref<64xi32, #tpu.memory_space<vmem>>) semaphore(%arg7 : memref<!tpu.dma_semaphore, #tpu.memory_space<semaphore_mem>>)
    %dma_wait3A = arith.constant 0 : i32
    %dma_wait3A_5 = arith.constant 0 : i32
    %dma_wait3A_6 = tpu.memref_slice %arg2[%dma_wait3A, %dma_wait3A_5] : memref<4096x192xf32, #tpu.memory_space<hbm>> -> memref<4096x192xf32, #tpu.memory_space<hbm>>
    tpu.wait_indirect_dma semaphore(%arg7 : memref<!tpu.dma_semaphore, #tpu.memory_space<semaphore_mem>>) src(%dma_wait3A_6 : memref<4096x192xf32, #tpu.memory_space<hbm>>) dst(%arg6 : memref<64x192xf32, #tpu.memory_space<vmem>>)
    "tpu.region"() ({
      %run_scoped3A = tpu.sem_alloc : memref<!tpu.dma_semaphore, #tpu.memory_space<semaphore_mem>>
      %dma_start3A_7 = arith.constant 0 : i32
      %dma_start3A_8 = tpu.memref_slice %arg4[%mul3A_2, %dma_start3A_7] : memref<2048x192xf32, #tpu.memory_space<hbm>> -> memref<64x192xf32, #tpu.memory_space<hbm>>
      %dma_start3A_9 = arith.constant 0 : i32
      %dma_start3A_10 = tpu.memref_slice %arg4[%mul3A_2, %dma_start3A_9] : memref<2048x192xf32, #tpu.memory_space<hbm>> -> memref<64x192xf32, #tpu.memory_space<hbm>>
      tpu.enqueue_dma source(%arg6 : memref<64x192xf32, #tpu.memory_space<vmem>>) target(%dma_start3A_10 : memref<64x192xf32, #tpu.memory_space<hbm>>) target_semaphore(%run_scoped3A : memref<!tpu.dma_semaphore, #tpu.memory_space<semaphore_mem>>)
      %dma_wait3A_11 = arith.constant 0 : i32
      %dma_wait3A_12 = tpu.memref_slice %arg4[%mul3A_2, %dma_wait3A_11] : memref<2048x192xf32, #tpu.memory_space<hbm>> -> memref<64x192xf32, #tpu.memory_space<hbm>>
      %dma_wait3A_13 = arith.constant 0 : i32
      %dma_wait3A_14 = tpu.memref_slice %arg4[%mul3A_2, %dma_wait3A_13] : memref<2048x192xf32, #tpu.memory_space<hbm>> -> memref<64x192xf32, #tpu.memory_space<hbm>>
      tpu.wait_dma2 semaphore(%run_scoped3A : memref<!tpu.dma_semaphore, #tpu.memory_space<semaphore_mem>>) src(%arg6 : memref<64x192xf32, #tpu.memory_space<vmem>>) dst(%dma_wait3A_14 : memref<64x192xf32, #tpu.memory_space<hbm>>)
      tpu.yield
    }) : () -> ()
    return
  }
}

#map = affine_map<(d0, d1) -> (0, 0)>
#map1 = affine_map<(d0, d1) -> (0)>
module attributes {stable_mosaic.version = 14 : i64} {
  func.func @dispatch(%arg0: i32, %arg1: i32, %arg2: memref<2048x192xf32, #tpu.memory_space<hbm>>, %arg3: memref<2048xi32, #tpu.memory_space<hbm>>, %arg4: memref<4096x192xf32, #tpu.memory_space<hbm>>, %arg5: memref<64xi32, #tpu.memory_space<vmem>>, %arg6: memref<64x192xf32, #tpu.memory_space<vmem>>, %arg7: memref<!tpu.dma_semaphore, #tpu.memory_space<semaphore_mem>>) attributes {dimension_semantics = [#tpu.dimension_semantics<core_parallel>, #tpu.dimension_semantics<subcore_parallel>], iteration_bounds = array<i64: 2, 16>, scalar_prefetch = 0 : i64, scratch_operands = 3 : i64, tpu.core_type = #tpu.core_type<sc_vector_subcore>, window_params = [{transform_indices = #map}, {transform_indices = #map1}, {transform_indices = #map}]} {
    %mul3A = arith.constant 2 : i32
    %mul3A_0 = arith.muli %arg1, %mul3A : i32
    %add3A = arith.addi %mul3A_0, %arg0 : i32
    %mul3A_1 = arith.constant 64 : i32
    %mul3A_2 = arith.muli %add3A, %mul3A_1 : i32
    "tpu.region"() ({
      %run_scoped3A = tpu.sem_alloc : memref<!tpu.dma_semaphore, #tpu.memory_space<semaphore_mem>>
      %dma_start3A_7 = tpu.memref_slice %arg3[%mul3A_2] : memref<2048xi32, #tpu.memory_space<hbm>> -> memref<64xi32, #tpu.memory_space<hbm>>
      %dma_start3A_8 = tpu.memref_slice %arg3[%mul3A_2] : memref<2048xi32, #tpu.memory_space<hbm>> -> memref<64xi32, #tpu.memory_space<hbm>>
      tpu.enqueue_dma source(%dma_start3A_8 : memref<64xi32, #tpu.memory_space<hbm>>) target(%arg5 : memref<64xi32, #tpu.memory_space<vmem>>) target_semaphore(%run_scoped3A : memref<!tpu.dma_semaphore, #tpu.memory_space<semaphore_mem>>)
      %dma_wait3A_9 = tpu.memref_slice %arg3[%mul3A_2] : memref<2048xi32, #tpu.memory_space<hbm>> -> memref<64xi32, #tpu.memory_space<hbm>>
      %dma_wait3A_10 = tpu.memref_slice %arg3[%mul3A_2] : memref<2048xi32, #tpu.memory_space<hbm>> -> memref<64xi32, #tpu.memory_space<hbm>>
      tpu.wait_dma2 semaphore(%run_scoped3A : memref<!tpu.dma_semaphore, #tpu.memory_space<semaphore_mem>>) src(%dma_wait3A_10 : memref<64xi32, #tpu.memory_space<hbm>>) dst(%arg5 : memref<64xi32, #tpu.memory_space<vmem>>)
      tpu.yield
    }) : () -> ()
    "tpu.region"() ({
      %run_scoped3A = tpu.sem_alloc : memref<!tpu.dma_semaphore, #tpu.memory_space<semaphore_mem>>
      %dma_start3A_7 = arith.constant 0 : i32
      %dma_start3A_8 = tpu.memref_slice %arg2[%mul3A_2, %dma_start3A_7] : memref<2048x192xf32, #tpu.memory_space<hbm>> -> memref<64x192xf32, #tpu.memory_space<hbm>>
      %dma_start3A_9 = arith.constant 0 : i32
      %dma_start3A_10 = tpu.memref_slice %arg2[%mul3A_2, %dma_start3A_9] : memref<2048x192xf32, #tpu.memory_space<hbm>> -> memref<64x192xf32, #tpu.memory_space<hbm>>
      tpu.enqueue_dma source(%dma_start3A_10 : memref<64x192xf32, #tpu.memory_space<hbm>>) target(%arg6 : memref<64x192xf32, #tpu.memory_space<vmem>>) target_semaphore(%run_scoped3A : memref<!tpu.dma_semaphore, #tpu.memory_space<semaphore_mem>>)
      %dma_wait3A_11 = arith.constant 0 : i32
      %dma_wait3A_12 = tpu.memref_slice %arg2[%mul3A_2, %dma_wait3A_11] : memref<2048x192xf32, #tpu.memory_space<hbm>> -> memref<64x192xf32, #tpu.memory_space<hbm>>
      %dma_wait3A_13 = arith.constant 0 : i32
      %dma_wait3A_14 = tpu.memref_slice %arg2[%mul3A_2, %dma_wait3A_13] : memref<2048x192xf32, #tpu.memory_space<hbm>> -> memref<64x192xf32, #tpu.memory_space<hbm>>
      tpu.wait_dma2 semaphore(%run_scoped3A : memref<!tpu.dma_semaphore, #tpu.memory_space<semaphore_mem>>) src(%dma_wait3A_14 : memref<64x192xf32, #tpu.memory_space<hbm>>) dst(%arg6 : memref<64x192xf32, #tpu.memory_space<vmem>>)
      tpu.yield
    }) : () -> ()
    %dma_start3A = arith.constant 0 : i32
    %dma_start3A_3 = arith.constant 0 : i32
    %dma_start3A_4 = tpu.memref_slice %arg4[%dma_start3A, %dma_start3A_3] : memref<4096x192xf32, #tpu.memory_space<hbm>> -> memref<4096x192xf32, #tpu.memory_space<hbm>>
    tpu.enqueue_indirect_dma source(%arg6 : memref<64x192xf32, #tpu.memory_space<vmem>>) target(%dma_start3A_4 : memref<4096x192xf32, #tpu.memory_space<hbm>>) offsets(%arg5 : memref<64xi32, #tpu.memory_space<vmem>>) semaphore(%arg7 : memref<!tpu.dma_semaphore, #tpu.memory_space<semaphore_mem>>)
    %dma_wait3A = arith.constant 0 : i32
    %dma_wait3A_5 = arith.constant 0 : i32
    %dma_wait3A_6 = tpu.memref_slice %arg4[%dma_wait3A, %dma_wait3A_5] : memref<4096x192xf32, #tpu.memory_space<hbm>> -> memref<4096x192xf32, #tpu.memory_space<hbm>>
    tpu.wait_indirect_dma semaphore(%arg7 : memref<!tpu.dma_semaphore, #tpu.memory_space<semaphore_mem>>) src(%arg6 : memref<64x192xf32, #tpu.memory_space<vmem>>) dst(%dma_wait3A_6 : memref<4096x192xf32, #tpu.memory_space<hbm>>)
    return
  }
}

#map = affine_map<(d0, d1) -> (0, 0)>
#map1 = affine_map<(d0, d1) -> (0)>
module attributes {stable_mosaic.version = 14 : i64} {
  func.func @combine(%arg0: i32, %arg1: i32, %arg2: memref<4096x192xf32, #tpu.memory_space<hbm>>, %arg3: memref<2048xi32, #tpu.memory_space<hbm>>, %arg4: memref<2048x192xf32, #tpu.memory_space<hbm>>, %arg5: memref<64xi32, #tpu.memory_space<vmem>>, %arg6: memref<64x192xf32, #tpu.memory_space<vmem>>, %arg7: memref<!tpu.dma_semaphore, #tpu.memory_space<semaphore_mem>>) attributes {dimension_semantics = [#tpu.dimension_semantics<core_parallel>, #tpu.dimension_semantics<subcore_parallel>], iteration_bounds = array<i64: 2, 16>, scalar_prefetch = 0 : i64, scratch_operands = 3 : i64, tpu.core_type = #tpu.core_type<sc_vector_subcore>, window_params = [{transform_indices = #map}, {transform_indices = #map1}, {transform_indices = #map}]} {
    %mul3A = arith.constant 2 : i32
    %mul3A_0 = arith.muli %arg1, %mul3A : i32
    %add3A = arith.addi %mul3A_0, %arg0 : i32
    %mul3A_1 = arith.constant 64 : i32
    %mul3A_2 = arith.muli %add3A, %mul3A_1 : i32
    "tpu.region"() ({
      %run_scoped3A = tpu.sem_alloc : memref<!tpu.dma_semaphore, #tpu.memory_space<semaphore_mem>>
      %dma_start3A_7 = tpu.memref_slice %arg3[%mul3A_2] : memref<2048xi32, #tpu.memory_space<hbm>> -> memref<64xi32, #tpu.memory_space<hbm>>
      %dma_start3A_8 = tpu.memref_slice %arg3[%mul3A_2] : memref<2048xi32, #tpu.memory_space<hbm>> -> memref<64xi32, #tpu.memory_space<hbm>>
      tpu.enqueue_dma source(%dma_start3A_8 : memref<64xi32, #tpu.memory_space<hbm>>) target(%arg5 : memref<64xi32, #tpu.memory_space<vmem>>) target_semaphore(%run_scoped3A : memref<!tpu.dma_semaphore, #tpu.memory_space<semaphore_mem>>)
      %dma_wait3A_9 = tpu.memref_slice %arg3[%mul3A_2] : memref<2048xi32, #tpu.memory_space<hbm>> -> memref<64xi32, #tpu.memory_space<hbm>>
      %dma_wait3A_10 = tpu.memref_slice %arg3[%mul3A_2] : memref<2048xi32, #tpu.memory_space<hbm>> -> memref<64xi32, #tpu.memory_space<hbm>>
      tpu.wait_dma2 semaphore(%run_scoped3A : memref<!tpu.dma_semaphore, #tpu.memory_space<semaphore_mem>>) src(%dma_wait3A_10 : memref<64xi32, #tpu.memory_space<hbm>>) dst(%arg5 : memref<64xi32, #tpu.memory_space<vmem>>)
      tpu.yield
    }) : () -> ()
    %dma_start3A = arith.constant 0 : i32
    %dma_start3A_3 = arith.constant 0 : i32
    %dma_start3A_4 = tpu.memref_slice %arg2[%dma_start3A, %dma_start3A_3] : memref<4096x192xf32, #tpu.memory_space<hbm>> -> memref<4096x192xf32, #tpu.memory_space<hbm>>
    tpu.enqueue_indirect_dma source(%dma_start3A_4 : memref<4096x192xf32, #tpu.memory_space<hbm>>) target(%arg6 : memref<64x192xf32, #tpu.memory_space<vmem>>) offsets(%arg5 : memref<64xi32, #tpu.memory_space<vmem>>) semaphore(%arg7 : memref<!tpu.dma_semaphore, #tpu.memory_space<semaphore_mem>>)
    %dma_wait3A = arith.constant 0 : i32
    %dma_wait3A_5 = arith.constant 0 : i32
    %dma_wait3A_6 = tpu.memref_slice %arg2[%dma_wait3A, %dma_wait3A_5] : memref<4096x192xf32, #tpu.memory_space<hbm>> -> memref<4096x192xf32, #tpu.memory_space<hbm>>
    tpu.wait_indirect_dma semaphore(%arg7 : memref<!tpu.dma_semaphore, #tpu.memory_space<semaphore_mem>>) src(%dma_wait3A_6 : memref<4096x192xf32, #tpu.memory_space<hbm>>) dst(%arg6 : memref<64x192xf32, #tpu.memory_space<vmem>>)
    "tpu.region"() ({
      %run_scoped3A = tpu.sem_alloc : memref<!tpu.dma_semaphore, #tpu.memory_space<semaphore_mem>>
      %dma_start3A_7 = arith.constant 0 : i32
      %dma_start3A_8 = tpu.memref_slice %arg4[%mul3A_2, %dma_start3A_7] : memref<2048x192xf32, #tpu.memory_space<hbm>> -> memref<64x192xf32, #tpu.memory_space<hbm>>
      %dma_start3A_9 = arith.constant 0 : i32
      %dma_start3A_10 = tpu.memref_slice %arg4[%mul3A_2, %dma_start3A_9] : memref<2048x192xf32, #tpu.memory_space<hbm>> -> memref<64x192xf32, #tpu.memory_space<hbm>>
      tpu.enqueue_dma source(%arg6 : memref<64x192xf32, #tpu.memory_space<vmem>>) target(%dma_start3A_10 : memref<64x192xf32, #tpu.memory_space<hbm>>) target_semaphore(%run_scoped3A : memref<!tpu.dma_semaphore, #tpu.memory_space<semaphore_mem>>)
      %dma_wait3A_11 = arith.constant 0 : i32
      %dma_wait3A_12 = tpu.memref_slice %arg4[%mul3A_2, %dma_wait3A_11] : memref<2048x192xf32, #tpu.memory_space<hbm>> -> memref<64x192xf32, #tpu.memory_space<hbm>>
      %dma_wait3A_13 = arith.constant 0 : i32
      %dma_wait3A_14 = tpu.memref_slice %arg4[%mul3A_2, %dma_wait3A_13] : memref<2048x192xf32, #tpu.memory_space<hbm>> -> memref<64x192xf32, #tpu.memory_space<hbm>>
      tpu.wait_dma2 semaphore(%run_scoped3A : memref<!tpu.dma_semaphore, #tpu.memory_space<semaphore_mem>>) src(%arg6 : memref<64x192xf32, #tpu.memory_space<vmem>>) dst(%dma_wait3A_14 : memref<64x192xf32, #tpu.memory_space<hbm>>)
      tpu.yield
    }) : () -> ()
    return
  }
}

#map = affine_map<(d0, d1) -> (0, 0)>
#map1 = affine_map<(d0, d1) -> (0)>
module attributes {stable_mosaic.version = 14 : i64} {
  func.func @dispatch(%arg0: i32, %arg1: i32, %arg2: memref<2048x192xf32, #tpu.memory_space<hbm>>, %arg3: memref<2048xi32, #tpu.memory_space<hbm>>, %arg4: memref<4096x192xf32, #tpu.memory_space<hbm>>, %arg5: memref<64xi32, #tpu.memory_space<vmem>>, %arg6: memref<64x192xf32, #tpu.memory_space<vmem>>, %arg7: memref<!tpu.dma_semaphore, #tpu.memory_space<semaphore_mem>>) attributes {dimension_semantics = [#tpu.dimension_semantics<core_parallel>, #tpu.dimension_semantics<subcore_parallel>], iteration_bounds = array<i64: 2, 16>, scalar_prefetch = 0 : i64, scratch_operands = 3 : i64, tpu.core_type = #tpu.core_type<sc_vector_subcore>, window_params = [{transform_indices = #map}, {transform_indices = #map1}, {transform_indices = #map}]} {
    %mul3A = arith.constant 2 : i32
    %mul3A_0 = arith.muli %arg1, %mul3A : i32
    %add3A = arith.addi %mul3A_0, %arg0 : i32
    %mul3A_1 = arith.constant 64 : i32
    %mul3A_2 = arith.muli %add3A, %mul3A_1 : i32
    "tpu.region"() ({
      %run_scoped3A = tpu.sem_alloc : memref<!tpu.dma_semaphore, #tpu.memory_space<semaphore_mem>>
      %dma_start3A_7 = tpu.memref_slice %arg3[%mul3A_2] : memref<2048xi32, #tpu.memory_space<hbm>> -> memref<64xi32, #tpu.memory_space<hbm>>
      %dma_start3A_8 = tpu.memref_slice %arg3[%mul3A_2] : memref<2048xi32, #tpu.memory_space<hbm>> -> memref<64xi32, #tpu.memory_space<hbm>>
      tpu.enqueue_dma source(%dma_start3A_8 : memref<64xi32, #tpu.memory_space<hbm>>) target(%arg5 : memref<64xi32, #tpu.memory_space<vmem>>) target_semaphore(%run_scoped3A : memref<!tpu.dma_semaphore, #tpu.memory_space<semaphore_mem>>)
      %dma_wait3A_9 = tpu.memref_slice %arg3[%mul3A_2] : memref<2048xi32, #tpu.memory_space<hbm>> -> memref<64xi32, #tpu.memory_space<hbm>>
      %dma_wait3A_10 = tpu.memref_slice %arg3[%mul3A_2] : memref<2048xi32, #tpu.memory_space<hbm>> -> memref<64xi32, #tpu.memory_space<hbm>>
      tpu.wait_dma2 semaphore(%run_scoped3A : memref<!tpu.dma_semaphore, #tpu.memory_space<semaphore_mem>>) src(%dma_wait3A_10 : memref<64xi32, #tpu.memory_space<hbm>>) dst(%arg5 : memref<64xi32, #tpu.memory_space<vmem>>)
      tpu.yield
    }) : () -> ()
    "tpu.region"() ({
      %run_scoped3A = tpu.sem_alloc : memref<!tpu.dma_semaphore, #tpu.memory_space<semaphore_mem>>
      %dma_start3A_7 = arith.constant 0 : i32
      %dma_start3A_8 = tpu.memref_slice %arg2[%mul3A_2, %dma_start3A_7] : memref<2048x192xf32, #tpu.memory_space<hbm>> -> memref<64x192xf32, #tpu.memory_space<hbm>>
      %dma_start3A_9 = arith.constant 0 : i32
      %dma_start3A_10 = tpu.memref_slice %arg2[%mul3A_2, %dma_start3A_9] : memref<2048x192xf32, #tpu.memory_space<hbm>> -> memref<64x192xf32, #tpu.memory_space<hbm>>
      tpu.enqueue_dma source(%dma_start3A_10 : memref<64x192xf32, #tpu.memory_space<hbm>>) target(%arg6 : memref<64x192xf32, #tpu.memory_space<vmem>>) target_semaphore(%run_scoped3A : memref<!tpu.dma_semaphore, #tpu.memory_space<semaphore_mem>>)
      %dma_wait3A_11 = arith.constant 0 : i32
      %dma_wait3A_12 = tpu.memref_slice %arg2[%mul3A_2, %dma_wait3A_11] : memref<2048x192xf32, #tpu.memory_space<hbm>> -> memref<64x192xf32, #tpu.memory_space<hbm>>
      %dma_wait3A_13 = arith.constant 0 : i32
      %dma_wait3A_14 = tpu.memref_slice %arg2[%mul3A_2, %dma_wait3A_13] : memref<2048x192xf32, #tpu.memory_space<hbm>> -> memref<64x192xf32, #tpu.memory_space<hbm>>
      tpu.wait_dma2 semaphore(%run_scoped3A : memref<!tpu.dma_semaphore, #tpu.memory_space<semaphore_mem>>) src(%dma_wait3A_14 : memref<64x192xf32, #tpu.memory_space<hbm>>) dst(%arg6 : memref<64x192xf32, #tpu.memory_space<vmem>>)
      tpu.yield
    }) : () -> ()
    %dma_start3A = arith.constant 0 : i32
    %dma_start3A_3 = arith.constant 0 : i32
    %dma_start3A_4 = tpu.memref_slice %arg4[%dma_start3A, %dma_start3A_3] : memref<4096x192xf32, #tpu.memory_space<hbm>> -> memref<4096x192xf32, #tpu.memory_space<hbm>>
    tpu.enqueue_indirect_dma source(%arg6 : memref<64x192xf32, #tpu.memory_space<vmem>>) target(%dma_start3A_4 : memref<4096x192xf32, #tpu.memory_space<hbm>>) offsets(%arg5 : memref<64xi32, #tpu.memory_space<vmem>>) semaphore(%arg7 : memref<!tpu.dma_semaphore, #tpu.memory_space<semaphore_mem>>)
    %dma_wait3A = arith.constant 0 : i32
    %dma_wait3A_5 = arith.constant 0 : i32
    %dma_wait3A_6 = tpu.memref_slice %arg4[%dma_wait3A, %dma_wait3A_5] : memref<4096x192xf32, #tpu.memory_space<hbm>> -> memref<4096x192xf32, #tpu.memory_space<hbm>>
    tpu.wait_indirect_dma semaphore(%arg7 : memref<!tpu.dma_semaphore, #tpu.memory_space<semaphore_mem>>) src(%arg6 : memref<64x192xf32, #tpu.memory_space<vmem>>) dst(%dma_wait3A_6 : memref<4096x192xf32, #tpu.memory_space<hbm>>)
    return
  }
}

#map = affine_map<(d0, d1) -> (0, 0)>
#map1 = affine_map<(d0, d1) -> (0)>
module attributes {stable_mosaic.version = 14 : i64} {
  func.func @combine(%arg0: i32, %arg1: i32, %arg2: memref<4096x192xf32, #tpu.memory_space<hbm>>, %arg3: memref<2048xi32, #tpu.memory_space<hbm>>, %arg4: memref<2048x192xf32, #tpu.memory_space<hbm>>, %arg5: memref<64xi32, #tpu.memory_space<vmem>>, %arg6: memref<64x192xf32, #tpu.memory_space<vmem>>, %arg7: memref<!tpu.dma_semaphore, #tpu.memory_space<semaphore_mem>>) attributes {dimension_semantics = [#tpu.dimension_semantics<core_parallel>, #tpu.dimension_semantics<subcore_parallel>], iteration_bounds = array<i64: 2, 16>, scalar_prefetch = 0 : i64, scratch_operands = 3 : i64, tpu.core_type = #tpu.core_type<sc_vector_subcore>, window_params = [{transform_indices = #map}, {transform_indices = #map1}, {transform_indices = #map}]} {
    %mul3A = arith.constant 2 : i32
    %mul3A_0 = arith.muli %arg1, %mul3A : i32
    %add3A = arith.addi %mul3A_0, %arg0 : i32
    %mul3A_1 = arith.constant 64 : i32
    %mul3A_2 = arith.muli %add3A, %mul3A_1 : i32
    "tpu.region"() ({
      %run_scoped3A = tpu.sem_alloc : memref<!tpu.dma_semaphore, #tpu.memory_space<semaphore_mem>>
      %dma_start3A_7 = tpu.memref_slice %arg3[%mul3A_2] : memref<2048xi32, #tpu.memory_space<hbm>> -> memref<64xi32, #tpu.memory_space<hbm>>
      %dma_start3A_8 = tpu.memref_slice %arg3[%mul3A_2] : memref<2048xi32, #tpu.memory_space<hbm>> -> memref<64xi32, #tpu.memory_space<hbm>>
      tpu.enqueue_dma source(%dma_start3A_8 : memref<64xi32, #tpu.memory_space<hbm>>) target(%arg5 : memref<64xi32, #tpu.memory_space<vmem>>) target_semaphore(%run_scoped3A : memref<!tpu.dma_semaphore, #tpu.memory_space<semaphore_mem>>)
      %dma_wait3A_9 = tpu.memref_slice %arg3[%mul3A_2] : memref<2048xi32, #tpu.memory_space<hbm>> -> memref<64xi32, #tpu.memory_space<hbm>>
      %dma_wait3A_10 = tpu.memref_slice %arg3[%mul3A_2] : memref<2048xi32, #tpu.memory_space<hbm>> -> memref<64xi32, #tpu.memory_space<hbm>>
      tpu.wait_dma2 semaphore(%run_scoped3A : memref<!tpu.dma_semaphore, #tpu.memory_space<semaphore_mem>>) src(%dma_wait3A_10 : memref<64xi32, #tpu.memory_space<hbm>>) dst(%arg5 : memref<64xi32, #tpu.memory_space<vmem>>)
      tpu.yield
    }) : () -> ()
    %dma_start3A = arith.constant 0 : i32
    %dma_start3A_3 = arith.constant 0 : i32
    %dma_start3A_4 = tpu.memref_slice %arg2[%dma_start3A, %dma_start3A_3] : memref<4096x192xf32, #tpu.memory_space<hbm>> -> memref<4096x192xf32, #tpu.memory_space<hbm>>
    tpu.enqueue_indirect_dma source(%dma_start3A_4 : memref<4096x192xf32, #tpu.memory_space<hbm>>) target(%arg6 : memref<64x192xf32, #tpu.memory_space<vmem>>) offsets(%arg5 : memref<64xi32, #tpu.memory_space<vmem>>) semaphore(%arg7 : memref<!tpu.dma_semaphore, #tpu.memory_space<semaphore_mem>>)
    %dma_wait3A = arith.constant 0 : i32
    %dma_wait3A_5 = arith.constant 0 : i32
    %dma_wait3A_6 = tpu.memref_slice %arg2[%dma_wait3A, %dma_wait3A_5] : memref<4096x192xf32, #tpu.memory_space<hbm>> -> memref<4096x192xf32, #tpu.memory_space<hbm>>
    tpu.wait_indirect_dma semaphore(%arg7 : memref<!tpu.dma_semaphore, #tpu.memory_space<semaphore_mem>>) src(%dma_wait3A_6 : memref<4096x192xf32, #tpu.memory_space<hbm>>) dst(%arg6 : memref<64x192xf32, #tpu.memory_space<vmem>>)
    "tpu.region"() ({
      %run_scoped3A = tpu.sem_alloc : memref<!tpu.dma_semaphore, #tpu.memory_space<semaphore_mem>>
      %dma_start3A_7 = arith.constant 0 : i32
      %dma_start3A_8 = tpu.memref_slice %arg4[%mul3A_2, %dma_start3A_7] : memref<2048x192xf32, #tpu.memory_space<hbm>> -> memref<64x192xf32, #tpu.memory_space<hbm>>
      %dma_start3A_9 = arith.constant 0 : i32
      %dma_start3A_10 = tpu.memref_slice %arg4[%mul3A_2, %dma_start3A_9] : memref<2048x192xf32, #tpu.memory_space<hbm>> -> memref<64x192xf32, #tpu.memory_space<hbm>>
      tpu.enqueue_dma source(%arg6 : memref<64x192xf32, #tpu.memory_space<vmem>>) target(%dma_start3A_10 : memref<64x192xf32, #tpu.memory_space<hbm>>) target_semaphore(%run_scoped3A : memref<!tpu.dma_semaphore, #tpu.memory_space<semaphore_mem>>)
      %dma_wait3A_11 = arith.constant 0 : i32
      %dma_wait3A_12 = tpu.memref_slice %arg4[%mul3A_2, %dma_wait3A_11] : memref<2048x192xf32, #tpu.memory_space<hbm>> -> memref<64x192xf32, #tpu.memory_space<hbm>>
      %dma_wait3A_13 = arith.constant 0 : i32
      %dma_wait3A_14 = tpu.memref_slice %arg4[%mul3A_2, %dma_wait3A_13] : memref<2048x192xf32, #tpu.memory_space<hbm>> -> memref<64x192xf32, #tpu.memory_space<hbm>>
      tpu.wait_dma2 semaphore(%run_scoped3A : memref<!tpu.dma_semaphore, #tpu.memory_space<semaphore_mem>>) src(%arg6 : memref<64x192xf32, #tpu.memory_space<vmem>>) dst(%dma_wait3A_14 : memref<64x192xf32, #tpu.memory_space<hbm>>)
      tpu.yield
    }) : () -> ()
    return
  }
}

#map = affine_map<(d0, d1) -> (0, 0)>
#map1 = affine_map<(d0, d1) -> (0)>
module attributes {stable_mosaic.version = 14 : i64} {
  func.func @combine(%arg0: i32, %arg1: i32, %arg2: memref<4096x192xf32, #tpu.memory_space<hbm>>, %arg3: memref<2048xi32, #tpu.memory_space<hbm>>, %arg4: memref<2048x192xf32, #tpu.memory_space<hbm>>, %arg5: memref<64xi32, #tpu.memory_space<vmem>>, %arg6: memref<64x192xf32, #tpu.memory_space<vmem>>, %arg7: memref<!tpu.dma_semaphore, #tpu.memory_space<semaphore_mem>>) attributes {dimension_semantics = [#tpu.dimension_semantics<core_parallel>, #tpu.dimension_semantics<subcore_parallel>], iteration_bounds = array<i64: 2, 16>, scalar_prefetch = 0 : i64, scratch_operands = 3 : i64, tpu.core_type = #tpu.core_type<sc_vector_subcore>, window_params = [{transform_indices = #map}, {transform_indices = #map1}, {transform_indices = #map}]} {
    %mul3A = arith.constant 2 : i32
    %mul3A_0 = arith.muli %arg1, %mul3A : i32
    %add3A = arith.addi %mul3A_0, %arg0 : i32
    %mul3A_1 = arith.constant 64 : i32
    %mul3A_2 = arith.muli %add3A, %mul3A_1 : i32
    "tpu.region"() ({
      %run_scoped3A = tpu.sem_alloc : memref<!tpu.dma_semaphore, #tpu.memory_space<semaphore_mem>>
      %dma_start3A_7 = tpu.memref_slice %arg3[%mul3A_2] : memref<2048xi32, #tpu.memory_space<hbm>> -> memref<64xi32, #tpu.memory_space<hbm>>
      %dma_start3A_8 = tpu.memref_slice %arg3[%mul3A_2] : memref<2048xi32, #tpu.memory_space<hbm>> -> memref<64xi32, #tpu.memory_space<hbm>>
      tpu.enqueue_dma source(%dma_start3A_8 : memref<64xi32, #tpu.memory_space<hbm>>) target(%arg5 : memref<64xi32, #tpu.memory_space<vmem>>) target_semaphore(%run_scoped3A : memref<!tpu.dma_semaphore, #tpu.memory_space<semaphore_mem>>)
      %dma_wait3A_9 = tpu.memref_slice %arg3[%mul3A_2] : memref<2048xi32, #tpu.memory_space<hbm>> -> memref<64xi32, #tpu.memory_space<hbm>>
      %dma_wait3A_10 = tpu.memref_slice %arg3[%mul3A_2] : memref<2048xi32, #tpu.memory_space<hbm>> -> memref<64xi32, #tpu.memory_space<hbm>>
      tpu.wait_dma2 semaphore(%run_scoped3A : memref<!tpu.dma_semaphore, #tpu.memory_space<semaphore_mem>>) src(%dma_wait3A_10 : memref<64xi32, #tpu.memory_space<hbm>>) dst(%arg5 : memref<64xi32, #tpu.memory_space<vmem>>)
      tpu.yield
    }) : () -> ()
    %dma_start3A = arith.constant 0 : i32
    %dma_start3A_3 = arith.constant 0 : i32
    %dma_start3A_4 = tpu.memref_slice %arg2[%dma_start3A, %dma_start3A_3] : memref<4096x192xf32, #tpu.memory_space<hbm>> -> memref<4096x192xf32, #tpu.memory_space<hbm>>
    tpu.enqueue_indirect_dma source(%dma_start3A_4 : memref<4096x192xf32, #tpu.memory_space<hbm>>) target(%arg6 : memref<64x192xf32, #tpu.memory_space<vmem>>) offsets(%arg5 : memref<64xi32, #tpu.memory_space<vmem>>) semaphore(%arg7 : memref<!tpu.dma_semaphore, #tpu.memory_space<semaphore_mem>>)
    %dma_wait3A = arith.constant 0 : i32
    %dma_wait3A_5 = arith.constant 0 : i32
    %dma_wait3A_6 = tpu.memref_slice %arg2[%dma_wait3A, %dma_wait3A_5] : memref<4096x192xf32, #tpu.memory_space<hbm>> -> memref<4096x192xf32, #tpu.memory_space<hbm>>
    tpu.wait_indirect_dma semaphore(%arg7 : memref<!tpu.dma_semaphore, #tpu.memory_space<semaphore_mem>>) src(%dma_wait3A_6 : memref<4096x192xf32, #tpu.memory_space<hbm>>) dst(%arg6 : memref<64x192xf32, #tpu.memory_space<vmem>>)
    "tpu.region"() ({
      %run_scoped3A = tpu.sem_alloc : memref<!tpu.dma_semaphore, #tpu.memory_space<semaphore_mem>>
      %dma_start3A_7 = arith.constant 0 : i32
      %dma_start3A_8 = tpu.memref_slice %arg4[%mul3A_2, %dma_start3A_7] : memref<2048x192xf32, #tpu.memory_space<hbm>> -> memref<64x192xf32, #tpu.memory_space<hbm>>
      %dma_start3A_9 = arith.constant 0 : i32
      %dma_start3A_10 = tpu.memref_slice %arg4[%mul3A_2, %dma_start3A_9] : memref<2048x192xf32, #tpu.memory_space<hbm>> -> memref<64x192xf32, #tpu.memory_space<hbm>>
      tpu.enqueue_dma source(%arg6 : memref<64x192xf32, #tpu.memory_space<vmem>>) target(%dma_start3A_10 : memref<64x192xf32, #tpu.memory_space<hbm>>) target_semaphore(%run_scoped3A : memref<!tpu.dma_semaphore, #tpu.memory_space<semaphore_mem>>)
      %dma_wait3A_11 = arith.constant 0 : i32
      %dma_wait3A_12 = tpu.memref_slice %arg4[%mul3A_2, %dma_wait3A_11] : memref<2048x192xf32, #tpu.memory_space<hbm>> -> memref<64x192xf32, #tpu.memory_space<hbm>>
      %dma_wait3A_13 = arith.constant 0 : i32
      %dma_wait3A_14 = tpu.memref_slice %arg4[%mul3A_2, %dma_wait3A_13] : memref<2048x192xf32, #tpu.memory_space<hbm>> -> memref<64x192xf32, #tpu.memory_space<hbm>>
      tpu.wait_dma2 semaphore(%run_scoped3A : memref<!tpu.dma_semaphore, #tpu.memory_space<semaphore_mem>>) src(%arg6 : memref<64x192xf32, #tpu.memory_space<vmem>>) dst(%dma_wait3A_14 : memref<64x192xf32, #tpu.memory_space<hbm>>)
      tpu.yield
    }) : () -> ()
    return
  }
}

#map = affine_map<(d0, d1) -> (0, 0)>
#map1 = affine_map<(d0, d1) -> (0)>
module attributes {stable_mosaic.version = 14 : i64} {
  func.func @dispatch(%arg0: i32, %arg1: i32, %arg2: memref<2048x192xf32, #tpu.memory_space<hbm>>, %arg3: memref<2048xi32, #tpu.memory_space<hbm>>, %arg4: memref<4096x192xf32, #tpu.memory_space<hbm>>, %arg5: memref<64xi32, #tpu.memory_space<vmem>>, %arg6: memref<64x192xf32, #tpu.memory_space<vmem>>, %arg7: memref<!tpu.dma_semaphore, #tpu.memory_space<semaphore_mem>>) attributes {dimension_semantics = [#tpu.dimension_semantics<core_parallel>, #tpu.dimension_semantics<subcore_parallel>], iteration_bounds = array<i64: 2, 16>, scalar_prefetch = 0 : i64, scratch_operands = 3 : i64, tpu.core_type = #tpu.core_type<sc_vector_subcore>, window_params = [{transform_indices = #map}, {transform_indices = #map1}, {transform_indices = #map}]} {
    %mul3A = arith.constant 2 : i32
    %mul3A_0 = arith.muli %arg1, %mul3A : i32
    %add3A = arith.addi %mul3A_0, %arg0 : i32
    %mul3A_1 = arith.constant 64 : i32
    %mul3A_2 = arith.muli %add3A, %mul3A_1 : i32
    "tpu.region"() ({
      %run_scoped3A = tpu.sem_alloc : memref<!tpu.dma_semaphore, #tpu.memory_space<semaphore_mem>>
      %dma_start3A_7 = tpu.memref_slice %arg3[%mul3A_2] : memref<2048xi32, #tpu.memory_space<hbm>> -> memref<64xi32, #tpu.memory_space<hbm>>
      %dma_start3A_8 = tpu.memref_slice %arg3[%mul3A_2] : memref<2048xi32, #tpu.memory_space<hbm>> -> memref<64xi32, #tpu.memory_space<hbm>>
      tpu.enqueue_dma source(%dma_start3A_8 : memref<64xi32, #tpu.memory_space<hbm>>) target(%arg5 : memref<64xi32, #tpu.memory_space<vmem>>) target_semaphore(%run_scoped3A : memref<!tpu.dma_semaphore, #tpu.memory_space<semaphore_mem>>)
      %dma_wait3A_9 = tpu.memref_slice %arg3[%mul3A_2] : memref<2048xi32, #tpu.memory_space<hbm>> -> memref<64xi32, #tpu.memory_space<hbm>>
      %dma_wait3A_10 = tpu.memref_slice %arg3[%mul3A_2] : memref<2048xi32, #tpu.memory_space<hbm>> -> memref<64xi32, #tpu.memory_space<hbm>>
      tpu.wait_dma2 semaphore(%run_scoped3A : memref<!tpu.dma_semaphore, #tpu.memory_space<semaphore_mem>>) src(%dma_wait3A_10 : memref<64xi32, #tpu.memory_space<hbm>>) dst(%arg5 : memref<64xi32, #tpu.memory_space<vmem>>)
      tpu.yield
    }) : () -> ()
    "tpu.region"() ({
      %run_scoped3A = tpu.sem_alloc : memref<!tpu.dma_semaphore, #tpu.memory_space<semaphore_mem>>
      %dma_start3A_7 = arith.constant 0 : i32
      %dma_start3A_8 = tpu.memref_slice %arg2[%mul3A_2, %dma_start3A_7] : memref<2048x192xf32, #tpu.memory_space<hbm>> -> memref<64x192xf32, #tpu.memory_space<hbm>>
      %dma_start3A_9 = arith.constant 0 : i32
      %dma_start3A_10 = tpu.memref_slice %arg2[%mul3A_2, %dma_start3A_9] : memref<2048x192xf32, #tpu.memory_space<hbm>> -> memref<64x192xf32, #tpu.memory_space<hbm>>
      tpu.enqueue_dma source(%dma_start3A_10 : memref<64x192xf32, #tpu.memory_space<hbm>>) target(%arg6 : memref<64x192xf32, #tpu.memory_space<vmem>>) target_semaphore(%run_scoped3A : memref<!tpu.dma_semaphore, #tpu.memory_space<semaphore_mem>>)
      %dma_wait3A_11 = arith.constant 0 : i32
      %dma_wait3A_12 = tpu.memref_slice %arg2[%mul3A_2, %dma_wait3A_11] : memref<2048x192xf32, #tpu.memory_space<hbm>> -> memref<64x192xf32, #tpu.memory_space<hbm>>
      %dma_wait3A_13 = arith.constant 0 : i32
      %dma_wait3A_14 = tpu.memref_slice %arg2[%mul3A_2, %dma_wait3A_13] : memref<2048x192xf32, #tpu.memory_space<hbm>> -> memref<64x192xf32, #tpu.memory_space<hbm>>
      tpu.wait_dma2 semaphore(%run_scoped3A : memref<!tpu.dma_semaphore, #tpu.memory_space<semaphore_mem>>) src(%dma_wait3A_14 : memref<64x192xf32, #tpu.memory_space<hbm>>) dst(%arg6 : memref<64x192xf32, #tpu.memory_space<vmem>>)
      tpu.yield
    }) : () -> ()
    %dma_start3A = arith.constant 0 : i32
    %dma_start3A_3 = arith.constant 0 : i32
    %dma_start3A_4 = tpu.memref_slice %arg4[%dma_start3A, %dma_start3A_3] : memref<4096x192xf32, #tpu.memory_space<hbm>> -> memref<4096x192xf32, #tpu.memory_space<hbm>>
    tpu.enqueue_indirect_dma source(%arg6 : memref<64x192xf32, #tpu.memory_space<vmem>>) target(%dma_start3A_4 : memref<4096x192xf32, #tpu.memory_space<hbm>>) offsets(%arg5 : memref<64xi32, #tpu.memory_space<vmem>>) semaphore(%arg7 : memref<!tpu.dma_semaphore, #tpu.memory_space<semaphore_mem>>)
    %dma_wait3A = arith.constant 0 : i32
    %dma_wait3A_5 = arith.constant 0 : i32
    %dma_wait3A_6 = tpu.memref_slice %arg4[%dma_wait3A, %dma_wait3A_5] : memref<4096x192xf32, #tpu.memory_space<hbm>> -> memref<4096x192xf32, #tpu.memory_space<hbm>>
    tpu.wait_indirect_dma semaphore(%arg7 : memref<!tpu.dma_semaphore, #tpu.memory_space<semaphore_mem>>) src(%arg6 : memref<64x192xf32, #tpu.memory_space<vmem>>) dst(%dma_wait3A_6 : memref<4096x192xf32, #tpu.memory_space<hbm>>)
    return
  }
}

#map = affine_map<(d0, d1) -> (0, 0)>
#map1 = affine_map<(d0, d1) -> (0)>
module attributes {stable_mosaic.version = 14 : i64} {
  func.func @dispatch(%arg0: i32, %arg1: i32, %arg2: memref<2048x192xf32, #tpu.memory_space<hbm>>, %arg3: memref<2048xi32, #tpu.memory_space<hbm>>, %arg4: memref<4096x192xf32, #tpu.memory_space<hbm>>, %arg5: memref<64xi32, #tpu.memory_space<vmem>>, %arg6: memref<64x192xf32, #tpu.memory_space<vmem>>, %arg7: memref<!tpu.dma_semaphore, #tpu.memory_space<semaphore_mem>>) attributes {dimension_semantics = [#tpu.dimension_semantics<core_parallel>, #tpu.dimension_semantics<subcore_parallel>], iteration_bounds = array<i64: 2, 16>, scalar_prefetch = 0 : i64, scratch_operands = 3 : i64, tpu.core_type = #tpu.core_type<sc_vector_subcore>, window_params = [{transform_indices = #map}, {transform_indices = #map1}, {transform_indices = #map}]} {
    %mul3A = arith.constant 2 : i32
    %mul3A_0 = arith.muli %arg1, %mul3A : i32
    %add3A = arith.addi %mul3A_0, %arg0 : i32
    %mul3A_1 = arith.constant 64 : i32
    %mul3A_2 = arith.muli %add3A, %mul3A_1 : i32
    "tpu.region"() ({
      %run_scoped3A = tpu.sem_alloc : memref<!tpu.dma_semaphore, #tpu.memory_space<semaphore_mem>>
      %dma_start3A_7 = tpu.memref_slice %arg3[%mul3A_2] : memref<2048xi32, #tpu.memory_space<hbm>> -> memref<64xi32, #tpu.memory_space<hbm>>
      %dma_start3A_8 = tpu.memref_slice %arg3[%mul3A_2] : memref<2048xi32, #tpu.memory_space<hbm>> -> memref<64xi32, #tpu.memory_space<hbm>>
      tpu.enqueue_dma source(%dma_start3A_8 : memref<64xi32, #tpu.memory_space<hbm>>) target(%arg5 : memref<64xi32, #tpu.memory_space<vmem>>) target_semaphore(%run_scoped3A : memref<!tpu.dma_semaphore, #tpu.memory_space<semaphore_mem>>)
      %dma_wait3A_9 = tpu.memref_slice %arg3[%mul3A_2] : memref<2048xi32, #tpu.memory_space<hbm>> -> memref<64xi32, #tpu.memory_space<hbm>>
      %dma_wait3A_10 = tpu.memref_slice %arg3[%mul3A_2] : memref<2048xi32, #tpu.memory_space<hbm>> -> memref<64xi32, #tpu.memory_space<hbm>>
      tpu.wait_dma2 semaphore(%run_scoped3A : memref<!tpu.dma_semaphore, #tpu.memory_space<semaphore_mem>>) src(%dma_wait3A_10 : memref<64xi32, #tpu.memory_space<hbm>>) dst(%arg5 : memref<64xi32, #tpu.memory_space<vmem>>)
      tpu.yield
    }) : () -> ()
    "tpu.region"() ({
      %run_scoped3A = tpu.sem_alloc : memref<!tpu.dma_semaphore, #tpu.memory_space<semaphore_mem>>
      %dma_start3A_7 = arith.constant 0 : i32
      %dma_start3A_8 = tpu.memref_slice %arg2[%mul3A_2, %dma_start3A_7] : memref<2048x192xf32, #tpu.memory_space<hbm>> -> memref<64x192xf32, #tpu.memory_space<hbm>>
      %dma_start3A_9 = arith.constant 0 : i32
      %dma_start3A_10 = tpu.memref_slice %arg2[%mul3A_2, %dma_start3A_9] : memref<2048x192xf32, #tpu.memory_space<hbm>> -> memref<64x192xf32, #tpu.memory_space<hbm>>
      tpu.enqueue_dma source(%dma_start3A_10 : memref<64x192xf32, #tpu.memory_space<hbm>>) target(%arg6 : memref<64x192xf32, #tpu.memory_space<vmem>>) target_semaphore(%run_scoped3A : memref<!tpu.dma_semaphore, #tpu.memory_space<semaphore_mem>>)
      %dma_wait3A_11 = arith.constant 0 : i32
      %dma_wait3A_12 = tpu.memref_slice %arg2[%mul3A_2, %dma_wait3A_11] : memref<2048x192xf32, #tpu.memory_space<hbm>> -> memref<64x192xf32, #tpu.memory_space<hbm>>
      %dma_wait3A_13 = arith.constant 0 : i32
      %dma_wait3A_14 = tpu.memref_slice %arg2[%mul3A_2, %dma_wait3A_13] : memref<2048x192xf32, #tpu.memory_space<hbm>> -> memref<64x192xf32, #tpu.memory_space<hbm>>
      tpu.wait_dma2 semaphore(%run_scoped3A : memref<!tpu.dma_semaphore, #tpu.memory_space<semaphore_mem>>) src(%dma_wait3A_14 : memref<64x192xf32, #tpu.memory_space<hbm>>) dst(%arg6 : memref<64x192xf32, #tpu.memory_space<vmem>>)
      tpu.yield
    }) : () -> ()
    %dma_start3A = arith.constant 0 : i32
    %dma_start3A_3 = arith.constant 0 : i32
    %dma_start3A_4 = tpu.memref_slice %arg4[%dma_start3A, %dma_start3A_3] : memref<4096x192xf32, #tpu.memory_space<hbm>> -> memref<4096x192xf32, #tpu.memory_space<hbm>>
    tpu.enqueue_indirect_dma source(%arg6 : memref<64x192xf32, #tpu.memory_space<vmem>>) target(%dma_start3A_4 : memref<4096x192xf32, #tpu.memory_space<hbm>>) offsets(%arg5 : memref<64xi32, #tpu.memory_space<vmem>>) semaphore(%arg7 : memref<!tpu.dma_semaphore, #tpu.memory_space<semaphore_mem>>)
    %dma_wait3A = arith.constant 0 : i32
    %dma_wait3A_5 = arith.constant 0 : i32
    %dma_wait3A_6 = tpu.memref_slice %arg4[%dma_wait3A, %dma_wait3A_5] : memref<4096x192xf32, #tpu.memory_space<hbm>> -> memref<4096x192xf32, #tpu.memory_space<hbm>>
    tpu.wait_indirect_dma semaphore(%arg7 : memref<!tpu.dma_semaphore, #tpu.memory_space<semaphore_mem>>) src(%arg6 : memref<64x192xf32, #tpu.memory_space<vmem>>) dst(%dma_wait3A_6 : memref<4096x192xf32, #tpu.memory_space<hbm>>)
    return
  }
}

#map = affine_map<(d0, d1) -> (0, 0)>
#map1 = affine_map<(d0, d1) -> (0)>
module attributes {stable_mosaic.version = 14 : i64} {
  func.func @combine(%arg0: i32, %arg1: i32, %arg2: memref<4096x192xf32, #tpu.memory_space<hbm>>, %arg3: memref<2048xi32, #tpu.memory_space<hbm>>, %arg4: memref<2048x192xf32, #tpu.memory_space<hbm>>, %arg5: memref<64xi32, #tpu.memory_space<vmem>>, %arg6: memref<64x192xf32, #tpu.memory_space<vmem>>, %arg7: memref<!tpu.dma_semaphore, #tpu.memory_space<semaphore_mem>>) attributes {dimension_semantics = [#tpu.dimension_semantics<core_parallel>, #tpu.dimension_semantics<subcore_parallel>], iteration_bounds = array<i64: 2, 16>, scalar_prefetch = 0 : i64, scratch_operands = 3 : i64, tpu.core_type = #tpu.core_type<sc_vector_subcore>, window_params = [{transform_indices = #map}, {transform_indices = #map1}, {transform_indices = #map}]} {
    %mul3A = arith.constant 2 : i32
    %mul3A_0 = arith.muli %arg1, %mul3A : i32
    %add3A = arith.addi %mul3A_0, %arg0 : i32
    %mul3A_1 = arith.constant 64 : i32
    %mul3A_2 = arith.muli %add3A, %mul3A_1 : i32
    "tpu.region"() ({
      %run_scoped3A = tpu.sem_alloc : memref<!tpu.dma_semaphore, #tpu.memory_space<semaphore_mem>>
      %dma_start3A_7 = tpu.memref_slice %arg3[%mul3A_2] : memref<2048xi32, #tpu.memory_space<hbm>> -> memref<64xi32, #tpu.memory_space<hbm>>
      %dma_start3A_8 = tpu.memref_slice %arg3[%mul3A_2] : memref<2048xi32, #tpu.memory_space<hbm>> -> memref<64xi32, #tpu.memory_space<hbm>>
      tpu.enqueue_dma source(%dma_start3A_8 : memref<64xi32, #tpu.memory_space<hbm>>) target(%arg5 : memref<64xi32, #tpu.memory_space<vmem>>) target_semaphore(%run_scoped3A : memref<!tpu.dma_semaphore, #tpu.memory_space<semaphore_mem>>)
      %dma_wait3A_9 = tpu.memref_slice %arg3[%mul3A_2] : memref<2048xi32, #tpu.memory_space<hbm>> -> memref<64xi32, #tpu.memory_space<hbm>>
      %dma_wait3A_10 = tpu.memref_slice %arg3[%mul3A_2] : memref<2048xi32, #tpu.memory_space<hbm>> -> memref<64xi32, #tpu.memory_space<hbm>>
      tpu.wait_dma2 semaphore(%run_scoped3A : memref<!tpu.dma_semaphore, #tpu.memory_space<semaphore_mem>>) src(%dma_wait3A_10 : memref<64xi32, #tpu.memory_space<hbm>>) dst(%arg5 : memref<64xi32, #tpu.memory_space<vmem>>)
      tpu.yield
    }) : () -> ()
    %dma_start3A = arith.constant 0 : i32
    %dma_start3A_3 = arith.constant 0 : i32
    %dma_start3A_4 = tpu.memref_slice %arg2[%dma_start3A, %dma_start3A_3] : memref<4096x192xf32, #tpu.memory_space<hbm>> -> memref<4096x192xf32, #tpu.memory_space<hbm>>
    tpu.enqueue_indirect_dma source(%dma_start3A_4 : memref<4096x192xf32, #tpu.memory_space<hbm>>) target(%arg6 : memref<64x192xf32, #tpu.memory_space<vmem>>) offsets(%arg5 : memref<64xi32, #tpu.memory_space<vmem>>) semaphore(%arg7 : memref<!tpu.dma_semaphore, #tpu.memory_space<semaphore_mem>>)
    %dma_wait3A = arith.constant 0 : i32
    %dma_wait3A_5 = arith.constant 0 : i32
    %dma_wait3A_6 = tpu.memref_slice %arg2[%dma_wait3A, %dma_wait3A_5] : memref<4096x192xf32, #tpu.memory_space<hbm>> -> memref<4096x192xf32, #tpu.memory_space<hbm>>
    tpu.wait_indirect_dma semaphore(%arg7 : memref<!tpu.dma_semaphore, #tpu.memory_space<semaphore_mem>>) src(%dma_wait3A_6 : memref<4096x192xf32, #tpu.memory_space<hbm>>) dst(%arg6 : memref<64x192xf32, #tpu.memory_space<vmem>>)
    "tpu.region"() ({
      %run_scoped3A = tpu.sem_alloc : memref<!tpu.dma_semaphore, #tpu.memory_space<semaphore_mem>>
      %dma_start3A_7 = arith.constant 0 : i32
      %dma_start3A_8 = tpu.memref_slice %arg4[%mul3A_2, %dma_start3A_7] : memref<2048x192xf32, #tpu.memory_space<hbm>> -> memref<64x192xf32, #tpu.memory_space<hbm>>
      %dma_start3A_9 = arith.constant 0 : i32
      %dma_start3A_10 = tpu.memref_slice %arg4[%mul3A_2, %dma_start3A_9] : memref<2048x192xf32, #tpu.memory_space<hbm>> -> memref<64x192xf32, #tpu.memory_space<hbm>>
      tpu.enqueue_dma source(%arg6 : memref<64x192xf32, #tpu.memory_space<vmem>>) target(%dma_start3A_10 : memref<64x192xf32, #tpu.memory_space<hbm>>) target_semaphore(%run_scoped3A : memref<!tpu.dma_semaphore, #tpu.memory_space<semaphore_mem>>)
      %dma_wait3A_11 = arith.constant 0 : i32
      %dma_wait3A_12 = tpu.memref_slice %arg4[%mul3A_2, %dma_wait3A_11] : memref<2048x192xf32, #tpu.memory_space<hbm>> -> memref<64x192xf32, #tpu.memory_space<hbm>>
      %dma_wait3A_13 = arith.constant 0 : i32
      %dma_wait3A_14 = tpu.memref_slice %arg4[%mul3A_2, %dma_wait3A_13] : memref<2048x192xf32, #tpu.memory_space<hbm>> -> memref<64x192xf32, #tpu.memory_space<hbm>>
      tpu.wait_dma2 semaphore(%run_scoped3A : memref<!tpu.dma_semaphore, #tpu.memory_space<semaphore_mem>>) src(%arg6 : memref<64x192xf32, #tpu.memory_space<vmem>>) dst(%dma_wait3A_14 : memref<64x192xf32, #tpu.memory_space<hbm>>)
      tpu.yield
    }) : () -> ()
    return
  }
}

module attributes {stable_mosaic.version = 14 : i64} {
  func.func @_embed_body(%arg0: memref<1568x768xf32, #tpu.memory_space<vmem>>, %arg1: memref<768x192xf32, #tpu.memory_space<vmem>>, %arg2: memref<192xf32, #tpu.memory_space<vmem>>, %arg3: memref<1x192xf32, #tpu.memory_space<vmem>>, %arg4: memref<197x192xf32, #tpu.memory_space<vmem>>, %arg5: memref<8x197x192xf32, #tpu.memory_space<vmem>>) attributes {dimension_semantics = [], scalar_prefetch = 0 : i64, scratch_operands = 0 : i64, tpu.core_type = #tpu.core_type<tc>} {
    %get3A = arith.constant 0 : index
    %get3A_0 = arith.constant 0 : index
    %get3A_1 = vector.load %arg0[%get3A, %get3A_0] : memref<1568x768xf32, #tpu.memory_space<vmem>>, vector<1568x768xf32>
    %get3A_2 = arith.constant 0 : index
    %get3A_3 = arith.constant 0 : index
    %get3A_4 = vector.load %arg1[%get3A_2, %get3A_3] : memref<768x192xf32, #tpu.memory_space<vmem>>, vector<768x192xf32>
    %dot_general3A = arith.constant dense<0.000000e+00> : vector<1568x192xf32>
    %dot_general3A_5 = tpu.matmul %get3A_1, %get3A_4, %dot_general3A {dimension_numbers = #tpu.dot_dimension_numbers<[1], [0], [0], [1], [0, 0, 1, 1], [], []>, transpose_lhs_hint = false} : vector<1568x768xf32>, vector<768x192xf32>, vector<1568x192xf32> -> vector<1568x192xf32>
    %get3A_6 = arith.constant 0 : index
    %get3A_7 = vector.load %arg2[%get3A_6] : memref<192xf32, #tpu.memory_space<vmem>>, vector<192xf32>
    %broadcast_in_dim3A = vector.shape_cast %get3A_7 : vector<192xf32> to vector<1x192xf32>
    %add3A = vector.broadcast %broadcast_in_dim3A : vector<1x192xf32> to vector<1568x192xf32>
    %add3A_8 = arith.addf %dot_general3A_5, %add3A : vector<1568x192xf32>
    %get3A_9 = arith.constant 0 : index
    %get3A_10 = arith.constant 0 : index
    %get3A_11 = vector.load %arg3[%get3A_9, %get3A_10] : memref<1x192xf32, #tpu.memory_space<vmem>>, vector<1x192xf32>
    %get3A_12 = arith.constant 0 : index
    %get3A_13 = arith.constant 0 : index
    %get3A_14 = vector.load %arg4[%get3A_12, %get3A_13] : memref<197x192xf32, #tpu.memory_space<vmem>>, vector<1x192xf32>
    %add3A_15 = arith.addf %get3A_11, %get3A_14 : vector<1x192xf32>
    %swap3A = arith.constant 0 : index
    %swap3A_16 = arith.constant 0 : index
    %swap3A_17 = arith.constant 0 : index
    %swap3A_18 = vector.load %arg5[%swap3A, %swap3A_16, %swap3A_17] : memref<8x197x192xf32, #tpu.memory_space<vmem>>, vector<1x1x192xf32>
    %swap3A_19 = vector.shape_cast %swap3A_18 : vector<1x1x192xf32> to vector<1x192xf32>
    %swap3A_20 = vector.shape_cast %add3A_15 : vector<1x192xf32> to vector<1x1x192xf32>
    tpu.vector_store %arg5[%swap3A, %swap3A_16, %swap3A_17], %swap3A_20 {strides = array<i32>} : memref<8x197x192xf32, #tpu.memory_space<vmem>>, vector<1x1x192xf32>,
    %slice3A = vector.extract_strided_slice %add3A_8 {offsets = [0, 0], sizes = [196, 192], strides = [1, 1]} : vector<1568x192xf32> to vector<196x192xf32>
    %get3A_21 = arith.constant 1 : index
    %get3A_22 = arith.constant 0 : index
    %get3A_23 = vector.load %arg4[%get3A_21, %get3A_22] : memref<197x192xf32, #tpu.memory_space<vmem>>, vector<196x192xf32>
    %add3A_24 = arith.addf %slice3A, %get3A_23 : vector<196x192xf32>
    %swap3A_25 = arith.constant 0 : index
    %swap3A_26 = arith.constant 1 : index
    %swap3A_27 = arith.constant 0 : index
    %swap3A_28 = vector.load %arg5[%swap3A_25, %swap3A_26, %swap3A_27] : memref<8x197x192xf32, #tpu.memory_space<vmem>>, vector<1x196x192xf32>
    %swap3A_29 = vector.shape_cast %swap3A_28 : vector<1x196x192xf32> to vector<196x192xf32>
    %swap3A_30 = vector.shape_cast %add3A_24 : vector<196x192xf32> to vector<1x196x192xf32>
    tpu.vector_store %arg5[%swap3A_25, %swap3A_26, %swap3A_27], %swap3A_30 {strides = array<i32>} : memref<8x197x192xf32, #tpu.memory_space<vmem>>, vector<1x196x192xf32>,
    %get3A_31 = arith.constant 0 : index
    %get3A_32 = arith.constant 0 : index
    %get3A_33 = vector.load %arg3[%get3A_31, %get3A_32] : memref<1x192xf32, #tpu.memory_space<vmem>>, vector<1x192xf32>
    %get3A_34 = arith.constant 0 : index
    %get3A_35 = arith.constant 0 : index
    %get3A_36 = vector.load %arg4[%get3A_34, %get3A_35] : memref<197x192xf32, #tpu.memory_space<vmem>>, vector<1x192xf32>
    %add3A_37 = arith.addf %get3A_33, %get3A_36 : vector<1x192xf32>
    %swap3A_38 = arith.constant 1 : index
    %swap3A_39 = arith.constant 0 : index
    %swap3A_40 = arith.constant 0 : index
    %swap3A_41 = vector.load %arg5[%swap3A_38, %swap3A_39, %swap3A_40] : memref<8x197x192xf32, #tpu.memory_space<vmem>>, vector<1x1x192xf32>
    %swap3A_42 = vector.shape_cast %swap3A_41 : vector<1x1x192xf32> to vector<1x192xf32>
    %swap3A_43 = vector.shape_cast %add3A_37 : vector<1x192xf32> to vector<1x1x192xf32>
    tpu.vector_store %arg5[%swap3A_38, %swap3A_39, %swap3A_40], %swap3A_43 {strides = array<i32>} : memref<8x197x192xf32, #tpu.memory_space<vmem>>, vector<1x1x192xf32>,
    %slice3A_44 = vector.extract_strided_slice %add3A_8 {offsets = [196, 0], sizes = [196, 192], strides = [1, 1]} : vector<1568x192xf32> to vector<196x192xf32>
    %get3A_45 = arith.constant 1 : index
    %get3A_46 = arith.constant 0 : index
    %get3A_47 = vector.load %arg4[%get3A_45, %get3A_46] : memref<197x192xf32, #tpu.memory_space<vmem>>, vector<196x192xf32>
    %add3A_48 = arith.addf %slice3A_44, %get3A_47 : vector<196x192xf32>
    %swap3A_49 = arith.constant 1 : index
    %swap3A_50 = arith.constant 1 : index
    %swap3A_51 = arith.constant 0 : index
    %swap3A_52 = vector.load %arg5[%swap3A_49, %swap3A_50, %swap3A_51] : memref<8x197x192xf32, #tpu.memory_space<vmem>>, vector<1x196x192xf32>
    %swap3A_53 = vector.shape_cast %swap3A_52 : vector<1x196x192xf32> to vector<196x192xf32>
    %swap3A_54 = vector.shape_cast %add3A_48 : vector<196x192xf32> to vector<1x196x192xf32>
    tpu.vector_store %arg5[%swap3A_49, %swap3A_50, %swap3A_51], %swap3A_54 {strides = array<i32>} : memref<8x197x192xf32, #tpu.memory_space<vmem>>, vector<1x196x192xf32>,
    %get3A_55 = arith.constant 0 : index
    %get3A_56 = arith.constant 0 : index
    %get3A_57 = vector.load %arg3[%get3A_55, %get3A_56] : memref<1x192xf32, #tpu.memory_space<vmem>>, vector<1x192xf32>
    %get3A_58 = arith.constant 0 : index
    %get3A_59 = arith.constant 0 : index
    %get3A_60 = vector.load %arg4[%get3A_58, %get3A_59] : memref<197x192xf32, #tpu.memory_space<vmem>>, vector<1x192xf32>
    %add3A_61 = arith.addf %get3A_57, %get3A_60 : vector<1x192xf32>
    %swap3A_62 = arith.constant 2 : index
    %swap3A_63 = arith.constant 0 : index
    %swap3A_64 = arith.constant 0 : index
    %swap3A_65 = vector.load %arg5[%swap3A_62, %swap3A_63, %swap3A_64] : memref<8x197x192xf32, #tpu.memory_space<vmem>>, vector<1x1x192xf32>
    %swap3A_66 = vector.shape_cast %swap3A_65 : vector<1x1x192xf32> to vector<1x192xf32>
    %swap3A_67 = vector.shape_cast %add3A_61 : vector<1x192xf32> to vector<1x1x192xf32>
    tpu.vector_store %arg5[%swap3A_62, %swap3A_63, %swap3A_64], %swap3A_67 {strides = array<i32>} : memref<8x197x192xf32, #tpu.memory_space<vmem>>, vector<1x1x192xf32>,
    %slice3A_68 = vector.extract_strided_slice %add3A_8 {offsets = [392, 0], sizes = [196, 192], strides = [1, 1]} : vector<1568x192xf32> to vector<196x192xf32>
    %get3A_69 = arith.constant 1 : index
    %get3A_70 = arith.constant 0 : index
    %get3A_71 = vector.load %arg4[%get3A_69, %get3A_70] : memref<197x192xf32, #tpu.memory_space<vmem>>, vector<196x192xf32>
    %add3A_72 = arith.addf %slice3A_68, %get3A_71 : vector<196x192xf32>
    %swap3A_73 = arith.constant 2 : index
    %swap3A_74 = arith.constant 1 : index
    %swap3A_75 = arith.constant 0 : index
    %swap3A_76 = vector.load %arg5[%swap3A_73, %swap3A_74, %swap3A_75] : memref<8x197x192xf32, #tpu.memory_space<vmem>>, vector<1x196x192xf32>
    %swap3A_77 = vector.shape_cast %swap3A_76 : vector<1x196x192xf32> to vector<196x192xf32>
    %swap3A_78 = vector.shape_cast %add3A_72 : vector<196x192xf32> to vector<1x196x192xf32>
    tpu.vector_store %arg5[%swap3A_73, %swap3A_74, %swap3A_75], %swap3A_78 {strides = array<i32>} : memref<8x197x192xf32, #tpu.memory_space<vmem>>, vector<1x196x192xf32>,
    %get3A_79 = arith.constant 0 : index
    %get3A_80 = arith.constant 0 : index
    %get3A_81 = vector.load %arg3[%get3A_79, %get3A_80] : memref<1x192xf32, #tpu.memory_space<vmem>>, vector<1x192xf32>
    %get3A_82 = arith.constant 0 : index
    %get3A_83 = arith.constant 0 : index
    %get3A_84 = vector.load %arg4[%get3A_82, %get3A_83] : memref<197x192xf32, #tpu.memory_space<vmem>>, vector<1x192xf32>
    %add3A_85 = arith.addf %get3A_81, %get3A_84 : vector<1x192xf32>
    %swap3A_86 = arith.constant 3 : index
    %swap3A_87 = arith.constant 0 : index
    %swap3A_88 = arith.constant 0 : index
    %swap3A_89 = vector.load %arg5[%swap3A_86, %swap3A_87, %swap3A_88] : memref<8x197x192xf32, #tpu.memory_space<vmem>>, vector<1x1x192xf32>
    %swap3A_90 = vector.shape_cast %swap3A_89 : vector<1x1x192xf32> to vector<1x192xf32>
    %swap3A_91 = vector.shape_cast %add3A_85 : vector<1x192xf32> to vector<1x1x192xf32>
    tpu.vector_store %arg5[%swap3A_86, %swap3A_87, %swap3A_88], %swap3A_91 {strides = array<i32>} : memref<8x197x192xf32, #tpu.memory_space<vmem>>, vector<1x1x192xf32>,
    %slice3A_92 = vector.extract_strided_slice %add3A_8 {offsets = [588, 0], sizes = [196, 192], strides = [1, 1]} : vector<1568x192xf32> to vector<196x192xf32>
    %get3A_93 = arith.constant 1 : index
    %get3A_94 = arith.constant 0 : index
    %get3A_95 = vector.load %arg4[%get3A_93, %get3A_94] : memref<197x192xf32, #tpu.memory_space<vmem>>, vector<196x192xf32>
    %add3A_96 = arith.addf %slice3A_92, %get3A_95 : vector<196x192xf32>
    %swap3A_97 = arith.constant 3 : index
    %swap3A_98 = arith.constant 1 : index
    %swap3A_99 = arith.constant 0 : index
    %swap3A_100 = vector.load %arg5[%swap3A_97, %swap3A_98, %swap3A_99] : memref<8x197x192xf32, #tpu.memory_space<vmem>>, vector<1x196x192xf32>
    %swap3A_101 = vector.shape_cast %swap3A_100 : vector<1x196x192xf32> to vector<196x192xf32>
    %swap3A_102 = vector.shape_cast %add3A_96 : vector<196x192xf32> to vector<1x196x192xf32>
    tpu.vector_store %arg5[%swap3A_97, %swap3A_98, %swap3A_99], %swap3A_102 {strides = array<i32>} : memref<8x197x192xf32, #tpu.memory_space<vmem>>, vector<1x196x192xf32>,
    %get3A_103 = arith.constant 0 : index
    %get3A_104 = arith.constant 0 : index
    %get3A_105 = vector.load %arg3[%get3A_103, %get3A_104] : memref<1x192xf32, #tpu.memory_space<vmem>>, vector<1x192xf32>
    %get3A_106 = arith.constant 0 : index
    %get3A_107 = arith.constant 0 : index
    %get3A_108 = vector.load %arg4[%get3A_106, %get3A_107] : memref<197x192xf32, #tpu.memory_space<vmem>>, vector<1x192xf32>
    %add3A_109 = arith.addf %get3A_105, %get3A_108 : vector<1x192xf32>
    %swap3A_110 = arith.constant 4 : index
    %swap3A_111 = arith.constant 0 : index
    %swap3A_112 = arith.constant 0 : index
    %swap3A_113 = vector.load %arg5[%swap3A_110, %swap3A_111, %swap3A_112] : memref<8x197x192xf32, #tpu.memory_space<vmem>>, vector<1x1x192xf32>
    %swap3A_114 = vector.shape_cast %swap3A_113 : vector<1x1x192xf32> to vector<1x192xf32>
    %swap3A_115 = vector.shape_cast %add3A_109 : vector<1x192xf32> to vector<1x1x192xf32>
    tpu.vector_store %arg5[%swap3A_110, %swap3A_111, %swap3A_112], %swap3A_115 {strides = array<i32>} : memref<8x197x192xf32, #tpu.memory_space<vmem>>, vector<1x1x192xf32>,
    %slice3A_116 = vector.extract_strided_slice %add3A_8 {offsets = [784, 0], sizes = [196, 192], strides = [1, 1]} : vector<1568x192xf32> to vector<196x192xf32>
    %get3A_117 = arith.constant 1 : index
    %get3A_118 = arith.constant 0 : index
    %get3A_119 = vector.load %arg4[%get3A_117, %get3A_118] : memref<197x192xf32, #tpu.memory_space<vmem>>, vector<196x192xf32>
    %add3A_120 = arith.addf %slice3A_116, %get3A_119 : vector<196x192xf32>
    %swap3A_121 = arith.constant 4 : index
    %swap3A_122 = arith.constant 1 : index
    %swap3A_123 = arith.constant 0 : index
    %swap3A_124 = vector.load %arg5[%swap3A_121, %swap3A_122, %swap3A_123] : memref<8x197x192xf32, #tpu.memory_space<vmem>>, vector<1x196x192xf32>
    %swap3A_125 = vector.shape_cast %swap3A_124 : vector<1x196x192xf32> to vector<196x192xf32>
    %swap3A_126 = vector.shape_cast %add3A_120 : vector<196x192xf32> to vector<1x196x192xf32>
    tpu.vector_store %arg5[%swap3A_121, %swap3A_122, %swap3A_123], %swap3A_126 {strides = array<i32>} : memref<8x197x192xf32, #tpu.memory_space<vmem>>, vector<1x196x192xf32>,
    %get3A_127 = arith.constant 0 : index
    %get3A_128 = arith.constant 0 : index
    %get3A_129 = vector.load %arg3[%get3A_127, %get3A_128] : memref<1x192xf32, #tpu.memory_space<vmem>>, vector<1x192xf32>
    %get3A_130 = arith.constant 0 : index
    %get3A_131 = arith.constant 0 : index
    %get3A_132 = vector.load %arg4[%get3A_130, %get3A_131] : memref<197x192xf32, #tpu.memory_space<vmem>>, vector<1x192xf32>
    %add3A_133 = arith.addf %get3A_129, %get3A_132 : vector<1x192xf32>
    %swap3A_134 = arith.constant 5 : index
    %swap3A_135 = arith.constant 0 : index
    %swap3A_136 = arith.constant 0 : index
    %swap3A_137 = vector.load %arg5[%swap3A_134, %swap3A_135, %swap3A_136] : memref<8x197x192xf32, #tpu.memory_space<vmem>>, vector<1x1x192xf32>
    %swap3A_138 = vector.shape_cast %swap3A_137 : vector<1x1x192xf32> to vector<1x192xf32>
    %swap3A_139 = vector.shape_cast %add3A_133 : vector<1x192xf32> to vector<1x1x192xf32>
    tpu.vector_store %arg5[%swap3A_134, %swap3A_135, %swap3A_136], %swap3A_139 {strides = array<i32>} : memref<8x197x192xf32, #tpu.memory_space<vmem>>, vector<1x1x192xf32>,
    %slice3A_140 = vector.extract_strided_slice %add3A_8 {offsets = [980, 0], sizes = [196, 192], strides = [1, 1]} : vector<1568x192xf32> to vector<196x192xf32>
    %get3A_141 = arith.constant 1 : index
    %get3A_142 = arith.constant 0 : index
    %get3A_143 = vector.load %arg4[%get3A_141, %get3A_142] : memref<197x192xf32, #tpu.memory_space<vmem>>, vector<196x192xf32>
    %add3A_144 = arith.addf %slice3A_140, %get3A_143 : vector<196x192xf32>
    %swap3A_145 = arith.constant 5 : index
    %swap3A_146 = arith.constant 1 : index
    %swap3A_147 = arith.constant 0 : index
    %swap3A_148 = vector.load %arg5[%swap3A_145, %swap3A_146, %swap3A_147] : memref<8x197x192xf32, #tpu.memory_space<vmem>>, vector<1x196x192xf32>
    %swap3A_149 = vector.shape_cast %swap3A_148 : vector<1x196x192xf32> to vector<196x192xf32>
    %swap3A_150 = vector.shape_cast %add3A_144 : vector<196x192xf32> to vector<1x196x192xf32>
    tpu.vector_store %arg5[%swap3A_145, %swap3A_146, %swap3A_147], %swap3A_150 {strides = array<i32>} : memref<8x197x192xf32, #tpu.memory_space<vmem>>, vector<1x196x192xf32>,
    %get3A_151 = arith.constant 0 : index
    %get3A_152 = arith.constant 0 : index
    %get3A_153 = vector.load %arg3[%get3A_151, %get3A_152] : memref<1x192xf32, #tpu.memory_space<vmem>>, vector<1x192xf32>
    %get3A_154 = arith.constant 0 : index
    %get3A_155 = arith.constant 0 : index
    %get3A_156 = vector.load %arg4[%get3A_154, %get3A_155] : memref<197x192xf32, #tpu.memory_space<vmem>>, vector<1x192xf32>
    %add3A_157 = arith.addf %get3A_153, %get3A_156 : vector<1x192xf32>
    %swap3A_158 = arith.constant 6 : index
    %swap3A_159 = arith.constant 0 : index
    %swap3A_160 = arith.constant 0 : index
    %swap3A_161 = vector.load %arg5[%swap3A_158, %swap3A_159, %swap3A_160] : memref<8x197x192xf32, #tpu.memory_space<vmem>>, vector<1x1x192xf32>
    %swap3A_162 = vector.shape_cast %swap3A_161 : vector<1x1x192xf32> to vector<1x192xf32>
    %swap3A_163 = vector.shape_cast %add3A_157 : vector<1x192xf32> to vector<1x1x192xf32>
    tpu.vector_store %arg5[%swap3A_158, %swap3A_159, %swap3A_160], %swap3A_163 {strides = array<i32>} : memref<8x197x192xf32, #tpu.memory_space<vmem>>, vector<1x1x192xf32>,
    %slice3A_164 = vector.extract_strided_slice %add3A_8 {offsets = [1176, 0], sizes = [196, 192], strides = [1, 1]} : vector<1568x192xf32> to vector<196x192xf32>
    %get3A_165 = arith.constant 1 : index
    %get3A_166 = arith.constant 0 : index
    %get3A_167 = vector.load %arg4[%get3A_165, %get3A_166] : memref<197x192xf32, #tpu.memory_space<vmem>>, vector<196x192xf32>
    %add3A_168 = arith.addf %slice3A_164, %get3A_167 : vector<196x192xf32>
    %swap3A_169 = arith.constant 6 : index
    %swap3A_170 = arith.constant 1 : index
    %swap3A_171 = arith.constant 0 : index
    %swap3A_172 = vector.load %arg5[%swap3A_169, %swap3A_170, %swap3A_171] : memref<8x197x192xf32, #tpu.memory_space<vmem>>, vector<1x196x192xf32>
    %swap3A_173 = vector.shape_cast %swap3A_172 : vector<1x196x192xf32> to vector<196x192xf32>
    %swap3A_174 = vector.shape_cast %add3A_168 : vector<196x192xf32> to vector<1x196x192xf32>
    tpu.vector_store %arg5[%swap3A_169, %swap3A_170, %swap3A_171], %swap3A_174 {strides = array<i32>} : memref<8x197x192xf32, #tpu.memory_space<vmem>>, vector<1x196x192xf32>,
    %get3A_175 = arith.constant 0 : index
    %get3A_176 = arith.constant 0 : index
    %get3A_177 = vector.load %arg3[%get3A_175, %get3A_176] : memref<1x192xf32, #tpu.memory_space<vmem>>, vector<1x192xf32>
    %get3A_178 = arith.constant 0 : index
    %get3A_179 = arith.constant 0 : index
    %get3A_180 = vector.load %arg4[%get3A_178, %get3A_179] : memref<197x192xf32, #tpu.memory_space<vmem>>, vector<1x192xf32>
    %add3A_181 = arith.addf %get3A_177, %get3A_180 : vector<1x192xf32>
    %swap3A_182 = arith.constant 7 : index
    %swap3A_183 = arith.constant 0 : index
    %swap3A_184 = arith.constant 0 : index
    %swap3A_185 = vector.load %arg5[%swap3A_182, %swap3A_183, %swap3A_184] : memref<8x197x192xf32, #tpu.memory_space<vmem>>, vector<1x1x192xf32>
    %swap3A_186 = vector.shape_cast %swap3A_185 : vector<1x1x192xf32> to vector<1x192xf32>
    %swap3A_187 = vector.shape_cast %add3A_181 : vector<1x192xf32> to vector<1x1x192xf32>
    tpu.vector_store %arg5[%swap3A_182, %swap3A_183, %swap3A_184], %swap3A_187 {strides = array<i32>} : memref<8x197x192xf32, #tpu.memory_space<vmem>>, vector<1x1x192xf32>,
    %slice3A_188 = vector.extract_strided_slice %add3A_8 {offsets = [1372, 0], sizes = [196, 192], strides = [1, 1]} : vector<1568x192xf32> to vector<196x192xf32>
    %get3A_189 = arith.constant 1 : index
    %get3A_190 = arith.constant 0 : index
    %get3A_191 = vector.load %arg4[%get3A_189, %get3A_190] : memref<197x192xf32, #tpu.memory_space<vmem>>, vector<196x192xf32>
    %add3A_192 = arith.addf %slice3A_188, %get3A_191 : vector<196x192xf32>
    %swap3A_193 = arith.constant 7 : index
    %swap3A_194 = arith.constant 1 : index
    %swap3A_195 = arith.constant 0 : index
    %swap3A_196 = vector.load %arg5[%swap3A_193, %swap3A_194, %swap3A_195] : memref<8x197x192xf32, #tpu.memory_space<vmem>>, vector<1x196x192xf32>
    %swap3A_197 = vector.shape_cast %swap3A_196 : vector<1x196x192xf32> to vector<196x192xf32>
    %swap3A_198 = vector.shape_cast %add3A_192 : vector<196x192xf32> to vector<1x196x192xf32>
    tpu.vector_store %arg5[%swap3A_193, %swap3A_194, %swap3A_195], %swap3A_198 {strides = array<i32>} : memref<8x197x192xf32, #tpu.memory_space<vmem>>, vector<1x196x192xf32>,
    return
  }
}

module attributes {stable_mosaic.version = 14 : i64} {
  func.func @_layer_body(%arg0: memref<8x197x192xf32, #tpu.memory_space<vmem>>, %arg1: memref<8x256x192xf32, #tpu.memory_space<vmem>>, %arg2: memref<8x256xf32, #tpu.memory_space<vmem>>, %arg3: memref<192xf32, #tpu.memory_space<vmem>>, %arg4: memref<192xf32, #tpu.memory_space<vmem>>, %arg5: memref<192x576xf32, #tpu.memory_space<vmem>>, %arg6: memref<576xf32, #tpu.memory_space<vmem>>, %arg7: memref<192x192xf32, #tpu.memory_space<vmem>>, %arg8: memref<192xf32, #tpu.memory_space<vmem>>, %arg9: memref<192xf32, #tpu.memory_space<vmem>>, %arg10: memref<192xf32, #tpu.memory_space<vmem>>, %arg11: memref<192x16xf32, #tpu.memory_space<vmem>>, %arg12: memref<8x197x192xf32, #tpu.memory_space<vmem>>, %arg13: memref<8x256x192xf32, #tpu.memory_space<vmem>>, %arg14: memref<8x256xi32, #tpu.memory_space<vmem>>, %arg15: memref<8x256xf32, #tpu.memory_space<vmem>>, %arg16: memref<1x1xf32, #tpu.memory_space<vmem>>) attributes {dimension_semantics = [], scalar_prefetch = 0 : i64, scratch_operands = 0 : i64, tpu.core_type = #tpu.core_type<tc>} {
    %iota3A = tpu.iota {dimensions = array<i32: 1>} : vector<197x16xi32>
    %convert_element_type3A = arith.sitofp %iota3A : vector<197x16xi32> to vector<197x16xf32>
    %iota3A_0 = tpu.iota {dimensions = array<i32: 0>} : vector<197x197xi32>
    %iota3A_1 = tpu.iota {dimensions = array<i32: 1>} : vector<197x197xi32>
    %lt3A = arith.cmpi slt, %iota3A_1, %iota3A_0 : vector<197x197xi32>
    %convert_element_type3A_2 = arith.extui %lt3A : vector<197x197xi1> to vector<197x197xi32>
    %convert_element_type3A_3 = arith.sitofp %convert_element_type3A_2 : vector<197x197xi32> to vector<197x197xf32>
    %iota3A_4 = tpu.iota {dimensions = array<i32: 1>} : vector<1x256xi32>
    %iota3A_5 = vector.shape_cast %iota3A_4 : vector<1x256xi32> to vector<256xi32>
    %broadcast_in_dim3A = arith.constant 0.000000e+00 : f32
    %broadcast_in_dim3A_6 = vector.broadcast %broadcast_in_dim3A : f32 to vector<16xf32>
    %broadcast_in_dim3A_7 = arith.constant 0.000000e+00 : f32
    %broadcast_in_dim3A_8 = vector.broadcast %broadcast_in_dim3A_7 : f32 to vector<16xf32>
    %get3A = arith.constant 0 : index
    %get3A_9 = arith.constant 0 : index
    %get3A_10 = vector.load %arg2[%get3A, %get3A_9] : memref<8x256xf32, #tpu.memory_space<vmem>>, vector<1x256xf32>
    %get3A_11 = vector.shape_cast %get3A_10 : vector<1x256xf32> to vector<256xf32>
    %slice3A = vector.extract_strided_slice %get3A_11 {offsets = [0], sizes = [197], strides = [1]} : vector<256xf32> to vector<197xf32>
    %broadcast_in_dim3A_12 = vector.shape_cast %slice3A : vector<197xf32> to vector<197x1xf32>
    %get3A_13 = arith.constant 0 : index
    %get3A_14 = arith.constant 0 : index
    %get3A_15 = arith.constant 0 : index
    %get3A_16 = vector.load %arg0[%get3A_13, %get3A_14, %get3A_15] : memref<8x197x192xf32, #tpu.memory_space<vmem>>, vector<1x197x192xf32>
    %get3A_17 = vector.shape_cast %get3A_16 : vector<1x197x192xf32> to vector<197x192xf32>
    %gt3A = arith.constant 0.000000e+00 : f32
    %gt3A_18 = vector.broadcast %gt3A : f32 to vector<197x1xf32>
    %gt3A_19 = arith.cmpf ogt, %broadcast_in_dim3A_12, %gt3A_18 : vector<197x1xf32>
    %get3A_20 = arith.constant 0 : index
    %get3A_21 = arith.constant 0 : index
    %get3A_22 = arith.constant 0 : index
    %get3A_23 = vector.load %arg1[%get3A_20, %get3A_21, %get3A_22] : memref<8x256x192xf32, #tpu.memory_space<vmem>>, vector<1x197x192xf32>
    %get3A_24 = vector.shape_cast %get3A_23 : vector<1x197x192xf32> to vector<197x192xf32>
    %mul3A = vector.broadcast %broadcast_in_dim3A_12 : vector<197x1xf32> to vector<197x192xf32>
    %mul3A_25 = arith.mulf %get3A_24, %mul3A : vector<197x192xf32>
    %jit3A = arith.constant 0.000000e+00 : f32
    %broadcast_in_dim3A_26 = vector.shape_cast %gt3A_19 : vector<197x1xi1> to vector<197x1xi1>
    %broadcast_in_dim3A_27 = vector.broadcast %broadcast_in_dim3A_26 : vector<197x1xi1> to vector<197x192xi1>
    %broadcast_in_dim3A_28 = vector.broadcast %jit3A : f32 to vector<197x192xf32>
    %select_n3A = arith.select %broadcast_in_dim3A_27, %mul3A_25, %broadcast_in_dim3A_28 : vector<197x192xi1>, vector<197x192xf32>
    %add3A = arith.addf %get3A_17, %select_n3A : vector<197x192xf32>
    %get3A_29 = arith.constant 0 : index
    %get3A_30 = vector.load %arg3[%get3A_29] : memref<192xf32, #tpu.memory_space<vmem>>, vector<192xf32>
    %get3A_31 = arith.constant 0 : index
    %get3A_32 = vector.load %arg4[%get3A_31] : memref<192xf32, #tpu.memory_space<vmem>>, vector<192xf32>
    %reduce_sum3A = arith.constant dense<0.000000e+00> : vector<197xf32>
    %reduce_sum3A_33 = vector.multi_reduction <add>, %add3A, %reduce_sum3A [1] : vector<197x192xf32> to vector<197xf32>
    %broadcast_in_dim3A_34 = vector.shape_cast %reduce_sum3A_33 : vector<197xf32> to vector<197x1xf32>
    %div3A = arith.constant 1.920000e+02 : f32
    %div3A_35 = vector.broadcast %div3A : f32 to vector<197x1xf32>
    %div3A_36 = arith.divf %broadcast_in_dim3A_34, %div3A_35 : vector<197x1xf32>
    %sub3A = vector.broadcast %div3A_36 : vector<197x1xf32> to vector<197x192xf32>
    %sub3A_37 = arith.subf %add3A, %sub3A : vector<197x192xf32>
    %integer_pow3A = arith.mulf %sub3A_37, %sub3A_37 : vector<197x192xf32>
    %reduce_sum3A_38 = arith.constant dense<0.000000e+00> : vector<197xf32>
    %reduce_sum3A_39 = vector.multi_reduction <add>, %integer_pow3A, %reduce_sum3A_38 [1] : vector<197x192xf32> to vector<197xf32>
    %broadcast_in_dim3A_40 = vector.shape_cast %reduce_sum3A_39 : vector<197xf32> to vector<197x1xf32>
    %div3A_41 = arith.constant 1.920000e+02 : f32
    %div3A_42 = vector.broadcast %div3A_41 : f32 to vector<197x1xf32>
    %div3A_43 = arith.divf %broadcast_in_dim3A_40, %div3A_42 : vector<197x1xf32>
    %sub3A_44 = vector.broadcast %div3A_36 : vector<197x1xf32> to vector<197x192xf32>
    %sub3A_45 = arith.subf %add3A, %sub3A_44 : vector<197x192xf32>
    %add3A_46 = arith.constant 9.99999997E-7 : f32
    %add3A_47 = vector.broadcast %add3A_46 : f32 to vector<197x1xf32>
    %add3A_48 = arith.addf %div3A_43, %add3A_47 : vector<197x1xf32>
    %sqrt3A = math.sqrt %add3A_48 : vector<197x1xf32>
    %div3A_49 = vector.broadcast %sqrt3A : vector<197x1xf32> to vector<197x192xf32>
    %div3A_50 = arith.divf %sub3A_45, %div3A_49 : vector<197x192xf32>
    %broadcast_in_dim3A_51 = vector.shape_cast %get3A_30 : vector<192xf32> to vector<1x192xf32>
    %mul3A_52 = vector.broadcast %broadcast_in_dim3A_51 : vector<1x192xf32> to vector<197x192xf32>
    %mul3A_53 = arith.mulf %div3A_50, %mul3A_52 : vector<197x192xf32>
    %broadcast_in_dim3A_54 = vector.shape_cast %get3A_32 : vector<192xf32> to vector<1x192xf32>
    %add3A_55 = vector.broadcast %broadcast_in_dim3A_54 : vector<1x192xf32> to vector<197x192xf32>
    %add3A_56 = arith.addf %mul3A_53, %add3A_55 : vector<197x192xf32>
    %get3A_57 = arith.constant 0 : index
    %get3A_58 = arith.constant 0 : index
    %get3A_59 = vector.load %arg5[%get3A_57, %get3A_58] : memref<192x576xf32, #tpu.memory_space<vmem>>, vector<192x576xf32>
    %dot_general3A = arith.constant dense<0.000000e+00> : vector<197x576xf32>
    %dot_general3A_60 = tpu.matmul %add3A_56, %get3A_59, %dot_general3A {dimension_numbers = #tpu.dot_dimension_numbers<[1], [0], [0], [1], [0, 0, 1, 1], [], []>, transpose_lhs_hint = false} : vector<197x192xf32>, vector<192x576xf32>, vector<197x576xf32> -> vector<197x576xf32>
    %get3A_61 = arith.constant 0 : index
    %get3A_62 = vector.load %arg6[%get3A_61] : memref<576xf32, #tpu.memory_space<vmem>>, vector<576xf32>
    %broadcast_in_dim3A_63 = vector.shape_cast %get3A_62 : vector<576xf32> to vector<1x576xf32>
    %add3A_64 = vector.broadcast %broadcast_in_dim3A_63 : vector<1x576xf32> to vector<197x576xf32>
    %add3A_65 = arith.addf %dot_general3A_60, %add3A_64 : vector<197x576xf32>
    %slice3A_66 = vector.extract_strided_slice %add3A_65 {offsets = [0, 0], sizes = [197, 64], strides = [1, 1]} : vector<197x576xf32> to vector<197x64xf32>
    %slice3A_67 = vector.extract_strided_slice %add3A_65 {offsets = [0, 192], sizes = [197, 64], strides = [1, 1]} : vector<197x576xf32> to vector<197x64xf32>
    %slice3A_68 = vector.extract_strided_slice %add3A_65 {offsets = [0, 384], sizes = [197, 64], strides = [1, 1]} : vector<197x576xf32> to vector<197x64xf32>
    %transpose3A = tpu.transpose %slice3A_67, [1, 0] : vector<197x64xf32> -> vector<64x197xf32>
    %dot_general3A_69 = arith.constant dense<0.000000e+00> : vector<197x197xf32>
    %dot_general3A_70 = tpu.matmul %slice3A_66, %transpose3A, %dot_general3A_69 {dimension_numbers = #tpu.dot_dimension_numbers<[1], [0], [0], [1], [0, 0, 1, 1], [], []>, transpose_lhs_hint = false} : vector<197x64xf32>, vector<64x197xf32>, vector<197x197xf32> -> vector<197x197xf32>
    %mul3A_71 = arith.constant 1.250000e-01 : f32
    %mul3A_72 = vector.broadcast %mul3A_71 : f32 to vector<197x197xf32>
    %mul3A_73 = arith.mulf %dot_general3A_70, %mul3A_72 : vector<197x197xf32>
    %reduce_max3A = arith.constant dense<0xFF800000> : vector<197xf32>
    %reduce_max3A_74 = vector.multi_reduction <maximumf>, %mul3A_73, %reduce_max3A [1] : vector<197x197xf32> to vector<197xf32>
    %max3A = arith.constant 0xFF800000 : f32
    %max3A_75 = vector.broadcast %max3A : f32 to vector<197xf32>
    %max3A_76 = arith.maximumf %max3A_75, %reduce_max3A_74 : vector<197xf32>
    %broadcast_in_dim3A_77 = vector.shape_cast %max3A_76 : vector<197xf32> to vector<197x1xf32>
    %sub3A_78 = vector.broadcast %broadcast_in_dim3A_77 : vector<197x1xf32> to vector<197x197xf32>
    %sub3A_79 = arith.subf %mul3A_73, %sub3A_78 : vector<197x197xf32>
    %exp3A = math.exp %sub3A_79 : vector<197x197xf32>
    %reduce_sum3A_80 = arith.constant dense<0.000000e+00> : vector<197xf32>
    %reduce_sum3A_81 = vector.multi_reduction <add>, %exp3A, %reduce_sum3A_80 [1] : vector<197x197xf32> to vector<197xf32>
    %broadcast_in_dim3A_82 = vector.shape_cast %reduce_sum3A_81 : vector<197xf32> to vector<197x1xf32>
    %div3A_83 = vector.broadcast %broadcast_in_dim3A_82 : vector<197x1xf32> to vector<197x197xf32>
    %div3A_84 = arith.divf %exp3A, %div3A_83 : vector<197x197xf32>
    %dot_general3A_85 = arith.constant dense<0.000000e+00> : vector<197x64xf32>
    %dot_general3A_86 = tpu.matmul %div3A_84, %slice3A_68, %dot_general3A_85 {dimension_numbers = #tpu.dot_dimension_numbers<[1], [0], [0], [1], [0, 0, 1, 1], [], []>, transpose_lhs_hint = false} : vector<197x197xf32>, vector<197x64xf32>, vector<197x64xf32> -> vector<197x64xf32>
    %slice3A_87 = vector.extract_strided_slice %add3A_65 {offsets = [0, 64], sizes = [197, 64], strides = [1, 1]} : vector<197x576xf32> to vector<197x64xf32>
    %slice3A_88 = vector.extract_strided_slice %add3A_65 {offsets = [0, 256], sizes = [197, 64], strides = [1, 1]} : vector<197x576xf32> to vector<197x64xf32>
    %slice3A_89 = vector.extract_strided_slice %add3A_65 {offsets = [0, 448], sizes = [197, 64], strides = [1, 1]} : vector<197x576xf32> to vector<197x64xf32>
    %transpose3A_90 = tpu.transpose %slice3A_88, [1, 0] : vector<197x64xf32> -> vector<64x197xf32>
    %dot_general3A_91 = arith.constant dense<0.000000e+00> : vector<197x197xf32>
    %dot_general3A_92 = tpu.matmul %slice3A_87, %transpose3A_90, %dot_general3A_91 {dimension_numbers = #tpu.dot_dimension_numbers<[1], [0], [0], [1], [0, 0, 1, 1], [], []>, transpose_lhs_hint = false} : vector<197x64xf32>, vector<64x197xf32>, vector<197x197xf32> -> vector<197x197xf32>
    %mul3A_93 = arith.constant 1.250000e-01 : f32
    %mul3A_94 = vector.broadcast %mul3A_93 : f32 to vector<197x197xf32>
    %mul3A_95 = arith.mulf %dot_general3A_92, %mul3A_94 : vector<197x197xf32>
    %reduce_max3A_96 = arith.constant dense<0xFF800000> : vector<197xf32>
    %reduce_max3A_97 = vector.multi_reduction <maximumf>, %mul3A_95, %reduce_max3A_96 [1] : vector<197x197xf32> to vector<197xf32>
    %max3A_98 = arith.constant 0xFF800000 : f32
    %max3A_99 = vector.broadcast %max3A_98 : f32 to vector<197xf32>
    %max3A_100 = arith.maximumf %max3A_99, %reduce_max3A_97 : vector<197xf32>
    %broadcast_in_dim3A_101 = vector.shape_cast %max3A_100 : vector<197xf32> to vector<197x1xf32>
    %sub3A_102 = vector.broadcast %broadcast_in_dim3A_101 : vector<197x1xf32> to vector<197x197xf32>
    %sub3A_103 = arith.subf %mul3A_95, %sub3A_102 : vector<197x197xf32>
    %exp3A_104 = math.exp %sub3A_103 : vector<197x197xf32>
    %reduce_sum3A_105 = arith.constant dense<0.000000e+00> : vector<197xf32>
    %reduce_sum3A_106 = vector.multi_reduction <add>, %exp3A_104, %reduce_sum3A_105 [1] : vector<197x197xf32> to vector<197xf32>
    %broadcast_in_dim3A_107 = vector.shape_cast %reduce_sum3A_106 : vector<197xf32> to vector<197x1xf32>
    %div3A_108 = vector.broadcast %broadcast_in_dim3A_107 : vector<197x1xf32> to vector<197x197xf32>
    %div3A_109 = arith.divf %exp3A_104, %div3A_108 : vector<197x197xf32>
    %dot_general3A_110 = arith.constant dense<0.000000e+00> : vector<197x64xf32>
    %dot_general3A_111 = tpu.matmul %div3A_109, %slice3A_89, %dot_general3A_110 {dimension_numbers = #tpu.dot_dimension_numbers<[1], [0], [0], [1], [0, 0, 1, 1], [], []>, transpose_lhs_hint = false} : vector<197x197xf32>, vector<197x64xf32>, vector<197x64xf32> -> vector<197x64xf32>
    %slice3A_112 = vector.extract_strided_slice %add3A_65 {offsets = [0, 128], sizes = [197, 64], strides = [1, 1]} : vector<197x576xf32> to vector<197x64xf32>
    %slice3A_113 = vector.extract_strided_slice %add3A_65 {offsets = [0, 320], sizes = [197, 64], strides = [1, 1]} : vector<197x576xf32> to vector<197x64xf32>
    %slice3A_114 = vector.extract_strided_slice %add3A_65 {offsets = [0, 512], sizes = [197, 64], strides = [1, 1]} : vector<197x576xf32> to vector<197x64xf32>
    %transpose3A_115 = tpu.transpose %slice3A_113, [1, 0] : vector<197x64xf32> -> vector<64x197xf32>
    %dot_general3A_116 = arith.constant dense<0.000000e+00> : vector<197x197xf32>
    %dot_general3A_117 = tpu.matmul %slice3A_112, %transpose3A_115, %dot_general3A_116 {dimension_numbers = #tpu.dot_dimension_numbers<[1], [0], [0], [1], [0, 0, 1, 1], [], []>, transpose_lhs_hint = false} : vector<197x64xf32>, vector<64x197xf32>, vector<197x197xf32> -> vector<197x197xf32>
    %mul3A_118 = arith.constant 1.250000e-01 : f32
    %mul3A_119 = vector.broadcast %mul3A_118 : f32 to vector<197x197xf32>
    %mul3A_120 = arith.mulf %dot_general3A_117, %mul3A_119 : vector<197x197xf32>
    %reduce_max3A_121 = arith.constant dense<0xFF800000> : vector<197xf32>
    %reduce_max3A_122 = vector.multi_reduction <maximumf>, %mul3A_120, %reduce_max3A_121 [1] : vector<197x197xf32> to vector<197xf32>
    %max3A_123 = arith.constant 0xFF800000 : f32
    %max3A_124 = vector.broadcast %max3A_123 : f32 to vector<197xf32>
    %max3A_125 = arith.maximumf %max3A_124, %reduce_max3A_122 : vector<197xf32>
    %broadcast_in_dim3A_126 = vector.shape_cast %max3A_125 : vector<197xf32> to vector<197x1xf32>
    %sub3A_127 = vector.broadcast %broadcast_in_dim3A_126 : vector<197x1xf32> to vector<197x197xf32>
    %sub3A_128 = arith.subf %mul3A_120, %sub3A_127 : vector<197x197xf32>
    %exp3A_129 = math.exp %sub3A_128 : vector<197x197xf32>
    %reduce_sum3A_130 = arith.constant dense<0.000000e+00> : vector<197xf32>
    %reduce_sum3A_131 = vector.multi_reduction <add>, %exp3A_129, %reduce_sum3A_130 [1] : vector<197x197xf32> to vector<197xf32>
    %broadcast_in_dim3A_132 = vector.shape_cast %reduce_sum3A_131 : vector<197xf32> to vector<197x1xf32>
    %div3A_133 = vector.broadcast %broadcast_in_dim3A_132 : vector<197x1xf32> to vector<197x197xf32>
    %div3A_134 = arith.divf %exp3A_129, %div3A_133 : vector<197x197xf32>
    %dot_general3A_135 = arith.constant dense<0.000000e+00> : vector<197x64xf32>
    %dot_general3A_136 = tpu.matmul %div3A_134, %slice3A_114, %dot_general3A_135 {dimension_numbers = #tpu.dot_dimension_numbers<[1], [0], [0], [1], [0, 0, 1, 1], [], []>, transpose_lhs_hint = false} : vector<197x197xf32>, vector<197x64xf32>, vector<197x64xf32> -> vector<197x64xf32>
    %concatenate3A = tpu.concatenate %dot_general3A_86, %dot_general3A_111, %dot_general3A_136 in 1 : vector<197x64xf32>, vector<197x64xf32>, vector<197x64xf32> -> vector<197x192xf32>
    %get3A_137 = arith.constant 0 : index
    %get3A_138 = arith.constant 0 : index
    %get3A_139 = vector.load %arg7[%get3A_137, %get3A_138] : memref<192x192xf32, #tpu.memory_space<vmem>>, vector<192x192xf32>
    %dot_general3A_140 = arith.constant dense<0.000000e+00> : vector<197x192xf32>
    %dot_general3A_141 = tpu.matmul %concatenate3A, %get3A_139, %dot_general3A_140 {dimension_numbers = #tpu.dot_dimension_numbers<[1], [0], [0], [1], [0, 0, 1, 1], [], []>, transpose_lhs_hint = false} : vector<197x192xf32>, vector<192x192xf32>, vector<197x192xf32> -> vector<197x192xf32>
    %add3A_142 = arith.addf %add3A, %dot_general3A_141 : vector<197x192xf32>
    %get3A_143 = arith.constant 0 : index
    %get3A_144 = vector.load %arg8[%get3A_143] : memref<192xf32, #tpu.memory_space<vmem>>, vector<192xf32>
    %broadcast_in_dim3A_145 = vector.shape_cast %get3A_144 : vector<192xf32> to vector<1x192xf32>
    %add3A_146 = vector.broadcast %broadcast_in_dim3A_145 : vector<1x192xf32> to vector<197x192xf32>
    %add3A_147 = arith.addf %add3A_142, %add3A_146 : vector<197x192xf32>
    %swap3A = arith.constant 0 : index
    %swap3A_148 = arith.constant 0 : index
    %swap3A_149 = arith.constant 0 : index
    %swap3A_150 = vector.load %arg12[%swap3A, %swap3A_148, %swap3A_149] : memref<8x197x192xf32, #tpu.memory_space<vmem>>, vector<1x197x192xf32>
    %swap3A_151 = vector.shape_cast %swap3A_150 : vector<1x197x192xf32> to vector<197x192xf32>
    %swap3A_152 = vector.shape_cast %add3A_147 : vector<197x192xf32> to vector<1x197x192xf32>
    tpu.vector_store %arg12[%swap3A, %swap3A_148, %swap3A_149], %swap3A_152 {strides = array<i32>} : memref<8x197x192xf32, #tpu.memory_space<vmem>>, vector<1x197x192xf32>,
    %get3A_153 = arith.constant 0 : index
    %get3A_154 = vector.load %arg9[%get3A_153] : memref<192xf32, #tpu.memory_space<vmem>>, vector<192xf32>
    %get3A_155 = arith.constant 0 : index
    %get3A_156 = vector.load %arg10[%get3A_155] : memref<192xf32, #tpu.memory_space<vmem>>, vector<192xf32>
    %reduce_sum3A_157 = arith.constant dense<0.000000e+00> : vector<197xf32>
    %reduce_sum3A_158 = vector.multi_reduction <add>, %add3A_147, %reduce_sum3A_157 [1] : vector<197x192xf32> to vector<197xf32>
    %broadcast_in_dim3A_159 = vector.shape_cast %reduce_sum3A_158 : vector<197xf32> to vector<197x1xf32>
    %div3A_160 = arith.constant 1.920000e+02 : f32
    %div3A_161 = vector.broadcast %div3A_160 : f32 to vector<197x1xf32>
    %div3A_162 = arith.divf %broadcast_in_dim3A_159, %div3A_161 : vector<197x1xf32>
    %sub3A_163 = vector.broadcast %div3A_162 : vector<197x1xf32> to vector<197x192xf32>
    %sub3A_164 = arith.subf %add3A_147, %sub3A_163 : vector<197x192xf32>
    %integer_pow3A_165 = arith.mulf %sub3A_164, %sub3A_164 : vector<197x192xf32>
    %reduce_sum3A_166 = arith.constant dense<0.000000e+00> : vector<197xf32>
    %reduce_sum3A_167 = vector.multi_reduction <add>, %integer_pow3A_165, %reduce_sum3A_166 [1] : vector<197x192xf32> to vector<197xf32>
    %broadcast_in_dim3A_168 = vector.shape_cast %reduce_sum3A_167 : vector<197xf32> to vector<197x1xf32>
    %div3A_169 = arith.constant 1.920000e+02 : f32
    %div3A_170 = vector.broadcast %div3A_169 : f32 to vector<197x1xf32>
    %div3A_171 = arith.divf %broadcast_in_dim3A_168, %div3A_170 : vector<197x1xf32>
    %sub3A_172 = vector.broadcast %div3A_162 : vector<197x1xf32> to vector<197x192xf32>
    %sub3A_173 = arith.subf %add3A_147, %sub3A_172 : vector<197x192xf32>
    %add3A_174 = arith.constant 9.99999997E-7 : f32
    %add3A_175 = vector.broadcast %add3A_174 : f32 to vector<197x1xf32>
    %add3A_176 = arith.addf %div3A_171, %add3A_175 : vector<197x1xf32>
    %sqrt3A_177 = math.sqrt %add3A_176 : vector<197x1xf32>
    %div3A_178 = vector.broadcast %sqrt3A_177 : vector<197x1xf32> to vector<197x192xf32>
    %div3A_179 = arith.divf %sub3A_173, %div3A_178 : vector<197x192xf32>
    %broadcast_in_dim3A_180 = vector.shape_cast %get3A_154 : vector<192xf32> to vector<1x192xf32>
    %mul3A_181 = vector.broadcast %broadcast_in_dim3A_180 : vector<1x192xf32> to vector<197x192xf32>
    %mul3A_182 = arith.mulf %div3A_179, %mul3A_181 : vector<197x192xf32>
    %broadcast_in_dim3A_183 = vector.shape_cast %get3A_156 : vector<192xf32> to vector<1x192xf32>
    %add3A_184 = vector.broadcast %broadcast_in_dim3A_183 : vector<1x192xf32> to vector<197x192xf32>
    %add3A_185 = arith.addf %mul3A_182, %add3A_184 : vector<197x192xf32>
    %swap3A_186 = arith.constant 0 : index
    %swap3A_187 = arith.constant 0 : index
    %swap3A_188 = arith.constant 0 : index
    %swap3A_189 = vector.load %arg13[%swap3A_186, %swap3A_187, %swap3A_188] : memref<8x256x192xf32, #tpu.memory_space<vmem>>, vector<1x197x192xf32>
    %swap3A_190 = vector.shape_cast %swap3A_189 : vector<1x197x192xf32> to vector<197x192xf32>
    %swap3A_191 = vector.shape_cast %add3A_185 : vector<197x192xf32> to vector<1x197x192xf32>
    tpu.vector_store %arg13[%swap3A_186, %swap3A_187, %swap3A_188], %swap3A_191 {strides = array<i32>} : memref<8x256x192xf32, #tpu.memory_space<vmem>>, vector<1x197x192xf32>,
    %get3A_192 = arith.constant 0 : index
    %get3A_193 = arith.constant 0 : index
    %get3A_194 = vector.load %arg11[%get3A_192, %get3A_193] : memref<192x16xf32, #tpu.memory_space<vmem>>, vector<192x16xf32>
    %dot_general3A_195 = arith.constant dense<0.000000e+00> : vector<197x16xf32>
    %dot_general3A_196 = tpu.matmul %add3A_185, %get3A_194, %dot_general3A_195 {dimension_numbers = #tpu.dot_dimension_numbers<[1], [0], [0], [1], [0, 0, 1, 1], [], []>, transpose_lhs_hint = false} : vector<197x192xf32>, vector<192x16xf32>, vector<197x16xf32> -> vector<197x16xf32>
    %reduce_max3A_197 = arith.constant dense<0xFF800000> : vector<197xf32>
    %reduce_max3A_198 = vector.multi_reduction <maximumf>, %dot_general3A_196, %reduce_max3A_197 [1] : vector<197x16xf32> to vector<197xf32>
    %max3A_199 = arith.constant 0xFF800000 : f32
    %max3A_200 = vector.broadcast %max3A_199 : f32 to vector<197xf32>
    %max3A_201 = arith.maximumf %max3A_200, %reduce_max3A_198 : vector<197xf32>
    %broadcast_in_dim3A_202 = vector.shape_cast %max3A_201 : vector<197xf32> to vector<197x1xf32>
    %sub3A_203 = vector.broadcast %broadcast_in_dim3A_202 : vector<197x1xf32> to vector<197x16xf32>
    %sub3A_204 = arith.subf %dot_general3A_196, %sub3A_203 : vector<197x16xf32>
    %exp3A_205 = math.exp %sub3A_204 : vector<197x16xf32>
    %reduce_sum3A_206 = arith.constant dense<0.000000e+00> : vector<197xf32>
    %reduce_sum3A_207 = vector.multi_reduction <add>, %exp3A_205, %reduce_sum3A_206 [1] : vector<197x16xf32> to vector<197xf32>
    %broadcast_in_dim3A_208 = vector.shape_cast %reduce_sum3A_207 : vector<197xf32> to vector<197x1xf32>
    %div3A_209 = vector.broadcast %broadcast_in_dim3A_208 : vector<197x1xf32> to vector<197x16xf32>
    %div3A_210 = arith.divf %exp3A_205, %div3A_209 : vector<197x16xf32>
    %reduce_max3A_211 = arith.constant dense<0xFF800000> : vector<197xf32>
    %reduce_max3A_212 = vector.multi_reduction <maximumf>, %div3A_210, %reduce_max3A_211 [1] : vector<197x16xf32> to vector<197xf32>
    %broadcast_in_dim3A_213 = vector.shape_cast %reduce_max3A_212 : vector<197xf32> to vector<197x1xf32>
    %eq3A = vector.broadcast %broadcast_in_dim3A_213 : vector<197x1xf32> to vector<197x16xf32>
    %eq3A_214 = arith.cmpf oeq, %div3A_210, %eq3A : vector<197x16xf32>
    %jit3A_215 = arith.constant 1.000000e+09 : f32
    %broadcast_in_dim3A_216 = vector.broadcast %jit3A_215 : f32 to vector<197x16xf32>
    %select_n3A_217 = arith.select %eq3A_214, %convert_element_type3A, %broadcast_in_dim3A_216 : vector<197x16xi1>, vector<197x16xf32>
    %reduce_min3A = arith.constant dense<0x7F800000> : vector<197xf32>
    %reduce_min3A_218 = vector.multi_reduction <minimumf>, %select_n3A_217, %reduce_min3A [1] : vector<197x16xf32> to vector<197xf32>
    %broadcast_in_dim3A_219 = vector.shape_cast %reduce_min3A_218 : vector<197xf32> to vector<197x1xf32>
    %eq3A_220 = vector.broadcast %broadcast_in_dim3A_219 : vector<197x1xf32> to vector<197x16xf32>
    %eq3A_221 = arith.cmpf oeq, %convert_element_type3A, %eq3A_220 : vector<197x16xf32>
    %convert_element_type3A_222 = arith.extui %eq3A_221 : vector<197x16xi1> to vector<197x16xi32>
    %convert_element_type3A_223 = arith.sitofp %convert_element_type3A_222 : vector<197x16xi32> to vector<197x16xf32>
    %dot_general3A_224 = arith.constant dense<0.000000e+00> : vector<197x16xf32>
    %dot_general3A_225 = tpu.matmul %convert_element_type3A_3, %convert_element_type3A_223, %dot_general3A_224 {dimension_numbers = #tpu.dot_dimension_numbers<[1], [0], [0], [1], [0, 0, 1, 1], [], []>, transpose_lhs_hint = false} : vector<197x197xf32>, vector<197x16xf32>, vector<197x16xf32> -> vector<197x16xf32>
    %broadcast_in_dim3A_226 = vector.shape_cast %broadcast_in_dim3A_6 : vector<16xf32> to vector<1x16xf32>
    %add3A_227 = vector.broadcast %broadcast_in_dim3A_226 : vector<1x16xf32> to vector<197x16xf32>
    %add3A_228 = arith.addf %dot_general3A_225, %add3A_227 : vector<197x16xf32>
    %mul3A_229 = arith.mulf %add3A_228, %convert_element_type3A_223 : vector<197x16xf32>
    %reduce_sum3A_230 = arith.constant dense<0.000000e+00> : vector<197xf32>
    %reduce_sum3A_231 = vector.multi_reduction <add>, %mul3A_229, %reduce_sum3A_230 [1] : vector<197x16xf32> to vector<197xf32>
    %lt3A_232 = arith.constant 1.970000e+02 : f32
    %lt3A_233 = vector.broadcast %lt3A_232 : f32 to vector<197xf32>
    %lt3A_234 = arith.cmpf olt, %reduce_sum3A_231, %lt3A_233 : vector<197xf32>
    %convert_element_type3A_235 = arith.extui %lt3A_234 : vector<197xi1> to vector<197xi32>
    %convert_element_type3A_236 = arith.sitofp %convert_element_type3A_235 : vector<197xi32> to vector<197xf32>
    %min3A = arith.constant 2.550000e+02 : f32
    %min3A_237 = vector.broadcast %min3A : f32 to vector<197xf32>
    %min3A_238 = arith.minimumf %reduce_sum3A_231, %min3A_237 : vector<197xf32>
    %mul3A_239 = arith.constant 2.560000e+02 : f32
    %mul3A_240 = vector.broadcast %mul3A_239 : f32 to vector<197xf32>
    %mul3A_241 = arith.mulf %reduce_min3A_218, %mul3A_240 : vector<197xf32>
    %add3A_242 = arith.addf %mul3A_241, %min3A_238 : vector<197xf32>
    %convert_element_type3A_243 = arith.fptosi %add3A_242 : vector<197xf32> to vector<197xi32>
    %mul3A_244 = arith.mulf %reduce_max3A_212, %convert_element_type3A_236 : vector<197xf32>
    %broadcast_in_dim3A_245 = arith.constant 255 : i32
    %broadcast_in_dim3A_246 = vector.broadcast %broadcast_in_dim3A_245 : i32 to vector<59xi32>
    %concatenate3A_247 = tpu.concatenate %convert_element_type3A_243, %broadcast_in_dim3A_246 in 0 : vector<197xi32>, vector<59xi32> -> vector<256xi32>
    %broadcast_in_dim3A_248 = arith.constant 0.000000e+00 : f32
    %broadcast_in_dim3A_249 = vector.broadcast %broadcast_in_dim3A_248 : f32 to vector<59xf32>
    %concatenate3A_250 = tpu.concatenate %mul3A_244, %broadcast_in_dim3A_249 in 0 : vector<197xf32>, vector<59xf32> -> vector<256xf32>
    %lt3A_251 = arith.constant 197 : i32
    %lt3A_252 = vector.broadcast %lt3A_251 : i32 to vector<256xi32>
    %lt3A_253 = arith.cmpi slt, %iota3A_5, %lt3A_252 : vector<256xi32>
    %jit3A_254 = arith.constant 255 : i32
    %broadcast_in_dim3A_255 = vector.broadcast %jit3A_254 : i32 to vector<256xi32>
    %select_n3A_256 = arith.select %lt3A_253, %concatenate3A_247, %broadcast_in_dim3A_255 : vector<256xi1>, vector<256xi32>
    %swap3A_257 = arith.constant 0 : index
    %swap3A_258 = arith.constant 0 : index
    %swap3A_259 = vector.load %arg14[%swap3A_257, %swap3A_258] : memref<8x256xi32, #tpu.memory_space<vmem>>, vector<1x256xi32>
    %swap3A_260 = vector.shape_cast %swap3A_259 : vector<1x256xi32> to vector<256xi32>
    %swap3A_261 = vector.shape_cast %select_n3A_256 : vector<256xi32> to vector<1x256xi32>
    tpu.vector_store %arg14[%swap3A_257, %swap3A_258], %swap3A_261 {strides = array<i32>} : memref<8x256xi32, #tpu.memory_space<vmem>>, vector<1x256xi32>,
    %lt3A_262 = arith.constant 197 : i32
    %lt3A_263 = vector.broadcast %lt3A_262 : i32 to vector<256xi32>
    %lt3A_264 = arith.cmpi slt, %iota3A_5, %lt3A_263 : vector<256xi32>
    %jit3A_265 = arith.constant 0.000000e+00 : f32
    %broadcast_in_dim3A_266 = vector.broadcast %jit3A_265 : f32 to vector<256xf32>
    %select_n3A_267 = arith.select %lt3A_264, %concatenate3A_250, %broadcast_in_dim3A_266 : vector<256xi1>, vector<256xf32>
    %swap3A_268 = arith.constant 0 : index
    %swap3A_269 = arith.constant 0 : index
    %swap3A_270 = vector.load %arg15[%swap3A_268, %swap3A_269] : memref<8x256xf32, #tpu.memory_space<vmem>>, vector<1x256xf32>
    %swap3A_271 = vector.shape_cast %swap3A_270 : vector<1x256xf32> to vector<256xf32>
    %swap3A_272 = vector.shape_cast %select_n3A_267 : vector<256xf32> to vector<1x256xf32>
    tpu.vector_store %arg15[%swap3A_268, %swap3A_269], %swap3A_272 {strides = array<i32>} : memref<8x256xf32, #tpu.memory_space<vmem>>, vector<1x256xf32>,
    %reduce_sum3A_273 = arith.constant dense<0.000000e+00> : vector<16xf32>
    %reduce_sum3A_274 = vector.multi_reduction <add>, %convert_element_type3A_223, %reduce_sum3A_273 [0] : vector<197x16xf32> to vector<16xf32>
    %add3A_275 = arith.addf %broadcast_in_dim3A_6, %reduce_sum3A_274 : vector<16xf32>
    %reduce_sum3A_276 = arith.constant dense<0.000000e+00> : vector<16xf32>
    %reduce_sum3A_277 = vector.multi_reduction <add>, %div3A_210, %reduce_sum3A_276 [0] : vector<197x16xf32> to vector<16xf32>
    %add3A_278 = arith.addf %broadcast_in_dim3A_8, %reduce_sum3A_277 : vector<16xf32>
    %get3A_279 = arith.constant 1 : index
    %get3A_280 = arith.constant 0 : index
    %get3A_281 = vector.load %arg2[%get3A_279, %get3A_280] : memref<8x256xf32, #tpu.memory_space<vmem>>, vector<1x256xf32>
    %get3A_282 = vector.shape_cast %get3A_281 : vector<1x256xf32> to vector<256xf32>
    %slice3A_283 = vector.extract_strided_slice %get3A_282 {offsets = [0], sizes = [197], strides = [1]} : vector<256xf32> to vector<197xf32>
    %broadcast_in_dim3A_284 = vector.shape_cast %slice3A_283 : vector<197xf32> to vector<197x1xf32>
    %get3A_285 = arith.constant 1 : index
    %get3A_286 = arith.constant 0 : index
    %get3A_287 = arith.constant 0 : index
    %get3A_288 = vector.load %arg0[%get3A_285, %get3A_286, %get3A_287] : memref<8x197x192xf32, #tpu.memory_space<vmem>>, vector<1x197x192xf32>
    %get3A_289 = vector.shape_cast %get3A_288 : vector<1x197x192xf32> to vector<197x192xf32>
    %gt3A_290 = arith.constant 0.000000e+00 : f32
    %gt3A_291 = vector.broadcast %gt3A_290 : f32 to vector<197x1xf32>
    %gt3A_292 = arith.cmpf ogt, %broadcast_in_dim3A_284, %gt3A_291 : vector<197x1xf32>
    %get3A_293 = arith.constant 1 : index
    %get3A_294 = arith.constant 0 : index
    %get3A_295 = arith.constant 0 : index
    %get3A_296 = vector.load %arg1[%get3A_293, %get3A_294, %get3A_295] : memref<8x256x192xf32, #tpu.memory_space<vmem>>, vector<1x197x192xf32>
    %get3A_297 = vector.shape_cast %get3A_296 : vector<1x197x192xf32> to vector<197x192xf32>
    %mul3A_298 = vector.broadcast %broadcast_in_dim3A_284 : vector<197x1xf32> to vector<197x192xf32>
    %mul3A_299 = arith.mulf %get3A_297, %mul3A_298 : vector<197x192xf32>
    %jit3A_300 = arith.constant 0.000000e+00 : f32
    %broadcast_in_dim3A_301 = vector.shape_cast %gt3A_292 : vector<197x1xi1> to vector<197x1xi1>
    %broadcast_in_dim3A_302 = vector.broadcast %broadcast_in_dim3A_301 : vector<197x1xi1> to vector<197x192xi1>
    %broadcast_in_dim3A_303 = vector.broadcast %jit3A_300 : f32 to vector<197x192xf32>
    %select_n3A_304 = arith.select %broadcast_in_dim3A_302, %mul3A_299, %broadcast_in_dim3A_303 : vector<197x192xi1>, vector<197x192xf32>
    %add3A_305 = arith.addf %get3A_289, %select_n3A_304 : vector<197x192xf32>
    %get3A_306 = arith.constant 0 : index
    %get3A_307 = vector.load %arg3[%get3A_306] : memref<192xf32, #tpu.memory_space<vmem>>, vector<192xf32>
    %get3A_308 = arith.constant 0 : index
    %get3A_309 = vector.load %arg4[%get3A_308] : memref<192xf32, #tpu.memory_space<vmem>>, vector<192xf32>
    %reduce_sum3A_310 = arith.constant dense<0.000000e+00> : vector<197xf32>
    %reduce_sum3A_311 = vector.multi_reduction <add>, %add3A_305, %reduce_sum3A_310 [1] : vector<197x192xf32> to vector<197xf32>
    %broadcast_in_dim3A_312 = vector.shape_cast %reduce_sum3A_311 : vector<197xf32> to vector<197x1xf32>
    %div3A_313 = arith.constant 1.920000e+02 : f32
    %div3A_314 = vector.broadcast %div3A_313 : f32 to vector<197x1xf32>
    %div3A_315 = arith.divf %broadcast_in_dim3A_312, %div3A_314 : vector<197x1xf32>
    %sub3A_316 = vector.broadcast %div3A_315 : vector<197x1xf32> to vector<197x192xf32>
    %sub3A_317 = arith.subf %add3A_305, %sub3A_316 : vector<197x192xf32>
    %integer_pow3A_318 = arith.mulf %sub3A_317, %sub3A_317 : vector<197x192xf32>
    %reduce_sum3A_319 = arith.constant dense<0.000000e+00> : vector<197xf32>
    %reduce_sum3A_320 = vector.multi_reduction <add>, %integer_pow3A_318, %reduce_sum3A_319 [1] : vector<197x192xf32> to vector<197xf32>
    %broadcast_in_dim3A_321 = vector.shape_cast %reduce_sum3A_320 : vector<197xf32> to vector<197x1xf32>
    %div3A_322 = arith.constant 1.920000e+02 : f32
    %div3A_323 = vector.broadcast %div3A_322 : f32 to vector<197x1xf32>
    %div3A_324 = arith.divf %broadcast_in_dim3A_321, %div3A_323 : vector<197x1xf32>
    %sub3A_325 = vector.broadcast %div3A_315 : vector<197x1xf32> to vector<197x192xf32>
    %sub3A_326 = arith.subf %add3A_305, %sub3A_325 : vector<197x192xf32>
    %add3A_327 = arith.constant 9.99999997E-7 : f32
    %add3A_328 = vector.broadcast %add3A_327 : f32 to vector<197x1xf32>
    %add3A_329 = arith.addf %div3A_324, %add3A_328 : vector<197x1xf32>
    %sqrt3A_330 = math.sqrt %add3A_329 : vector<197x1xf32>
    %div3A_331 = vector.broadcast %sqrt3A_330 : vector<197x1xf32> to vector<197x192xf32>
    %div3A_332 = arith.divf %sub3A_326, %div3A_331 : vector<197x192xf32>
    %broadcast_in_dim3A_333 = vector.shape_cast %get3A_307 : vector<192xf32> to vector<1x192xf32>
    %mul3A_334 = vector.broadcast %broadcast_in_dim3A_333 : vector<1x192xf32> to vector<197x192xf32>
    %mul3A_335 = arith.mulf %div3A_332, %mul3A_334 : vector<197x192xf32>
    %broadcast_in_dim3A_336 = vector.shape_cast %get3A_309 : vector<192xf32> to vector<1x192xf32>
    %add3A_337 = vector.broadcast %broadcast_in_dim3A_336 : vector<1x192xf32> to vector<197x192xf32>
    %add3A_338 = arith.addf %mul3A_335, %add3A_337 : vector<197x192xf32>
    %get3A_339 = arith.constant 0 : index
    %get3A_340 = arith.constant 0 : index
    %get3A_341 = vector.load %arg5[%get3A_339, %get3A_340] : memref<192x576xf32, #tpu.memory_space<vmem>>, vector<192x576xf32>
    %dot_general3A_342 = arith.constant dense<0.000000e+00> : vector<197x576xf32>
    %dot_general3A_343 = tpu.matmul %add3A_338, %get3A_341, %dot_general3A_342 {dimension_numbers = #tpu.dot_dimension_numbers<[1], [0], [0], [1], [0, 0, 1, 1], [], []>, transpose_lhs_hint = false} : vector<197x192xf32>, vector<192x576xf32>, vector<197x576xf32> -> vector<197x576xf32>
    %get3A_344 = arith.constant 0 : index
    %get3A_345 = vector.load %arg6[%get3A_344] : memref<576xf32, #tpu.memory_space<vmem>>, vector<576xf32>
    %broadcast_in_dim3A_346 = vector.shape_cast %get3A_345 : vector<576xf32> to vector<1x576xf32>
    %add3A_347 = vector.broadcast %broadcast_in_dim3A_346 : vector<1x576xf32> to vector<197x576xf32>
    %add3A_348 = arith.addf %dot_general3A_343, %add3A_347 : vector<197x576xf32>
    %slice3A_349 = vector.extract_strided_slice %add3A_348 {offsets = [0, 0], sizes = [197, 64], strides = [1, 1]} : vector<197x576xf32> to vector<197x64xf32>
    %slice3A_350 = vector.extract_strided_slice %add3A_348 {offsets = [0, 192], sizes = [197, 64], strides = [1, 1]} : vector<197x576xf32> to vector<197x64xf32>
    %slice3A_351 = vector.extract_strided_slice %add3A_348 {offsets = [0, 384], sizes = [197, 64], strides = [1, 1]} : vector<197x576xf32> to vector<197x64xf32>
    %transpose3A_352 = tpu.transpose %slice3A_350, [1, 0] : vector<197x64xf32> -> vector<64x197xf32>
    %dot_general3A_353 = arith.constant dense<0.000000e+00> : vector<197x197xf32>
    %dot_general3A_354 = tpu.matmul %slice3A_349, %transpose3A_352, %dot_general3A_353 {dimension_numbers = #tpu.dot_dimension_numbers<[1], [0], [0], [1], [0, 0, 1, 1], [], []>, transpose_lhs_hint = false} : vector<197x64xf32>, vector<64x197xf32>, vector<197x197xf32> -> vector<197x197xf32>
    %mul3A_355 = arith.constant 1.250000e-01 : f32
    %mul3A_356 = vector.broadcast %mul3A_355 : f32 to vector<197x197xf32>
    %mul3A_357 = arith.mulf %dot_general3A_354, %mul3A_356 : vector<197x197xf32>
    %reduce_max3A_358 = arith.constant dense<0xFF800000> : vector<197xf32>
    %reduce_max3A_359 = vector.multi_reduction <maximumf>, %mul3A_357, %reduce_max3A_358 [1] : vector<197x197xf32> to vector<197xf32>
    %max3A_360 = arith.constant 0xFF800000 : f32
    %max3A_361 = vector.broadcast %max3A_360 : f32 to vector<197xf32>
    %max3A_362 = arith.maximumf %max3A_361, %reduce_max3A_359 : vector<197xf32>
    %broadcast_in_dim3A_363 = vector.shape_cast %max3A_362 : vector<197xf32> to vector<197x1xf32>
    %sub3A_364 = vector.broadcast %broadcast_in_dim3A_363 : vector<197x1xf32> to vector<197x197xf32>
    %sub3A_365 = arith.subf %mul3A_357, %sub3A_364 : vector<197x197xf32>
    %exp3A_366 = math.exp %sub3A_365 : vector<197x197xf32>
    %reduce_sum3A_367 = arith.constant dense<0.000000e+00> : vector<197xf32>
    %reduce_sum3A_368 = vector.multi_reduction <add>, %exp3A_366, %reduce_sum3A_367 [1] : vector<197x197xf32> to vector<197xf32>
    %broadcast_in_dim3A_369 = vector.shape_cast %reduce_sum3A_368 : vector<197xf32> to vector<197x1xf32>
    %div3A_370 = vector.broadcast %broadcast_in_dim3A_369 : vector<197x1xf32> to vector<197x197xf32>
    %div3A_371 = arith.divf %exp3A_366, %div3A_370 : vector<197x197xf32>
    %dot_general3A_372 = arith.constant dense<0.000000e+00> : vector<197x64xf32>
    %dot_general3A_373 = tpu.matmul %div3A_371, %slice3A_351, %dot_general3A_372 {dimension_numbers = #tpu.dot_dimension_numbers<[1], [0], [0], [1], [0, 0, 1, 1], [], []>, transpose_lhs_hint = false} : vector<197x197xf32>, vector<197x64xf32>, vector<197x64xf32> -> vector<197x64xf32>
    %slice3A_374 = vector.extract_strided_slice %add3A_348 {offsets = [0, 64], sizes = [197, 64], strides = [1, 1]} : vector<197x576xf32> to vector<197x64xf32>
    %slice3A_375 = vector.extract_strided_slice %add3A_348 {offsets = [0, 256], sizes = [197, 64], strides = [1, 1]} : vector<197x576xf32> to vector<197x64xf32>
    %slice3A_376 = vector.extract_strided_slice %add3A_348 {offsets = [0, 448], sizes = [197, 64], strides = [1, 1]} : vector<197x576xf32> to vector<197x64xf32>
    %transpose3A_377 = tpu.transpose %slice3A_375, [1, 0] : vector<197x64xf32> -> vector<64x197xf32>
    %dot_general3A_378 = arith.constant dense<0.000000e+00> : vector<197x197xf32>
    %dot_general3A_379 = tpu.matmul %slice3A_374, %transpose3A_377, %dot_general3A_378 {dimension_numbers = #tpu.dot_dimension_numbers<[1], [0], [0], [1], [0, 0, 1, 1], [], []>, transpose_lhs_hint = false} : vector<197x64xf32>, vector<64x197xf32>, vector<197x197xf32> -> vector<197x197xf32>
    %mul3A_380 = arith.constant 1.250000e-01 : f32
    %mul3A_381 = vector.broadcast %mul3A_380 : f32 to vector<197x197xf32>
    %mul3A_382 = arith.mulf %dot_general3A_379, %mul3A_381 : vector<197x197xf32>
    %reduce_max3A_383 = arith.constant dense<0xFF800000> : vector<197xf32>
    %reduce_max3A_384 = vector.multi_reduction <maximumf>, %mul3A_382, %reduce_max3A_383 [1] : vector<197x197xf32> to vector<197xf32>
    %max3A_385 = arith.constant 0xFF800000 : f32
    %max3A_386 = vector.broadcast %max3A_385 : f32 to vector<197xf32>
    %max3A_387 = arith.maximumf %max3A_386, %reduce_max3A_384 : vector<197xf32>
    %broadcast_in_dim3A_388 = vector.shape_cast %max3A_387 : vector<197xf32> to vector<197x1xf32>
    %sub3A_389 = vector.broadcast %broadcast_in_dim3A_388 : vector<197x1xf32> to vector<197x197xf32>
    %sub3A_390 = arith.subf %mul3A_382, %sub3A_389 : vector<197x197xf32>
    %exp3A_391 = math.exp %sub3A_390 : vector<197x197xf32>
    %reduce_sum3A_392 = arith.constant dense<0.000000e+00> : vector<197xf32>
    %reduce_sum3A_393 = vector.multi_reduction <add>, %exp3A_391, %reduce_sum3A_392 [1] : vector<197x197xf32> to vector<197xf32>
    %broadcast_in_dim3A_394 = vector.shape_cast %reduce_sum3A_393 : vector<197xf32> to vector<197x1xf32>
    %div3A_395 = vector.broadcast %broadcast_in_dim3A_394 : vector<197x1xf32> to vector<197x197xf32>
    %div3A_396 = arith.divf %exp3A_391, %div3A_395 : vector<197x197xf32>
    %dot_general3A_397 = arith.constant dense<0.000000e+00> : vector<197x64xf32>
    %dot_general3A_398 = tpu.matmul %div3A_396, %slice3A_376, %dot_general3A_397 {dimension_numbers = #tpu.dot_dimension_numbers<[1], [0], [0], [1], [0, 0, 1, 1], [], []>, transpose_lhs_hint = false} : vector<197x197xf32>, vector<197x64xf32>, vector<197x64xf32> -> vector<197x64xf32>
    %slice3A_399 = vector.extract_strided_slice %add3A_348 {offsets = [0, 128], sizes = [197, 64], strides = [1, 1]} : vector<197x576xf32> to vector<197x64xf32>
    %slice3A_400 = vector.extract_strided_slice %add3A_348 {offsets = [0, 320], sizes = [197, 64], strides = [1, 1]} : vector<197x576xf32> to vector<197x64xf32>
    %slice3A_401 = vector.extract_strided_slice %add3A_348 {offsets = [0, 512], sizes = [197, 64], strides = [1, 1]} : vector<197x576xf32> to vector<197x64xf32>
    %transpose3A_402 = tpu.transpose %slice3A_400, [1, 0] : vector<197x64xf32> -> vector<64x197xf32>
    %dot_general3A_403 = arith.constant dense<0.000000e+00> : vector<197x197xf32>
    %dot_general3A_404 = tpu.matmul %slice3A_399, %transpose3A_402, %dot_general3A_403 {dimension_numbers = #tpu.dot_dimension_numbers<[1], [0], [0], [1], [0, 0, 1, 1], [], []>, transpose_lhs_hint = false} : vector<197x64xf32>, vector<64x197xf32>, vector<197x197xf32> -> vector<197x197xf32>
    %mul3A_405 = arith.constant 1.250000e-01 : f32
    %mul3A_406 = vector.broadcast %mul3A_405 : f32 to vector<197x197xf32>
    %mul3A_407 = arith.mulf %dot_general3A_404, %mul3A_406 : vector<197x197xf32>
    %reduce_max3A_408 = arith.constant dense<0xFF800000> : vector<197xf32>
    %reduce_max3A_409 = vector.multi_reduction <maximumf>, %mul3A_407, %reduce_max3A_408 [1] : vector<197x197xf32> to vector<197xf32>
    %max3A_410 = arith.constant 0xFF800000 : f32
    %max3A_411 = vector.broadcast %max3A_410 : f32 to vector<197xf32>
    %max3A_412 = arith.maximumf %max3A_411, %reduce_max3A_409 : vector<197xf32>
    %broadcast_in_dim3A_413 = vector.shape_cast %max3A_412 : vector<197xf32> to vector<197x1xf32>
    %sub3A_414 = vector.broadcast %broadcast_in_dim3A_413 : vector<197x1xf32> to vector<197x197xf32>
    %sub3A_415 = arith.subf %mul3A_407, %sub3A_414 : vector<197x197xf32>
    %exp3A_416 = math.exp %sub3A_415 : vector<197x197xf32>
    %reduce_sum3A_417 = arith.constant dense<0.000000e+00> : vector<197xf32>
    %reduce_sum3A_418 = vector.multi_reduction <add>, %exp3A_416, %reduce_sum3A_417 [1] : vector<197x197xf32> to vector<197xf32>
    %broadcast_in_dim3A_419 = vector.shape_cast %reduce_sum3A_418 : vector<197xf32> to vector<197x1xf32>
    %div3A_420 = vector.broadcast %broadcast_in_dim3A_419 : vector<197x1xf32> to vector<197x197xf32>
    %div3A_421 = arith.divf %exp3A_416, %div3A_420 : vector<197x197xf32>
    %dot_general3A_422 = arith.constant dense<0.000000e+00> : vector<197x64xf32>
    %dot_general3A_423 = tpu.matmul %div3A_421, %slice3A_401, %dot_general3A_422 {dimension_numbers = #tpu.dot_dimension_numbers<[1], [0], [0], [1], [0, 0, 1, 1], [], []>, transpose_lhs_hint = false} : vector<197x197xf32>, vector<197x64xf32>, vector<197x64xf32> -> vector<197x64xf32>
    %concatenate3A_424 = tpu.concatenate %dot_general3A_373, %dot_general3A_398, %dot_general3A_423 in 1 : vector<197x64xf32>, vector<197x64xf32>, vector<197x64xf32> -> vector<197x192xf32>
    %get3A_425 = arith.constant 0 : index
    %get3A_426 = arith.constant 0 : index
    %get3A_427 = vector.load %arg7[%get3A_425, %get3A_426] : memref<192x192xf32, #tpu.memory_space<vmem>>, vector<192x192xf32>
    %dot_general3A_428 = arith.constant dense<0.000000e+00> : vector<197x192xf32>
    %dot_general3A_429 = tpu.matmul %concatenate3A_424, %get3A_427, %dot_general3A_428 {dimension_numbers = #tpu.dot_dimension_numbers<[1], [0], [0], [1], [0, 0, 1, 1], [], []>, transpose_lhs_hint = false} : vector<197x192xf32>, vector<192x192xf32>, vector<197x192xf32> -> vector<197x192xf32>
    %add3A_430 = arith.addf %add3A_305, %dot_general3A_429 : vector<197x192xf32>
    %get3A_431 = arith.constant 0 : index
    %get3A_432 = vector.load %arg8[%get3A_431] : memref<192xf32, #tpu.memory_space<vmem>>, vector<192xf32>
    %broadcast_in_dim3A_433 = vector.shape_cast %get3A_432 : vector<192xf32> to vector<1x192xf32>
    %add3A_434 = vector.broadcast %broadcast_in_dim3A_433 : vector<1x192xf32> to vector<197x192xf32>
    %add3A_435 = arith.addf %add3A_430, %add3A_434 : vector<197x192xf32>
    %swap3A_436 = arith.constant 1 : index
    %swap3A_437 = arith.constant 0 : index
    %swap3A_438 = arith.constant 0 : index
    %swap3A_439 = vector.load %arg12[%swap3A_436, %swap3A_437, %swap3A_438] : memref<8x197x192xf32, #tpu.memory_space<vmem>>, vector<1x197x192xf32>
    %swap3A_440 = vector.shape_cast %swap3A_439 : vector<1x197x192xf32> to vector<197x192xf32>
    %swap3A_441 = vector.shape_cast %add3A_435 : vector<197x192xf32> to vector<1x197x192xf32>
    tpu.vector_store %arg12[%swap3A_436, %swap3A_437, %swap3A_438], %swap3A_441 {strides = array<i32>} : memref<8x197x192xf32, #tpu.memory_space<vmem>>, vector<1x197x192xf32>,
    %get3A_442 = arith.constant 0 : index
    %get3A_443 = vector.load %arg9[%get3A_442] : memref<192xf32, #tpu.memory_space<vmem>>, vector<192xf32>
    %get3A_444 = arith.constant 0 : index
    %get3A_445 = vector.load %arg10[%get3A_444] : memref<192xf32, #tpu.memory_space<vmem>>, vector<192xf32>
    %reduce_sum3A_446 = arith.constant dense<0.000000e+00> : vector<197xf32>
    %reduce_sum3A_447 = vector.multi_reduction <add>, %add3A_435, %reduce_sum3A_446 [1] : vector<197x192xf32> to vector<197xf32>
    %broadcast_in_dim3A_448 = vector.shape_cast %reduce_sum3A_447 : vector<197xf32> to vector<197x1xf32>
    %div3A_449 = arith.constant 1.920000e+02 : f32
    %div3A_450 = vector.broadcast %div3A_449 : f32 to vector<197x1xf32>
    %div3A_451 = arith.divf %broadcast_in_dim3A_448, %div3A_450 : vector<197x1xf32>
    %sub3A_452 = vector.broadcast %div3A_451 : vector<197x1xf32> to vector<197x192xf32>
    %sub3A_453 = arith.subf %add3A_435, %sub3A_452 : vector<197x192xf32>
    %integer_pow3A_454 = arith.mulf %sub3A_453, %sub3A_453 : vector<197x192xf32>
    %reduce_sum3A_455 = arith.constant dense<0.000000e+00> : vector<197xf32>
    %reduce_sum3A_456 = vector.multi_reduction <add>, %integer_pow3A_454, %reduce_sum3A_455 [1] : vector<197x192xf32> to vector<197xf32>
    %broadcast_in_dim3A_457 = vector.shape_cast %reduce_sum3A_456 : vector<197xf32> to vector<197x1xf32>
    %div3A_458 = arith.constant 1.920000e+02 : f32
    %div3A_459 = vector.broadcast %div3A_458 : f32 to vector<197x1xf32>
    %div3A_460 = arith.divf %broadcast_in_dim3A_457, %div3A_459 : vector<197x1xf32>
    %sub3A_461 = vector.broadcast %div3A_451 : vector<197x1xf32> to vector<197x192xf32>
    %sub3A_462 = arith.subf %add3A_435, %sub3A_461 : vector<197x192xf32>
    %add3A_463 = arith.constant 9.99999997E-7 : f32
    %add3A_464 = vector.broadcast %add3A_463 : f32 to vector<197x1xf32>
    %add3A_465 = arith.addf %div3A_460, %add3A_464 : vector<197x1xf32>
    %sqrt3A_466 = math.sqrt %add3A_465 : vector<197x1xf32>
    %div3A_467 = vector.broadcast %sqrt3A_466 : vector<197x1xf32> to vector<197x192xf32>
    %div3A_468 = arith.divf %sub3A_462, %div3A_467 : vector<197x192xf32>
    %broadcast_in_dim3A_469 = vector.shape_cast %get3A_443 : vector<192xf32> to vector<1x192xf32>
    %mul3A_470 = vector.broadcast %broadcast_in_dim3A_469 : vector<1x192xf32> to vector<197x192xf32>
    %mul3A_471 = arith.mulf %div3A_468, %mul3A_470 : vector<197x192xf32>
    %broadcast_in_dim3A_472 = vector.shape_cast %get3A_445 : vector<192xf32> to vector<1x192xf32>
    %add3A_473 = vector.broadcast %broadcast_in_dim3A_472 : vector<1x192xf32> to vector<197x192xf32>
    %add3A_474 = arith.addf %mul3A_471, %add3A_473 : vector<197x192xf32>
    %swap3A_475 = arith.constant 1 : index
    %swap3A_476 = arith.constant 0 : index
    %swap3A_477 = arith.constant 0 : index
    %swap3A_478 = vector.load %arg13[%swap3A_475, %swap3A_476, %swap3A_477] : memref<8x256x192xf32, #tpu.memory_space<vmem>>, vector<1x197x192xf32>
    %swap3A_479 = vector.shape_cast %swap3A_478 : vector<1x197x192xf32> to vector<197x192xf32>
    %swap3A_480 = vector.shape_cast %add3A_474 : vector<197x192xf32> to vector<1x197x192xf32>
    tpu.vector_store %arg13[%swap3A_475, %swap3A_476, %swap3A_477], %swap3A_480 {strides = array<i32>} : memref<8x256x192xf32, #tpu.memory_space<vmem>>, vector<1x197x192xf32>,
    %get3A_481 = arith.constant 0 : index
    %get3A_482 = arith.constant 0 : index
    %get3A_483 = vector.load %arg11[%get3A_481, %get3A_482] : memref<192x16xf32, #tpu.memory_space<vmem>>, vector<192x16xf32>
    %dot_general3A_484 = arith.constant dense<0.000000e+00> : vector<197x16xf32>
    %dot_general3A_485 = tpu.matmul %add3A_474, %get3A_483, %dot_general3A_484 {dimension_numbers = #tpu.dot_dimension_numbers<[1], [0], [0], [1], [0, 0, 1, 1], [], []>, transpose_lhs_hint = false} : vector<197x192xf32>, vector<192x16xf32>, vector<197x16xf32> -> vector<197x16xf32>
    %reduce_max3A_486 = arith.constant dense<0xFF800000> : vector<197xf32>
    %reduce_max3A_487 = vector.multi_reduction <maximumf>, %dot_general3A_485, %reduce_max3A_486 [1] : vector<197x16xf32> to vector<197xf32>
    %max3A_488 = arith.constant 0xFF800000 : f32
    %max3A_489 = vector.broadcast %max3A_488 : f32 to vector<197xf32>
    %max3A_490 = arith.maximumf %max3A_489, %reduce_max3A_487 : vector<197xf32>
    %broadcast_in_dim3A_491 = vector.shape_cast %max3A_490 : vector<197xf32> to vector<197x1xf32>
    %sub3A_492 = vector.broadcast %broadcast_in_dim3A_491 : vector<197x1xf32> to vector<197x16xf32>
    %sub3A_493 = arith.subf %dot_general3A_485, %sub3A_492 : vector<197x16xf32>
    %exp3A_494 = math.exp %sub3A_493 : vector<197x16xf32>
    %reduce_sum3A_495 = arith.constant dense<0.000000e+00> : vector<197xf32>
    %reduce_sum3A_496 = vector.multi_reduction <add>, %exp3A_494, %reduce_sum3A_495 [1] : vector<197x16xf32> to vector<197xf32>
    %broadcast_in_dim3A_497 = vector.shape_cast %reduce_sum3A_496 : vector<197xf32> to vector<197x1xf32>
    %div3A_498 = vector.broadcast %broadcast_in_dim3A_497 : vector<197x1xf32> to vector<197x16xf32>
    %div3A_499 = arith.divf %exp3A_494, %div3A_498 : vector<197x16xf32>
    %reduce_max3A_500 = arith.constant dense<0xFF800000> : vector<197xf32>
    %reduce_max3A_501 = vector.multi_reduction <maximumf>, %div3A_499, %reduce_max3A_500 [1] : vector<197x16xf32> to vector<197xf32>
    %broadcast_in_dim3A_502 = vector.shape_cast %reduce_max3A_501 : vector<197xf32> to vector<197x1xf32>
    %eq3A_503 = vector.broadcast %broadcast_in_dim3A_502 : vector<197x1xf32> to vector<197x16xf32>
    %eq3A_504 = arith.cmpf oeq, %div3A_499, %eq3A_503 : vector<197x16xf32>
    %jit3A_505 = arith.constant 1.000000e+09 : f32
    %broadcast_in_dim3A_506 = vector.broadcast %jit3A_505 : f32 to vector<197x16xf32>
    %select_n3A_507 = arith.select %eq3A_504, %convert_element_type3A, %broadcast_in_dim3A_506 : vector<197x16xi1>, vector<197x16xf32>
    %reduce_min3A_508 = arith.constant dense<0x7F800000> : vector<197xf32>
    %reduce_min3A_509 = vector.multi_reduction <minimumf>, %select_n3A_507, %reduce_min3A_508 [1] : vector<197x16xf32> to vector<197xf32>
    %broadcast_in_dim3A_510 = vector.shape_cast %reduce_min3A_509 : vector<197xf32> to vector<197x1xf32>
    %eq3A_511 = vector.broadcast %broadcast_in_dim3A_510 : vector<197x1xf32> to vector<197x16xf32>
    %eq3A_512 = arith.cmpf oeq, %convert_element_type3A, %eq3A_511 : vector<197x16xf32>
    %convert_element_type3A_513 = arith.extui %eq3A_512 : vector<197x16xi1> to vector<197x16xi32>
    %convert_element_type3A_514 = arith.sitofp %convert_element_type3A_513 : vector<197x16xi32> to vector<197x16xf32>
    %dot_general3A_515 = arith.constant dense<0.000000e+00> : vector<197x16xf32>
    %dot_general3A_516 = tpu.matmul %convert_element_type3A_3, %convert_element_type3A_514, %dot_general3A_515 {dimension_numbers = #tpu.dot_dimension_numbers<[1], [0], [0], [1], [0, 0, 1, 1], [], []>, transpose_lhs_hint = false} : vector<197x197xf32>, vector<197x16xf32>, vector<197x16xf32> -> vector<197x16xf32>
    %broadcast_in_dim3A_517 = vector.shape_cast %add3A_275 : vector<16xf32> to vector<1x16xf32>
    %add3A_518 = vector.broadcast %broadcast_in_dim3A_517 : vector<1x16xf32> to vector<197x16xf32>
    %add3A_519 = arith.addf %dot_general3A_516, %add3A_518 : vector<197x16xf32>
    %mul3A_520 = arith.mulf %add3A_519, %convert_element_type3A_514 : vector<197x16xf32>
    %reduce_sum3A_521 = arith.constant dense<0.000000e+00> : vector<197xf32>
    %reduce_sum3A_522 = vector.multi_reduction <add>, %mul3A_520, %reduce_sum3A_521 [1] : vector<197x16xf32> to vector<197xf32>
    %lt3A_523 = arith.constant 1.970000e+02 : f32
    %lt3A_524 = vector.broadcast %lt3A_523 : f32 to vector<197xf32>
    %lt3A_525 = arith.cmpf olt, %reduce_sum3A_522, %lt3A_524 : vector<197xf32>
    %convert_element_type3A_526 = arith.extui %lt3A_525 : vector<197xi1> to vector<197xi32>
    %convert_element_type3A_527 = arith.sitofp %convert_element_type3A_526 : vector<197xi32> to vector<197xf32>
    %min3A_528 = arith.constant 2.550000e+02 : f32
    %min3A_529 = vector.broadcast %min3A_528 : f32 to vector<197xf32>
    %min3A_530 = arith.minimumf %reduce_sum3A_522, %min3A_529 : vector<197xf32>
    %mul3A_531 = arith.constant 2.560000e+02 : f32
    %mul3A_532 = vector.broadcast %mul3A_531 : f32 to vector<197xf32>
    %mul3A_533 = arith.mulf %reduce_min3A_509, %mul3A_532 : vector<197xf32>
    %add3A_534 = arith.addf %mul3A_533, %min3A_530 : vector<197xf32>
    %convert_element_type3A_535 = arith.fptosi %add3A_534 : vector<197xf32> to vector<197xi32>
    %mul3A_536 = arith.mulf %reduce_max3A_501, %convert_element_type3A_527 : vector<197xf32>
    %broadcast_in_dim3A_537 = arith.constant 255 : i32
    %broadcast_in_dim3A_538 = vector.broadcast %broadcast_in_dim3A_537 : i32 to vector<59xi32>
    %concatenate3A_539 = tpu.concatenate %convert_element_type3A_535, %broadcast_in_dim3A_538 in 0 : vector<197xi32>, vector<59xi32> -> vector<256xi32>
    %broadcast_in_dim3A_540 = arith.constant 0.000000e+00 : f32
    %broadcast_in_dim3A_541 = vector.broadcast %broadcast_in_dim3A_540 : f32 to vector<59xf32>
    %concatenate3A_542 = tpu.concatenate %mul3A_536, %broadcast_in_dim3A_541 in 0 : vector<197xf32>, vector<59xf32> -> vector<256xf32>
    %lt3A_543 = arith.constant 197 : i32
    %lt3A_544 = vector.broadcast %lt3A_543 : i32 to vector<256xi32>
    %lt3A_545 = arith.cmpi slt, %iota3A_5, %lt3A_544 : vector<256xi32>
    %jit3A_546 = arith.constant 255 : i32
    %broadcast_in_dim3A_547 = vector.broadcast %jit3A_546 : i32 to vector<256xi32>
    %select_n3A_548 = arith.select %lt3A_545, %concatenate3A_539, %broadcast_in_dim3A_547 : vector<256xi1>, vector<256xi32>
    %swap3A_549 = arith.constant 1 : index
    %swap3A_550 = arith.constant 0 : index
    %swap3A_551 = vector.load %arg14[%swap3A_549, %swap3A_550] : memref<8x256xi32, #tpu.memory_space<vmem>>, vector<1x256xi32>
    %swap3A_552 = vector.shape_cast %swap3A_551 : vector<1x256xi32> to vector<256xi32>
    %swap3A_553 = vector.shape_cast %select_n3A_548 : vector<256xi32> to vector<1x256xi32>
    tpu.vector_store %arg14[%swap3A_549, %swap3A_550], %swap3A_553 {strides = array<i32>} : memref<8x256xi32, #tpu.memory_space<vmem>>, vector<1x256xi32>,
    %lt3A_554 = arith.constant 197 : i32
    %lt3A_555 = vector.broadcast %lt3A_554 : i32 to vector<256xi32>
    %lt3A_556 = arith.cmpi slt, %iota3A_5, %lt3A_555 : vector<256xi32>
    %jit3A_557 = arith.constant 0.000000e+00 : f32
    %broadcast_in_dim3A_558 = vector.broadcast %jit3A_557 : f32 to vector<256xf32>
    %select_n3A_559 = arith.select %lt3A_556, %concatenate3A_542, %broadcast_in_dim3A_558 : vector<256xi1>, vector<256xf32>
    %swap3A_560 = arith.constant 1 : index
    %swap3A_561 = arith.constant 0 : index
    %swap3A_562 = vector.load %arg15[%swap3A_560, %swap3A_561] : memref<8x256xf32, #tpu.memory_space<vmem>>, vector<1x256xf32>
    %swap3A_563 = vector.shape_cast %swap3A_562 : vector<1x256xf32> to vector<256xf32>
    %swap3A_564 = vector.shape_cast %select_n3A_559 : vector<256xf32> to vector<1x256xf32>
    tpu.vector_store %arg15[%swap3A_560, %swap3A_561], %swap3A_564 {strides = array<i32>} : memref<8x256xf32, #tpu.memory_space<vmem>>, vector<1x256xf32>,
    %reduce_sum3A_565 = arith.constant dense<0.000000e+00> : vector<16xf32>
    %reduce_sum3A_566 = vector.multi_reduction <add>, %convert_element_type3A_514, %reduce_sum3A_565 [0] : vector<197x16xf32> to vector<16xf32>
    %add3A_567 = arith.addf %add3A_275, %reduce_sum3A_566 : vector<16xf32>
    %reduce_sum3A_568 = arith.constant dense<0.000000e+00> : vector<16xf32>
    %reduce_sum3A_569 = vector.multi_reduction <add>, %div3A_499, %reduce_sum3A_568 [0] : vector<197x16xf32> to vector<16xf32>
    %add3A_570 = arith.addf %add3A_278, %reduce_sum3A_569 : vector<16xf32>
    %get3A_571 = arith.constant 2 : index
    %get3A_572 = arith.constant 0 : index
    %get3A_573 = vector.load %arg2[%get3A_571, %get3A_572] : memref<8x256xf32, #tpu.memory_space<vmem>>, vector<1x256xf32>
    %get3A_574 = vector.shape_cast %get3A_573 : vector<1x256xf32> to vector<256xf32>
    %slice3A_575 = vector.extract_strided_slice %get3A_574 {offsets = [0], sizes = [197], strides = [1]} : vector<256xf32> to vector<197xf32>
    %broadcast_in_dim3A_576 = vector.shape_cast %slice3A_575 : vector<197xf32> to vector<197x1xf32>
    %get3A_577 = arith.constant 2 : index
    %get3A_578 = arith.constant 0 : index
    %get3A_579 = arith.constant 0 : index
    %get3A_580 = vector.load %arg0[%get3A_577, %get3A_578, %get3A_579] : memref<8x197x192xf32, #tpu.memory_space<vmem>>, vector<1x197x192xf32>
    %get3A_581 = vector.shape_cast %get3A_580 : vector<1x197x192xf32> to vector<197x192xf32>
    %gt3A_582 = arith.constant 0.000000e+00 : f32
    %gt3A_583 = vector.broadcast %gt3A_582 : f32 to vector<197x1xf32>
    %gt3A_584 = arith.cmpf ogt, %broadcast_in_dim3A_576, %gt3A_583 : vector<197x1xf32>
    %get3A_585 = arith.constant 2 : index
    %get3A_586 = arith.constant 0 : index
    %get3A_587 = arith.constant 0 : index
    %get3A_588 = vector.load %arg1[%get3A_585, %get3A_586, %get3A_587] : memref<8x256x192xf32, #tpu.memory_space<vmem>>, vector<1x197x192xf32>
    %get3A_589 = vector.shape_cast %get3A_588 : vector<1x197x192xf32> to vector<197x192xf32>
    %mul3A_590 = vector.broadcast %broadcast_in_dim3A_576 : vector<197x1xf32> to vector<197x192xf32>
    %mul3A_591 = arith.mulf %get3A_589, %mul3A_590 : vector<197x192xf32>
    %jit3A_592 = arith.constant 0.000000e+00 : f32
    %broadcast_in_dim3A_593 = vector.shape_cast %gt3A_584 : vector<197x1xi1> to vector<197x1xi1>
    %broadcast_in_dim3A_594 = vector.broadcast %broadcast_in_dim3A_593 : vector<197x1xi1> to vector<197x192xi1>
    %broadcast_in_dim3A_595 = vector.broadcast %jit3A_592 : f32 to vector<197x192xf32>
    %select_n3A_596 = arith.select %broadcast_in_dim3A_594, %mul3A_591, %broadcast_in_dim3A_595 : vector<197x192xi1>, vector<197x192xf32>
    %add3A_597 = arith.addf %get3A_581, %select_n3A_596 : vector<197x192xf32>
    %get3A_598 = arith.constant 0 : index
    %get3A_599 = vector.load %arg3[%get3A_598] : memref<192xf32, #tpu.memory_space<vmem>>, vector<192xf32>
    %get3A_600 = arith.constant 0 : index
    %get3A_601 = vector.load %arg4[%get3A_600] : memref<192xf32, #tpu.memory_space<vmem>>, vector<192xf32>
    %reduce_sum3A_602 = arith.constant dense<0.000000e+00> : vector<197xf32>
    %reduce_sum3A_603 = vector.multi_reduction <add>, %add3A_597, %reduce_sum3A_602 [1] : vector<197x192xf32> to vector<197xf32>
    %broadcast_in_dim3A_604 = vector.shape_cast %reduce_sum3A_603 : vector<197xf32> to vector<197x1xf32>
    %div3A_605 = arith.constant 1.920000e+02 : f32
    %div3A_606 = vector.broadcast %div3A_605 : f32 to vector<197x1xf32>
    %div3A_607 = arith.divf %broadcast_in_dim3A_604, %div3A_606 : vector<197x1xf32>
    %sub3A_608 = vector.broadcast %div3A_607 : vector<197x1xf32> to vector<197x192xf32>
    %sub3A_609 = arith.subf %add3A_597, %sub3A_608 : vector<197x192xf32>
    %integer_pow3A_610 = arith.mulf %sub3A_609, %sub3A_609 : vector<197x192xf32>
    %reduce_sum3A_611 = arith.constant dense<0.000000e+00> : vector<197xf32>
    %reduce_sum3A_612 = vector.multi_reduction <add>, %integer_pow3A_610, %reduce_sum3A_611 [1] : vector<197x192xf32> to vector<197xf32>
    %broadcast_in_dim3A_613 = vector.shape_cast %reduce_sum3A_612 : vector<197xf32> to vector<197x1xf32>
    %div3A_614 = arith.constant 1.920000e+02 : f32
    %div3A_615 = vector.broadcast %div3A_614 : f32 to vector<197x1xf32>
    %div3A_616 = arith.divf %broadcast_in_dim3A_613, %div3A_615 : vector<197x1xf32>
    %sub3A_617 = vector.broadcast %div3A_607 : vector<197x1xf32> to vector<197x192xf32>
    %sub3A_618 = arith.subf %add3A_597, %sub3A_617 : vector<197x192xf32>
    %add3A_619 = arith.constant 9.99999997E-7 : f32
    %add3A_620 = vector.broadcast %add3A_619 : f32 to vector<197x1xf32>
    %add3A_621 = arith.addf %div3A_616, %add3A_620 : vector<197x1xf32>
    %sqrt3A_622 = math.sqrt %add3A_621 : vector<197x1xf32>
    %div3A_623 = vector.broadcast %sqrt3A_622 : vector<197x1xf32> to vector<197x192xf32>
    %div3A_624 = arith.divf %sub3A_618, %div3A_623 : vector<197x192xf32>
    %broadcast_in_dim3A_625 = vector.shape_cast %get3A_599 : vector<192xf32> to vector<1x192xf32>
    %mul3A_626 = vector.broadcast %broadcast_in_dim3A_625 : vector<1x192xf32> to vector<197x192xf32>
    %mul3A_627 = arith.mulf %div3A_624, %mul3A_626 : vector<197x192xf32>
    %broadcast_in_dim3A_628 = vector.shape_cast %get3A_601 : vector<192xf32> to vector<1x192xf32>
    %add3A_629 = vector.broadcast %broadcast_in_dim3A_628 : vector<1x192xf32> to vector<197x192xf32>
    %add3A_630 = arith.addf %mul3A_627, %add3A_629 : vector<197x192xf32>
    %get3A_631 = arith.constant 0 : index
    %get3A_632 = arith.constant 0 : index
    %get3A_633 = vector.load %arg5[%get3A_631, %get3A_632] : memref<192x576xf32, #tpu.memory_space<vmem>>, vector<192x576xf32>
    %dot_general3A_634 = arith.constant dense<0.000000e+00> : vector<197x576xf32>
    %dot_general3A_635 = tpu.matmul %add3A_630, %get3A_633, %dot_general3A_634 {dimension_numbers = #tpu.dot_dimension_numbers<[1], [0], [0], [1], [0, 0, 1, 1], [], []>, transpose_lhs_hint = false} : vector<197x192xf32>, vector<192x576xf32>, vector<197x576xf32> -> vector<197x576xf32>
    %get3A_636 = arith.constant 0 : index
    %get3A_637 = vector.load %arg6[%get3A_636] : memref<576xf32, #tpu.memory_space<vmem>>, vector<576xf32>
    %broadcast_in_dim3A_638 = vector.shape_cast %get3A_637 : vector<576xf32> to vector<1x576xf32>
    %add3A_639 = vector.broadcast %broadcast_in_dim3A_638 : vector<1x576xf32> to vector<197x576xf32>
    %add3A_640 = arith.addf %dot_general3A_635, %add3A_639 : vector<197x576xf32>
    %slice3A_641 = vector.extract_strided_slice %add3A_640 {offsets = [0, 0], sizes = [197, 64], strides = [1, 1]} : vector<197x576xf32> to vector<197x64xf32>
    %slice3A_642 = vector.extract_strided_slice %add3A_640 {offsets = [0, 192], sizes = [197, 64], strides = [1, 1]} : vector<197x576xf32> to vector<197x64xf32>
    %slice3A_643 = vector.extract_strided_slice %add3A_640 {offsets = [0, 384], sizes = [197, 64], strides = [1, 1]} : vector<197x576xf32> to vector<197x64xf32>
    %transpose3A_644 = tpu.transpose %slice3A_642, [1, 0] : vector<197x64xf32> -> vector<64x197xf32>
    %dot_general3A_645 = arith.constant dense<0.000000e+00> : vector<197x197xf32>
    %dot_general3A_646 = tpu.matmul %slice3A_641, %transpose3A_644, %dot_general3A_645 {dimension_numbers = #tpu.dot_dimension_numbers<[1], [0], [0], [1], [0, 0, 1, 1], [], []>, transpose_lhs_hint = false} : vector<197x64xf32>, vector<64x197xf32>, vector<197x197xf32> -> vector<197x197xf32>
    %mul3A_647 = arith.constant 1.250000e-01 : f32
    %mul3A_648 = vector.broadcast %mul3A_647 : f32 to vector<197x197xf32>
    %mul3A_649 = arith.mulf %dot_general3A_646, %mul3A_648 : vector<197x197xf32>
    %reduce_max3A_650 = arith.constant dense<0xFF800000> : vector<197xf32>
    %reduce_max3A_651 = vector.multi_reduction <maximumf>, %mul3A_649, %reduce_max3A_650 [1] : vector<197x197xf32> to vector<197xf32>
    %max3A_652 = arith.constant 0xFF800000 : f32
    %max3A_653 = vector.broadcast %max3A_652 : f32 to vector<197xf32>
    %max3A_654 = arith.maximumf %max3A_653, %reduce_max3A_651 : vector<197xf32>
    %broadcast_in_dim3A_655 = vector.shape_cast %max3A_654 : vector<197xf32> to vector<197x1xf32>
    %sub3A_656 = vector.broadcast %broadcast_in_dim3A_655 : vector<197x1xf32> to vector<197x197xf32>
    %sub3A_657 = arith.subf %mul3A_649, %sub3A_656 : vector<197x197xf32>
    %exp3A_658 = math.exp %sub3A_657 : vector<197x197xf32>
    %reduce_sum3A_659 = arith.constant dense<0.000000e+00> : vector<197xf32>
    %reduce_sum3A_660 = vector.multi_reduction <add>, %exp3A_658, %reduce_sum3A_659 [1] : vector<197x197xf32> to vector<197xf32>
    %broadcast_in_dim3A_661 = vector.shape_cast %reduce_sum3A_660 : vector<197xf32> to vector<197x1xf32>
    %div3A_662 = vector.broadcast %broadcast_in_dim3A_661 : vector<197x1xf32> to vector<197x197xf32>
    %div3A_663 = arith.divf %exp3A_658, %div3A_662 : vector<197x197xf32>
    %dot_general3A_664 = arith.constant dense<0.000000e+00> : vector<197x64xf32>
    %dot_general3A_665 = tpu.matmul %div3A_663, %slice3A_643, %dot_general3A_664 {dimension_numbers = #tpu.dot_dimension_numbers<[1], [0], [0], [1], [0, 0, 1, 1], [], []>, transpose_lhs_hint = false} : vector<197x197xf32>, vector<197x64xf32>, vector<197x64xf32> -> vector<197x64xf32>
    %slice3A_666 = vector.extract_strided_slice %add3A_640 {offsets = [0, 64], sizes = [197, 64], strides = [1, 1]} : vector<197x576xf32> to vector<197x64xf32>
    %slice3A_667 = vector.extract_strided_slice %add3A_640 {offsets = [0, 256], sizes = [197, 64], strides = [1, 1]} : vector<197x576xf32> to vector<197x64xf32>
    %slice3A_668 = vector.extract_strided_slice %add3A_640 {offsets = [0, 448], sizes = [197, 64], strides = [1, 1]} : vector<197x576xf32> to vector<197x64xf32>
    %transpose3A_669 = tpu.transpose %slice3A_667, [1, 0] : vector<197x64xf32> -> vector<64x197xf32>
    %dot_general3A_670 = arith.constant dense<0.000000e+00> : vector<197x197xf32>
    %dot_general3A_671 = tpu.matmul %slice3A_666, %transpose3A_669, %dot_general3A_670 {dimension_numbers = #tpu.dot_dimension_numbers<[1], [0], [0], [1], [0, 0, 1, 1], [], []>, transpose_lhs_hint = false} : vector<197x64xf32>, vector<64x197xf32>, vector<197x197xf32> -> vector<197x197xf32>
    %mul3A_672 = arith.constant 1.250000e-01 : f32
    %mul3A_673 = vector.broadcast %mul3A_672 : f32 to vector<197x197xf32>
    %mul3A_674 = arith.mulf %dot_general3A_671, %mul3A_673 : vector<197x197xf32>
    %reduce_max3A_675 = arith.constant dense<0xFF800000> : vector<197xf32>
    %reduce_max3A_676 = vector.multi_reduction <maximumf>, %mul3A_674, %reduce_max3A_675 [1] : vector<197x197xf32> to vector<197xf32>
    %max3A_677 = arith.constant 0xFF800000 : f32
    %max3A_678 = vector.broadcast %max3A_677 : f32 to vector<197xf32>
    %max3A_679 = arith.maximumf %max3A_678, %reduce_max3A_676 : vector<197xf32>
    %broadcast_in_dim3A_680 = vector.shape_cast %max3A_679 : vector<197xf32> to vector<197x1xf32>
    %sub3A_681 = vector.broadcast %broadcast_in_dim3A_680 : vector<197x1xf32> to vector<197x197xf32>
    %sub3A_682 = arith.subf %mul3A_674, %sub3A_681 : vector<197x197xf32>
    %exp3A_683 = math.exp %sub3A_682 : vector<197x197xf32>
    %reduce_sum3A_684 = arith.constant dense<0.000000e+00> : vector<197xf32>
    %reduce_sum3A_685 = vector.multi_reduction <add>, %exp3A_683, %reduce_sum3A_684 [1] : vector<197x197xf32> to vector<197xf32>
    %broadcast_in_dim3A_686 = vector.shape_cast %reduce_sum3A_685 : vector<197xf32> to vector<197x1xf32>
    %div3A_687 = vector.broadcast %broadcast_in_dim3A_686 : vector<197x1xf32> to vector<197x197xf32>
    %div3A_688 = arith.divf %exp3A_683, %div3A_687 : vector<197x197xf32>
    %dot_general3A_689 = arith.constant dense<0.000000e+00> : vector<197x64xf32>
    %dot_general3A_690 = tpu.matmul %div3A_688, %slice3A_668, %dot_general3A_689 {dimension_numbers = #tpu.dot_dimension_numbers<[1], [0], [0], [1], [0, 0, 1, 1], [], []>, transpose_lhs_hint = false} : vector<197x197xf32>, vector<197x64xf32>, vector<197x64xf32> -> vector<197x64xf32>
    %slice3A_691 = vector.extract_strided_slice %add3A_640 {offsets = [0, 128], sizes = [197, 64], strides = [1, 1]} : vector<197x576xf32> to vector<197x64xf32>
    %slice3A_692 = vector.extract_strided_slice %add3A_640 {offsets = [0, 320], sizes = [197, 64], strides = [1, 1]} : vector<197x576xf32> to vector<197x64xf32>
    %slice3A_693 = vector.extract_strided_slice %add3A_640 {offsets = [0, 512], sizes = [197, 64], strides = [1, 1]} : vector<197x576xf32> to vector<197x64xf32>
    %transpose3A_694 = tpu.transpose %slice3A_692, [1, 0] : vector<197x64xf32> -> vector<64x197xf32>
    %dot_general3A_695 = arith.constant dense<0.000000e+00> : vector<197x197xf32>
    %dot_general3A_696 = tpu.matmul %slice3A_691, %transpose3A_694, %dot_general3A_695 {dimension_numbers = #tpu.dot_dimension_numbers<[1], [0], [0], [1], [0, 0, 1, 1], [], []>, transpose_lhs_hint = false} : vector<197x64xf32>, vector<64x197xf32>, vector<197x197xf32> -> vector<197x197xf32>
    %mul3A_697 = arith.constant 1.250000e-01 : f32
    %mul3A_698 = vector.broadcast %mul3A_697 : f32 to vector<197x197xf32>
    %mul3A_699 = arith.mulf %dot_general3A_696, %mul3A_698 : vector<197x197xf32>
    %reduce_max3A_700 = arith.constant dense<0xFF800000> : vector<197xf32>
    %reduce_max3A_701 = vector.multi_reduction <maximumf>, %mul3A_699, %reduce_max3A_700 [1] : vector<197x197xf32> to vector<197xf32>
    %max3A_702 = arith.constant 0xFF800000 : f32
    %max3A_703 = vector.broadcast %max3A_702 : f32 to vector<197xf32>
    %max3A_704 = arith.maximumf %max3A_703, %reduce_max3A_701 : vector<197xf32>
    %broadcast_in_dim3A_705 = vector.shape_cast %max3A_704 : vector<197xf32> to vector<197x1xf32>
    %sub3A_706 = vector.broadcast %broadcast_in_dim3A_705 : vector<197x1xf32> to vector<197x197xf32>
    %sub3A_707 = arith.subf %mul3A_699, %sub3A_706 : vector<197x197xf32>
    %exp3A_708 = math.exp %sub3A_707 : vector<197x197xf32>
    %reduce_sum3A_709 = arith.constant dense<0.000000e+00> : vector<197xf32>
    %reduce_sum3A_710 = vector.multi_reduction <add>, %exp3A_708, %reduce_sum3A_709 [1] : vector<197x197xf32> to vector<197xf32>
    %broadcast_in_dim3A_711 = vector.shape_cast %reduce_sum3A_710 : vector<197xf32> to vector<197x1xf32>
    %div3A_712 = vector.broadcast %broadcast_in_dim3A_711 : vector<197x1xf32> to vector<197x197xf32>
    %div3A_713 = arith.divf %exp3A_708, %div3A_712 : vector<197x197xf32>
    %dot_general3A_714 = arith.constant dense<0.000000e+00> : vector<197x64xf32>
    %dot_general3A_715 = tpu.matmul %div3A_713, %slice3A_693, %dot_general3A_714 {dimension_numbers = #tpu.dot_dimension_numbers<[1], [0], [0], [1], [0, 0, 1, 1], [], []>, transpose_lhs_hint = false} : vector<197x197xf32>, vector<197x64xf32>, vector<197x64xf32> -> vector<197x64xf32>
    %concatenate3A_716 = tpu.concatenate %dot_general3A_665, %dot_general3A_690, %dot_general3A_715 in 1 : vector<197x64xf32>, vector<197x64xf32>, vector<197x64xf32> -> vector<197x192xf32>
    %get3A_717 = arith.constant 0 : index
    %get3A_718 = arith.constant 0 : index
    %get3A_719 = vector.load %arg7[%get3A_717, %get3A_718] : memref<192x192xf32, #tpu.memory_space<vmem>>, vector<192x192xf32>
    %dot_general3A_720 = arith.constant dense<0.000000e+00> : vector<197x192xf32>
    %dot_general3A_721 = tpu.matmul %concatenate3A_716, %get3A_719, %dot_general3A_720 {dimension_numbers = #tpu.dot_dimension_numbers<[1], [0], [0], [1], [0, 0, 1, 1], [], []>, transpose_lhs_hint = false} : vector<197x192xf32>, vector<192x192xf32>, vector<197x192xf32> -> vector<197x192xf32>
    %add3A_722 = arith.addf %add3A_597, %dot_general3A_721 : vector<197x192xf32>
    %get3A_723 = arith.constant 0 : index
    %get3A_724 = vector.load %arg8[%get3A_723] : memref<192xf32, #tpu.memory_space<vmem>>, vector<192xf32>
    %broadcast_in_dim3A_725 = vector.shape_cast %get3A_724 : vector<192xf32> to vector<1x192xf32>
    %add3A_726 = vector.broadcast %broadcast_in_dim3A_725 : vector<1x192xf32> to vector<197x192xf32>
    %add3A_727 = arith.addf %add3A_722, %add3A_726 : vector<197x192xf32>
    %swap3A_728 = arith.constant 2 : index
    %swap3A_729 = arith.constant 0 : index
    %swap3A_730 = arith.constant 0 : index
    %swap3A_731 = vector.load %arg12[%swap3A_728, %swap3A_729, %swap3A_730] : memref<8x197x192xf32, #tpu.memory_space<vmem>>, vector<1x197x192xf32>
    %swap3A_732 = vector.shape_cast %swap3A_731 : vector<1x197x192xf32> to vector<197x192xf32>
    %swap3A_733 = vector.shape_cast %add3A_727 : vector<197x192xf32> to vector<1x197x192xf32>
    tpu.vector_store %arg12[%swap3A_728, %swap3A_729, %swap3A_730], %swap3A_733 {strides = array<i32>} : memref<8x197x192xf32, #tpu.memory_space<vmem>>, vector<1x197x192xf32>,
    %get3A_734 = arith.constant 0 : index
    %get3A_735 = vector.load %arg9[%get3A_734] : memref<192xf32, #tpu.memory_space<vmem>>, vector<192xf32>
    %get3A_736 = arith.constant 0 : index
    %get3A_737 = vector.load %arg10[%get3A_736] : memref<192xf32, #tpu.memory_space<vmem>>, vector<192xf32>
    %reduce_sum3A_738 = arith.constant dense<0.000000e+00> : vector<197xf32>
    %reduce_sum3A_739 = vector.multi_reduction <add>, %add3A_727, %reduce_sum3A_738 [1] : vector<197x192xf32> to vector<197xf32>
    %broadcast_in_dim3A_740 = vector.shape_cast %reduce_sum3A_739 : vector<197xf32> to vector<197x1xf32>
    %div3A_741 = arith.constant 1.920000e+02 : f32
    %div3A_742 = vector.broadcast %div3A_741 : f32 to vector<197x1xf32>
    %div3A_743 = arith.divf %broadcast_in_dim3A_740, %div3A_742 : vector<197x1xf32>
    %sub3A_744 = vector.broadcast %div3A_743 : vector<197x1xf32> to vector<197x192xf32>
    %sub3A_745 = arith.subf %add3A_727, %sub3A_744 : vector<197x192xf32>
    %integer_pow3A_746 = arith.mulf %sub3A_745, %sub3A_745 : vector<197x192xf32>
    %reduce_sum3A_747 = arith.constant dense<0.000000e+00> : vector<197xf32>
    %reduce_sum3A_748 = vector.multi_reduction <add>, %integer_pow3A_746, %reduce_sum3A_747 [1] : vector<197x192xf32> to vector<197xf32>
    %broadcast_in_dim3A_749 = vector.shape_cast %reduce_sum3A_748 : vector<197xf32> to vector<197x1xf32>
    %div3A_750 = arith.constant 1.920000e+02 : f32
    %div3A_751 = vector.broadcast %div3A_750 : f32 to vector<197x1xf32>
    %div3A_752 = arith.divf %broadcast_in_dim3A_749, %div3A_751 : vector<197x1xf32>
    %sub3A_753 = vector.broadcast %div3A_743 : vector<197x1xf32> to vector<197x192xf32>
    %sub3A_754 = arith.subf %add3A_727, %sub3A_753 : vector<197x192xf32>
    %add3A_755 = arith.constant 9.99999997E-7 : f32
    %add3A_756 = vector.broadcast %add3A_755 : f32 to vector<197x1xf32>
    %add3A_757 = arith.addf %div3A_752, %add3A_756 : vector<197x1xf32>
    %sqrt3A_758 = math.sqrt %add3A_757 : vector<197x1xf32>
    %div3A_759 = vector.broadcast %sqrt3A_758 : vector<197x1xf32> to vector<197x192xf32>
    %div3A_760 = arith.divf %sub3A_754, %div3A_759 : vector<197x192xf32>
    %broadcast_in_dim3A_761 = vector.shape_cast %get3A_735 : vector<192xf32> to vector<1x192xf32>
    %mul3A_762 = vector.broadcast %broadcast_in_dim3A_761 : vector<1x192xf32> to vector<197x192xf32>
    %mul3A_763 = arith.mulf %div3A_760, %mul3A_762 : vector<197x192xf32>
    %broadcast_in_dim3A_764 = vector.shape_cast %get3A_737 : vector<192xf32> to vector<1x192xf32>
    %add3A_765 = vector.broadcast %broadcast_in_dim3A_764 : vector<1x192xf32> to vector<197x192xf32>
    %add3A_766 = arith.addf %mul3A_763, %add3A_765 : vector<197x192xf32>
    %swap3A_767 = arith.constant 2 : index
    %swap3A_768 = arith.constant 0 : index
    %swap3A_769 = arith.constant 0 : index
    %swap3A_770 = vector.load %arg13[%swap3A_767, %swap3A_768, %swap3A_769] : memref<8x256x192xf32, #tpu.memory_space<vmem>>, vector<1x197x192xf32>
    %swap3A_771 = vector.shape_cast %swap3A_770 : vector<1x197x192xf32> to vector<197x192xf32>
    %swap3A_772 = vector.shape_cast %add3A_766 : vector<197x192xf32> to vector<1x197x192xf32>
    tpu.vector_store %arg13[%swap3A_767, %swap3A_768, %swap3A_769], %swap3A_772 {strides = array<i32>} : memref<8x256x192xf32, #tpu.memory_space<vmem>>, vector<1x197x192xf32>,
    %get3A_773 = arith.constant 0 : index
    %get3A_774 = arith.constant 0 : index
    %get3A_775 = vector.load %arg11[%get3A_773, %get3A_774] : memref<192x16xf32, #tpu.memory_space<vmem>>, vector<192x16xf32>
    %dot_general3A_776 = arith.constant dense<0.000000e+00> : vector<197x16xf32>
    %dot_general3A_777 = tpu.matmul %add3A_766, %get3A_775, %dot_general3A_776 {dimension_numbers = #tpu.dot_dimension_numbers<[1], [0], [0], [1], [0, 0, 1, 1], [], []>, transpose_lhs_hint = false} : vector<197x192xf32>, vector<192x16xf32>, vector<197x16xf32> -> vector<197x16xf32>
    %reduce_max3A_778 = arith.constant dense<0xFF800000> : vector<197xf32>
    %reduce_max3A_779 = vector.multi_reduction <maximumf>, %dot_general3A_777, %reduce_max3A_778 [1] : vector<197x16xf32> to vector<197xf32>
    %max3A_780 = arith.constant 0xFF800000 : f32
    %max3A_781 = vector.broadcast %max3A_780 : f32 to vector<197xf32>
    %max3A_782 = arith.maximumf %max3A_781, %reduce_max3A_779 : vector<197xf32>
    %broadcast_in_dim3A_783 = vector.shape_cast %max3A_782 : vector<197xf32> to vector<197x1xf32>
    %sub3A_784 = vector.broadcast %broadcast_in_dim3A_783 : vector<197x1xf32> to vector<197x16xf32>
    %sub3A_785 = arith.subf %dot_general3A_777, %sub3A_784 : vector<197x16xf32>
    %exp3A_786 = math.exp %sub3A_785 : vector<197x16xf32>
    %reduce_sum3A_787 = arith.constant dense<0.000000e+00> : vector<197xf32>
    %reduce_sum3A_788 = vector.multi_reduction <add>, %exp3A_786, %reduce_sum3A_787 [1] : vector<197x16xf32> to vector<197xf32>
    %broadcast_in_dim3A_789 = vector.shape_cast %reduce_sum3A_788 : vector<197xf32> to vector<197x1xf32>
    %div3A_790 = vector.broadcast %broadcast_in_dim3A_789 : vector<197x1xf32> to vector<197x16xf32>
    %div3A_791 = arith.divf %exp3A_786, %div3A_790 : vector<197x16xf32>
    %reduce_max3A_792 = arith.constant dense<0xFF800000> : vector<197xf32>
    %reduce_max3A_793 = vector.multi_reduction <maximumf>, %div3A_791, %reduce_max3A_792 [1] : vector<197x16xf32> to vector<197xf32>
    %broadcast_in_dim3A_794 = vector.shape_cast %reduce_max3A_793 : vector<197xf32> to vector<197x1xf32>
    %eq3A_795 = vector.broadcast %broadcast_in_dim3A_794 : vector<197x1xf32> to vector<197x16xf32>
    %eq3A_796 = arith.cmpf oeq, %div3A_791, %eq3A_795 : vector<197x16xf32>
    %jit3A_797 = arith.constant 1.000000e+09 : f32
    %broadcast_in_dim3A_798 = vector.broadcast %jit3A_797 : f32 to vector<197x16xf32>
    %select_n3A_799 = arith.select %eq3A_796, %convert_element_type3A, %broadcast_in_dim3A_798 : vector<197x16xi1>, vector<197x16xf32>
    %reduce_min3A_800 = arith.constant dense<0x7F800000> : vector<197xf32>
    %reduce_min3A_801 = vector.multi_reduction <minimumf>, %select_n3A_799, %reduce_min3A_800 [1] : vector<197x16xf32> to vector<197xf32>
    %broadcast_in_dim3A_802 = vector.shape_cast %reduce_min3A_801 : vector<197xf32> to vector<197x1xf32>
    %eq3A_803 = vector.broadcast %broadcast_in_dim3A_802 : vector<197x1xf32> to vector<197x16xf32>
    %eq3A_804 = arith.cmpf oeq, %convert_element_type3A, %eq3A_803 : vector<197x16xf32>
    %convert_element_type3A_805 = arith.extui %eq3A_804 : vector<197x16xi1> to vector<197x16xi32>
    %convert_element_type3A_806 = arith.sitofp %convert_element_type3A_805 : vector<197x16xi32> to vector<197x16xf32>
    %dot_general3A_807 = arith.constant dense<0.000000e+00> : vector<197x16xf32>
    %dot_general3A_808 = tpu.matmul %convert_element_type3A_3, %convert_element_type3A_806, %dot_general3A_807 {dimension_numbers = #tpu.dot_dimension_numbers<[1], [0], [0], [1], [0, 0, 1, 1], [], []>, transpose_lhs_hint = false} : vector<197x197xf32>, vector<197x16xf32>, vector<197x16xf32> -> vector<197x16xf32>
    %broadcast_in_dim3A_809 = vector.shape_cast %add3A_567 : vector<16xf32> to vector<1x16xf32>
    %add3A_810 = vector.broadcast %broadcast_in_dim3A_809 : vector<1x16xf32> to vector<197x16xf32>
    %add3A_811 = arith.addf %dot_general3A_808, %add3A_810 : vector<197x16xf32>
    %mul3A_812 = arith.mulf %add3A_811, %convert_element_type3A_806 : vector<197x16xf32>
    %reduce_sum3A_813 = arith.constant dense<0.000000e+00> : vector<197xf32>
    %reduce_sum3A_814 = vector.multi_reduction <add>, %mul3A_812, %reduce_sum3A_813 [1] : vector<197x16xf32> to vector<197xf32>
    %lt3A_815 = arith.constant 1.970000e+02 : f32
    %lt3A_816 = vector.broadcast %lt3A_815 : f32 to vector<197xf32>
    %lt3A_817 = arith.cmpf olt, %reduce_sum3A_814, %lt3A_816 : vector<197xf32>
    %convert_element_type3A_818 = arith.extui %lt3A_817 : vector<197xi1> to vector<197xi32>
    %convert_element_type3A_819 = arith.sitofp %convert_element_type3A_818 : vector<197xi32> to vector<197xf32>
    %min3A_820 = arith.constant 2.550000e+02 : f32
    %min3A_821 = vector.broadcast %min3A_820 : f32 to vector<197xf32>
    %min3A_822 = arith.minimumf %reduce_sum3A_814, %min3A_821 : vector<197xf32>
    %mul3A_823 = arith.constant 2.560000e+02 : f32
    %mul3A_824 = vector.broadcast %mul3A_823 : f32 to vector<197xf32>
    %mul3A_825 = arith.mulf %reduce_min3A_801, %mul3A_824 : vector<197xf32>
    %add3A_826 = arith.addf %mul3A_825, %min3A_822 : vector<197xf32>
    %convert_element_type3A_827 = arith.fptosi %add3A_826 : vector<197xf32> to vector<197xi32>
    %mul3A_828 = arith.mulf %reduce_max3A_793, %convert_element_type3A_819 : vector<197xf32>
    %broadcast_in_dim3A_829 = arith.constant 255 : i32
    %broadcast_in_dim3A_830 = vector.broadcast %broadcast_in_dim3A_829 : i32 to vector<59xi32>
    %concatenate3A_831 = tpu.concatenate %convert_element_type3A_827, %broadcast_in_dim3A_830 in 0 : vector<197xi32>, vector<59xi32> -> vector<256xi32>
    %broadcast_in_dim3A_832 = arith.constant 0.000000e+00 : f32
    %broadcast_in_dim3A_833 = vector.broadcast %broadcast_in_dim3A_832 : f32 to vector<59xf32>
    %concatenate3A_834 = tpu.concatenate %mul3A_828, %broadcast_in_dim3A_833 in 0 : vector<197xf32>, vector<59xf32> -> vector<256xf32>
    %lt3A_835 = arith.constant 197 : i32
    %lt3A_836 = vector.broadcast %lt3A_835 : i32 to vector<256xi32>
    %lt3A_837 = arith.cmpi slt, %iota3A_5, %lt3A_836 : vector<256xi32>
    %jit3A_838 = arith.constant 255 : i32
    %broadcast_in_dim3A_839 = vector.broadcast %jit3A_838 : i32 to vector<256xi32>
    %select_n3A_840 = arith.select %lt3A_837, %concatenate3A_831, %broadcast_in_dim3A_839 : vector<256xi1>, vector<256xi32>
    %swap3A_841 = arith.constant 2 : index
    %swap3A_842 = arith.constant 0 : index
    %swap3A_843 = vector.load %arg14[%swap3A_841, %swap3A_842] : memref<8x256xi32, #tpu.memory_space<vmem>>, vector<1x256xi32>
    %swap3A_844 = vector.shape_cast %swap3A_843 : vector<1x256xi32> to vector<256xi32>
    %swap3A_845 = vector.shape_cast %select_n3A_840 : vector<256xi32> to vector<1x256xi32>
    tpu.vector_store %arg14[%swap3A_841, %swap3A_842], %swap3A_845 {strides = array<i32>} : memref<8x256xi32, #tpu.memory_space<vmem>>, vector<1x256xi32>,
    %lt3A_846 = arith.constant 197 : i32
    %lt3A_847 = vector.broadcast %lt3A_846 : i32 to vector<256xi32>
    %lt3A_848 = arith.cmpi slt, %iota3A_5, %lt3A_847 : vector<256xi32>
    %jit3A_849 = arith.constant 0.000000e+00 : f32
    %broadcast_in_dim3A_850 = vector.broadcast %jit3A_849 : f32 to vector<256xf32>
    %select_n3A_851 = arith.select %lt3A_848, %concatenate3A_834, %broadcast_in_dim3A_850 : vector<256xi1>, vector<256xf32>
    %swap3A_852 = arith.constant 2 : index
    %swap3A_853 = arith.constant 0 : index
    %swap3A_854 = vector.load %arg15[%swap3A_852, %swap3A_853] : memref<8x256xf32, #tpu.memory_space<vmem>>, vector<1x256xf32>
    %swap3A_855 = vector.shape_cast %swap3A_854 : vector<1x256xf32> to vector<256xf32>
    %swap3A_856 = vector.shape_cast %select_n3A_851 : vector<256xf32> to vector<1x256xf32>
    tpu.vector_store %arg15[%swap3A_852, %swap3A_853], %swap3A_856 {strides = array<i32>} : memref<8x256xf32, #tpu.memory_space<vmem>>, vector<1x256xf32>,
    %reduce_sum3A_857 = arith.constant dense<0.000000e+00> : vector<16xf32>
    %reduce_sum3A_858 = vector.multi_reduction <add>, %convert_element_type3A_806, %reduce_sum3A_857 [0] : vector<197x16xf32> to vector<16xf32>
    %add3A_859 = arith.addf %add3A_567, %reduce_sum3A_858 : vector<16xf32>
    %reduce_sum3A_860 = arith.constant dense<0.000000e+00> : vector<16xf32>
    %reduce_sum3A_861 = vector.multi_reduction <add>, %div3A_791, %reduce_sum3A_860 [0] : vector<197x16xf32> to vector<16xf32>
    %add3A_862 = arith.addf %add3A_570, %reduce_sum3A_861 : vector<16xf32>
    %get3A_863 = arith.constant 3 : index
    %get3A_864 = arith.constant 0 : index
    %get3A_865 = vector.load %arg2[%get3A_863, %get3A_864] : memref<8x256xf32, #tpu.memory_space<vmem>>, vector<1x256xf32>
    %get3A_866 = vector.shape_cast %get3A_865 : vector<1x256xf32> to vector<256xf32>
    %slice3A_867 = vector.extract_strided_slice %get3A_866 {offsets = [0], sizes = [197], strides = [1]} : vector<256xf32> to vector<197xf32>
    %broadcast_in_dim3A_868 = vector.shape_cast %slice3A_867 : vector<197xf32> to vector<197x1xf32>
    %get3A_869 = arith.constant 3 : index
    %get3A_870 = arith.constant 0 : index
    %get3A_871 = arith.constant 0 : index
    %get3A_872 = vector.load %arg0[%get3A_869, %get3A_870, %get3A_871] : memref<8x197x192xf32, #tpu.memory_space<vmem>>, vector<1x197x192xf32>
    %get3A_873 = vector.shape_cast %get3A_872 : vector<1x197x192xf32> to vector<197x192xf32>
    %gt3A_874 = arith.constant 0.000000e+00 : f32
    %gt3A_875 = vector.broadcast %gt3A_874 : f32 to vector<197x1xf32>
    %gt3A_876 = arith.cmpf ogt, %broadcast_in_dim3A_868, %gt3A_875 : vector<197x1xf32>
    %get3A_877 = arith.constant 3 : index
    %get3A_878 = arith.constant 0 : index
    %get3A_879 = arith.constant 0 : index
    %get3A_880 = vector.load %arg1[%get3A_877, %get3A_878, %get3A_879] : memref<8x256x192xf32, #tpu.memory_space<vmem>>, vector<1x197x192xf32>
    %get3A_881 = vector.shape_cast %get3A_880 : vector<1x197x192xf32> to vector<197x192xf32>
    %mul3A_882 = vector.broadcast %broadcast_in_dim3A_868 : vector<197x1xf32> to vector<197x192xf32>
    %mul3A_883 = arith.mulf %get3A_881, %mul3A_882 : vector<197x192xf32>
    %jit3A_884 = arith.constant 0.000000e+00 : f32
    %broadcast_in_dim3A_885 = vector.shape_cast %gt3A_876 : vector<197x1xi1> to vector<197x1xi1>
    %broadcast_in_dim3A_886 = vector.broadcast %broadcast_in_dim3A_885 : vector<197x1xi1> to vector<197x192xi1>
    %broadcast_in_dim3A_887 = vector.broadcast %jit3A_884 : f32 to vector<197x192xf32>
    %select_n3A_888 = arith.select %broadcast_in_dim3A_886, %mul3A_883, %broadcast_in_dim3A_887 : vector<197x192xi1>, vector<197x192xf32>
    %add3A_889 = arith.addf %get3A_873, %select_n3A_888 : vector<197x192xf32>
    %get3A_890 = arith.constant 0 : index
    %get3A_891 = vector.load %arg3[%get3A_890] : memref<192xf32, #tpu.memory_space<vmem>>, vector<192xf32>
    %get3A_892 = arith.constant 0 : index
    %get3A_893 = vector.load %arg4[%get3A_892] : memref<192xf32, #tpu.memory_space<vmem>>, vector<192xf32>
    %reduce_sum3A_894 = arith.constant dense<0.000000e+00> : vector<197xf32>
    %reduce_sum3A_895 = vector.multi_reduction <add>, %add3A_889, %reduce_sum3A_894 [1] : vector<197x192xf32> to vector<197xf32>
    %broadcast_in_dim3A_896 = vector.shape_cast %reduce_sum3A_895 : vector<197xf32> to vector<197x1xf32>
    %div3A_897 = arith.constant 1.920000e+02 : f32
    %div3A_898 = vector.broadcast %div3A_897 : f32 to vector<197x1xf32>
    %div3A_899 = arith.divf %broadcast_in_dim3A_896, %div3A_898 : vector<197x1xf32>
    %sub3A_900 = vector.broadcast %div3A_899 : vector<197x1xf32> to vector<197x192xf32>
    %sub3A_901 = arith.subf %add3A_889, %sub3A_900 : vector<197x192xf32>
    %integer_pow3A_902 = arith.mulf %sub3A_901, %sub3A_901 : vector<197x192xf32>
    %reduce_sum3A_903 = arith.constant dense<0.000000e+00> : vector<197xf32>
    %reduce_sum3A_904 = vector.multi_reduction <add>, %integer_pow3A_902, %reduce_sum3A_903 [1] : vector<197x192xf32> to vector<197xf32>
    %broadcast_in_dim3A_905 = vector.shape_cast %reduce_sum3A_904 : vector<197xf32> to vector<197x1xf32>
    %div3A_906 = arith.constant 1.920000e+02 : f32
    %div3A_907 = vector.broadcast %div3A_906 : f32 to vector<197x1xf32>
    %div3A_908 = arith.divf %broadcast_in_dim3A_905, %div3A_907 : vector<197x1xf32>
    %sub3A_909 = vector.broadcast %div3A_899 : vector<197x1xf32> to vector<197x192xf32>
    %sub3A_910 = arith.subf %add3A_889, %sub3A_909 : vector<197x192xf32>
    %add3A_911 = arith.constant 9.99999997E-7 : f32
    %add3A_912 = vector.broadcast %add3A_911 : f32 to vector<197x1xf32>
    %add3A_913 = arith.addf %div3A_908, %add3A_912 : vector<197x1xf32>
    %sqrt3A_914 = math.sqrt %add3A_913 : vector<197x1xf32>
    %div3A_915 = vector.broadcast %sqrt3A_914 : vector<197x1xf32> to vector<197x192xf32>
    %div3A_916 = arith.divf %sub3A_910, %div3A_915 : vector<197x192xf32>
    %broadcast_in_dim3A_917 = vector.shape_cast %get3A_891 : vector<192xf32> to vector<1x192xf32>
    %mul3A_918 = vector.broadcast %broadcast_in_dim3A_917 : vector<1x192xf32> to vector<197x192xf32>
    %mul3A_919 = arith.mulf %div3A_916, %mul3A_918 : vector<197x192xf32>
    %broadcast_in_dim3A_920 = vector.shape_cast %get3A_893 : vector<192xf32> to vector<1x192xf32>
    %add3A_921 = vector.broadcast %broadcast_in_dim3A_920 : vector<1x192xf32> to vector<197x192xf32>
    %add3A_922 = arith.addf %mul3A_919, %add3A_921 : vector<197x192xf32>
    %get3A_923 = arith.constant 0 : index
    %get3A_924 = arith.constant 0 : index
    %get3A_925 = vector.load %arg5[%get3A_923, %get3A_924] : memref<192x576xf32, #tpu.memory_space<vmem>>, vector<192x576xf32>
    %dot_general3A_926 = arith.constant dense<0.000000e+00> : vector<197x576xf32>
    %dot_general3A_927 = tpu.matmul %add3A_922, %get3A_925, %dot_general3A_926 {dimension_numbers = #tpu.dot_dimension_numbers<[1], [0], [0], [1], [0, 0, 1, 1], [], []>, transpose_lhs_hint = false} : vector<197x192xf32>, vector<192x576xf32>, vector<197x576xf32> -> vector<197x576xf32>
    %get3A_928 = arith.constant 0 : index
    %get3A_929 = vector.load %arg6[%get3A_928] : memref<576xf32, #tpu.memory_space<vmem>>, vector<576xf32>
    %broadcast_in_dim3A_930 = vector.shape_cast %get3A_929 : vector<576xf32> to vector<1x576xf32>
    %add3A_931 = vector.broadcast %broadcast_in_dim3A_930 : vector<1x576xf32> to vector<197x576xf32>
    %add3A_932 = arith.addf %dot_general3A_927, %add3A_931 : vector<197x576xf32>
    %slice3A_933 = vector.extract_strided_slice %add3A_932 {offsets = [0, 0], sizes = [197, 64], strides = [1, 1]} : vector<197x576xf32> to vector<197x64xf32>
    %slice3A_934 = vector.extract_strided_slice %add3A_932 {offsets = [0, 192], sizes = [197, 64], strides = [1, 1]} : vector<197x576xf32> to vector<197x64xf32>
    %slice3A_935 = vector.extract_strided_slice %add3A_932 {offsets = [0, 384], sizes = [197, 64], strides = [1, 1]} : vector<197x576xf32> to vector<197x64xf32>
    %transpose3A_936 = tpu.transpose %slice3A_934, [1, 0] : vector<197x64xf32> -> vector<64x197xf32>
    %dot_general3A_937 = arith.constant dense<0.000000e+00> : vector<197x197xf32>
    %dot_general3A_938 = tpu.matmul %slice3A_933, %transpose3A_936, %dot_general3A_937 {dimension_numbers = #tpu.dot_dimension_numbers<[1], [0], [0], [1], [0, 0, 1, 1], [], []>, transpose_lhs_hint = false} : vector<197x64xf32>, vector<64x197xf32>, vector<197x197xf32> -> vector<197x197xf32>
    %mul3A_939 = arith.constant 1.250000e-01 : f32
    %mul3A_940 = vector.broadcast %mul3A_939 : f32 to vector<197x197xf32>
    %mul3A_941 = arith.mulf %dot_general3A_938, %mul3A_940 : vector<197x197xf32>
    %reduce_max3A_942 = arith.constant dense<0xFF800000> : vector<197xf32>
    %reduce_max3A_943 = vector.multi_reduction <maximumf>, %mul3A_941, %reduce_max3A_942 [1] : vector<197x197xf32> to vector<197xf32>
    %max3A_944 = arith.constant 0xFF800000 : f32
    %max3A_945 = vector.broadcast %max3A_944 : f32 to vector<197xf32>
    %max3A_946 = arith.maximumf %max3A_945, %reduce_max3A_943 : vector<197xf32>
    %broadcast_in_dim3A_947 = vector.shape_cast %max3A_946 : vector<197xf32> to vector<197x1xf32>
    %sub3A_948 = vector.broadcast %broadcast_in_dim3A_947 : vector<197x1xf32> to vector<197x197xf32>
    %sub3A_949 = arith.subf %mul3A_941, %sub3A_948 : vector<197x197xf32>
    %exp3A_950 = math.exp %sub3A_949 : vector<197x197xf32>
    %reduce_sum3A_951 = arith.constant dense<0.000000e+00> : vector<197xf32>
    %reduce_sum3A_952 = vector.multi_reduction <add>, %exp3A_950, %reduce_sum3A_951 [1] : vector<197x197xf32> to vector<197xf32>
    %broadcast_in_dim3A_953 = vector.shape_cast %reduce_sum3A_952 : vector<197xf32> to vector<197x1xf32>
    %div3A_954 = vector.broadcast %broadcast_in_dim3A_953 : vector<197x1xf32> to vector<197x197xf32>
    %div3A_955 = arith.divf %exp3A_950, %div3A_954 : vector<197x197xf32>
    %dot_general3A_956 = arith.constant dense<0.000000e+00> : vector<197x64xf32>
    %dot_general3A_957 = tpu.matmul %div3A_955, %slice3A_935, %dot_general3A_956 {dimension_numbers = #tpu.dot_dimension_numbers<[1], [0], [0], [1], [0, 0, 1, 1], [], []>, transpose_lhs_hint = false} : vector<197x197xf32>, vector<197x64xf32>, vector<197x64xf32> -> vector<197x64xf32>
    %slice3A_958 = vector.extract_strided_slice %add3A_932 {offsets = [0, 64], sizes = [197, 64], strides = [1, 1]} : vector<197x576xf32> to vector<197x64xf32>
    %slice3A_959 = vector.extract_strided_slice %add3A_932 {offsets = [0, 256], sizes = [197, 64], strides = [1, 1]} : vector<197x576xf32> to vector<197x64xf32>
    %slice3A_960 = vector.extract_strided_slice %add3A_932 {offsets = [0, 448], sizes = [197, 64], strides = [1, 1]} : vector<197x576xf32> to vector<197x64xf32>
    %transpose3A_961 = tpu.transpose %slice3A_959, [1, 0] : vector<197x64xf32> -> vector<64x197xf32>
    %dot_general3A_962 = arith.constant dense<0.000000e+00> : vector<197x197xf32>
    %dot_general3A_963 = tpu.matmul %slice3A_958, %transpose3A_961, %dot_general3A_962 {dimension_numbers = #tpu.dot_dimension_numbers<[1], [0], [0], [1], [0, 0, 1, 1], [], []>, transpose_lhs_hint = false} : vector<197x64xf32>, vector<64x197xf32>, vector<197x197xf32> -> vector<197x197xf32>
    %mul3A_964 = arith.constant 1.250000e-01 : f32
    %mul3A_965 = vector.broadcast %mul3A_964 : f32 to vector<197x197xf32>
    %mul3A_966 = arith.mulf %dot_general3A_963, %mul3A_965 : vector<197x197xf32>
    %reduce_max3A_967 = arith.constant dense<0xFF800000> : vector<197xf32>
    %reduce_max3A_968 = vector.multi_reduction <maximumf>, %mul3A_966, %reduce_max3A_967 [1] : vector<197x197xf32> to vector<197xf32>
    %max3A_969 = arith.constant 0xFF800000 : f32
    %max3A_970 = vector.broadcast %max3A_969 : f32 to vector<197xf32>
    %max3A_971 = arith.maximumf %max3A_970, %reduce_max3A_968 : vector<197xf32>
    %broadcast_in_dim3A_972 = vector.shape_cast %max3A_971 : vector<197xf32> to vector<197x1xf32>
    %sub3A_973 = vector.broadcast %broadcast_in_dim3A_972 : vector<197x1xf32> to vector<197x197xf32>
    %sub3A_974 = arith.subf %mul3A_966, %sub3A_973 : vector<197x197xf32>
    %exp3A_975 = math.exp %sub3A_974 : vector<197x197xf32>
    %reduce_sum3A_976 = arith.constant dense<0.000000e+00> : vector<197xf32>
    %reduce_sum3A_977 = vector.multi_reduction <add>, %exp3A_975, %reduce_sum3A_976 [1] : vector<197x197xf32> to vector<197xf32>
    %broadcast_in_dim3A_978 = vector.shape_cast %reduce_sum3A_977 : vector<197xf32> to vector<197x1xf32>
    %div3A_979 = vector.broadcast %broadcast_in_dim3A_978 : vector<197x1xf32> to vector<197x197xf32>
    %div3A_980 = arith.divf %exp3A_975, %div3A_979 : vector<197x197xf32>
    %dot_general3A_981 = arith.constant dense<0.000000e+00> : vector<197x64xf32>
    %dot_general3A_982 = tpu.matmul %div3A_980, %slice3A_960, %dot_general3A_981 {dimension_numbers = #tpu.dot_dimension_numbers<[1], [0], [0], [1], [0, 0, 1, 1], [], []>, transpose_lhs_hint = false} : vector<197x197xf32>, vector<197x64xf32>, vector<197x64xf32> -> vector<197x64xf32>
    %slice3A_983 = vector.extract_strided_slice %add3A_932 {offsets = [0, 128], sizes = [197, 64], strides = [1, 1]} : vector<197x576xf32> to vector<197x64xf32>
    %slice3A_984 = vector.extract_strided_slice %add3A_932 {offsets = [0, 320], sizes = [197, 64], strides = [1, 1]} : vector<197x576xf32> to vector<197x64xf32>
    %slice3A_985 = vector.extract_strided_slice %add3A_932 {offsets = [0, 512], sizes = [197, 64], strides = [1, 1]} : vector<197x576xf32> to vector<197x64xf32>
    %transpose3A_986 = tpu.transpose %slice3A_984, [1, 0] : vector<197x64xf32> -> vector<64x197xf32>
    %dot_general3A_987 = arith.constant dense<0.000000e+00> : vector<197x197xf32>
    %dot_general3A_988 = tpu.matmul %slice3A_983, %transpose3A_986, %dot_general3A_987 {dimension_numbers = #tpu.dot_dimension_numbers<[1], [0], [0], [1], [0, 0, 1, 1], [], []>, transpose_lhs_hint = false} : vector<197x64xf32>, vector<64x197xf32>, vector<197x197xf32> -> vector<197x197xf32>
    %mul3A_989 = arith.constant 1.250000e-01 : f32
    %mul3A_990 = vector.broadcast %mul3A_989 : f32 to vector<197x197xf32>
    %mul3A_991 = arith.mulf %dot_general3A_988, %mul3A_990 : vector<197x197xf32>
    %reduce_max3A_992 = arith.constant dense<0xFF800000> : vector<197xf32>
    %reduce_max3A_993 = vector.multi_reduction <maximumf>, %mul3A_991, %reduce_max3A_992 [1] : vector<197x197xf32> to vector<197xf32>
    %max3A_994 = arith.constant 0xFF800000 : f32
    %max3A_995 = vector.broadcast %max3A_994 : f32 to vector<197xf32>
    %max3A_996 = arith.maximumf %max3A_995, %reduce_max3A_993 : vector<197xf32>
    %broadcast_in_dim3A_997 = vector.shape_cast %max3A_996 : vector<197xf32> to vector<197x1xf32>
    %sub3A_998 = vector.broadcast %broadcast_in_dim3A_997 : vector<197x1xf32> to vector<197x197xf32>
    %sub3A_999 = arith.subf %mul3A_991, %sub3A_998 : vector<197x197xf32>
    %exp3A_1000 = math.exp %sub3A_999 : vector<197x197xf32>
    %reduce_sum3A_1001 = arith.constant dense<0.000000e+00> : vector<197xf32>
    %reduce_sum3A_1002 = vector.multi_reduction <add>, %exp3A_1000, %reduce_sum3A_1001 [1] : vector<197x197xf32> to vector<197xf32>
    %broadcast_in_dim3A_1003 = vector.shape_cast %reduce_sum3A_1002 : vector<197xf32> to vector<197x1xf32>
    %div3A_1004 = vector.broadcast %broadcast_in_dim3A_1003 : vector<197x1xf32> to vector<197x197xf32>
    %div3A_1005 = arith.divf %exp3A_1000, %div3A_1004 : vector<197x197xf32>
    %dot_general3A_1006 = arith.constant dense<0.000000e+00> : vector<197x64xf32>
    %dot_general3A_1007 = tpu.matmul %div3A_1005, %slice3A_985, %dot_general3A_1006 {dimension_numbers = #tpu.dot_dimension_numbers<[1], [0], [0], [1], [0, 0, 1, 1], [], []>, transpose_lhs_hint = false} : vector<197x197xf32>, vector<197x64xf32>, vector<197x64xf32> -> vector<197x64xf32>
    %concatenate3A_1008 = tpu.concatenate %dot_general3A_957, %dot_general3A_982, %dot_general3A_1007 in 1 : vector<197x64xf32>, vector<197x64xf32>, vector<197x64xf32> -> vector<197x192xf32>
    %get3A_1009 = arith.constant 0 : index
    %get3A_1010 = arith.constant 0 : index
    %get3A_1011 = vector.load %arg7[%get3A_1009, %get3A_1010] : memref<192x192xf32, #tpu.memory_space<vmem>>, vector<192x192xf32>
    %dot_general3A_1012 = arith.constant dense<0.000000e+00> : vector<197x192xf32>
    %dot_general3A_1013 = tpu.matmul %concatenate3A_1008, %get3A_1011, %dot_general3A_1012 {dimension_numbers = #tpu.dot_dimension_numbers<[1], [0], [0], [1], [0, 0, 1, 1], [], []>, transpose_lhs_hint = false} : vector<197x192xf32>, vector<192x192xf32>, vector<197x192xf32> -> vector<197x192xf32>
    %add3A_1014 = arith.addf %add3A_889, %dot_general3A_1013 : vector<197x192xf32>
    %get3A_1015 = arith.constant 0 : index
    %get3A_1016 = vector.load %arg8[%get3A_1015] : memref<192xf32, #tpu.memory_space<vmem>>, vector<192xf32>
    %broadcast_in_dim3A_1017 = vector.shape_cast %get3A_1016 : vector<192xf32> to vector<1x192xf32>
    %add3A_1018 = vector.broadcast %broadcast_in_dim3A_1017 : vector<1x192xf32> to vector<197x192xf32>
    %add3A_1019 = arith.addf %add3A_1014, %add3A_1018 : vector<197x192xf32>
    %swap3A_1020 = arith.constant 3 : index
    %swap3A_1021 = arith.constant 0 : index
    %swap3A_1022 = arith.constant 0 : index
    %swap3A_1023 = vector.load %arg12[%swap3A_1020, %swap3A_1021, %swap3A_1022] : memref<8x197x192xf32, #tpu.memory_space<vmem>>, vector<1x197x192xf32>
    %swap3A_1024 = vector.shape_cast %swap3A_1023 : vector<1x197x192xf32> to vector<197x192xf32>
    %swap3A_1025 = vector.shape_cast %add3A_1019 : vector<197x192xf32> to vector<1x197x192xf32>
    tpu.vector_store %arg12[%swap3A_1020, %swap3A_1021, %swap3A_1022], %swap3A_1025 {strides = array<i32>} : memref<8x197x192xf32, #tpu.memory_space<vmem>>, vector<1x197x192xf32>,
    %get3A_1026 = arith.constant 0 : index
    %get3A_1027 = vector.load %arg9[%get3A_1026] : memref<192xf32, #tpu.memory_space<vmem>>, vector<192xf32>
    %get3A_1028 = arith.constant 0 : index
    %get3A_1029 = vector.load %arg10[%get3A_1028] : memref<192xf32, #tpu.memory_space<vmem>>, vector<192xf32>
    %reduce_sum3A_1030 = arith.constant dense<0.000000e+00> : vector<197xf32>
    %reduce_sum3A_1031 = vector.multi_reduction <add>, %add3A_1019, %reduce_sum3A_1030 [1] : vector<197x192xf32> to vector<197xf32>
    %broadcast_in_dim3A_1032 = vector.shape_cast %reduce_sum3A_1031 : vector<197xf32> to vector<197x1xf32>
    %div3A_1033 = arith.constant 1.920000e+02 : f32
    %div3A_1034 = vector.broadcast %div3A_1033 : f32 to vector<197x1xf32>
    %div3A_1035 = arith.divf %broadcast_in_dim3A_1032, %div3A_1034 : vector<197x1xf32>
    %sub3A_1036 = vector.broadcast %div3A_1035 : vector<197x1xf32> to vector<197x192xf32>
    %sub3A_1037 = arith.subf %add3A_1019, %sub3A_1036 : vector<197x192xf32>
    %integer_pow3A_1038 = arith.mulf %sub3A_1037, %sub3A_1037 : vector<197x192xf32>
    %reduce_sum3A_1039 = arith.constant dense<0.000000e+00> : vector<197xf32>
    %reduce_sum3A_1040 = vector.multi_reduction <add>, %integer_pow3A_1038, %reduce_sum3A_1039 [1] : vector<197x192xf32> to vector<197xf32>
    %broadcast_in_dim3A_1041 = vector.shape_cast %reduce_sum3A_1040 : vector<197xf32> to vector<197x1xf32>
    %div3A_1042 = arith.constant 1.920000e+02 : f32
    %div3A_1043 = vector.broadcast %div3A_1042 : f32 to vector<197x1xf32>
    %div3A_1044 = arith.divf %broadcast_in_dim3A_1041, %div3A_1043 : vector<197x1xf32>
    %sub3A_1045 = vector.broadcast %div3A_1035 : vector<197x1xf32> to vector<197x192xf32>
    %sub3A_1046 = arith.subf %add3A_1019, %sub3A_1045 : vector<197x192xf32>
    %add3A_1047 = arith.constant 9.99999997E-7 : f32
    %add3A_1048 = vector.broadcast %add3A_1047 : f32 to vector<197x1xf32>
    %add3A_1049 = arith.addf %div3A_1044, %add3A_1048 : vector<197x1xf32>
    %sqrt3A_1050 = math.sqrt %add3A_1049 : vector<197x1xf32>
    %div3A_1051 = vector.broadcast %sqrt3A_1050 : vector<197x1xf32> to vector<197x192xf32>
    %div3A_1052 = arith.divf %sub3A_1046, %div3A_1051 : vector<197x192xf32>
    %broadcast_in_dim3A_1053 = vector.shape_cast %get3A_1027 : vector<192xf32> to vector<1x192xf32>
    %mul3A_1054 = vector.broadcast %broadcast_in_dim3A_1053 : vector<1x192xf32> to vector<197x192xf32>
    %mul3A_1055 = arith.mulf %div3A_1052, %mul3A_1054 : vector<197x192xf32>
    %broadcast_in_dim3A_1056 = vector.shape_cast %get3A_1029 : vector<192xf32> to vector<1x192xf32>
    %add3A_1057 = vector.broadcast %broadcast_in_dim3A_1056 : vector<1x192xf32> to vector<197x192xf32>
    %add3A_1058 = arith.addf %mul3A_1055, %add3A_1057 : vector<197x192xf32>
    %swap3A_1059 = arith.constant 3 : index
    %swap3A_1060 = arith.constant 0 : index
    %swap3A_1061 = arith.constant 0 : index
    %swap3A_1062 = vector.load %arg13[%swap3A_1059, %swap3A_1060, %swap3A_1061] : memref<8x256x192xf32, #tpu.memory_space<vmem>>, vector<1x197x192xf32>
    %swap3A_1063 = vector.shape_cast %swap3A_1062 : vector<1x197x192xf32> to vector<197x192xf32>
    %swap3A_1064 = vector.shape_cast %add3A_1058 : vector<197x192xf32> to vector<1x197x192xf32>
    tpu.vector_store %arg13[%swap3A_1059, %swap3A_1060, %swap3A_1061], %swap3A_1064 {strides = array<i32>} : memref<8x256x192xf32, #tpu.memory_space<vmem>>, vector<1x197x192xf32>,
    %get3A_1065 = arith.constant 0 : index
    %get3A_1066 = arith.constant 0 : index
    %get3A_1067 = vector.load %arg11[%get3A_1065, %get3A_1066] : memref<192x16xf32, #tpu.memory_space<vmem>>, vector<192x16xf32>
    %dot_general3A_1068 = arith.constant dense<0.000000e+00> : vector<197x16xf32>
    %dot_general3A_1069 = tpu.matmul %add3A_1058, %get3A_1067, %dot_general3A_1068 {dimension_numbers = #tpu.dot_dimension_numbers<[1], [0], [0], [1], [0, 0, 1, 1], [], []>, transpose_lhs_hint = false} : vector<197x192xf32>, vector<192x16xf32>, vector<197x16xf32> -> vector<197x16xf32>
    %reduce_max3A_1070 = arith.constant dense<0xFF800000> : vector<197xf32>
    %reduce_max3A_1071 = vector.multi_reduction <maximumf>, %dot_general3A_1069, %reduce_max3A_1070 [1] : vector<197x16xf32> to vector<197xf32>
    %max3A_1072 = arith.constant 0xFF800000 : f32
    %max3A_1073 = vector.broadcast %max3A_1072 : f32 to vector<197xf32>
    %max3A_1074 = arith.maximumf %max3A_1073, %reduce_max3A_1071 : vector<197xf32>
    %broadcast_in_dim3A_1075 = vector.shape_cast %max3A_1074 : vector<197xf32> to vector<197x1xf32>
    %sub3A_1076 = vector.broadcast %broadcast_in_dim3A_1075 : vector<197x1xf32> to vector<197x16xf32>
    %sub3A_1077 = arith.subf %dot_general3A_1069, %sub3A_1076 : vector<197x16xf32>
    %exp3A_1078 = math.exp %sub3A_1077 : vector<197x16xf32>
    %reduce_sum3A_1079 = arith.constant dense<0.000000e+00> : vector<197xf32>
    %reduce_sum3A_1080 = vector.multi_reduction <add>, %exp3A_1078, %reduce_sum3A_1079 [1] : vector<197x16xf32> to vector<197xf32>
    %broadcast_in_dim3A_1081 = vector.shape_cast %reduce_sum3A_1080 : vector<197xf32> to vector<197x1xf32>
    %div3A_1082 = vector.broadcast %broadcast_in_dim3A_1081 : vector<197x1xf32> to vector<197x16xf32>
    %div3A_1083 = arith.divf %exp3A_1078, %div3A_1082 : vector<197x16xf32>
    %reduce_max3A_1084 = arith.constant dense<0xFF800000> : vector<197xf32>
    %reduce_max3A_1085 = vector.multi_reduction <maximumf>, %div3A_1083, %reduce_max3A_1084 [1] : vector<197x16xf32> to vector<197xf32>
    %broadcast_in_dim3A_1086 = vector.shape_cast %reduce_max3A_1085 : vector<197xf32> to vector<197x1xf32>
    %eq3A_1087 = vector.broadcast %broadcast_in_dim3A_1086 : vector<197x1xf32> to vector<197x16xf32>
    %eq3A_1088 = arith.cmpf oeq, %div3A_1083, %eq3A_1087 : vector<197x16xf32>
    %jit3A_1089 = arith.constant 1.000000e+09 : f32
    %broadcast_in_dim3A_1090 = vector.broadcast %jit3A_1089 : f32 to vector<197x16xf32>
    %select_n3A_1091 = arith.select %eq3A_1088, %convert_element_type3A, %broadcast_in_dim3A_1090 : vector<197x16xi1>, vector<197x16xf32>
    %reduce_min3A_1092 = arith.constant dense<0x7F800000> : vector<197xf32>
    %reduce_min3A_1093 = vector.multi_reduction <minimumf>, %select_n3A_1091, %reduce_min3A_1092 [1] : vector<197x16xf32> to vector<197xf32>
    %broadcast_in_dim3A_1094 = vector.shape_cast %reduce_min3A_1093 : vector<197xf32> to vector<197x1xf32>
    %eq3A_1095 = vector.broadcast %broadcast_in_dim3A_1094 : vector<197x1xf32> to vector<197x16xf32>
    %eq3A_1096 = arith.cmpf oeq, %convert_element_type3A, %eq3A_1095 : vector<197x16xf32>
    %convert_element_type3A_1097 = arith.extui %eq3A_1096 : vector<197x16xi1> to vector<197x16xi32>
    %convert_element_type3A_1098 = arith.sitofp %convert_element_type3A_1097 : vector<197x16xi32> to vector<197x16xf32>
    %dot_general3A_1099 = arith.constant dense<0.000000e+00> : vector<197x16xf32>
    %dot_general3A_1100 = tpu.matmul %convert_element_type3A_3, %convert_element_type3A_1098, %dot_general3A_1099 {dimension_numbers = #tpu.dot_dimension_numbers<[1], [0], [0], [1], [0, 0, 1, 1], [], []>, transpose_lhs_hint = false} : vector<197x197xf32>, vector<197x16xf32>, vector<197x16xf32> -> vector<197x16xf32>
    %broadcast_in_dim3A_1101 = vector.shape_cast %add3A_859 : vector<16xf32> to vector<1x16xf32>
    %add3A_1102 = vector.broadcast %broadcast_in_dim3A_1101 : vector<1x16xf32> to vector<197x16xf32>
    %add3A_1103 = arith.addf %dot_general3A_1100, %add3A_1102 : vector<197x16xf32>
    %mul3A_1104 = arith.mulf %add3A_1103, %convert_element_type3A_1098 : vector<197x16xf32>
    %reduce_sum3A_1105 = arith.constant dense<0.000000e+00> : vector<197xf32>
    %reduce_sum3A_1106 = vector.multi_reduction <add>, %mul3A_1104, %reduce_sum3A_1105 [1] : vector<197x16xf32> to vector<197xf32>
    %lt3A_1107 = arith.constant 1.970000e+02 : f32
    %lt3A_1108 = vector.broadcast %lt3A_1107 : f32 to vector<197xf32>
    %lt3A_1109 = arith.cmpf olt, %reduce_sum3A_1106, %lt3A_1108 : vector<197xf32>
    %convert_element_type3A_1110 = arith.extui %lt3A_1109 : vector<197xi1> to vector<197xi32>
    %convert_element_type3A_1111 = arith.sitofp %convert_element_type3A_1110 : vector<197xi32> to vector<197xf32>
    %min3A_1112 = arith.constant 2.550000e+02 : f32
    %min3A_1113 = vector.broadcast %min3A_1112 : f32 to vector<197xf32>
    %min3A_1114 = arith.minimumf %reduce_sum3A_1106, %min3A_1113 : vector<197xf32>
    %mul3A_1115 = arith.constant 2.560000e+02 : f32
    %mul3A_1116 = vector.broadcast %mul3A_1115 : f32 to vector<197xf32>
    %mul3A_1117 = arith.mulf %reduce_min3A_1093, %mul3A_1116 : vector<197xf32>
    %add3A_1118 = arith.addf %mul3A_1117, %min3A_1114 : vector<197xf32>
    %convert_element_type3A_1119 = arith.fptosi %add3A_1118 : vector<197xf32> to vector<197xi32>
    %mul3A_1120 = arith.mulf %reduce_max3A_1085, %convert_element_type3A_1111 : vector<197xf32>
    %broadcast_in_dim3A_1121 = arith.constant 255 : i32
    %broadcast_in_dim3A_1122 = vector.broadcast %broadcast_in_dim3A_1121 : i32 to vector<59xi32>
    %concatenate3A_1123 = tpu.concatenate %convert_element_type3A_1119, %broadcast_in_dim3A_1122 in 0 : vector<197xi32>, vector<59xi32> -> vector<256xi32>
    %broadcast_in_dim3A_1124 = arith.constant 0.000000e+00 : f32
    %broadcast_in_dim3A_1125 = vector.broadcast %broadcast_in_dim3A_1124 : f32 to vector<59xf32>
    %concatenate3A_1126 = tpu.concatenate %mul3A_1120, %broadcast_in_dim3A_1125 in 0 : vector<197xf32>, vector<59xf32> -> vector<256xf32>
    %lt3A_1127 = arith.constant 197 : i32
    %lt3A_1128 = vector.broadcast %lt3A_1127 : i32 to vector<256xi32>
    %lt3A_1129 = arith.cmpi slt, %iota3A_5, %lt3A_1128 : vector<256xi32>
    %jit3A_1130 = arith.constant 255 : i32
    %broadcast_in_dim3A_1131 = vector.broadcast %jit3A_1130 : i32 to vector<256xi32>
    %select_n3A_1132 = arith.select %lt3A_1129, %concatenate3A_1123, %broadcast_in_dim3A_1131 : vector<256xi1>, vector<256xi32>
    %swap3A_1133 = arith.constant 3 : index
    %swap3A_1134 = arith.constant 0 : index
    %swap3A_1135 = vector.load %arg14[%swap3A_1133, %swap3A_1134] : memref<8x256xi32, #tpu.memory_space<vmem>>, vector<1x256xi32>
    %swap3A_1136 = vector.shape_cast %swap3A_1135 : vector<1x256xi32> to vector<256xi32>
    %swap3A_1137 = vector.shape_cast %select_n3A_1132 : vector<256xi32> to vector<1x256xi32>
    tpu.vector_store %arg14[%swap3A_1133, %swap3A_1134], %swap3A_1137 {strides = array<i32>} : memref<8x256xi32, #tpu.memory_space<vmem>>, vector<1x256xi32>,
    %lt3A_1138 = arith.constant 197 : i32
    %lt3A_1139 = vector.broadcast %lt3A_1138 : i32 to vector<256xi32>
    %lt3A_1140 = arith.cmpi slt, %iota3A_5, %lt3A_1139 : vector<256xi32>
    %jit3A_1141 = arith.constant 0.000000e+00 : f32
    %broadcast_in_dim3A_1142 = vector.broadcast %jit3A_1141 : f32 to vector<256xf32>
    %select_n3A_1143 = arith.select %lt3A_1140, %concatenate3A_1126, %broadcast_in_dim3A_1142 : vector<256xi1>, vector<256xf32>
    %swap3A_1144 = arith.constant 3 : index
    %swap3A_1145 = arith.constant 0 : index
    %swap3A_1146 = vector.load %arg15[%swap3A_1144, %swap3A_1145] : memref<8x256xf32, #tpu.memory_space<vmem>>, vector<1x256xf32>
    %swap3A_1147 = vector.shape_cast %swap3A_1146 : vector<1x256xf32> to vector<256xf32>
    %swap3A_1148 = vector.shape_cast %select_n3A_1143 : vector<256xf32> to vector<1x256xf32>
    tpu.vector_store %arg15[%swap3A_1144, %swap3A_1145], %swap3A_1148 {strides = array<i32>} : memref<8x256xf32, #tpu.memory_space<vmem>>, vector<1x256xf32>,
    %reduce_sum3A_1149 = arith.constant dense<0.000000e+00> : vector<16xf32>
    %reduce_sum3A_1150 = vector.multi_reduction <add>, %convert_element_type3A_1098, %reduce_sum3A_1149 [0] : vector<197x16xf32> to vector<16xf32>
    %add3A_1151 = arith.addf %add3A_859, %reduce_sum3A_1150 : vector<16xf32>
    %reduce_sum3A_1152 = arith.constant dense<0.000000e+00> : vector<16xf32>
    %reduce_sum3A_1153 = vector.multi_reduction <add>, %div3A_1083, %reduce_sum3A_1152 [0] : vector<197x16xf32> to vector<16xf32>
    %add3A_1154 = arith.addf %add3A_862, %reduce_sum3A_1153 : vector<16xf32>
    %get3A_1155 = arith.constant 4 : index
    %get3A_1156 = arith.constant 0 : index
    %get3A_1157 = vector.load %arg2[%get3A_1155, %get3A_1156] : memref<8x256xf32, #tpu.memory_space<vmem>>, vector<1x256xf32>
    %get3A_1158 = vector.shape_cast %get3A_1157 : vector<1x256xf32> to vector<256xf32>
    %slice3A_1159 = vector.extract_strided_slice %get3A_1158 {offsets = [0], sizes = [197], strides = [1]} : vector<256xf32> to vector<197xf32>
    %broadcast_in_dim3A_1160 = vector.shape_cast %slice3A_1159 : vector<197xf32> to vector<197x1xf32>
    %get3A_1161 = arith.constant 4 : index
    %get3A_1162 = arith.constant 0 : index
    %get3A_1163 = arith.constant 0 : index
    %get3A_1164 = vector.load %arg0[%get3A_1161, %get3A_1162, %get3A_1163] : memref<8x197x192xf32, #tpu.memory_space<vmem>>, vector<1x197x192xf32>
    %get3A_1165 = vector.shape_cast %get3A_1164 : vector<1x197x192xf32> to vector<197x192xf32>
    %gt3A_1166 = arith.constant 0.000000e+00 : f32
    %gt3A_1167 = vector.broadcast %gt3A_1166 : f32 to vector<197x1xf32>
    %gt3A_1168 = arith.cmpf ogt, %broadcast_in_dim3A_1160, %gt3A_1167 : vector<197x1xf32>
    %get3A_1169 = arith.constant 4 : index
    %get3A_1170 = arith.constant 0 : index
    %get3A_1171 = arith.constant 0 : index
    %get3A_1172 = vector.load %arg1[%get3A_1169, %get3A_1170, %get3A_1171] : memref<8x256x192xf32, #tpu.memory_space<vmem>>, vector<1x197x192xf32>
    %get3A_1173 = vector.shape_cast %get3A_1172 : vector<1x197x192xf32> to vector<197x192xf32>
    %mul3A_1174 = vector.broadcast %broadcast_in_dim3A_1160 : vector<197x1xf32> to vector<197x192xf32>
    %mul3A_1175 = arith.mulf %get3A_1173, %mul3A_1174 : vector<197x192xf32>
    %jit3A_1176 = arith.constant 0.000000e+00 : f32
    %broadcast_in_dim3A_1177 = vector.shape_cast %gt3A_1168 : vector<197x1xi1> to vector<197x1xi1>
    %broadcast_in_dim3A_1178 = vector.broadcast %broadcast_in_dim3A_1177 : vector<197x1xi1> to vector<197x192xi1>
    %broadcast_in_dim3A_1179 = vector.broadcast %jit3A_1176 : f32 to vector<197x192xf32>
    %select_n3A_1180 = arith.select %broadcast_in_dim3A_1178, %mul3A_1175, %broadcast_in_dim3A_1179 : vector<197x192xi1>, vector<197x192xf32>
    %add3A_1181 = arith.addf %get3A_1165, %select_n3A_1180 : vector<197x192xf32>
    %get3A_1182 = arith.constant 0 : index
    %get3A_1183 = vector.load %arg3[%get3A_1182] : memref<192xf32, #tpu.memory_space<vmem>>, vector<192xf32>
    %get3A_1184 = arith.constant 0 : index
    %get3A_1185 = vector.load %arg4[%get3A_1184] : memref<192xf32, #tpu.memory_space<vmem>>, vector<192xf32>
    %reduce_sum3A_1186 = arith.constant dense<0.000000e+00> : vector<197xf32>
    %reduce_sum3A_1187 = vector.multi_reduction <add>, %add3A_1181, %reduce_sum3A_1186 [1] : vector<197x192xf32> to vector<197xf32>
    %broadcast_in_dim3A_1188 = vector.shape_cast %reduce_sum3A_1187 : vector<197xf32> to vector<197x1xf32>
    %div3A_1189 = arith.constant 1.920000e+02 : f32
    %div3A_1190 = vector.broadcast %div3A_1189 : f32 to vector<197x1xf32>
    %div3A_1191 = arith.divf %broadcast_in_dim3A_1188, %div3A_1190 : vector<197x1xf32>
    %sub3A_1192 = vector.broadcast %div3A_1191 : vector<197x1xf32> to vector<197x192xf32>
    %sub3A_1193 = arith.subf %add3A_1181, %sub3A_1192 : vector<197x192xf32>
    %integer_pow3A_1194 = arith.mulf %sub3A_1193, %sub3A_1193 : vector<197x192xf32>
    %reduce_sum3A_1195 = arith.constant dense<0.000000e+00> : vector<197xf32>
    %reduce_sum3A_1196 = vector.multi_reduction <add>, %integer_pow3A_1194, %reduce_sum3A_1195 [1] : vector<197x192xf32> to vector<197xf32>
    %broadcast_in_dim3A_1197 = vector.shape_cast %reduce_sum3A_1196 : vector<197xf32> to vector<197x1xf32>
    %div3A_1198 = arith.constant 1.920000e+02 : f32
    %div3A_1199 = vector.broadcast %div3A_1198 : f32 to vector<197x1xf32>
    %div3A_1200 = arith.divf %broadcast_in_dim3A_1197, %div3A_1199 : vector<197x1xf32>
    %sub3A_1201 = vector.broadcast %div3A_1191 : vector<197x1xf32> to vector<197x192xf32>
    %sub3A_1202 = arith.subf %add3A_1181, %sub3A_1201 : vector<197x192xf32>
    %add3A_1203 = arith.constant 9.99999997E-7 : f32
    %add3A_1204 = vector.broadcast %add3A_1203 : f32 to vector<197x1xf32>
    %add3A_1205 = arith.addf %div3A_1200, %add3A_1204 : vector<197x1xf32>
    %sqrt3A_1206 = math.sqrt %add3A_1205 : vector<197x1xf32>
    %div3A_1207 = vector.broadcast %sqrt3A_1206 : vector<197x1xf32> to vector<197x192xf32>
    %div3A_1208 = arith.divf %sub3A_1202, %div3A_1207 : vector<197x192xf32>
    %broadcast_in_dim3A_1209 = vector.shape_cast %get3A_1183 : vector<192xf32> to vector<1x192xf32>
    %mul3A_1210 = vector.broadcast %broadcast_in_dim3A_1209 : vector<1x192xf32> to vector<197x192xf32>
    %mul3A_1211 = arith.mulf %div3A_1208, %mul3A_1210 : vector<197x192xf32>
    %broadcast_in_dim3A_1212 = vector.shape_cast %get3A_1185 : vector<192xf32> to vector<1x192xf32>
    %add3A_1213 = vector.broadcast %broadcast_in_dim3A_1212 : vector<1x192xf32> to vector<197x192xf32>
    %add3A_1214 = arith.addf %mul3A_1211, %add3A_1213 : vector<197x192xf32>
    %get3A_1215 = arith.constant 0 : index
    %get3A_1216 = arith.constant 0 : index
    %get3A_1217 = vector.load %arg5[%get3A_1215, %get3A_1216] : memref<192x576xf32, #tpu.memory_space<vmem>>, vector<192x576xf32>
    %dot_general3A_1218 = arith.constant dense<0.000000e+00> : vector<197x576xf32>
    %dot_general3A_1219 = tpu.matmul %add3A_1214, %get3A_1217, %dot_general3A_1218 {dimension_numbers = #tpu.dot_dimension_numbers<[1], [0], [0], [1], [0, 0, 1, 1], [], []>, transpose_lhs_hint = false} : vector<197x192xf32>, vector<192x576xf32>, vector<197x576xf32> -> vector<197x576xf32>
    %get3A_1220 = arith.constant 0 : index
    %get3A_1221 = vector.load %arg6[%get3A_1220] : memref<576xf32, #tpu.memory_space<vmem>>, vector<576xf32>
    %broadcast_in_dim3A_1222 = vector.shape_cast %get3A_1221 : vector<576xf32> to vector<1x576xf32>
    %add3A_1223 = vector.broadcast %broadcast_in_dim3A_1222 : vector<1x576xf32> to vector<197x576xf32>
    %add3A_1224 = arith.addf %dot_general3A_1219, %add3A_1223 : vector<197x576xf32>
    %slice3A_1225 = vector.extract_strided_slice %add3A_1224 {offsets = [0, 0], sizes = [197, 64], strides = [1, 1]} : vector<197x576xf32> to vector<197x64xf32>
    %slice3A_1226 = vector.extract_strided_slice %add3A_1224 {offsets = [0, 192], sizes = [197, 64], strides = [1, 1]} : vector<197x576xf32> to vector<197x64xf32>
    %slice3A_1227 = vector.extract_strided_slice %add3A_1224 {offsets = [0, 384], sizes = [197, 64], strides = [1, 1]} : vector<197x576xf32> to vector<197x64xf32>
    %transpose3A_1228 = tpu.transpose %slice3A_1226, [1, 0] : vector<197x64xf32> -> vector<64x197xf32>
    %dot_general3A_1229 = arith.constant dense<0.000000e+00> : vector<197x197xf32>
    %dot_general3A_1230 = tpu.matmul %slice3A_1225, %transpose3A_1228, %dot_general3A_1229 {dimension_numbers = #tpu.dot_dimension_numbers<[1], [0], [0], [1], [0, 0, 1, 1], [], []>, transpose_lhs_hint = false} : vector<197x64xf32>, vector<64x197xf32>, vector<197x197xf32> -> vector<197x197xf32>
    %mul3A_1231 = arith.constant 1.250000e-01 : f32
    %mul3A_1232 = vector.broadcast %mul3A_1231 : f32 to vector<197x197xf32>
    %mul3A_1233 = arith.mulf %dot_general3A_1230, %mul3A_1232 : vector<197x197xf32>
    %reduce_max3A_1234 = arith.constant dense<0xFF800000> : vector<197xf32>
    %reduce_max3A_1235 = vector.multi_reduction <maximumf>, %mul3A_1233, %reduce_max3A_1234 [1] : vector<197x197xf32> to vector<197xf32>
    %max3A_1236 = arith.constant 0xFF800000 : f32
    %max3A_1237 = vector.broadcast %max3A_1236 : f32 to vector<197xf32>
    %max3A_1238 = arith.maximumf %max3A_1237, %reduce_max3A_1235 : vector<197xf32>
    %broadcast_in_dim3A_1239 = vector.shape_cast %max3A_1238 : vector<197xf32> to vector<197x1xf32>
    %sub3A_1240 = vector.broadcast %broadcast_in_dim3A_1239 : vector<197x1xf32> to vector<197x197xf32>
    %sub3A_1241 = arith.subf %mul3A_1233, %sub3A_1240 : vector<197x197xf32>
    %exp3A_1242 = math.exp %sub3A_1241 : vector<197x197xf32>
    %reduce_sum3A_1243 = arith.constant dense<0.000000e+00> : vector<197xf32>
    %reduce_sum3A_1244 = vector.multi_reduction <add>, %exp3A_1242, %reduce_sum3A_1243 [1] : vector<197x197xf32> to vector<197xf32>
    %broadcast_in_dim3A_1245 = vector.shape_cast %reduce_sum3A_1244 : vector<197xf32> to vector<197x1xf32>
    %div3A_1246 = vector.broadcast %broadcast_in_dim3A_1245 : vector<197x1xf32> to vector<197x197xf32>
    %div3A_1247 = arith.divf %exp3A_1242, %div3A_1246 : vector<197x197xf32>
    %dot_general3A_1248 = arith.constant dense<0.000000e+00> : vector<197x64xf32>
    %dot_general3A_1249 = tpu.matmul %div3A_1247, %slice3A_1227, %dot_general3A_1248 {dimension_numbers = #tpu.dot_dimension_numbers<[1], [0], [0], [1], [0, 0, 1, 1], [], []>, transpose_lhs_hint = false} : vector<197x197xf32>, vector<197x64xf32>, vector<197x64xf32> -> vector<197x64xf32>
    %slice3A_1250 = vector.extract_strided_slice %add3A_1224 {offsets = [0, 64], sizes = [197, 64], strides = [1, 1]} : vector<197x576xf32> to vector<197x64xf32>
    %slice3A_1251 = vector.extract_strided_slice %add3A_1224 {offsets = [0, 256], sizes = [197, 64], strides = [1, 1]} : vector<197x576xf32> to vector<197x64xf32>
    %slice3A_1252 = vector.extract_strided_slice %add3A_1224 {offsets = [0, 448], sizes = [197, 64], strides = [1, 1]} : vector<197x576xf32> to vector<197x64xf32>
    %transpose3A_1253 = tpu.transpose %slice3A_1251, [1, 0] : vector<197x64xf32> -> vector<64x197xf32>
    %dot_general3A_1254 = arith.constant dense<0.000000e+00> : vector<197x197xf32>
    %dot_general3A_1255 = tpu.matmul %slice3A_1250, %transpose3A_1253, %dot_general3A_1254 {dimension_numbers = #tpu.dot_dimension_numbers<[1], [0], [0], [1], [0, 0, 1, 1], [], []>, transpose_lhs_hint = false} : vector<197x64xf32>, vector<64x197xf32>, vector<197x197xf32> -> vector<197x197xf32>
    %mul3A_1256 = arith.constant 1.250000e-01 : f32
    %mul3A_1257 = vector.broadcast %mul3A_1256 : f32 to vector<197x197xf32>
    %mul3A_1258 = arith.mulf %dot_general3A_1255, %mul3A_1257 : vector<197x197xf32>
    %reduce_max3A_1259 = arith.constant dense<0xFF800000> : vector<197xf32>
    %reduce_max3A_1260 = vector.multi_reduction <maximumf>, %mul3A_1258, %reduce_max3A_1259 [1] : vector<197x197xf32> to vector<197xf32>
    %max3A_1261 = arith.constant 0xFF800000 : f32
    %max3A_1262 = vector.broadcast %max3A_1261 : f32 to vector<197xf32>
    %max3A_1263 = arith.maximumf %max3A_1262, %reduce_max3A_1260 : vector<197xf32>
    %broadcast_in_dim3A_1264 = vector.shape_cast %max3A_1263 : vector<197xf32> to vector<197x1xf32>
    %sub3A_1265 = vector.broadcast %broadcast_in_dim3A_1264 : vector<197x1xf32> to vector<197x197xf32>
    %sub3A_1266 = arith.subf %mul3A_1258, %sub3A_1265 : vector<197x197xf32>
    %exp3A_1267 = math.exp %sub3A_1266 : vector<197x197xf32>
    %reduce_sum3A_1268 = arith.constant dense<0.000000e+00> : vector<197xf32>
    %reduce_sum3A_1269 = vector.multi_reduction <add>, %exp3A_1267, %reduce_sum3A_1268 [1] : vector<197x197xf32> to vector<197xf32>
    %broadcast_in_dim3A_1270 = vector.shape_cast %reduce_sum3A_1269 : vector<197xf32> to vector<197x1xf32>
    %div3A_1271 = vector.broadcast %broadcast_in_dim3A_1270 : vector<197x1xf32> to vector<197x197xf32>
    %div3A_1272 = arith.divf %exp3A_1267, %div3A_1271 : vector<197x197xf32>
    %dot_general3A_1273 = arith.constant dense<0.000000e+00> : vector<197x64xf32>
    %dot_general3A_1274 = tpu.matmul %div3A_1272, %slice3A_1252, %dot_general3A_1273 {dimension_numbers = #tpu.dot_dimension_numbers<[1], [0], [0], [1], [0, 0, 1, 1], [], []>, transpose_lhs_hint = false} : vector<197x197xf32>, vector<197x64xf32>, vector<197x64xf32> -> vector<197x64xf32>
    %slice3A_1275 = vector.extract_strided_slice %add3A_1224 {offsets = [0, 128], sizes = [197, 64], strides = [1, 1]} : vector<197x576xf32> to vector<197x64xf32>
    %slice3A_1276 = vector.extract_strided_slice %add3A_1224 {offsets = [0, 320], sizes = [197, 64], strides = [1, 1]} : vector<197x576xf32> to vector<197x64xf32>
    %slice3A_1277 = vector.extract_strided_slice %add3A_1224 {offsets = [0, 512], sizes = [197, 64], strides = [1, 1]} : vector<197x576xf32> to vector<197x64xf32>
    %transpose3A_1278 = tpu.transpose %slice3A_1276, [1, 0] : vector<197x64xf32> -> vector<64x197xf32>
    %dot_general3A_1279 = arith.constant dense<0.000000e+00> : vector<197x197xf32>
    %dot_general3A_1280 = tpu.matmul %slice3A_1275, %transpose3A_1278, %dot_general3A_1279 {dimension_numbers = #tpu.dot_dimension_numbers<[1], [0], [0], [1], [0, 0, 1, 1], [], []>, transpose_lhs_hint = false} : vector<197x64xf32>, vector<64x197xf32>, vector<197x197xf32> -> vector<197x197xf32>
    %mul3A_1281 = arith.constant 1.250000e-01 : f32
    %mul3A_1282 = vector.broadcast %mul3A_1281 : f32 to vector<197x197xf32>
    %mul3A_1283 = arith.mulf %dot_general3A_1280, %mul3A_1282 : vector<197x197xf32>
    %reduce_max3A_1284 = arith.constant dense<0xFF800000> : vector<197xf32>
    %reduce_max3A_1285 = vector.multi_reduction <maximumf>, %mul3A_1283, %reduce_max3A_1284 [1] : vector<197x197xf32> to vector<197xf32>
    %max3A_1286 = arith.constant 0xFF800000 : f32
    %max3A_1287 = vector.broadcast %max3A_1286 : f32 to vector<197xf32>
    %max3A_1288 = arith.maximumf %max3A_1287, %reduce_max3A_1285 : vector<197xf32>
    %broadcast_in_dim3A_1289 = vector.shape_cast %max3A_1288 : vector<197xf32> to vector<197x1xf32>
    %sub3A_1290 = vector.broadcast %broadcast_in_dim3A_1289 : vector<197x1xf32> to vector<197x197xf32>
    %sub3A_1291 = arith.subf %mul3A_1283, %sub3A_1290 : vector<197x197xf32>
    %exp3A_1292 = math.exp %sub3A_1291 : vector<197x197xf32>
    %reduce_sum3A_1293 = arith.constant dense<0.000000e+00> : vector<197xf32>
    %reduce_sum3A_1294 = vector.multi_reduction <add>, %exp3A_1292, %reduce_sum3A_1293 [1] : vector<197x197xf32> to vector<197xf32>
    %broadcast_in_dim3A_1295 = vector.shape_cast %reduce_sum3A_1294 : vector<197xf32> to vector<197x1xf32>
    %div3A_1296 = vector.broadcast %broadcast_in_dim3A_1295 : vector<197x1xf32> to vector<197x197xf32>
    %div3A_1297 = arith.divf %exp3A_1292, %div3A_1296 : vector<197x197xf32>
    %dot_general3A_1298 = arith.constant dense<0.000000e+00> : vector<197x64xf32>
    %dot_general3A_1299 = tpu.matmul %div3A_1297, %slice3A_1277, %dot_general3A_1298 {dimension_numbers = #tpu.dot_dimension_numbers<[1], [0], [0], [1], [0, 0, 1, 1], [], []>, transpose_lhs_hint = false} : vector<197x197xf32>, vector<197x64xf32>, vector<197x64xf32> -> vector<197x64xf32>
    %concatenate3A_1300 = tpu.concatenate %dot_general3A_1249, %dot_general3A_1274, %dot_general3A_1299 in 1 : vector<197x64xf32>, vector<197x64xf32>, vector<197x64xf32> -> vector<197x192xf32>
    %get3A_1301 = arith.constant 0 : index
    %get3A_1302 = arith.constant 0 : index
    %get3A_1303 = vector.load %arg7[%get3A_1301, %get3A_1302] : memref<192x192xf32, #tpu.memory_space<vmem>>, vector<192x192xf32>
    %dot_general3A_1304 = arith.constant dense<0.000000e+00> : vector<197x192xf32>
    %dot_general3A_1305 = tpu.matmul %concatenate3A_1300, %get3A_1303, %dot_general3A_1304 {dimension_numbers = #tpu.dot_dimension_numbers<[1], [0], [0], [1], [0, 0, 1, 1], [], []>, transpose_lhs_hint = false} : vector<197x192xf32>, vector<192x192xf32>, vector<197x192xf32> -> vector<197x192xf32>
    %add3A_1306 = arith.addf %add3A_1181, %dot_general3A_1305 : vector<197x192xf32>
    %get3A_1307 = arith.constant 0 : index
    %get3A_1308 = vector.load %arg8[%get3A_1307] : memref<192xf32, #tpu.memory_space<vmem>>, vector<192xf32>
    %broadcast_in_dim3A_1309 = vector.shape_cast %get3A_1308 : vector<192xf32> to vector<1x192xf32>
    %add3A_1310 = vector.broadcast %broadcast_in_dim3A_1309 : vector<1x192xf32> to vector<197x192xf32>
    %add3A_1311 = arith.addf %add3A_1306, %add3A_1310 : vector<197x192xf32>
    %swap3A_1312 = arith.constant 4 : index
    %swap3A_1313 = arith.constant 0 : index
    %swap3A_1314 = arith.constant 0 : index
    %swap3A_1315 = vector.load %arg12[%swap3A_1312, %swap3A_1313, %swap3A_1314] : memref<8x197x192xf32, #tpu.memory_space<vmem>>, vector<1x197x192xf32>
    %swap3A_1316 = vector.shape_cast %swap3A_1315 : vector<1x197x192xf32> to vector<197x192xf32>
    %swap3A_1317 = vector.shape_cast %add3A_1311 : vector<197x192xf32> to vector<1x197x192xf32>
    tpu.vector_store %arg12[%swap3A_1312, %swap3A_1313, %swap3A_1314], %swap3A_1317 {strides = array<i32>} : memref<8x197x192xf32, #tpu.memory_space<vmem>>, vector<1x197x192xf32>,
    %get3A_1318 = arith.constant 0 : index
    %get3A_1319 = vector.load %arg9[%get3A_1318] : memref<192xf32, #tpu.memory_space<vmem>>, vector<192xf32>
    %get3A_1320 = arith.constant 0 : index
    %get3A_1321 = vector.load %arg10[%get3A_1320] : memref<192xf32, #tpu.memory_space<vmem>>, vector<192xf32>
    %reduce_sum3A_1322 = arith.constant dense<0.000000e+00> : vector<197xf32>
    %reduce_sum3A_1323 = vector.multi_reduction <add>, %add3A_1311, %reduce_sum3A_1322 [1] : vector<197x192xf32> to vector<197xf32>
    %broadcast_in_dim3A_1324 = vector.shape_cast %reduce_sum3A_1323 : vector<197xf32> to vector<197x1xf32>
    %div3A_1325 = arith.constant 1.920000e+02 : f32
    %div3A_1326 = vector.broadcast %div3A_1325 : f32 to vector<197x1xf32>
    %div3A_1327 = arith.divf %broadcast_in_dim3A_1324, %div3A_1326 : vector<197x1xf32>
    %sub3A_1328 = vector.broadcast %div3A_1327 : vector<197x1xf32> to vector<197x192xf32>
    %sub3A_1329 = arith.subf %add3A_1311, %sub3A_1328 : vector<197x192xf32>
    %integer_pow3A_1330 = arith.mulf %sub3A_1329, %sub3A_1329 : vector<197x192xf32>
    %reduce_sum3A_1331 = arith.constant dense<0.000000e+00> : vector<197xf32>
    %reduce_sum3A_1332 = vector.multi_reduction <add>, %integer_pow3A_1330, %reduce_sum3A_1331 [1] : vector<197x192xf32> to vector<197xf32>
    %broadcast_in_dim3A_1333 = vector.shape_cast %reduce_sum3A_1332 : vector<197xf32> to vector<197x1xf32>
    %div3A_1334 = arith.constant 1.920000e+02 : f32
    %div3A_1335 = vector.broadcast %div3A_1334 : f32 to vector<197x1xf32>
    %div3A_1336 = arith.divf %broadcast_in_dim3A_1333, %div3A_1335 : vector<197x1xf32>
    %sub3A_1337 = vector.broadcast %div3A_1327 : vector<197x1xf32> to vector<197x192xf32>
    %sub3A_1338 = arith.subf %add3A_1311, %sub3A_1337 : vector<197x192xf32>
    %add3A_1339 = arith.constant 9.99999997E-7 : f32
    %add3A_1340 = vector.broadcast %add3A_1339 : f32 to vector<197x1xf32>
    %add3A_1341 = arith.addf %div3A_1336, %add3A_1340 : vector<197x1xf32>
    %sqrt3A_1342 = math.sqrt %add3A_1341 : vector<197x1xf32>
    %div3A_1343 = vector.broadcast %sqrt3A_1342 : vector<197x1xf32> to vector<197x192xf32>
    %div3A_1344 = arith.divf %sub3A_1338, %div3A_1343 : vector<197x192xf32>
    %broadcast_in_dim3A_1345 = vector.shape_cast %get3A_1319 : vector<192xf32> to vector<1x192xf32>
    %mul3A_1346 = vector.broadcast %broadcast_in_dim3A_1345 : vector<1x192xf32> to vector<197x192xf32>
    %mul3A_1347 = arith.mulf %div3A_1344, %mul3A_1346 : vector<197x192xf32>
    %broadcast_in_dim3A_1348 = vector.shape_cast %get3A_1321 : vector<192xf32> to vector<1x192xf32>
    %add3A_1349 = vector.broadcast %broadcast_in_dim3A_1348 : vector<1x192xf32> to vector<197x192xf32>
    %add3A_1350 = arith.addf %mul3A_1347, %add3A_1349 : vector<197x192xf32>
    %swap3A_1351 = arith.constant 4 : index
    %swap3A_1352 = arith.constant 0 : index
    %swap3A_1353 = arith.constant 0 : index
    %swap3A_1354 = vector.load %arg13[%swap3A_1351, %swap3A_1352, %swap3A_1353] : memref<8x256x192xf32, #tpu.memory_space<vmem>>, vector<1x197x192xf32>
    %swap3A_1355 = vector.shape_cast %swap3A_1354 : vector<1x197x192xf32> to vector<197x192xf32>
    %swap3A_1356 = vector.shape_cast %add3A_1350 : vector<197x192xf32> to vector<1x197x192xf32>
    tpu.vector_store %arg13[%swap3A_1351, %swap3A_1352, %swap3A_1353], %swap3A_1356 {strides = array<i32>} : memref<8x256x192xf32, #tpu.memory_space<vmem>>, vector<1x197x192xf32>,
    %get3A_1357 = arith.constant 0 : index
    %get3A_1358 = arith.constant 0 : index
    %get3A_1359 = vector.load %arg11[%get3A_1357, %get3A_1358] : memref<192x16xf32, #tpu.memory_space<vmem>>, vector<192x16xf32>
    %dot_general3A_1360 = arith.constant dense<0.000000e+00> : vector<197x16xf32>
    %dot_general3A_1361 = tpu.matmul %add3A_1350, %get3A_1359, %dot_general3A_1360 {dimension_numbers = #tpu.dot_dimension_numbers<[1], [0], [0], [1], [0, 0, 1, 1], [], []>, transpose_lhs_hint = false} : vector<197x192xf32>, vector<192x16xf32>, vector<197x16xf32> -> vector<197x16xf32>
    %reduce_max3A_1362 = arith.constant dense<0xFF800000> : vector<197xf32>
    %reduce_max3A_1363 = vector.multi_reduction <maximumf>, %dot_general3A_1361, %reduce_max3A_1362 [1] : vector<197x16xf32> to vector<197xf32>
    %max3A_1364 = arith.constant 0xFF800000 : f32
    %max3A_1365 = vector.broadcast %max3A_1364 : f32 to vector<197xf32>
    %max3A_1366 = arith.maximumf %max3A_1365, %reduce_max3A_1363 : vector<197xf32>
    %broadcast_in_dim3A_1367 = vector.shape_cast %max3A_1366 : vector<197xf32> to vector<197x1xf32>
    %sub3A_1368 = vector.broadcast %broadcast_in_dim3A_1367 : vector<197x1xf32> to vector<197x16xf32>
    %sub3A_1369 = arith.subf %dot_general3A_1361, %sub3A_1368 : vector<197x16xf32>
    %exp3A_1370 = math.exp %sub3A_1369 : vector<197x16xf32>
    %reduce_sum3A_1371 = arith.constant dense<0.000000e+00> : vector<197xf32>
    %reduce_sum3A_1372 = vector.multi_reduction <add>, %exp3A_1370, %reduce_sum3A_1371 [1] : vector<197x16xf32> to vector<197xf32>
    %broadcast_in_dim3A_1373 = vector.shape_cast %reduce_sum3A_1372 : vector<197xf32> to vector<197x1xf32>
    %div3A_1374 = vector.broadcast %broadcast_in_dim3A_1373 : vector<197x1xf32> to vector<197x16xf32>
    %div3A_1375 = arith.divf %exp3A_1370, %div3A_1374 : vector<197x16xf32>
    %reduce_max3A_1376 = arith.constant dense<0xFF800000> : vector<197xf32>
    %reduce_max3A_1377 = vector.multi_reduction <maximumf>, %div3A_1375, %reduce_max3A_1376 [1] : vector<197x16xf32> to vector<197xf32>
    %broadcast_in_dim3A_1378 = vector.shape_cast %reduce_max3A_1377 : vector<197xf32> to vector<197x1xf32>
    %eq3A_1379 = vector.broadcast %broadcast_in_dim3A_1378 : vector<197x1xf32> to vector<197x16xf32>
    %eq3A_1380 = arith.cmpf oeq, %div3A_1375, %eq3A_1379 : vector<197x16xf32>
    %jit3A_1381 = arith.constant 1.000000e+09 : f32
    %broadcast_in_dim3A_1382 = vector.broadcast %jit3A_1381 : f32 to vector<197x16xf32>
    %select_n3A_1383 = arith.select %eq3A_1380, %convert_element_type3A, %broadcast_in_dim3A_1382 : vector<197x16xi1>, vector<197x16xf32>
    %reduce_min3A_1384 = arith.constant dense<0x7F800000> : vector<197xf32>
    %reduce_min3A_1385 = vector.multi_reduction <minimumf>, %select_n3A_1383, %reduce_min3A_1384 [1] : vector<197x16xf32> to vector<197xf32>
    %broadcast_in_dim3A_1386 = vector.shape_cast %reduce_min3A_1385 : vector<197xf32> to vector<197x1xf32>
    %eq3A_1387 = vector.broadcast %broadcast_in_dim3A_1386 : vector<197x1xf32> to vector<197x16xf32>
    %eq3A_1388 = arith.cmpf oeq, %convert_element_type3A, %eq3A_1387 : vector<197x16xf32>
    %convert_element_type3A_1389 = arith.extui %eq3A_1388 : vector<197x16xi1> to vector<197x16xi32>
    %convert_element_type3A_1390 = arith.sitofp %convert_element_type3A_1389 : vector<197x16xi32> to vector<197x16xf32>
    %dot_general3A_1391 = arith.constant dense<0.000000e+00> : vector<197x16xf32>
    %dot_general3A_1392 = tpu.matmul %convert_element_type3A_3, %convert_element_type3A_1390, %dot_general3A_1391 {dimension_numbers = #tpu.dot_dimension_numbers<[1], [0], [0], [1], [0, 0, 1, 1], [], []>, transpose_lhs_hint = false} : vector<197x197xf32>, vector<197x16xf32>, vector<197x16xf32> -> vector<197x16xf32>
    %broadcast_in_dim3A_1393 = vector.shape_cast %add3A_1151 : vector<16xf32> to vector<1x16xf32>
    %add3A_1394 = vector.broadcast %broadcast_in_dim3A_1393 : vector<1x16xf32> to vector<197x16xf32>
    %add3A_1395 = arith.addf %dot_general3A_1392, %add3A_1394 : vector<197x16xf32>
    %mul3A_1396 = arith.mulf %add3A_1395, %convert_element_type3A_1390 : vector<197x16xf32>
    %reduce_sum3A_1397 = arith.constant dense<0.000000e+00> : vector<197xf32>
    %reduce_sum3A_1398 = vector.multi_reduction <add>, %mul3A_1396, %reduce_sum3A_1397 [1] : vector<197x16xf32> to vector<197xf32>
    %lt3A_1399 = arith.constant 1.970000e+02 : f32
    %lt3A_1400 = vector.broadcast %lt3A_1399 : f32 to vector<197xf32>
    %lt3A_1401 = arith.cmpf olt, %reduce_sum3A_1398, %lt3A_1400 : vector<197xf32>
    %convert_element_type3A_1402 = arith.extui %lt3A_1401 : vector<197xi1> to vector<197xi32>
    %convert_element_type3A_1403 = arith.sitofp %convert_element_type3A_1402 : vector<197xi32> to vector<197xf32>
    %min3A_1404 = arith.constant 2.550000e+02 : f32
    %min3A_1405 = vector.broadcast %min3A_1404 : f32 to vector<197xf32>
    %min3A_1406 = arith.minimumf %reduce_sum3A_1398, %min3A_1405 : vector<197xf32>
    %mul3A_1407 = arith.constant 2.560000e+02 : f32
    %mul3A_1408 = vector.broadcast %mul3A_1407 : f32 to vector<197xf32>
    %mul3A_1409 = arith.mulf %reduce_min3A_1385, %mul3A_1408 : vector<197xf32>
    %add3A_1410 = arith.addf %mul3A_1409, %min3A_1406 : vector<197xf32>
    %convert_element_type3A_1411 = arith.fptosi %add3A_1410 : vector<197xf32> to vector<197xi32>
    %mul3A_1412 = arith.mulf %reduce_max3A_1377, %convert_element_type3A_1403 : vector<197xf32>
    %broadcast_in_dim3A_1413 = arith.constant 255 : i32
    %broadcast_in_dim3A_1414 = vector.broadcast %broadcast_in_dim3A_1413 : i32 to vector<59xi32>
    %concatenate3A_1415 = tpu.concatenate %convert_element_type3A_1411, %broadcast_in_dim3A_1414 in 0 : vector<197xi32>, vector<59xi32> -> vector<256xi32>
    %broadcast_in_dim3A_1416 = arith.constant 0.000000e+00 : f32
    %broadcast_in_dim3A_1417 = vector.broadcast %broadcast_in_dim3A_1416 : f32 to vector<59xf32>
    %concatenate3A_1418 = tpu.concatenate %mul3A_1412, %broadcast_in_dim3A_1417 in 0 : vector<197xf32>, vector<59xf32> -> vector<256xf32>
    %lt3A_1419 = arith.constant 197 : i32
    %lt3A_1420 = vector.broadcast %lt3A_1419 : i32 to vector<256xi32>
    %lt3A_1421 = arith.cmpi slt, %iota3A_5, %lt3A_1420 : vector<256xi32>
    %jit3A_1422 = arith.constant 255 : i32
    %broadcast_in_dim3A_1423 = vector.broadcast %jit3A_1422 : i32 to vector<256xi32>
    %select_n3A_1424 = arith.select %lt3A_1421, %concatenate3A_1415, %broadcast_in_dim3A_1423 : vector<256xi1>, vector<256xi32>
    %swap3A_1425 = arith.constant 4 : index
    %swap3A_1426 = arith.constant 0 : index
    %swap3A_1427 = vector.load %arg14[%swap3A_1425, %swap3A_1426] : memref<8x256xi32, #tpu.memory_space<vmem>>, vector<1x256xi32>
    %swap3A_1428 = vector.shape_cast %swap3A_1427 : vector<1x256xi32> to vector<256xi32>
    %swap3A_1429 = vector.shape_cast %select_n3A_1424 : vector<256xi32> to vector<1x256xi32>
    tpu.vector_store %arg14[%swap3A_1425, %swap3A_1426], %swap3A_1429 {strides = array<i32>} : memref<8x256xi32, #tpu.memory_space<vmem>>, vector<1x256xi32>,
    %lt3A_1430 = arith.constant 197 : i32
    %lt3A_1431 = vector.broadcast %lt3A_1430 : i32 to vector<256xi32>
    %lt3A_1432 = arith.cmpi slt, %iota3A_5, %lt3A_1431 : vector<256xi32>
    %jit3A_1433 = arith.constant 0.000000e+00 : f32
    %broadcast_in_dim3A_1434 = vector.broadcast %jit3A_1433 : f32 to vector<256xf32>
    %select_n3A_1435 = arith.select %lt3A_1432, %concatenate3A_1418, %broadcast_in_dim3A_1434 : vector<256xi1>, vector<256xf32>
    %swap3A_1436 = arith.constant 4 : index
    %swap3A_1437 = arith.constant 0 : index
    %swap3A_1438 = vector.load %arg15[%swap3A_1436, %swap3A_1437] : memref<8x256xf32, #tpu.memory_space<vmem>>, vector<1x256xf32>
    %swap3A_1439 = vector.shape_cast %swap3A_1438 : vector<1x256xf32> to vector<256xf32>
    %swap3A_1440 = vector.shape_cast %select_n3A_1435 : vector<256xf32> to vector<1x256xf32>
    tpu.vector_store %arg15[%swap3A_1436, %swap3A_1437], %swap3A_1440 {strides = array<i32>} : memref<8x256xf32, #tpu.memory_space<vmem>>, vector<1x256xf32>,
    %reduce_sum3A_1441 = arith.constant dense<0.000000e+00> : vector<16xf32>
    %reduce_sum3A_1442 = vector.multi_reduction <add>, %convert_element_type3A_1390, %reduce_sum3A_1441 [0] : vector<197x16xf32> to vector<16xf32>
    %add3A_1443 = arith.addf %add3A_1151, %reduce_sum3A_1442 : vector<16xf32>
    %reduce_sum3A_1444 = arith.constant dense<0.000000e+00> : vector<16xf32>
    %reduce_sum3A_1445 = vector.multi_reduction <add>, %div3A_1375, %reduce_sum3A_1444 [0] : vector<197x16xf32> to vector<16xf32>
    %add3A_1446 = arith.addf %add3A_1154, %reduce_sum3A_1445 : vector<16xf32>
    %get3A_1447 = arith.constant 5 : index
    %get3A_1448 = arith.constant 0 : index
    %get3A_1449 = vector.load %arg2[%get3A_1447, %get3A_1448] : memref<8x256xf32, #tpu.memory_space<vmem>>, vector<1x256xf32>
    %get3A_1450 = vector.shape_cast %get3A_1449 : vector<1x256xf32> to vector<256xf32>
    %slice3A_1451 = vector.extract_strided_slice %get3A_1450 {offsets = [0], sizes = [197], strides = [1]} : vector<256xf32> to vector<197xf32>
    %broadcast_in_dim3A_1452 = vector.shape_cast %slice3A_1451 : vector<197xf32> to vector<197x1xf32>
    %get3A_1453 = arith.constant 5 : index
    %get3A_1454 = arith.constant 0 : index
    %get3A_1455 = arith.constant 0 : index
    %get3A_1456 = vector.load %arg0[%get3A_1453, %get3A_1454, %get3A_1455] : memref<8x197x192xf32, #tpu.memory_space<vmem>>, vector<1x197x192xf32>
    %get3A_1457 = vector.shape_cast %get3A_1456 : vector<1x197x192xf32> to vector<197x192xf32>
    %gt3A_1458 = arith.constant 0.000000e+00 : f32
    %gt3A_1459 = vector.broadcast %gt3A_1458 : f32 to vector<197x1xf32>
    %gt3A_1460 = arith.cmpf ogt, %broadcast_in_dim3A_1452, %gt3A_1459 : vector<197x1xf32>
    %get3A_1461 = arith.constant 5 : index
    %get3A_1462 = arith.constant 0 : index
    %get3A_1463 = arith.constant 0 : index
    %get3A_1464 = vector.load %arg1[%get3A_1461, %get3A_1462, %get3A_1463] : memref<8x256x192xf32, #tpu.memory_space<vmem>>, vector<1x197x192xf32>
    %get3A_1465 = vector.shape_cast %get3A_1464 : vector<1x197x192xf32> to vector<197x192xf32>
    %mul3A_1466 = vector.broadcast %broadcast_in_dim3A_1452 : vector<197x1xf32> to vector<197x192xf32>
    %mul3A_1467 = arith.mulf %get3A_1465, %mul3A_1466 : vector<197x192xf32>
    %jit3A_1468 = arith.constant 0.000000e+00 : f32
    %broadcast_in_dim3A_1469 = vector.shape_cast %gt3A_1460 : vector<197x1xi1> to vector<197x1xi1>
    %broadcast_in_dim3A_1470 = vector.broadcast %broadcast_in_dim3A_1469 : vector<197x1xi1> to vector<197x192xi1>
    %broadcast_in_dim3A_1471 = vector.broadcast %jit3A_1468 : f32 to vector<197x192xf32>
    %select_n3A_1472 = arith.select %broadcast_in_dim3A_1470, %mul3A_1467, %broadcast_in_dim3A_1471 : vector<197x192xi1>, vector<197x192xf32>
    %add3A_1473 = arith.addf %get3A_1457, %select_n3A_1472 : vector<197x192xf32>
    %get3A_1474 = arith.constant 0 : index
    %get3A_1475 = vector.load %arg3[%get3A_1474] : memref<192xf32, #tpu.memory_space<vmem>>, vector<192xf32>
    %get3A_1476 = arith.constant 0 : index
    %get3A_1477 = vector.load %arg4[%get3A_1476] : memref<192xf32, #tpu.memory_space<vmem>>, vector<192xf32>
    %reduce_sum3A_1478 = arith.constant dense<0.000000e+00> : vector<197xf32>
    %reduce_sum3A_1479 = vector.multi_reduction <add>, %add3A_1473, %reduce_sum3A_1478 [1] : vector<197x192xf32> to vector<197xf32>
    %broadcast_in_dim3A_1480 = vector.shape_cast %reduce_sum3A_1479 : vector<197xf32> to vector<197x1xf32>
    %div3A_1481 = arith.constant 1.920000e+02 : f32
    %div3A_1482 = vector.broadcast %div3A_1481 : f32 to vector<197x1xf32>
    %div3A_1483 = arith.divf %broadcast_in_dim3A_1480, %div3A_1482 : vector<197x1xf32>
    %sub3A_1484 = vector.broadcast %div3A_1483 : vector<197x1xf32> to vector<197x192xf32>
    %sub3A_1485 = arith.subf %add3A_1473, %sub3A_1484 : vector<197x192xf32>
    %integer_pow3A_1486 = arith.mulf %sub3A_1485, %sub3A_1485 : vector<197x192xf32>
    %reduce_sum3A_1487 = arith.constant dense<0.000000e+00> : vector<197xf32>
    %reduce_sum3A_1488 = vector.multi_reduction <add>, %integer_pow3A_1486, %reduce_sum3A_1487 [1] : vector<197x192xf32> to vector<197xf32>
    %broadcast_in_dim3A_1489 = vector.shape_cast %reduce_sum3A_1488 : vector<197xf32> to vector<197x1xf32>
    %div3A_1490 = arith.constant 1.920000e+02 : f32
    %div3A_1491 = vector.broadcast %div3A_1490 : f32 to vector<197x1xf32>
    %div3A_1492 = arith.divf %broadcast_in_dim3A_1489, %div3A_1491 : vector<197x1xf32>
    %sub3A_1493 = vector.broadcast %div3A_1483 : vector<197x1xf32> to vector<197x192xf32>
    %sub3A_1494 = arith.subf %add3A_1473, %sub3A_1493 : vector<197x192xf32>
    %add3A_1495 = arith.constant 9.99999997E-7 : f32
    %add3A_1496 = vector.broadcast %add3A_1495 : f32 to vector<197x1xf32>
    %add3A_1497 = arith.addf %div3A_1492, %add3A_1496 : vector<197x1xf32>
    %sqrt3A_1498 = math.sqrt %add3A_1497 : vector<197x1xf32>
    %div3A_1499 = vector.broadcast %sqrt3A_1498 : vector<197x1xf32> to vector<197x192xf32>
    %div3A_1500 = arith.divf %sub3A_1494, %div3A_1499 : vector<197x192xf32>
    %broadcast_in_dim3A_1501 = vector.shape_cast %get3A_1475 : vector<192xf32> to vector<1x192xf32>
    %mul3A_1502 = vector.broadcast %broadcast_in_dim3A_1501 : vector<1x192xf32> to vector<197x192xf32>
    %mul3A_1503 = arith.mulf %div3A_1500, %mul3A_1502 : vector<197x192xf32>
    %broadcast_in_dim3A_1504 = vector.shape_cast %get3A_1477 : vector<192xf32> to vector<1x192xf32>
    %add3A_1505 = vector.broadcast %broadcast_in_dim3A_1504 : vector<1x192xf32> to vector<197x192xf32>
    %add3A_1506 = arith.addf %mul3A_1503, %add3A_1505 : vector<197x192xf32>
    %get3A_1507 = arith.constant 0 : index
    %get3A_1508 = arith.constant 0 : index
    %get3A_1509 = vector.load %arg5[%get3A_1507, %get3A_1508] : memref<192x576xf32, #tpu.memory_space<vmem>>, vector<192x576xf32>
    %dot_general3A_1510 = arith.constant dense<0.000000e+00> : vector<197x576xf32>
    %dot_general3A_1511 = tpu.matmul %add3A_1506, %get3A_1509, %dot_general3A_1510 {dimension_numbers = #tpu.dot_dimension_numbers<[1], [0], [0], [1], [0, 0, 1, 1], [], []>, transpose_lhs_hint = false} : vector<197x192xf32>, vector<192x576xf32>, vector<197x576xf32> -> vector<197x576xf32>
    %get3A_1512 = arith.constant 0 : index
    %get3A_1513 = vector.load %arg6[%get3A_1512] : memref<576xf32, #tpu.memory_space<vmem>>, vector<576xf32>
    %broadcast_in_dim3A_1514 = vector.shape_cast %get3A_1513 : vector<576xf32> to vector<1x576xf32>
    %add3A_1515 = vector.broadcast %broadcast_in_dim3A_1514 : vector<1x576xf32> to vector<197x576xf32>
    %add3A_1516 = arith.addf %dot_general3A_1511, %add3A_1515 : vector<197x576xf32>
    %slice3A_1517 = vector.extract_strided_slice %add3A_1516 {offsets = [0, 0], sizes = [197, 64], strides = [1, 1]} : vector<197x576xf32> to vector<197x64xf32>
    %slice3A_1518 = vector.extract_strided_slice %add3A_1516 {offsets = [0, 192], sizes = [197, 64], strides = [1, 1]} : vector<197x576xf32> to vector<197x64xf32>
    %slice3A_1519 = vector.extract_strided_slice %add3A_1516 {offsets = [0, 384], sizes = [197, 64], strides = [1, 1]} : vector<197x576xf32> to vector<197x64xf32>
    %transpose3A_1520 = tpu.transpose %slice3A_1518, [1, 0] : vector<197x64xf32> -> vector<64x197xf32>
    %dot_general3A_1521 = arith.constant dense<0.000000e+00> : vector<197x197xf32>
    %dot_general3A_1522 = tpu.matmul %slice3A_1517, %transpose3A_1520, %dot_general3A_1521 {dimension_numbers = #tpu.dot_dimension_numbers<[1], [0], [0], [1], [0, 0, 1, 1], [], []>, transpose_lhs_hint = false} : vector<197x64xf32>, vector<64x197xf32>, vector<197x197xf32> -> vector<197x197xf32>
    %mul3A_1523 = arith.constant 1.250000e-01 : f32
    %mul3A_1524 = vector.broadcast %mul3A_1523 : f32 to vector<197x197xf32>
    %mul3A_1525 = arith.mulf %dot_general3A_1522, %mul3A_1524 : vector<197x197xf32>
    %reduce_max3A_1526 = arith.constant dense<0xFF800000> : vector<197xf32>
    %reduce_max3A_1527 = vector.multi_reduction <maximumf>, %mul3A_1525, %reduce_max3A_1526 [1] : vector<197x197xf32> to vector<197xf32>
    %max3A_1528 = arith.constant 0xFF800000 : f32
    %max3A_1529 = vector.broadcast %max3A_1528 : f32 to vector<197xf32>
    %max3A_1530 = arith.maximumf %max3A_1529, %reduce_max3A_1527 : vector<197xf32>
    %broadcast_in_dim3A_1531 = vector.shape_cast %max3A_1530 : vector<197xf32> to vector<197x1xf32>
    %sub3A_1532 = vector.broadcast %broadcast_in_dim3A_1531 : vector<197x1xf32> to vector<197x197xf32>
    %sub3A_1533 = arith.subf %mul3A_1525, %sub3A_1532 : vector<197x197xf32>
    %exp3A_1534 = math.exp %sub3A_1533 : vector<197x197xf32>
    %reduce_sum3A_1535 = arith.constant dense<0.000000e+00> : vector<197xf32>
    %reduce_sum3A_1536 = vector.multi_reduction <add>, %exp3A_1534, %reduce_sum3A_1535 [1] : vector<197x197xf32> to vector<197xf32>
    %broadcast_in_dim3A_1537 = vector.shape_cast %reduce_sum3A_1536 : vector<197xf32> to vector<197x1xf32>
    %div3A_1538 = vector.broadcast %broadcast_in_dim3A_1537 : vector<197x1xf32> to vector<197x197xf32>
    %div3A_1539 = arith.divf %exp3A_1534, %div3A_1538 : vector<197x197xf32>
    %dot_general3A_1540 = arith.constant dense<0.000000e+00> : vector<197x64xf32>
    %dot_general3A_1541 = tpu.matmul %div3A_1539, %slice3A_1519, %dot_general3A_1540 {dimension_numbers = #tpu.dot_dimension_numbers<[1], [0], [0], [1], [0, 0, 1, 1], [], []>, transpose_lhs_hint = false} : vector<197x197xf32>, vector<197x64xf32>, vector<197x64xf32> -> vector<197x64xf32>
    %slice3A_1542 = vector.extract_strided_slice %add3A_1516 {offsets = [0, 64], sizes = [197, 64], strides = [1, 1]} : vector<197x576xf32> to vector<197x64xf32>
    %slice3A_1543 = vector.extract_strided_slice %add3A_1516 {offsets = [0, 256], sizes = [197, 64], strides = [1, 1]} : vector<197x576xf32> to vector<197x64xf32>
    %slice3A_1544 = vector.extract_strided_slice %add3A_1516 {offsets = [0, 448], sizes = [197, 64], strides = [1, 1]} : vector<197x576xf32> to vector<197x64xf32>
    %transpose3A_1545 = tpu.transpose %slice3A_1543, [1, 0] : vector<197x64xf32> -> vector<64x197xf32>
    %dot_general3A_1546 = arith.constant dense<0.000000e+00> : vector<197x197xf32>
    %dot_general3A_1547 = tpu.matmul %slice3A_1542, %transpose3A_1545, %dot_general3A_1546 {dimension_numbers = #tpu.dot_dimension_numbers<[1], [0], [0], [1], [0, 0, 1, 1], [], []>, transpose_lhs_hint = false} : vector<197x64xf32>, vector<64x197xf32>, vector<197x197xf32> -> vector<197x197xf32>
    %mul3A_1548 = arith.constant 1.250000e-01 : f32
    %mul3A_1549 = vector.broadcast %mul3A_1548 : f32 to vector<197x197xf32>
    %mul3A_1550 = arith.mulf %dot_general3A_1547, %mul3A_1549 : vector<197x197xf32>
    %reduce_max3A_1551 = arith.constant dense<0xFF800000> : vector<197xf32>
    %reduce_max3A_1552 = vector.multi_reduction <maximumf>, %mul3A_1550, %reduce_max3A_1551 [1] : vector<197x197xf32> to vector<197xf32>
    %max3A_1553 = arith.constant 0xFF800000 : f32
    %max3A_1554 = vector.broadcast %max3A_1553 : f32 to vector<197xf32>
    %max3A_1555 = arith.maximumf %max3A_1554, %reduce_max3A_1552 : vector<197xf32>
    %broadcast_in_dim3A_1556 = vector.shape_cast %max3A_1555 : vector<197xf32> to vector<197x1xf32>
    %sub3A_1557 = vector.broadcast %broadcast_in_dim3A_1556 : vector<197x1xf32> to vector<197x197xf32>
    %sub3A_1558 = arith.subf %mul3A_1550, %sub3A_1557 : vector<197x197xf32>
    %exp3A_1559 = math.exp %sub3A_1558 : vector<197x197xf32>
    %reduce_sum3A_1560 = arith.constant dense<0.000000e+00> : vector<197xf32>
    %reduce_sum3A_1561 = vector.multi_reduction <add>, %exp3A_1559, %reduce_sum3A_1560 [1] : vector<197x197xf32> to vector<197xf32>
    %broadcast_in_dim3A_1562 = vector.shape_cast %reduce_sum3A_1561 : vector<197xf32> to vector<197x1xf32>
    %div3A_1563 = vector.broadcast %broadcast_in_dim3A_1562 : vector<197x1xf32> to vector<197x197xf32>
    %div3A_1564 = arith.divf %exp3A_1559, %div3A_1563 : vector<197x197xf32>
    %dot_general3A_1565 = arith.constant dense<0.000000e+00> : vector<197x64xf32>
    %dot_general3A_1566 = tpu.matmul %div3A_1564, %slice3A_1544, %dot_general3A_1565 {dimension_numbers = #tpu.dot_dimension_numbers<[1], [0], [0], [1], [0, 0, 1, 1], [], []>, transpose_lhs_hint = false} : vector<197x197xf32>, vector<197x64xf32>, vector<197x64xf32> -> vector<197x64xf32>
    %slice3A_1567 = vector.extract_strided_slice %add3A_1516 {offsets = [0, 128], sizes = [197, 64], strides = [1, 1]} : vector<197x576xf32> to vector<197x64xf32>
    %slice3A_1568 = vector.extract_strided_slice %add3A_1516 {offsets = [0, 320], sizes = [197, 64], strides = [1, 1]} : vector<197x576xf32> to vector<197x64xf32>
    %slice3A_1569 = vector.extract_strided_slice %add3A_1516 {offsets = [0, 512], sizes = [197, 64], strides = [1, 1]} : vector<197x576xf32> to vector<197x64xf32>
    %transpose3A_1570 = tpu.transpose %slice3A_1568, [1, 0] : vector<197x64xf32> -> vector<64x197xf32>
    %dot_general3A_1571 = arith.constant dense<0.000000e+00> : vector<197x197xf32>
    %dot_general3A_1572 = tpu.matmul %slice3A_1567, %transpose3A_1570, %dot_general3A_1571 {dimension_numbers = #tpu.dot_dimension_numbers<[1], [0], [0], [1], [0, 0, 1, 1], [], []>, transpose_lhs_hint = false} : vector<197x64xf32>, vector<64x197xf32>, vector<197x197xf32> -> vector<197x197xf32>
    %mul3A_1573 = arith.constant 1.250000e-01 : f32
    %mul3A_1574 = vector.broadcast %mul3A_1573 : f32 to vector<197x197xf32>
    %mul3A_1575 = arith.mulf %dot_general3A_1572, %mul3A_1574 : vector<197x197xf32>
    %reduce_max3A_1576 = arith.constant dense<0xFF800000> : vector<197xf32>
    %reduce_max3A_1577 = vector.multi_reduction <maximumf>, %mul3A_1575, %reduce_max3A_1576 [1] : vector<197x197xf32> to vector<197xf32>
    %max3A_1578 = arith.constant 0xFF800000 : f32
    %max3A_1579 = vector.broadcast %max3A_1578 : f32 to vector<197xf32>
    %max3A_1580 = arith.maximumf %max3A_1579, %reduce_max3A_1577 : vector<197xf32>
    %broadcast_in_dim3A_1581 = vector.shape_cast %max3A_1580 : vector<197xf32> to vector<197x1xf32>
    %sub3A_1582 = vector.broadcast %broadcast_in_dim3A_1581 : vector<197x1xf32> to vector<197x197xf32>
    %sub3A_1583 = arith.subf %mul3A_1575, %sub3A_1582 : vector<197x197xf32>
    %exp3A_1584 = math.exp %sub3A_1583 : vector<197x197xf32>
    %reduce_sum3A_1585 = arith.constant dense<0.000000e+00> : vector<197xf32>
    %reduce_sum3A_1586 = vector.multi_reduction <add>, %exp3A_1584, %reduce_sum3A_1585 [1] : vector<197x197xf32> to vector<197xf32>
    %broadcast_in_dim3A_1587 = vector.shape_cast %reduce_sum3A_1586 : vector<197xf32> to vector<197x1xf32>
    %div3A_1588 = vector.broadcast %broadcast_in_dim3A_1587 : vector<197x1xf32> to vector<197x197xf32>
    %div3A_1589 = arith.divf %exp3A_1584, %div3A_1588 : vector<197x197xf32>
    %dot_general3A_1590 = arith.constant dense<0.000000e+00> : vector<197x64xf32>
    %dot_general3A_1591 = tpu.matmul %div3A_1589, %slice3A_1569, %dot_general3A_1590 {dimension_numbers = #tpu.dot_dimension_numbers<[1], [0], [0], [1], [0, 0, 1, 1], [], []>, transpose_lhs_hint = false} : vector<197x197xf32>, vector<197x64xf32>, vector<197x64xf32> -> vector<197x64xf32>
    %concatenate3A_1592 = tpu.concatenate %dot_general3A_1541, %dot_general3A_1566, %dot_general3A_1591 in 1 : vector<197x64xf32>, vector<197x64xf32>, vector<197x64xf32> -> vector<197x192xf32>
    %get3A_1593 = arith.constant 0 : index
    %get3A_1594 = arith.constant 0 : index
    %get3A_1595 = vector.load %arg7[%get3A_1593, %get3A_1594] : memref<192x192xf32, #tpu.memory_space<vmem>>, vector<192x192xf32>
    %dot_general3A_1596 = arith.constant dense<0.000000e+00> : vector<197x192xf32>
    %dot_general3A_1597 = tpu.matmul %concatenate3A_1592, %get3A_1595, %dot_general3A_1596 {dimension_numbers = #tpu.dot_dimension_numbers<[1], [0], [0], [1], [0, 0, 1, 1], [], []>, transpose_lhs_hint = false} : vector<197x192xf32>, vector<192x192xf32>, vector<197x192xf32> -> vector<197x192xf32>
    %add3A_1598 = arith.addf %add3A_1473, %dot_general3A_1597 : vector<197x192xf32>
    %get3A_1599 = arith.constant 0 : index
    %get3A_1600 = vector.load %arg8[%get3A_1599] : memref<192xf32, #tpu.memory_space<vmem>>, vector<192xf32>
    %broadcast_in_dim3A_1601 = vector.shape_cast %get3A_1600 : vector<192xf32> to vector<1x192xf32>
    %add3A_1602 = vector.broadcast %broadcast_in_dim3A_1601 : vector<1x192xf32> to vector<197x192xf32>
    %add3A_1603 = arith.addf %add3A_1598, %add3A_1602 : vector<197x192xf32>
    %swap3A_1604 = arith.constant 5 : index
    %swap3A_1605 = arith.constant 0 : index
    %swap3A_1606 = arith.constant 0 : index
    %swap3A_1607 = vector.load %arg12[%swap3A_1604, %swap3A_1605, %swap3A_1606] : memref<8x197x192xf32, #tpu.memory_space<vmem>>, vector<1x197x192xf32>
    %swap3A_1608 = vector.shape_cast %swap3A_1607 : vector<1x197x192xf32> to vector<197x192xf32>
    %swap3A_1609 = vector.shape_cast %add3A_1603 : vector<197x192xf32> to vector<1x197x192xf32>
    tpu.vector_store %arg12[%swap3A_1604, %swap3A_1605, %swap3A_1606], %swap3A_1609 {strides = array<i32>} : memref<8x197x192xf32, #tpu.memory_space<vmem>>, vector<1x197x192xf32>,
    %get3A_1610 = arith.constant 0 : index
    %get3A_1611 = vector.load %arg9[%get3A_1610] : memref<192xf32, #tpu.memory_space<vmem>>, vector<192xf32>
    %get3A_1612 = arith.constant 0 : index
    %get3A_1613 = vector.load %arg10[%get3A_1612] : memref<192xf32, #tpu.memory_space<vmem>>, vector<192xf32>
    %reduce_sum3A_1614 = arith.constant dense<0.000000e+00> : vector<197xf32>
    %reduce_sum3A_1615 = vector.multi_reduction <add>, %add3A_1603, %reduce_sum3A_1614 [1] : vector<197x192xf32> to vector<197xf32>
    %broadcast_in_dim3A_1616 = vector.shape_cast %reduce_sum3A_1615 : vector<197xf32> to vector<197x1xf32>
    %div3A_1617 = arith.constant 1.920000e+02 : f32
    %div3A_1618 = vector.broadcast %div3A_1617 : f32 to vector<197x1xf32>
    %div3A_1619 = arith.divf %broadcast_in_dim3A_1616, %div3A_1618 : vector<197x1xf32>
    %sub3A_1620 = vector.broadcast %div3A_1619 : vector<197x1xf32> to vector<197x192xf32>
    %sub3A_1621 = arith.subf %add3A_1603, %sub3A_1620 : vector<197x192xf32>
    %integer_pow3A_1622 = arith.mulf %sub3A_1621, %sub3A_1621 : vector<197x192xf32>
    %reduce_sum3A_1623 = arith.constant dense<0.000000e+00> : vector<197xf32>
    %reduce_sum3A_1624 = vector.multi_reduction <add>, %integer_pow3A_1622, %reduce_sum3A_1623 [1] : vector<197x192xf32> to vector<197xf32>
    %broadcast_in_dim3A_1625 = vector.shape_cast %reduce_sum3A_1624 : vector<197xf32> to vector<197x1xf32>
    %div3A_1626 = arith.constant 1.920000e+02 : f32
    %div3A_1627 = vector.broadcast %div3A_1626 : f32 to vector<197x1xf32>
    %div3A_1628 = arith.divf %broadcast_in_dim3A_1625, %div3A_1627 : vector<197x1xf32>
    %sub3A_1629 = vector.broadcast %div3A_1619 : vector<197x1xf32> to vector<197x192xf32>
    %sub3A_1630 = arith.subf %add3A_1603, %sub3A_1629 : vector<197x192xf32>
    %add3A_1631 = arith.constant 9.99999997E-7 : f32
    %add3A_1632 = vector.broadcast %add3A_1631 : f32 to vector<197x1xf32>
    %add3A_1633 = arith.addf %div3A_1628, %add3A_1632 : vector<197x1xf32>
    %sqrt3A_1634 = math.sqrt %add3A_1633 : vector<197x1xf32>
    %div3A_1635 = vector.broadcast %sqrt3A_1634 : vector<197x1xf32> to vector<197x192xf32>
    %div3A_1636 = arith.divf %sub3A_1630, %div3A_1635 : vector<197x192xf32>
    %broadcast_in_dim3A_1637 = vector.shape_cast %get3A_1611 : vector<192xf32> to vector<1x192xf32>
    %mul3A_1638 = vector.broadcast %broadcast_in_dim3A_1637 : vector<1x192xf32> to vector<197x192xf32>
    %mul3A_1639 = arith.mulf %div3A_1636, %mul3A_1638 : vector<197x192xf32>
    %broadcast_in_dim3A_1640 = vector.shape_cast %get3A_1613 : vector<192xf32> to vector<1x192xf32>
    %add3A_1641 = vector.broadcast %broadcast_in_dim3A_1640 : vector<1x192xf32> to vector<197x192xf32>
    %add3A_1642 = arith.addf %mul3A_1639, %add3A_1641 : vector<197x192xf32>
    %swap3A_1643 = arith.constant 5 : index
    %swap3A_1644 = arith.constant 0 : index
    %swap3A_1645 = arith.constant 0 : index
    %swap3A_1646 = vector.load %arg13[%swap3A_1643, %swap3A_1644, %swap3A_1645] : memref<8x256x192xf32, #tpu.memory_space<vmem>>, vector<1x197x192xf32>
    %swap3A_1647 = vector.shape_cast %swap3A_1646 : vector<1x197x192xf32> to vector<197x192xf32>
    %swap3A_1648 = vector.shape_cast %add3A_1642 : vector<197x192xf32> to vector<1x197x192xf32>
    tpu.vector_store %arg13[%swap3A_1643, %swap3A_1644, %swap3A_1645], %swap3A_1648 {strides = array<i32>} : memref<8x256x192xf32, #tpu.memory_space<vmem>>, vector<1x197x192xf32>,
    %get3A_1649 = arith.constant 0 : index
    %get3A_1650 = arith.constant 0 : index
    %get3A_1651 = vector.load %arg11[%get3A_1649, %get3A_1650] : memref<192x16xf32, #tpu.memory_space<vmem>>, vector<192x16xf32>
    %dot_general3A_1652 = arith.constant dense<0.000000e+00> : vector<197x16xf32>
    %dot_general3A_1653 = tpu.matmul %add3A_1642, %get3A_1651, %dot_general3A_1652 {dimension_numbers = #tpu.dot_dimension_numbers<[1], [0], [0], [1], [0, 0, 1, 1], [], []>, transpose_lhs_hint = false} : vector<197x192xf32>, vector<192x16xf32>, vector<197x16xf32> -> vector<197x16xf32>
    %reduce_max3A_1654 = arith.constant dense<0xFF800000> : vector<197xf32>
    %reduce_max3A_1655 = vector.multi_reduction <maximumf>, %dot_general3A_1653, %reduce_max3A_1654 [1] : vector<197x16xf32> to vector<197xf32>
    %max3A_1656 = arith.constant 0xFF800000 : f32
    %max3A_1657 = vector.broadcast %max3A_1656 : f32 to vector<197xf32>
    %max3A_1658 = arith.maximumf %max3A_1657, %reduce_max3A_1655 : vector<197xf32>
    %broadcast_in_dim3A_1659 = vector.shape_cast %max3A_1658 : vector<197xf32> to vector<197x1xf32>
    %sub3A_1660 = vector.broadcast %broadcast_in_dim3A_1659 : vector<197x1xf32> to vector<197x16xf32>
    %sub3A_1661 = arith.subf %dot_general3A_1653, %sub3A_1660 : vector<197x16xf32>
    %exp3A_1662 = math.exp %sub3A_1661 : vector<197x16xf32>
    %reduce_sum3A_1663 = arith.constant dense<0.000000e+00> : vector<197xf32>
    %reduce_sum3A_1664 = vector.multi_reduction <add>, %exp3A_1662, %reduce_sum3A_1663 [1] : vector<197x16xf32> to vector<197xf32>
    %broadcast_in_dim3A_1665 = vector.shape_cast %reduce_sum3A_1664 : vector<197xf32> to vector<197x1xf32>
    %div3A_1666 = vector.broadcast %broadcast_in_dim3A_1665 : vector<197x1xf32> to vector<197x16xf32>
    %div3A_1667 = arith.divf %exp3A_1662, %div3A_1666 : vector<197x16xf32>
    %reduce_max3A_1668 = arith.constant dense<0xFF800000> : vector<197xf32>
    %reduce_max3A_1669 = vector.multi_reduction <maximumf>, %div3A_1667, %reduce_max3A_1668 [1] : vector<197x16xf32> to vector<197xf32>
    %broadcast_in_dim3A_1670 = vector.shape_cast %reduce_max3A_1669 : vector<197xf32> to vector<197x1xf32>
    %eq3A_1671 = vector.broadcast %broadcast_in_dim3A_1670 : vector<197x1xf32> to vector<197x16xf32>
    %eq3A_1672 = arith.cmpf oeq, %div3A_1667, %eq3A_1671 : vector<197x16xf32>
    %jit3A_1673 = arith.constant 1.000000e+09 : f32
    %broadcast_in_dim3A_1674 = vector.broadcast %jit3A_1673 : f32 to vector<197x16xf32>
    %select_n3A_1675 = arith.select %eq3A_1672, %convert_element_type3A, %broadcast_in_dim3A_1674 : vector<197x16xi1>, vector<197x16xf32>
    %reduce_min3A_1676 = arith.constant dense<0x7F800000> : vector<197xf32>
    %reduce_min3A_1677 = vector.multi_reduction <minimumf>, %select_n3A_1675, %reduce_min3A_1676 [1] : vector<197x16xf32> to vector<197xf32>
    %broadcast_in_dim3A_1678 = vector.shape_cast %reduce_min3A_1677 : vector<197xf32> to vector<197x1xf32>
    %eq3A_1679 = vector.broadcast %broadcast_in_dim3A_1678 : vector<197x1xf32> to vector<197x16xf32>
    %eq3A_1680 = arith.cmpf oeq, %convert_element_type3A, %eq3A_1679 : vector<197x16xf32>
    %convert_element_type3A_1681 = arith.extui %eq3A_1680 : vector<197x16xi1> to vector<197x16xi32>
    %convert_element_type3A_1682 = arith.sitofp %convert_element_type3A_1681 : vector<197x16xi32> to vector<197x16xf32>
    %dot_general3A_1683 = arith.constant dense<0.000000e+00> : vector<197x16xf32>
    %dot_general3A_1684 = tpu.matmul %convert_element_type3A_3, %convert_element_type3A_1682, %dot_general3A_1683 {dimension_numbers = #tpu.dot_dimension_numbers<[1], [0], [0], [1], [0, 0, 1, 1], [], []>, transpose_lhs_hint = false} : vector<197x197xf32>, vector<197x16xf32>, vector<197x16xf32> -> vector<197x16xf32>
    %broadcast_in_dim3A_1685 = vector.shape_cast %add3A_1443 : vector<16xf32> to vector<1x16xf32>
    %add3A_1686 = vector.broadcast %broadcast_in_dim3A_1685 : vector<1x16xf32> to vector<197x16xf32>
    %add3A_1687 = arith.addf %dot_general3A_1684, %add3A_1686 : vector<197x16xf32>
    %mul3A_1688 = arith.mulf %add3A_1687, %convert_element_type3A_1682 : vector<197x16xf32>
    %reduce_sum3A_1689 = arith.constant dense<0.000000e+00> : vector<197xf32>
    %reduce_sum3A_1690 = vector.multi_reduction <add>, %mul3A_1688, %reduce_sum3A_1689 [1] : vector<197x16xf32> to vector<197xf32>
    %lt3A_1691 = arith.constant 1.970000e+02 : f32
    %lt3A_1692 = vector.broadcast %lt3A_1691 : f32 to vector<197xf32>
    %lt3A_1693 = arith.cmpf olt, %reduce_sum3A_1690, %lt3A_1692 : vector<197xf32>
    %convert_element_type3A_1694 = arith.extui %lt3A_1693 : vector<197xi1> to vector<197xi32>
    %convert_element_type3A_1695 = arith.sitofp %convert_element_type3A_1694 : vector<197xi32> to vector<197xf32>
    %min3A_1696 = arith.constant 2.550000e+02 : f32
    %min3A_1697 = vector.broadcast %min3A_1696 : f32 to vector<197xf32>
    %min3A_1698 = arith.minimumf %reduce_sum3A_1690, %min3A_1697 : vector<197xf32>
    %mul3A_1699 = arith.constant 2.560000e+02 : f32
    %mul3A_1700 = vector.broadcast %mul3A_1699 : f32 to vector<197xf32>
    %mul3A_1701 = arith.mulf %reduce_min3A_1677, %mul3A_1700 : vector<197xf32>
    %add3A_1702 = arith.addf %mul3A_1701, %min3A_1698 : vector<197xf32>
    %convert_element_type3A_1703 = arith.fptosi %add3A_1702 : vector<197xf32> to vector<197xi32>
    %mul3A_1704 = arith.mulf %reduce_max3A_1669, %convert_element_type3A_1695 : vector<197xf32>
    %broadcast_in_dim3A_1705 = arith.constant 255 : i32
    %broadcast_in_dim3A_1706 = vector.broadcast %broadcast_in_dim3A_1705 : i32 to vector<59xi32>
    %concatenate3A_1707 = tpu.concatenate %convert_element_type3A_1703, %broadcast_in_dim3A_1706 in 0 : vector<197xi32>, vector<59xi32> -> vector<256xi32>
    %broadcast_in_dim3A_1708 = arith.constant 0.000000e+00 : f32
    %broadcast_in_dim3A_1709 = vector.broadcast %broadcast_in_dim3A_1708 : f32 to vector<59xf32>
    %concatenate3A_1710 = tpu.concatenate %mul3A_1704, %broadcast_in_dim3A_1709 in 0 : vector<197xf32>, vector<59xf32> -> vector<256xf32>
    %lt3A_1711 = arith.constant 197 : i32
    %lt3A_1712 = vector.broadcast %lt3A_1711 : i32 to vector<256xi32>
    %lt3A_1713 = arith.cmpi slt, %iota3A_5, %lt3A_1712 : vector<256xi32>
    %jit3A_1714 = arith.constant 255 : i32
    %broadcast_in_dim3A_1715 = vector.broadcast %jit3A_1714 : i32 to vector<256xi32>
    %select_n3A_1716 = arith.select %lt3A_1713, %concatenate3A_1707, %broadcast_in_dim3A_1715 : vector<256xi1>, vector<256xi32>
    %swap3A_1717 = arith.constant 5 : index
    %swap3A_1718 = arith.constant 0 : index
    %swap3A_1719 = vector.load %arg14[%swap3A_1717, %swap3A_1718] : memref<8x256xi32, #tpu.memory_space<vmem>>, vector<1x256xi32>
    %swap3A_1720 = vector.shape_cast %swap3A_1719 : vector<1x256xi32> to vector<256xi32>
    %swap3A_1721 = vector.shape_cast %select_n3A_1716 : vector<256xi32> to vector<1x256xi32>
    tpu.vector_store %arg14[%swap3A_1717, %swap3A_1718], %swap3A_1721 {strides = array<i32>} : memref<8x256xi32, #tpu.memory_space<vmem>>, vector<1x256xi32>,
    %lt3A_1722 = arith.constant 197 : i32
    %lt3A_1723 = vector.broadcast %lt3A_1722 : i32 to vector<256xi32>
    %lt3A_1724 = arith.cmpi slt, %iota3A_5, %lt3A_1723 : vector<256xi32>
    %jit3A_1725 = arith.constant 0.000000e+00 : f32
    %broadcast_in_dim3A_1726 = vector.broadcast %jit3A_1725 : f32 to vector<256xf32>
    %select_n3A_1727 = arith.select %lt3A_1724, %concatenate3A_1710, %broadcast_in_dim3A_1726 : vector<256xi1>, vector<256xf32>
    %swap3A_1728 = arith.constant 5 : index
    %swap3A_1729 = arith.constant 0 : index
    %swap3A_1730 = vector.load %arg15[%swap3A_1728, %swap3A_1729] : memref<8x256xf32, #tpu.memory_space<vmem>>, vector<1x256xf32>
    %swap3A_1731 = vector.shape_cast %swap3A_1730 : vector<1x256xf32> to vector<256xf32>
    %swap3A_1732 = vector.shape_cast %select_n3A_1727 : vector<256xf32> to vector<1x256xf32>
    tpu.vector_store %arg15[%swap3A_1728, %swap3A_1729], %swap3A_1732 {strides = array<i32>} : memref<8x256xf32, #tpu.memory_space<vmem>>, vector<1x256xf32>,
    %reduce_sum3A_1733 = arith.constant dense<0.000000e+00> : vector<16xf32>
    %reduce_sum3A_1734 = vector.multi_reduction <add>, %convert_element_type3A_1682, %reduce_sum3A_1733 [0] : vector<197x16xf32> to vector<16xf32>
    %add3A_1735 = arith.addf %add3A_1443, %reduce_sum3A_1734 : vector<16xf32>
    %reduce_sum3A_1736 = arith.constant dense<0.000000e+00> : vector<16xf32>
    %reduce_sum3A_1737 = vector.multi_reduction <add>, %div3A_1667, %reduce_sum3A_1736 [0] : vector<197x16xf32> to vector<16xf32>
    %add3A_1738 = arith.addf %add3A_1446, %reduce_sum3A_1737 : vector<16xf32>
    %get3A_1739 = arith.constant 6 : index
    %get3A_1740 = arith.constant 0 : index
    %get3A_1741 = vector.load %arg2[%get3A_1739, %get3A_1740] : memref<8x256xf32, #tpu.memory_space<vmem>>, vector<1x256xf32>
    %get3A_1742 = vector.shape_cast %get3A_1741 : vector<1x256xf32> to vector<256xf32>
    %slice3A_1743 = vector.extract_strided_slice %get3A_1742 {offsets = [0], sizes = [197], strides = [1]} : vector<256xf32> to vector<197xf32>
    %broadcast_in_dim3A_1744 = vector.shape_cast %slice3A_1743 : vector<197xf32> to vector<197x1xf32>
    %get3A_1745 = arith.constant 6 : index
    %get3A_1746 = arith.constant 0 : index
    %get3A_1747 = arith.constant 0 : index
    %get3A_1748 = vector.load %arg0[%get3A_1745, %get3A_1746, %get3A_1747] : memref<8x197x192xf32, #tpu.memory_space<vmem>>, vector<1x197x192xf32>
    %get3A_1749 = vector.shape_cast %get3A_1748 : vector<1x197x192xf32> to vector<197x192xf32>
    %gt3A_1750 = arith.constant 0.000000e+00 : f32
    %gt3A_1751 = vector.broadcast %gt3A_1750 : f32 to vector<197x1xf32>
    %gt3A_1752 = arith.cmpf ogt, %broadcast_in_dim3A_1744, %gt3A_1751 : vector<197x1xf32>
    %get3A_1753 = arith.constant 6 : index
    %get3A_1754 = arith.constant 0 : index
    %get3A_1755 = arith.constant 0 : index
    %get3A_1756 = vector.load %arg1[%get3A_1753, %get3A_1754, %get3A_1755] : memref<8x256x192xf32, #tpu.memory_space<vmem>>, vector<1x197x192xf32>
    %get3A_1757 = vector.shape_cast %get3A_1756 : vector<1x197x192xf32> to vector<197x192xf32>
    %mul3A_1758 = vector.broadcast %broadcast_in_dim3A_1744 : vector<197x1xf32> to vector<197x192xf32>
    %mul3A_1759 = arith.mulf %get3A_1757, %mul3A_1758 : vector<197x192xf32>
    %jit3A_1760 = arith.constant 0.000000e+00 : f32
    %broadcast_in_dim3A_1761 = vector.shape_cast %gt3A_1752 : vector<197x1xi1> to vector<197x1xi1>
    %broadcast_in_dim3A_1762 = vector.broadcast %broadcast_in_dim3A_1761 : vector<197x1xi1> to vector<197x192xi1>
    %broadcast_in_dim3A_1763 = vector.broadcast %jit3A_1760 : f32 to vector<197x192xf32>
    %select_n3A_1764 = arith.select %broadcast_in_dim3A_1762, %mul3A_1759, %broadcast_in_dim3A_1763 : vector<197x192xi1>, vector<197x192xf32>
    %add3A_1765 = arith.addf %get3A_1749, %select_n3A_1764 : vector<197x192xf32>
    %get3A_1766 = arith.constant 0 : index
    %get3A_1767 = vector.load %arg3[%get3A_1766] : memref<192xf32, #tpu.memory_space<vmem>>, vector<192xf32>
    %get3A_1768 = arith.constant 0 : index
    %get3A_1769 = vector.load %arg4[%get3A_1768] : memref<192xf32, #tpu.memory_space<vmem>>, vector<192xf32>
    %reduce_sum3A_1770 = arith.constant dense<0.000000e+00> : vector<197xf32>
    %reduce_sum3A_1771 = vector.multi_reduction <add>, %add3A_1765, %reduce_sum3A_1770 [1] : vector<197x192xf32> to vector<197xf32>
    %broadcast_in_dim3A_1772 = vector.shape_cast %reduce_sum3A_1771 : vector<197xf32> to vector<197x1xf32>
    %div3A_1773 = arith.constant 1.920000e+02 : f32
    %div3A_1774 = vector.broadcast %div3A_1773 : f32 to vector<197x1xf32>
    %div3A_1775 = arith.divf %broadcast_in_dim3A_1772, %div3A_1774 : vector<197x1xf32>
    %sub3A_1776 = vector.broadcast %div3A_1775 : vector<197x1xf32> to vector<197x192xf32>
    %sub3A_1777 = arith.subf %add3A_1765, %sub3A_1776 : vector<197x192xf32>
    %integer_pow3A_1778 = arith.mulf %sub3A_1777, %sub3A_1777 : vector<197x192xf32>
    %reduce_sum3A_1779 = arith.constant dense<0.000000e+00> : vector<197xf32>
    %reduce_sum3A_1780 = vector.multi_reduction <add>, %integer_pow3A_1778, %reduce_sum3A_1779 [1] : vector<197x192xf32> to vector<197xf32>
    %broadcast_in_dim3A_1781 = vector.shape_cast %reduce_sum3A_1780 : vector<197xf32> to vector<197x1xf32>
    %div3A_1782 = arith.constant 1.920000e+02 : f32
    %div3A_1783 = vector.broadcast %div3A_1782 : f32 to vector<197x1xf32>
    %div3A_1784 = arith.divf %broadcast_in_dim3A_1781, %div3A_1783 : vector<197x1xf32>
    %sub3A_1785 = vector.broadcast %div3A_1775 : vector<197x1xf32> to vector<197x192xf32>
    %sub3A_1786 = arith.subf %add3A_1765, %sub3A_1785 : vector<197x192xf32>
    %add3A_1787 = arith.constant 9.99999997E-7 : f32
    %add3A_1788 = vector.broadcast %add3A_1787 : f32 to vector<197x1xf32>
    %add3A_1789 = arith.addf %div3A_1784, %add3A_1788 : vector<197x1xf32>
    %sqrt3A_1790 = math.sqrt %add3A_1789 : vector<197x1xf32>
    %div3A_1791 = vector.broadcast %sqrt3A_1790 : vector<197x1xf32> to vector<197x192xf32>
    %div3A_1792 = arith.divf %sub3A_1786, %div3A_1791 : vector<197x192xf32>
    %broadcast_in_dim3A_1793 = vector.shape_cast %get3A_1767 : vector<192xf32> to vector<1x192xf32>
    %mul3A_1794 = vector.broadcast %broadcast_in_dim3A_1793 : vector<1x192xf32> to vector<197x192xf32>
    %mul3A_1795 = arith.mulf %div3A_1792, %mul3A_1794 : vector<197x192xf32>
    %broadcast_in_dim3A_1796 = vector.shape_cast %get3A_1769 : vector<192xf32> to vector<1x192xf32>
    %add3A_1797 = vector.broadcast %broadcast_in_dim3A_1796 : vector<1x192xf32> to vector<197x192xf32>
    %add3A_1798 = arith.addf %mul3A_1795, %add3A_1797 : vector<197x192xf32>
    %get3A_1799 = arith.constant 0 : index
    %get3A_1800 = arith.constant 0 : index
    %get3A_1801 = vector.load %arg5[%get3A_1799, %get3A_1800] : memref<192x576xf32, #tpu.memory_space<vmem>>, vector<192x576xf32>
    %dot_general3A_1802 = arith.constant dense<0.000000e+00> : vector<197x576xf32>
    %dot_general3A_1803 = tpu.matmul %add3A_1798, %get3A_1801, %dot_general3A_1802 {dimension_numbers = #tpu.dot_dimension_numbers<[1], [0], [0], [1], [0, 0, 1, 1], [], []>, transpose_lhs_hint = false} : vector<197x192xf32>, vector<192x576xf32>, vector<197x576xf32> -> vector<197x576xf32>
    %get3A_1804 = arith.constant 0 : index
    %get3A_1805 = vector.load %arg6[%get3A_1804] : memref<576xf32, #tpu.memory_space<vmem>>, vector<576xf32>
    %broadcast_in_dim3A_1806 = vector.shape_cast %get3A_1805 : vector<576xf32> to vector<1x576xf32>
    %add3A_1807 = vector.broadcast %broadcast_in_dim3A_1806 : vector<1x576xf32> to vector<197x576xf32>
    %add3A_1808 = arith.addf %dot_general3A_1803, %add3A_1807 : vector<197x576xf32>
    %slice3A_1809 = vector.extract_strided_slice %add3A_1808 {offsets = [0, 0], sizes = [197, 64], strides = [1, 1]} : vector<197x576xf32> to vector<197x64xf32>
    %slice3A_1810 = vector.extract_strided_slice %add3A_1808 {offsets = [0, 192], sizes = [197, 64], strides = [1, 1]} : vector<197x576xf32> to vector<197x64xf32>
    %slice3A_1811 = vector.extract_strided_slice %add3A_1808 {offsets = [0, 384], sizes = [197, 64], strides = [1, 1]} : vector<197x576xf32> to vector<197x64xf32>
    %transpose3A_1812 = tpu.transpose %slice3A_1810, [1, 0] : vector<197x64xf32> -> vector<64x197xf32>
    %dot_general3A_1813 = arith.constant dense<0.000000e+00> : vector<197x197xf32>
    %dot_general3A_1814 = tpu.matmul %slice3A_1809, %transpose3A_1812, %dot_general3A_1813 {dimension_numbers = #tpu.dot_dimension_numbers<[1], [0], [0], [1], [0, 0, 1, 1], [], []>, transpose_lhs_hint = false} : vector<197x64xf32>, vector<64x197xf32>, vector<197x197xf32> -> vector<197x197xf32>
    %mul3A_1815 = arith.constant 1.250000e-01 : f32
    %mul3A_1816 = vector.broadcast %mul3A_1815 : f32 to vector<197x197xf32>
    %mul3A_1817 = arith.mulf %dot_general3A_1814, %mul3A_1816 : vector<197x197xf32>
    %reduce_max3A_1818 = arith.constant dense<0xFF800000> : vector<197xf32>
    %reduce_max3A_1819 = vector.multi_reduction <maximumf>, %mul3A_1817, %reduce_max3A_1818 [1] : vector<197x197xf32> to vector<197xf32>
    %max3A_1820 = arith.constant 0xFF800000 : f32
    %max3A_1821 = vector.broadcast %max3A_1820 : f32 to vector<197xf32>
    %max3A_1822 = arith.maximumf %max3A_1821, %reduce_max3A_1819 : vector<197xf32>
    %broadcast_in_dim3A_1823 = vector.shape_cast %max3A_1822 : vector<197xf32> to vector<197x1xf32>
    %sub3A_1824 = vector.broadcast %broadcast_in_dim3A_1823 : vector<197x1xf32> to vector<197x197xf32>
    %sub3A_1825 = arith.subf %mul3A_1817, %sub3A_1824 : vector<197x197xf32>
    %exp3A_1826 = math.exp %sub3A_1825 : vector<197x197xf32>
    %reduce_sum3A_1827 = arith.constant dense<0.000000e+00> : vector<197xf32>
    %reduce_sum3A_1828 = vector.multi_reduction <add>, %exp3A_1826, %reduce_sum3A_1827 [1] : vector<197x197xf32> to vector<197xf32>
    %broadcast_in_dim3A_1829 = vector.shape_cast %reduce_sum3A_1828 : vector<197xf32> to vector<197x1xf32>
    %div3A_1830 = vector.broadcast %broadcast_in_dim3A_1829 : vector<197x1xf32> to vector<197x197xf32>
    %div3A_1831 = arith.divf %exp3A_1826, %div3A_1830 : vector<197x197xf32>
    %dot_general3A_1832 = arith.constant dense<0.000000e+00> : vector<197x64xf32>
    %dot_general3A_1833 = tpu.matmul %div3A_1831, %slice3A_1811, %dot_general3A_1832 {dimension_numbers = #tpu.dot_dimension_numbers<[1], [0], [0], [1], [0, 0, 1, 1], [], []>, transpose_lhs_hint = false} : vector<197x197xf32>, vector<197x64xf32>, vector<197x64xf32> -> vector<197x64xf32>
    %slice3A_1834 = vector.extract_strided_slice %add3A_1808 {offsets = [0, 64], sizes = [197, 64], strides = [1, 1]} : vector<197x576xf32> to vector<197x64xf32>
    %slice3A_1835 = vector.extract_strided_slice %add3A_1808 {offsets = [0, 256], sizes = [197, 64], strides = [1, 1]} : vector<197x576xf32> to vector<197x64xf32>
    %slice3A_1836 = vector.extract_strided_slice %add3A_1808 {offsets = [0, 448], sizes = [197, 64], strides = [1, 1]} : vector<197x576xf32> to vector<197x64xf32>
    %transpose3A_1837 = tpu.transpose %slice3A_1835, [1, 0] : vector<197x64xf32> -> vector<64x197xf32>
    %dot_general3A_1838 = arith.constant dense<0.000000e+00> : vector<197x197xf32>
    %dot_general3A_1839 = tpu.matmul %slice3A_1834, %transpose3A_1837, %dot_general3A_1838 {dimension_numbers = #tpu.dot_dimension_numbers<[1], [0], [0], [1], [0, 0, 1, 1], [], []>, transpose_lhs_hint = false} : vector<197x64xf32>, vector<64x197xf32>, vector<197x197xf32> -> vector<197x197xf32>
    %mul3A_1840 = arith.constant 1.250000e-01 : f32
    %mul3A_1841 = vector.broadcast %mul3A_1840 : f32 to vector<197x197xf32>
    %mul3A_1842 = arith.mulf %dot_general3A_1839, %mul3A_1841 : vector<197x197xf32>
    %reduce_max3A_1843 = arith.constant dense<0xFF800000> : vector<197xf32>
    %reduce_max3A_1844 = vector.multi_reduction <maximumf>, %mul3A_1842, %reduce_max3A_1843 [1] : vector<197x197xf32> to vector<197xf32>
    %max3A_1845 = arith.constant 0xFF800000 : f32
    %max3A_1846 = vector.broadcast %max3A_1845 : f32 to vector<197xf32>
    %max3A_1847 = arith.maximumf %max3A_1846, %reduce_max3A_1844 : vector<197xf32>
    %broadcast_in_dim3A_1848 = vector.shape_cast %max3A_1847 : vector<197xf32> to vector<197x1xf32>
    %sub3A_1849 = vector.broadcast %broadcast_in_dim3A_1848 : vector<197x1xf32> to vector<197x197xf32>
    %sub3A_1850 = arith.subf %mul3A_1842, %sub3A_1849 : vector<197x197xf32>
    %exp3A_1851 = math.exp %sub3A_1850 : vector<197x197xf32>
    %reduce_sum3A_1852 = arith.constant dense<0.000000e+00> : vector<197xf32>
    %reduce_sum3A_1853 = vector.multi_reduction <add>, %exp3A_1851, %reduce_sum3A_1852 [1] : vector<197x197xf32> to vector<197xf32>
    %broadcast_in_dim3A_1854 = vector.shape_cast %reduce_sum3A_1853 : vector<197xf32> to vector<197x1xf32>
    %div3A_1855 = vector.broadcast %broadcast_in_dim3A_1854 : vector<197x1xf32> to vector<197x197xf32>
    %div3A_1856 = arith.divf %exp3A_1851, %div3A_1855 : vector<197x197xf32>
    %dot_general3A_1857 = arith.constant dense<0.000000e+00> : vector<197x64xf32>
    %dot_general3A_1858 = tpu.matmul %div3A_1856, %slice3A_1836, %dot_general3A_1857 {dimension_numbers = #tpu.dot_dimension_numbers<[1], [0], [0], [1], [0, 0, 1, 1], [], []>, transpose_lhs_hint = false} : vector<197x197xf32>, vector<197x64xf32>, vector<197x64xf32> -> vector<197x64xf32>
    %slice3A_1859 = vector.extract_strided_slice %add3A_1808 {offsets = [0, 128], sizes = [197, 64], strides = [1, 1]} : vector<197x576xf32> to vector<197x64xf32>
    %slice3A_1860 = vector.extract_strided_slice %add3A_1808 {offsets = [0, 320], sizes = [197, 64], strides = [1, 1]} : vector<197x576xf32> to vector<197x64xf32>
    %slice3A_1861 = vector.extract_strided_slice %add3A_1808 {offsets = [0, 512], sizes = [197, 64], strides = [1, 1]} : vector<197x576xf32> to vector<197x64xf32>
    %transpose3A_1862 = tpu.transpose %slice3A_1860, [1, 0] : vector<197x64xf32> -> vector<64x197xf32>
    %dot_general3A_1863 = arith.constant dense<0.000000e+00> : vector<197x197xf32>
    %dot_general3A_1864 = tpu.matmul %slice3A_1859, %transpose3A_1862, %dot_general3A_1863 {dimension_numbers = #tpu.dot_dimension_numbers<[1], [0], [0], [1], [0, 0, 1, 1], [], []>, transpose_lhs_hint = false} : vector<197x64xf32>, vector<64x197xf32>, vector<197x197xf32> -> vector<197x197xf32>
    %mul3A_1865 = arith.constant 1.250000e-01 : f32
    %mul3A_1866 = vector.broadcast %mul3A_1865 : f32 to vector<197x197xf32>
    %mul3A_1867 = arith.mulf %dot_general3A_1864, %mul3A_1866 : vector<197x197xf32>
    %reduce_max3A_1868 = arith.constant dense<0xFF800000> : vector<197xf32>
    %reduce_max3A_1869 = vector.multi_reduction <maximumf>, %mul3A_1867, %reduce_max3A_1868 [1] : vector<197x197xf32> to vector<197xf32>
    %max3A_1870 = arith.constant 0xFF800000 : f32
    %max3A_1871 = vector.broadcast %max3A_1870 : f32 to vector<197xf32>
    %max3A_1872 = arith.maximumf %max3A_1871, %reduce_max3A_1869 : vector<197xf32>
    %broadcast_in_dim3A_1873 = vector.shape_cast %max3A_1872 : vector<197xf32> to vector<197x1xf32>
    %sub3A_1874 = vector.broadcast %broadcast_in_dim3A_1873 : vector<197x1xf32> to vector<197x197xf32>
    %sub3A_1875 = arith.subf %mul3A_1867, %sub3A_1874 : vector<197x197xf32>
    %exp3A_1876 = math.exp %sub3A_1875 : vector<197x197xf32>
    %reduce_sum3A_1877 = arith.constant dense<0.000000e+00> : vector<197xf32>
    %reduce_sum3A_1878 = vector.multi_reduction <add>, %exp3A_1876, %reduce_sum3A_1877 [1] : vector<197x197xf32> to vector<197xf32>
    %broadcast_in_dim3A_1879 = vector.shape_cast %reduce_sum3A_1878 : vector<197xf32> to vector<197x1xf32>
    %div3A_1880 = vector.broadcast %broadcast_in_dim3A_1879 : vector<197x1xf32> to vector<197x197xf32>
    %div3A_1881 = arith.divf %exp3A_1876, %div3A_1880 : vector<197x197xf32>
    %dot_general3A_1882 = arith.constant dense<0.000000e+00> : vector<197x64xf32>
    %dot_general3A_1883 = tpu.matmul %div3A_1881, %slice3A_1861, %dot_general3A_1882 {dimension_numbers = #tpu.dot_dimension_numbers<[1], [0], [0], [1], [0, 0, 1, 1], [], []>, transpose_lhs_hint = false} : vector<197x197xf32>, vector<197x64xf32>, vector<197x64xf32> -> vector<197x64xf32>
    %concatenate3A_1884 = tpu.concatenate %dot_general3A_1833, %dot_general3A_1858, %dot_general3A_1883 in 1 : vector<197x64xf32>, vector<197x64xf32>, vector<197x64xf32> -> vector<197x192xf32>
    %get3A_1885 = arith.constant 0 : index
    %get3A_1886 = arith.constant 0 : index
    %get3A_1887 = vector.load %arg7[%get3A_1885, %get3A_1886] : memref<192x192xf32, #tpu.memory_space<vmem>>, vector<192x192xf32>
    %dot_general3A_1888 = arith.constant dense<0.000000e+00> : vector<197x192xf32>
    %dot_general3A_1889 = tpu.matmul %concatenate3A_1884, %get3A_1887, %dot_general3A_1888 {dimension_numbers = #tpu.dot_dimension_numbers<[1], [0], [0], [1], [0, 0, 1, 1], [], []>, transpose_lhs_hint = false} : vector<197x192xf32>, vector<192x192xf32>, vector<197x192xf32> -> vector<197x192xf32>
    %add3A_1890 = arith.addf %add3A_1765, %dot_general3A_1889 : vector<197x192xf32>
    %get3A_1891 = arith.constant 0 : index
    %get3A_1892 = vector.load %arg8[%get3A_1891] : memref<192xf32, #tpu.memory_space<vmem>>, vector<192xf32>
    %broadcast_in_dim3A_1893 = vector.shape_cast %get3A_1892 : vector<192xf32> to vector<1x192xf32>
    %add3A_1894 = vector.broadcast %broadcast_in_dim3A_1893 : vector<1x192xf32> to vector<197x192xf32>
    %add3A_1895 = arith.addf %add3A_1890, %add3A_1894 : vector<197x192xf32>
    %swap3A_1896 = arith.constant 6 : index
    %swap3A_1897 = arith.constant 0 : index
    %swap3A_1898 = arith.constant 0 : index
    %swap3A_1899 = vector.load %arg12[%swap3A_1896, %swap3A_1897, %swap3A_1898] : memref<8x197x192xf32, #tpu.memory_space<vmem>>, vector<1x197x192xf32>
    %swap3A_1900 = vector.shape_cast %swap3A_1899 : vector<1x197x192xf32> to vector<197x192xf32>
    %swap3A_1901 = vector.shape_cast %add3A_1895 : vector<197x192xf32> to vector<1x197x192xf32>
    tpu.vector_store %arg12[%swap3A_1896, %swap3A_1897, %swap3A_1898], %swap3A_1901 {strides = array<i32>} : memref<8x197x192xf32, #tpu.memory_space<vmem>>, vector<1x197x192xf32>,
    %get3A_1902 = arith.constant 0 : index
    %get3A_1903 = vector.load %arg9[%get3A_1902] : memref<192xf32, #tpu.memory_space<vmem>>, vector<192xf32>
    %get3A_1904 = arith.constant 0 : index
    %get3A_1905 = vector.load %arg10[%get3A_1904] : memref<192xf32, #tpu.memory_space<vmem>>, vector<192xf32>
    %reduce_sum3A_1906 = arith.constant dense<0.000000e+00> : vector<197xf32>
    %reduce_sum3A_1907 = vector.multi_reduction <add>, %add3A_1895, %reduce_sum3A_1906 [1] : vector<197x192xf32> to vector<197xf32>
    %broadcast_in_dim3A_1908 = vector.shape_cast %reduce_sum3A_1907 : vector<197xf32> to vector<197x1xf32>
    %div3A_1909 = arith.constant 1.920000e+02 : f32
    %div3A_1910 = vector.broadcast %div3A_1909 : f32 to vector<197x1xf32>
    %div3A_1911 = arith.divf %broadcast_in_dim3A_1908, %div3A_1910 : vector<197x1xf32>
    %sub3A_1912 = vector.broadcast %div3A_1911 : vector<197x1xf32> to vector<197x192xf32>
    %sub3A_1913 = arith.subf %add3A_1895, %sub3A_1912 : vector<197x192xf32>
    %integer_pow3A_1914 = arith.mulf %sub3A_1913, %sub3A_1913 : vector<197x192xf32>
    %reduce_sum3A_1915 = arith.constant dense<0.000000e+00> : vector<197xf32>
    %reduce_sum3A_1916 = vector.multi_reduction <add>, %integer_pow3A_1914, %reduce_sum3A_1915 [1] : vector<197x192xf32> to vector<197xf32>
    %broadcast_in_dim3A_1917 = vector.shape_cast %reduce_sum3A_1916 : vector<197xf32> to vector<197x1xf32>
    %div3A_1918 = arith.constant 1.920000e+02 : f32
    %div3A_1919 = vector.broadcast %div3A_1918 : f32 to vector<197x1xf32>
    %div3A_1920 = arith.divf %broadcast_in_dim3A_1917, %div3A_1919 : vector<197x1xf32>
    %sub3A_1921 = vector.broadcast %div3A_1911 : vector<197x1xf32> to vector<197x192xf32>
    %sub3A_1922 = arith.subf %add3A_1895, %sub3A_1921 : vector<197x192xf32>
    %add3A_1923 = arith.constant 9.99999997E-7 : f32
    %add3A_1924 = vector.broadcast %add3A_1923 : f32 to vector<197x1xf32>
    %add3A_1925 = arith.addf %div3A_1920, %add3A_1924 : vector<197x1xf32>
    %sqrt3A_1926 = math.sqrt %add3A_1925 : vector<197x1xf32>
    %div3A_1927 = vector.broadcast %sqrt3A_1926 : vector<197x1xf32> to vector<197x192xf32>
    %div3A_1928 = arith.divf %sub3A_1922, %div3A_1927 : vector<197x192xf32>
    %broadcast_in_dim3A_1929 = vector.shape_cast %get3A_1903 : vector<192xf32> to vector<1x192xf32>
    %mul3A_1930 = vector.broadcast %broadcast_in_dim3A_1929 : vector<1x192xf32> to vector<197x192xf32>
    %mul3A_1931 = arith.mulf %div3A_1928, %mul3A_1930 : vector<197x192xf32>
    %broadcast_in_dim3A_1932 = vector.shape_cast %get3A_1905 : vector<192xf32> to vector<1x192xf32>
    %add3A_1933 = vector.broadcast %broadcast_in_dim3A_1932 : vector<1x192xf32> to vector<197x192xf32>
    %add3A_1934 = arith.addf %mul3A_1931, %add3A_1933 : vector<197x192xf32>
    %swap3A_1935 = arith.constant 6 : index
    %swap3A_1936 = arith.constant 0 : index
    %swap3A_1937 = arith.constant 0 : index
    %swap3A_1938 = vector.load %arg13[%swap3A_1935, %swap3A_1936, %swap3A_1937] : memref<8x256x192xf32, #tpu.memory_space<vmem>>, vector<1x197x192xf32>
    %swap3A_1939 = vector.shape_cast %swap3A_1938 : vector<1x197x192xf32> to vector<197x192xf32>
    %swap3A_1940 = vector.shape_cast %add3A_1934 : vector<197x192xf32> to vector<1x197x192xf32>
    tpu.vector_store %arg13[%swap3A_1935, %swap3A_1936, %swap3A_1937], %swap3A_1940 {strides = array<i32>} : memref<8x256x192xf32, #tpu.memory_space<vmem>>, vector<1x197x192xf32>,
    %get3A_1941 = arith.constant 0 : index
    %get3A_1942 = arith.constant 0 : index
    %get3A_1943 = vector.load %arg11[%get3A_1941, %get3A_1942] : memref<192x16xf32, #tpu.memory_space<vmem>>, vector<192x16xf32>
    %dot_general3A_1944 = arith.constant dense<0.000000e+00> : vector<197x16xf32>
    %dot_general3A_1945 = tpu.matmul %add3A_1934, %get3A_1943, %dot_general3A_1944 {dimension_numbers = #tpu.dot_dimension_numbers<[1], [0], [0], [1], [0, 0, 1, 1], [], []>, transpose_lhs_hint = false} : vector<197x192xf32>, vector<192x16xf32>, vector<197x16xf32> -> vector<197x16xf32>
    %reduce_max3A_1946 = arith.constant dense<0xFF800000> : vector<197xf32>
    %reduce_max3A_1947 = vector.multi_reduction <maximumf>, %dot_general3A_1945, %reduce_max3A_1946 [1] : vector<197x16xf32> to vector<197xf32>
    %max3A_1948 = arith.constant 0xFF800000 : f32
    %max3A_1949 = vector.broadcast %max3A_1948 : f32 to vector<197xf32>
    %max3A_1950 = arith.maximumf %max3A_1949, %reduce_max3A_1947 : vector<197xf32>
    %broadcast_in_dim3A_1951 = vector.shape_cast %max3A_1950 : vector<197xf32> to vector<197x1xf32>
    %sub3A_1952 = vector.broadcast %broadcast_in_dim3A_1951 : vector<197x1xf32> to vector<197x16xf32>
    %sub3A_1953 = arith.subf %dot_general3A_1945, %sub3A_1952 : vector<197x16xf32>
    %exp3A_1954 = math.exp %sub3A_1953 : vector<197x16xf32>
    %reduce_sum3A_1955 = arith.constant dense<0.000000e+00> : vector<197xf32>
    %reduce_sum3A_1956 = vector.multi_reduction <add>, %exp3A_1954, %reduce_sum3A_1955 [1] : vector<197x16xf32> to vector<197xf32>
    %broadcast_in_dim3A_1957 = vector.shape_cast %reduce_sum3A_1956 : vector<197xf32> to vector<197x1xf32>
    %div3A_1958 = vector.broadcast %broadcast_in_dim3A_1957 : vector<197x1xf32> to vector<197x16xf32>
    %div3A_1959 = arith.divf %exp3A_1954, %div3A_1958 : vector<197x16xf32>
    %reduce_max3A_1960 = arith.constant dense<0xFF800000> : vector<197xf32>
    %reduce_max3A_1961 = vector.multi_reduction <maximumf>, %div3A_1959, %reduce_max3A_1960 [1] : vector<197x16xf32> to vector<197xf32>
    %broadcast_in_dim3A_1962 = vector.shape_cast %reduce_max3A_1961 : vector<197xf32> to vector<197x1xf32>
    %eq3A_1963 = vector.broadcast %broadcast_in_dim3A_1962 : vector<197x1xf32> to vector<197x16xf32>
    %eq3A_1964 = arith.cmpf oeq, %div3A_1959, %eq3A_1963 : vector<197x16xf32>
    %jit3A_1965 = arith.constant 1.000000e+09 : f32
    %broadcast_in_dim3A_1966 = vector.broadcast %jit3A_1965 : f32 to vector<197x16xf32>
    %select_n3A_1967 = arith.select %eq3A_1964, %convert_element_type3A, %broadcast_in_dim3A_1966 : vector<197x16xi1>, vector<197x16xf32>
    %reduce_min3A_1968 = arith.constant dense<0x7F800000> : vector<197xf32>
    %reduce_min3A_1969 = vector.multi_reduction <minimumf>, %select_n3A_1967, %reduce_min3A_1968 [1] : vector<197x16xf32> to vector<197xf32>
    %broadcast_in_dim3A_1970 = vector.shape_cast %reduce_min3A_1969 : vector<197xf32> to vector<197x1xf32>
    %eq3A_1971 = vector.broadcast %broadcast_in_dim3A_1970 : vector<197x1xf32> to vector<197x16xf32>
    %eq3A_1972 = arith.cmpf oeq, %convert_element_type3A, %eq3A_1971 : vector<197x16xf32>
    %convert_element_type3A_1973 = arith.extui %eq3A_1972 : vector<197x16xi1> to vector<197x16xi32>
    %convert_element_type3A_1974 = arith.sitofp %convert_element_type3A_1973 : vector<197x16xi32> to vector<197x16xf32>
    %dot_general3A_1975 = arith.constant dense<0.000000e+00> : vector<197x16xf32>
    %dot_general3A_1976 = tpu.matmul %convert_element_type3A_3, %convert_element_type3A_1974, %dot_general3A_1975 {dimension_numbers = #tpu.dot_dimension_numbers<[1], [0], [0], [1], [0, 0, 1, 1], [], []>, transpose_lhs_hint = false} : vector<197x197xf32>, vector<197x16xf32>, vector<197x16xf32> -> vector<197x16xf32>
    %broadcast_in_dim3A_1977 = vector.shape_cast %add3A_1735 : vector<16xf32> to vector<1x16xf32>
    %add3A_1978 = vector.broadcast %broadcast_in_dim3A_1977 : vector<1x16xf32> to vector<197x16xf32>
    %add3A_1979 = arith.addf %dot_general3A_1976, %add3A_1978 : vector<197x16xf32>
    %mul3A_1980 = arith.mulf %add3A_1979, %convert_element_type3A_1974 : vector<197x16xf32>
    %reduce_sum3A_1981 = arith.constant dense<0.000000e+00> : vector<197xf32>
    %reduce_sum3A_1982 = vector.multi_reduction <add>, %mul3A_1980, %reduce_sum3A_1981 [1] : vector<197x16xf32> to vector<197xf32>
    %lt3A_1983 = arith.constant 1.970000e+02 : f32
    %lt3A_1984 = vector.broadcast %lt3A_1983 : f32 to vector<197xf32>
    %lt3A_1985 = arith.cmpf olt, %reduce_sum3A_1982, %lt3A_1984 : vector<197xf32>
    %convert_element_type3A_1986 = arith.extui %lt3A_1985 : vector<197xi1> to vector<197xi32>
    %convert_element_type3A_1987 = arith.sitofp %convert_element_type3A_1986 : vector<197xi32> to vector<197xf32>
    %min3A_1988 = arith.constant 2.550000e+02 : f32
    %min3A_1989 = vector.broadcast %min3A_1988 : f32 to vector<197xf32>
    %min3A_1990 = arith.minimumf %reduce_sum3A_1982, %min3A_1989 : vector<197xf32>
    %mul3A_1991 = arith.constant 2.560000e+02 : f32
    %mul3A_1992 = vector.broadcast %mul3A_1991 : f32 to vector<197xf32>
    %mul3A_1993 = arith.mulf %reduce_min3A_1969, %mul3A_1992 : vector<197xf32>
    %add3A_1994 = arith.addf %mul3A_1993, %min3A_1990 : vector<197xf32>
    %convert_element_type3A_1995 = arith.fptosi %add3A_1994 : vector<197xf32> to vector<197xi32>
    %mul3A_1996 = arith.mulf %reduce_max3A_1961, %convert_element_type3A_1987 : vector<197xf32>
    %broadcast_in_dim3A_1997 = arith.constant 255 : i32
    %broadcast_in_dim3A_1998 = vector.broadcast %broadcast_in_dim3A_1997 : i32 to vector<59xi32>
    %concatenate3A_1999 = tpu.concatenate %convert_element_type3A_1995, %broadcast_in_dim3A_1998 in 0 : vector<197xi32>, vector<59xi32> -> vector<256xi32>
    %broadcast_in_dim3A_2000 = arith.constant 0.000000e+00 : f32
    %broadcast_in_dim3A_2001 = vector.broadcast %broadcast_in_dim3A_2000 : f32 to vector<59xf32>
    %concatenate3A_2002 = tpu.concatenate %mul3A_1996, %broadcast_in_dim3A_2001 in 0 : vector<197xf32>, vector<59xf32> -> vector<256xf32>
    %lt3A_2003 = arith.constant 197 : i32
    %lt3A_2004 = vector.broadcast %lt3A_2003 : i32 to vector<256xi32>
    %lt3A_2005 = arith.cmpi slt, %iota3A_5, %lt3A_2004 : vector<256xi32>
    %jit3A_2006 = arith.constant 255 : i32
    %broadcast_in_dim3A_2007 = vector.broadcast %jit3A_2006 : i32 to vector<256xi32>
    %select_n3A_2008 = arith.select %lt3A_2005, %concatenate3A_1999, %broadcast_in_dim3A_2007 : vector<256xi1>, vector<256xi32>
    %swap3A_2009 = arith.constant 6 : index
    %swap3A_2010 = arith.constant 0 : index
    %swap3A_2011 = vector.load %arg14[%swap3A_2009, %swap3A_2010] : memref<8x256xi32, #tpu.memory_space<vmem>>, vector<1x256xi32>
    %swap3A_2012 = vector.shape_cast %swap3A_2011 : vector<1x256xi32> to vector<256xi32>
    %swap3A_2013 = vector.shape_cast %select_n3A_2008 : vector<256xi32> to vector<1x256xi32>
    tpu.vector_store %arg14[%swap3A_2009, %swap3A_2010], %swap3A_2013 {strides = array<i32>} : memref<8x256xi32, #tpu.memory_space<vmem>>, vector<1x256xi32>,
    %lt3A_2014 = arith.constant 197 : i32
    %lt3A_2015 = vector.broadcast %lt3A_2014 : i32 to vector<256xi32>
    %lt3A_2016 = arith.cmpi slt, %iota3A_5, %lt3A_2015 : vector<256xi32>
    %jit3A_2017 = arith.constant 0.000000e+00 : f32
    %broadcast_in_dim3A_2018 = vector.broadcast %jit3A_2017 : f32 to vector<256xf32>
    %select_n3A_2019 = arith.select %lt3A_2016, %concatenate3A_2002, %broadcast_in_dim3A_2018 : vector<256xi1>, vector<256xf32>
    %swap3A_2020 = arith.constant 6 : index
    %swap3A_2021 = arith.constant 0 : index
    %swap3A_2022 = vector.load %arg15[%swap3A_2020, %swap3A_2021] : memref<8x256xf32, #tpu.memory_space<vmem>>, vector<1x256xf32>
    %swap3A_2023 = vector.shape_cast %swap3A_2022 : vector<1x256xf32> to vector<256xf32>
    %swap3A_2024 = vector.shape_cast %select_n3A_2019 : vector<256xf32> to vector<1x256xf32>
    tpu.vector_store %arg15[%swap3A_2020, %swap3A_2021], %swap3A_2024 {strides = array<i32>} : memref<8x256xf32, #tpu.memory_space<vmem>>, vector<1x256xf32>,
    %reduce_sum3A_2025 = arith.constant dense<0.000000e+00> : vector<16xf32>
    %reduce_sum3A_2026 = vector.multi_reduction <add>, %convert_element_type3A_1974, %reduce_sum3A_2025 [0] : vector<197x16xf32> to vector<16xf32>
    %add3A_2027 = arith.addf %add3A_1735, %reduce_sum3A_2026 : vector<16xf32>
    %reduce_sum3A_2028 = arith.constant dense<0.000000e+00> : vector<16xf32>
    %reduce_sum3A_2029 = vector.multi_reduction <add>, %div3A_1959, %reduce_sum3A_2028 [0] : vector<197x16xf32> to vector<16xf32>
    %add3A_2030 = arith.addf %add3A_1738, %reduce_sum3A_2029 : vector<16xf32>
    %get3A_2031 = arith.constant 7 : index
    %get3A_2032 = arith.constant 0 : index
    %get3A_2033 = vector.load %arg2[%get3A_2031, %get3A_2032] : memref<8x256xf32, #tpu.memory_space<vmem>>, vector<1x256xf32>
    %get3A_2034 = vector.shape_cast %get3A_2033 : vector<1x256xf32> to vector<256xf32>
    %slice3A_2035 = vector.extract_strided_slice %get3A_2034 {offsets = [0], sizes = [197], strides = [1]} : vector<256xf32> to vector<197xf32>
    %broadcast_in_dim3A_2036 = vector.shape_cast %slice3A_2035 : vector<197xf32> to vector<197x1xf32>
    %get3A_2037 = arith.constant 7 : index
    %get3A_2038 = arith.constant 0 : index
    %get3A_2039 = arith.constant 0 : index
    %get3A_2040 = vector.load %arg0[%get3A_2037, %get3A_2038, %get3A_2039] : memref<8x197x192xf32, #tpu.memory_space<vmem>>, vector<1x197x192xf32>
    %get3A_2041 = vector.shape_cast %get3A_2040 : vector<1x197x192xf32> to vector<197x192xf32>
    %gt3A_2042 = arith.constant 0.000000e+00 : f32
    %gt3A_2043 = vector.broadcast %gt3A_2042 : f32 to vector<197x1xf32>
    %gt3A_2044 = arith.cmpf ogt, %broadcast_in_dim3A_2036, %gt3A_2043 : vector<197x1xf32>
    %get3A_2045 = arith.constant 7 : index
    %get3A_2046 = arith.constant 0 : index
    %get3A_2047 = arith.constant 0 : index
    %get3A_2048 = vector.load %arg1[%get3A_2045, %get3A_2046, %get3A_2047] : memref<8x256x192xf32, #tpu.memory_space<vmem>>, vector<1x197x192xf32>
    %get3A_2049 = vector.shape_cast %get3A_2048 : vector<1x197x192xf32> to vector<197x192xf32>
    %mul3A_2050 = vector.broadcast %broadcast_in_dim3A_2036 : vector<197x1xf32> to vector<197x192xf32>
    %mul3A_2051 = arith.mulf %get3A_2049, %mul3A_2050 : vector<197x192xf32>
    %jit3A_2052 = arith.constant 0.000000e+00 : f32
    %broadcast_in_dim3A_2053 = vector.shape_cast %gt3A_2044 : vector<197x1xi1> to vector<197x1xi1>
    %broadcast_in_dim3A_2054 = vector.broadcast %broadcast_in_dim3A_2053 : vector<197x1xi1> to vector<197x192xi1>
    %broadcast_in_dim3A_2055 = vector.broadcast %jit3A_2052 : f32 to vector<197x192xf32>
    %select_n3A_2056 = arith.select %broadcast_in_dim3A_2054, %mul3A_2051, %broadcast_in_dim3A_2055 : vector<197x192xi1>, vector<197x192xf32>
    %add3A_2057 = arith.addf %get3A_2041, %select_n3A_2056 : vector<197x192xf32>
    %get3A_2058 = arith.constant 0 : index
    %get3A_2059 = vector.load %arg3[%get3A_2058] : memref<192xf32, #tpu.memory_space<vmem>>, vector<192xf32>
    %get3A_2060 = arith.constant 0 : index
    %get3A_2061 = vector.load %arg4[%get3A_2060] : memref<192xf32, #tpu.memory_space<vmem>>, vector<192xf32>
    %reduce_sum3A_2062 = arith.constant dense<0.000000e+00> : vector<197xf32>
    %reduce_sum3A_2063 = vector.multi_reduction <add>, %add3A_2057, %reduce_sum3A_2062 [1] : vector<197x192xf32> to vector<197xf32>
    %broadcast_in_dim3A_2064 = vector.shape_cast %reduce_sum3A_2063 : vector<197xf32> to vector<197x1xf32>
    %div3A_2065 = arith.constant 1.920000e+02 : f32
    %div3A_2066 = vector.broadcast %div3A_2065 : f32 to vector<197x1xf32>
    %div3A_2067 = arith.divf %broadcast_in_dim3A_2064, %div3A_2066 : vector<197x1xf32>
    %sub3A_2068 = vector.broadcast %div3A_2067 : vector<197x1xf32> to vector<197x192xf32>
    %sub3A_2069 = arith.subf %add3A_2057, %sub3A_2068 : vector<197x192xf32>
    %integer_pow3A_2070 = arith.mulf %sub3A_2069, %sub3A_2069 : vector<197x192xf32>
    %reduce_sum3A_2071 = arith.constant dense<0.000000e+00> : vector<197xf32>
    %reduce_sum3A_2072 = vector.multi_reduction <add>, %integer_pow3A_2070, %reduce_sum3A_2071 [1] : vector<197x192xf32> to vector<197xf32>
    %broadcast_in_dim3A_2073 = vector.shape_cast %reduce_sum3A_2072 : vector<197xf32> to vector<197x1xf32>
    %div3A_2074 = arith.constant 1.920000e+02 : f32
    %div3A_2075 = vector.broadcast %div3A_2074 : f32 to vector<197x1xf32>
    %div3A_2076 = arith.divf %broadcast_in_dim3A_2073, %div3A_2075 : vector<197x1xf32>
    %sub3A_2077 = vector.broadcast %div3A_2067 : vector<197x1xf32> to vector<197x192xf32>
    %sub3A_2078 = arith.subf %add3A_2057, %sub3A_2077 : vector<197x192xf32>
    %add3A_2079 = arith.constant 9.99999997E-7 : f32
    %add3A_2080 = vector.broadcast %add3A_2079 : f32 to vector<197x1xf32>
    %add3A_2081 = arith.addf %div3A_2076, %add3A_2080 : vector<197x1xf32>
    %sqrt3A_2082 = math.sqrt %add3A_2081 : vector<197x1xf32>
    %div3A_2083 = vector.broadcast %sqrt3A_2082 : vector<197x1xf32> to vector<197x192xf32>
    %div3A_2084 = arith.divf %sub3A_2078, %div3A_2083 : vector<197x192xf32>
    %broadcast_in_dim3A_2085 = vector.shape_cast %get3A_2059 : vector<192xf32> to vector<1x192xf32>
    %mul3A_2086 = vector.broadcast %broadcast_in_dim3A_2085 : vector<1x192xf32> to vector<197x192xf32>
    %mul3A_2087 = arith.mulf %div3A_2084, %mul3A_2086 : vector<197x192xf32>
    %broadcast_in_dim3A_2088 = vector.shape_cast %get3A_2061 : vector<192xf32> to vector<1x192xf32>
    %add3A_2089 = vector.broadcast %broadcast_in_dim3A_2088 : vector<1x192xf32> to vector<197x192xf32>
    %add3A_2090 = arith.addf %mul3A_2087, %add3A_2089 : vector<197x192xf32>
    %get3A_2091 = arith.constant 0 : index
    %get3A_2092 = arith.constant 0 : index
    %get3A_2093 = vector.load %arg5[%get3A_2091, %get3A_2092] : memref<192x576xf32, #tpu.memory_space<vmem>>, vector<192x576xf32>
    %dot_general3A_2094 = arith.constant dense<0.000000e+00> : vector<197x576xf32>
    %dot_general3A_2095 = tpu.matmul %add3A_2090, %get3A_2093, %dot_general3A_2094 {dimension_numbers = #tpu.dot_dimension_numbers<[1], [0], [0], [1], [0, 0, 1, 1], [], []>, transpose_lhs_hint = false} : vector<197x192xf32>, vector<192x576xf32>, vector<197x576xf32> -> vector<197x576xf32>
    %get3A_2096 = arith.constant 0 : index
    %get3A_2097 = vector.load %arg6[%get3A_2096] : memref<576xf32, #tpu.memory_space<vmem>>, vector<576xf32>
    %broadcast_in_dim3A_2098 = vector.shape_cast %get3A_2097 : vector<576xf32> to vector<1x576xf32>
    %add3A_2099 = vector.broadcast %broadcast_in_dim3A_2098 : vector<1x576xf32> to vector<197x576xf32>
    %add3A_2100 = arith.addf %dot_general3A_2095, %add3A_2099 : vector<197x576xf32>
    %slice3A_2101 = vector.extract_strided_slice %add3A_2100 {offsets = [0, 0], sizes = [197, 64], strides = [1, 1]} : vector<197x576xf32> to vector<197x64xf32>
    %slice3A_2102 = vector.extract_strided_slice %add3A_2100 {offsets = [0, 192], sizes = [197, 64], strides = [1, 1]} : vector<197x576xf32> to vector<197x64xf32>
    %slice3A_2103 = vector.extract_strided_slice %add3A_2100 {offsets = [0, 384], sizes = [197, 64], strides = [1, 1]} : vector<197x576xf32> to vector<197x64xf32>
    %transpose3A_2104 = tpu.transpose %slice3A_2102, [1, 0] : vector<197x64xf32> -> vector<64x197xf32>
    %dot_general3A_2105 = arith.constant dense<0.000000e+00> : vector<197x197xf32>
    %dot_general3A_2106 = tpu.matmul %slice3A_2101, %transpose3A_2104, %dot_general3A_2105 {dimension_numbers = #tpu.dot_dimension_numbers<[1], [0], [0], [1], [0, 0, 1, 1], [], []>, transpose_lhs_hint = false} : vector<197x64xf32>, vector<64x197xf32>, vector<197x197xf32> -> vector<197x197xf32>
    %mul3A_2107 = arith.constant 1.250000e-01 : f32
    %mul3A_2108 = vector.broadcast %mul3A_2107 : f32 to vector<197x197xf32>
    %mul3A_2109 = arith.mulf %dot_general3A_2106, %mul3A_2108 : vector<197x197xf32>
    %reduce_max3A_2110 = arith.constant dense<0xFF800000> : vector<197xf32>
    %reduce_max3A_2111 = vector.multi_reduction <maximumf>, %mul3A_2109, %reduce_max3A_2110 [1] : vector<197x197xf32> to vector<197xf32>
    %max3A_2112 = arith.constant 0xFF800000 : f32
    %max3A_2113 = vector.broadcast %max3A_2112 : f32 to vector<197xf32>
    %max3A_2114 = arith.maximumf %max3A_2113, %reduce_max3A_2111 : vector<197xf32>
    %broadcast_in_dim3A_2115 = vector.shape_cast %max3A_2114 : vector<197xf32> to vector<197x1xf32>
    %sub3A_2116 = vector.broadcast %broadcast_in_dim3A_2115 : vector<197x1xf32> to vector<197x197xf32>
    %sub3A_2117 = arith.subf %mul3A_2109, %sub3A_2116 : vector<197x197xf32>
    %exp3A_2118 = math.exp %sub3A_2117 : vector<197x197xf32>
    %reduce_sum3A_2119 = arith.constant dense<0.000000e+00> : vector<197xf32>
    %reduce_sum3A_2120 = vector.multi_reduction <add>, %exp3A_2118, %reduce_sum3A_2119 [1] : vector<197x197xf32> to vector<197xf32>
    %broadcast_in_dim3A_2121 = vector.shape_cast %reduce_sum3A_2120 : vector<197xf32> to vector<197x1xf32>
    %div3A_2122 = vector.broadcast %broadcast_in_dim3A_2121 : vector<197x1xf32> to vector<197x197xf32>
    %div3A_2123 = arith.divf %exp3A_2118, %div3A_2122 : vector<197x197xf32>
    %dot_general3A_2124 = arith.constant dense<0.000000e+00> : vector<197x64xf32>
    %dot_general3A_2125 = tpu.matmul %div3A_2123, %slice3A_2103, %dot_general3A_2124 {dimension_numbers = #tpu.dot_dimension_numbers<[1], [0], [0], [1], [0, 0, 1, 1], [], []>, transpose_lhs_hint = false} : vector<197x197xf32>, vector<197x64xf32>, vector<197x64xf32> -> vector<197x64xf32>
    %slice3A_2126 = vector.extract_strided_slice %add3A_2100 {offsets = [0, 64], sizes = [197, 64], strides = [1, 1]} : vector<197x576xf32> to vector<197x64xf32>
    %slice3A_2127 = vector.extract_strided_slice %add3A_2100 {offsets = [0, 256], sizes = [197, 64], strides = [1, 1]} : vector<197x576xf32> to vector<197x64xf32>
    %slice3A_2128 = vector.extract_strided_slice %add3A_2100 {offsets = [0, 448], sizes = [197, 64], strides = [1, 1]} : vector<197x576xf32> to vector<197x64xf32>
    %transpose3A_2129 = tpu.transpose %slice3A_2127, [1, 0] : vector<197x64xf32> -> vector<64x197xf32>
    %dot_general3A_2130 = arith.constant dense<0.000000e+00> : vector<197x197xf32>
    %dot_general3A_2131 = tpu.matmul %slice3A_2126, %transpose3A_2129, %dot_general3A_2130 {dimension_numbers = #tpu.dot_dimension_numbers<[1], [0], [0], [1], [0, 0, 1, 1], [], []>, transpose_lhs_hint = false} : vector<197x64xf32>, vector<64x197xf32>, vector<197x197xf32> -> vector<197x197xf32>
    %mul3A_2132 = arith.constant 1.250000e-01 : f32
    %mul3A_2133 = vector.broadcast %mul3A_2132 : f32 to vector<197x197xf32>
    %mul3A_2134 = arith.mulf %dot_general3A_2131, %mul3A_2133 : vector<197x197xf32>
    %reduce_max3A_2135 = arith.constant dense<0xFF800000> : vector<197xf32>
    %reduce_max3A_2136 = vector.multi_reduction <maximumf>, %mul3A_2134, %reduce_max3A_2135 [1] : vector<197x197xf32> to vector<197xf32>
    %max3A_2137 = arith.constant 0xFF800000 : f32
    %max3A_2138 = vector.broadcast %max3A_2137 : f32 to vector<197xf32>
    %max3A_2139 = arith.maximumf %max3A_2138, %reduce_max3A_2136 : vector<197xf32>
    %broadcast_in_dim3A_2140 = vector.shape_cast %max3A_2139 : vector<197xf32> to vector<197x1xf32>
    %sub3A_2141 = vector.broadcast %broadcast_in_dim3A_2140 : vector<197x1xf32> to vector<197x197xf32>
    %sub3A_2142 = arith.subf %mul3A_2134, %sub3A_2141 : vector<197x197xf32>
    %exp3A_2143 = math.exp %sub3A_2142 : vector<197x197xf32>
    %reduce_sum3A_2144 = arith.constant dense<0.000000e+00> : vector<197xf32>
    %reduce_sum3A_2145 = vector.multi_reduction <add>, %exp3A_2143, %reduce_sum3A_2144 [1] : vector<197x197xf32> to vector<197xf32>
    %broadcast_in_dim3A_2146 = vector.shape_cast %reduce_sum3A_2145 : vector<197xf32> to vector<197x1xf32>
    %div3A_2147 = vector.broadcast %broadcast_in_dim3A_2146 : vector<197x1xf32> to vector<197x197xf32>
    %div3A_2148 = arith.divf %exp3A_2143, %div3A_2147 : vector<197x197xf32>
    %dot_general3A_2149 = arith.constant dense<0.000000e+00> : vector<197x64xf32>
    %dot_general3A_2150 = tpu.matmul %div3A_2148, %slice3A_2128, %dot_general3A_2149 {dimension_numbers = #tpu.dot_dimension_numbers<[1], [0], [0], [1], [0, 0, 1, 1], [], []>, transpose_lhs_hint = false} : vector<197x197xf32>, vector<197x64xf32>, vector<197x64xf32> -> vector<197x64xf32>
    %slice3A_2151 = vector.extract_strided_slice %add3A_2100 {offsets = [0, 128], sizes = [197, 64], strides = [1, 1]} : vector<197x576xf32> to vector<197x64xf32>
    %slice3A_2152 = vector.extract_strided_slice %add3A_2100 {offsets = [0, 320], sizes = [197, 64], strides = [1, 1]} : vector<197x576xf32> to vector<197x64xf32>
    %slice3A_2153 = vector.extract_strided_slice %add3A_2100 {offsets = [0, 512], sizes = [197, 64], strides = [1, 1]} : vector<197x576xf32> to vector<197x64xf32>
    %transpose3A_2154 = tpu.transpose %slice3A_2152, [1, 0] : vector<197x64xf32> -> vector<64x197xf32>
    %dot_general3A_2155 = arith.constant dense<0.000000e+00> : vector<197x197xf32>
    %dot_general3A_2156 = tpu.matmul %slice3A_2151, %transpose3A_2154, %dot_general3A_2155 {dimension_numbers = #tpu.dot_dimension_numbers<[1], [0], [0], [1], [0, 0, 1, 1], [], []>, transpose_lhs_hint = false} : vector<197x64xf32>, vector<64x197xf32>, vector<197x197xf32> -> vector<197x197xf32>
    %mul3A_2157 = arith.constant 1.250000e-01 : f32
    %mul3A_2158 = vector.broadcast %mul3A_2157 : f32 to vector<197x197xf32>
    %mul3A_2159 = arith.mulf %dot_general3A_2156, %mul3A_2158 : vector<197x197xf32>
    %reduce_max3A_2160 = arith.constant dense<0xFF800000> : vector<197xf32>
    %reduce_max3A_2161 = vector.multi_reduction <maximumf>, %mul3A_2159, %reduce_max3A_2160 [1] : vector<197x197xf32> to vector<197xf32>
    %max3A_2162 = arith.constant 0xFF800000 : f32
    %max3A_2163 = vector.broadcast %max3A_2162 : f32 to vector<197xf32>
    %max3A_2164 = arith.maximumf %max3A_2163, %reduce_max3A_2161 : vector<197xf32>
    %broadcast_in_dim3A_2165 = vector.shape_cast %max3A_2164 : vector<197xf32> to vector<197x1xf32>
    %sub3A_2166 = vector.broadcast %broadcast_in_dim3A_2165 : vector<197x1xf32> to vector<197x197xf32>
    %sub3A_2167 = arith.subf %mul3A_2159, %sub3A_2166 : vector<197x197xf32>
    %exp3A_2168 = math.exp %sub3A_2167 : vector<197x197xf32>
    %reduce_sum3A_2169 = arith.constant dense<0.000000e+00> : vector<197xf32>
    %reduce_sum3A_2170 = vector.multi_reduction <add>, %exp3A_2168, %reduce_sum3A_2169 [1] : vector<197x197xf32> to vector<197xf32>
    %broadcast_in_dim3A_2171 = vector.shape_cast %reduce_sum3A_2170 : vector<197xf32> to vector<197x1xf32>
    %div3A_2172 = vector.broadcast %broadcast_in_dim3A_2171 : vector<197x1xf32> to vector<197x197xf32>
    %div3A_2173 = arith.divf %exp3A_2168, %div3A_2172 : vector<197x197xf32>
    %dot_general3A_2174 = arith.constant dense<0.000000e+00> : vector<197x64xf32>
    %dot_general3A_2175 = tpu.matmul %div3A_2173, %slice3A_2153, %dot_general3A_2174 {dimension_numbers = #tpu.dot_dimension_numbers<[1], [0], [0], [1], [0, 0, 1, 1], [], []>, transpose_lhs_hint = false} : vector<197x197xf32>, vector<197x64xf32>, vector<197x64xf32> -> vector<197x64xf32>
    %concatenate3A_2176 = tpu.concatenate %dot_general3A_2125, %dot_general3A_2150, %dot_general3A_2175 in 1 : vector<197x64xf32>, vector<197x64xf32>, vector<197x64xf32> -> vector<197x192xf32>
    %get3A_2177 = arith.constant 0 : index
    %get3A_2178 = arith.constant 0 : index
    %get3A_2179 = vector.load %arg7[%get3A_2177, %get3A_2178] : memref<192x192xf32, #tpu.memory_space<vmem>>, vector<192x192xf32>
    %dot_general3A_2180 = arith.constant dense<0.000000e+00> : vector<197x192xf32>
    %dot_general3A_2181 = tpu.matmul %concatenate3A_2176, %get3A_2179, %dot_general3A_2180 {dimension_numbers = #tpu.dot_dimension_numbers<[1], [0], [0], [1], [0, 0, 1, 1], [], []>, transpose_lhs_hint = false} : vector<197x192xf32>, vector<192x192xf32>, vector<197x192xf32> -> vector<197x192xf32>
    %add3A_2182 = arith.addf %add3A_2057, %dot_general3A_2181 : vector<197x192xf32>
    %get3A_2183 = arith.constant 0 : index
    %get3A_2184 = vector.load %arg8[%get3A_2183] : memref<192xf32, #tpu.memory_space<vmem>>, vector<192xf32>
    %broadcast_in_dim3A_2185 = vector.shape_cast %get3A_2184 : vector<192xf32> to vector<1x192xf32>
    %add3A_2186 = vector.broadcast %broadcast_in_dim3A_2185 : vector<1x192xf32> to vector<197x192xf32>
    %add3A_2187 = arith.addf %add3A_2182, %add3A_2186 : vector<197x192xf32>
    %swap3A_2188 = arith.constant 7 : index
    %swap3A_2189 = arith.constant 0 : index
    %swap3A_2190 = arith.constant 0 : index
    %swap3A_2191 = vector.load %arg12[%swap3A_2188, %swap3A_2189, %swap3A_2190] : memref<8x197x192xf32, #tpu.memory_space<vmem>>, vector<1x197x192xf32>
    %swap3A_2192 = vector.shape_cast %swap3A_2191 : vector<1x197x192xf32> to vector<197x192xf32>
    %swap3A_2193 = vector.shape_cast %add3A_2187 : vector<197x192xf32> to vector<1x197x192xf32>
    tpu.vector_store %arg12[%swap3A_2188, %swap3A_2189, %swap3A_2190], %swap3A_2193 {strides = array<i32>} : memref<8x197x192xf32, #tpu.memory_space<vmem>>, vector<1x197x192xf32>,
    %get3A_2194 = arith.constant 0 : index
    %get3A_2195 = vector.load %arg9[%get3A_2194] : memref<192xf32, #tpu.memory_space<vmem>>, vector<192xf32>
    %get3A_2196 = arith.constant 0 : index
    %get3A_2197 = vector.load %arg10[%get3A_2196] : memref<192xf32, #tpu.memory_space<vmem>>, vector<192xf32>
    %reduce_sum3A_2198 = arith.constant dense<0.000000e+00> : vector<197xf32>
    %reduce_sum3A_2199 = vector.multi_reduction <add>, %add3A_2187, %reduce_sum3A_2198 [1] : vector<197x192xf32> to vector<197xf32>
    %broadcast_in_dim3A_2200 = vector.shape_cast %reduce_sum3A_2199 : vector<197xf32> to vector<197x1xf32>
    %div3A_2201 = arith.constant 1.920000e+02 : f32
    %div3A_2202 = vector.broadcast %div3A_2201 : f32 to vector<197x1xf32>
    %div3A_2203 = arith.divf %broadcast_in_dim3A_2200, %div3A_2202 : vector<197x1xf32>
    %sub3A_2204 = vector.broadcast %div3A_2203 : vector<197x1xf32> to vector<197x192xf32>
    %sub3A_2205 = arith.subf %add3A_2187, %sub3A_2204 : vector<197x192xf32>
    %integer_pow3A_2206 = arith.mulf %sub3A_2205, %sub3A_2205 : vector<197x192xf32>
    %reduce_sum3A_2207 = arith.constant dense<0.000000e+00> : vector<197xf32>
    %reduce_sum3A_2208 = vector.multi_reduction <add>, %integer_pow3A_2206, %reduce_sum3A_2207 [1] : vector<197x192xf32> to vector<197xf32>
    %broadcast_in_dim3A_2209 = vector.shape_cast %reduce_sum3A_2208 : vector<197xf32> to vector<197x1xf32>
    %div3A_2210 = arith.constant 1.920000e+02 : f32
    %div3A_2211 = vector.broadcast %div3A_2210 : f32 to vector<197x1xf32>
    %div3A_2212 = arith.divf %broadcast_in_dim3A_2209, %div3A_2211 : vector<197x1xf32>
    %sub3A_2213 = vector.broadcast %div3A_2203 : vector<197x1xf32> to vector<197x192xf32>
    %sub3A_2214 = arith.subf %add3A_2187, %sub3A_2213 : vector<197x192xf32>
    %add3A_2215 = arith.constant 9.99999997E-7 : f32
    %add3A_2216 = vector.broadcast %add3A_2215 : f32 to vector<197x1xf32>
    %add3A_2217 = arith.addf %div3A_2212, %add3A_2216 : vector<197x1xf32>
    %sqrt3A_2218 = math.sqrt %add3A_2217 : vector<197x1xf32>
    %div3A_2219 = vector.broadcast %sqrt3A_2218 : vector<197x1xf32> to vector<197x192xf32>
    %div3A_2220 = arith.divf %sub3A_2214, %div3A_2219 : vector<197x192xf32>
    %broadcast_in_dim3A_2221 = vector.shape_cast %get3A_2195 : vector<192xf32> to vector<1x192xf32>
    %mul3A_2222 = vector.broadcast %broadcast_in_dim3A_2221 : vector<1x192xf32> to vector<197x192xf32>
    %mul3A_2223 = arith.mulf %div3A_2220, %mul3A_2222 : vector<197x192xf32>
    %broadcast_in_dim3A_2224 = vector.shape_cast %get3A_2197 : vector<192xf32> to vector<1x192xf32>
    %add3A_2225 = vector.broadcast %broadcast_in_dim3A_2224 : vector<1x192xf32> to vector<197x192xf32>
    %add3A_2226 = arith.addf %mul3A_2223, %add3A_2225 : vector<197x192xf32>
    %swap3A_2227 = arith.constant 7 : index
    %swap3A_2228 = arith.constant 0 : index
    %swap3A_2229 = arith.constant 0 : index
    %swap3A_2230 = vector.load %arg13[%swap3A_2227, %swap3A_2228, %swap3A_2229] : memref<8x256x192xf32, #tpu.memory_space<vmem>>, vector<1x197x192xf32>
    %swap3A_2231 = vector.shape_cast %swap3A_2230 : vector<1x197x192xf32> to vector<197x192xf32>
    %swap3A_2232 = vector.shape_cast %add3A_2226 : vector<197x192xf32> to vector<1x197x192xf32>
    tpu.vector_store %arg13[%swap3A_2227, %swap3A_2228, %swap3A_2229], %swap3A_2232 {strides = array<i32>} : memref<8x256x192xf32, #tpu.memory_space<vmem>>, vector<1x197x192xf32>,
    %get3A_2233 = arith.constant 0 : index
    %get3A_2234 = arith.constant 0 : index
    %get3A_2235 = vector.load %arg11[%get3A_2233, %get3A_2234] : memref<192x16xf32, #tpu.memory_space<vmem>>, vector<192x16xf32>
    %dot_general3A_2236 = arith.constant dense<0.000000e+00> : vector<197x16xf32>
    %dot_general3A_2237 = tpu.matmul %add3A_2226, %get3A_2235, %dot_general3A_2236 {dimension_numbers = #tpu.dot_dimension_numbers<[1], [0], [0], [1], [0, 0, 1, 1], [], []>, transpose_lhs_hint = false} : vector<197x192xf32>, vector<192x16xf32>, vector<197x16xf32> -> vector<197x16xf32>
    %reduce_max3A_2238 = arith.constant dense<0xFF800000> : vector<197xf32>
    %reduce_max3A_2239 = vector.multi_reduction <maximumf>, %dot_general3A_2237, %reduce_max3A_2238 [1] : vector<197x16xf32> to vector<197xf32>
    %max3A_2240 = arith.constant 0xFF800000 : f32
    %max3A_2241 = vector.broadcast %max3A_2240 : f32 to vector<197xf32>
    %max3A_2242 = arith.maximumf %max3A_2241, %reduce_max3A_2239 : vector<197xf32>
    %broadcast_in_dim3A_2243 = vector.shape_cast %max3A_2242 : vector<197xf32> to vector<197x1xf32>
    %sub3A_2244 = vector.broadcast %broadcast_in_dim3A_2243 : vector<197x1xf32> to vector<197x16xf32>
    %sub3A_2245 = arith.subf %dot_general3A_2237, %sub3A_2244 : vector<197x16xf32>
    %exp3A_2246 = math.exp %sub3A_2245 : vector<197x16xf32>
    %reduce_sum3A_2247 = arith.constant dense<0.000000e+00> : vector<197xf32>
    %reduce_sum3A_2248 = vector.multi_reduction <add>, %exp3A_2246, %reduce_sum3A_2247 [1] : vector<197x16xf32> to vector<197xf32>
    %broadcast_in_dim3A_2249 = vector.shape_cast %reduce_sum3A_2248 : vector<197xf32> to vector<197x1xf32>
    %div3A_2250 = vector.broadcast %broadcast_in_dim3A_2249 : vector<197x1xf32> to vector<197x16xf32>
    %div3A_2251 = arith.divf %exp3A_2246, %div3A_2250 : vector<197x16xf32>
    %reduce_max3A_2252 = arith.constant dense<0xFF800000> : vector<197xf32>
    %reduce_max3A_2253 = vector.multi_reduction <maximumf>, %div3A_2251, %reduce_max3A_2252 [1] : vector<197x16xf32> to vector<197xf32>
    %broadcast_in_dim3A_2254 = vector.shape_cast %reduce_max3A_2253 : vector<197xf32> to vector<197x1xf32>
    %eq3A_2255 = vector.broadcast %broadcast_in_dim3A_2254 : vector<197x1xf32> to vector<197x16xf32>
    %eq3A_2256 = arith.cmpf oeq, %div3A_2251, %eq3A_2255 : vector<197x16xf32>
    %jit3A_2257 = arith.constant 1.000000e+09 : f32
    %broadcast_in_dim3A_2258 = vector.broadcast %jit3A_2257 : f32 to vector<197x16xf32>
    %select_n3A_2259 = arith.select %eq3A_2256, %convert_element_type3A, %broadcast_in_dim3A_2258 : vector<197x16xi1>, vector<197x16xf32>
    %reduce_min3A_2260 = arith.constant dense<0x7F800000> : vector<197xf32>
    %reduce_min3A_2261 = vector.multi_reduction <minimumf>, %select_n3A_2259, %reduce_min3A_2260 [1] : vector<197x16xf32> to vector<197xf32>
    %broadcast_in_dim3A_2262 = vector.shape_cast %reduce_min3A_2261 : vector<197xf32> to vector<197x1xf32>
    %eq3A_2263 = vector.broadcast %broadcast_in_dim3A_2262 : vector<197x1xf32> to vector<197x16xf32>
    %eq3A_2264 = arith.cmpf oeq, %convert_element_type3A, %eq3A_2263 : vector<197x16xf32>
    %convert_element_type3A_2265 = arith.extui %eq3A_2264 : vector<197x16xi1> to vector<197x16xi32>
    %convert_element_type3A_2266 = arith.sitofp %convert_element_type3A_2265 : vector<197x16xi32> to vector<197x16xf32>
    %dot_general3A_2267 = arith.constant dense<0.000000e+00> : vector<197x16xf32>
    %dot_general3A_2268 = tpu.matmul %convert_element_type3A_3, %convert_element_type3A_2266, %dot_general3A_2267 {dimension_numbers = #tpu.dot_dimension_numbers<[1], [0], [0], [1], [0, 0, 1, 1], [], []>, transpose_lhs_hint = false} : vector<197x197xf32>, vector<197x16xf32>, vector<197x16xf32> -> vector<197x16xf32>
    %broadcast_in_dim3A_2269 = vector.shape_cast %add3A_2027 : vector<16xf32> to vector<1x16xf32>
    %add3A_2270 = vector.broadcast %broadcast_in_dim3A_2269 : vector<1x16xf32> to vector<197x16xf32>
    %add3A_2271 = arith.addf %dot_general3A_2268, %add3A_2270 : vector<197x16xf32>
    %mul3A_2272 = arith.mulf %add3A_2271, %convert_element_type3A_2266 : vector<197x16xf32>
    %reduce_sum3A_2273 = arith.constant dense<0.000000e+00> : vector<197xf32>
    %reduce_sum3A_2274 = vector.multi_reduction <add>, %mul3A_2272, %reduce_sum3A_2273 [1] : vector<197x16xf32> to vector<197xf32>
    %lt3A_2275 = arith.constant 1.970000e+02 : f32
    %lt3A_2276 = vector.broadcast %lt3A_2275 : f32 to vector<197xf32>
    %lt3A_2277 = arith.cmpf olt, %reduce_sum3A_2274, %lt3A_2276 : vector<197xf32>
    %convert_element_type3A_2278 = arith.extui %lt3A_2277 : vector<197xi1> to vector<197xi32>
    %convert_element_type3A_2279 = arith.sitofp %convert_element_type3A_2278 : vector<197xi32> to vector<197xf32>
    %min3A_2280 = arith.constant 2.550000e+02 : f32
    %min3A_2281 = vector.broadcast %min3A_2280 : f32 to vector<197xf32>
    %min3A_2282 = arith.minimumf %reduce_sum3A_2274, %min3A_2281 : vector<197xf32>
    %mul3A_2283 = arith.constant 2.560000e+02 : f32
    %mul3A_2284 = vector.broadcast %mul3A_2283 : f32 to vector<197xf32>
    %mul3A_2285 = arith.mulf %reduce_min3A_2261, %mul3A_2284 : vector<197xf32>
    %add3A_2286 = arith.addf %mul3A_2285, %min3A_2282 : vector<197xf32>
    %convert_element_type3A_2287 = arith.fptosi %add3A_2286 : vector<197xf32> to vector<197xi32>
    %mul3A_2288 = arith.mulf %reduce_max3A_2253, %convert_element_type3A_2279 : vector<197xf32>
    %broadcast_in_dim3A_2289 = arith.constant 255 : i32
    %broadcast_in_dim3A_2290 = vector.broadcast %broadcast_in_dim3A_2289 : i32 to vector<59xi32>
    %concatenate3A_2291 = tpu.concatenate %convert_element_type3A_2287, %broadcast_in_dim3A_2290 in 0 : vector<197xi32>, vector<59xi32> -> vector<256xi32>
    %broadcast_in_dim3A_2292 = arith.constant 0.000000e+00 : f32
    %broadcast_in_dim3A_2293 = vector.broadcast %broadcast_in_dim3A_2292 : f32 to vector<59xf32>
    %concatenate3A_2294 = tpu.concatenate %mul3A_2288, %broadcast_in_dim3A_2293 in 0 : vector<197xf32>, vector<59xf32> -> vector<256xf32>
    %lt3A_2295 = arith.constant 197 : i32
    %lt3A_2296 = vector.broadcast %lt3A_2295 : i32 to vector<256xi32>
    %lt3A_2297 = arith.cmpi slt, %iota3A_5, %lt3A_2296 : vector<256xi32>
    %jit3A_2298 = arith.constant 255 : i32
    %broadcast_in_dim3A_2299 = vector.broadcast %jit3A_2298 : i32 to vector<256xi32>
    %select_n3A_2300 = arith.select %lt3A_2297, %concatenate3A_2291, %broadcast_in_dim3A_2299 : vector<256xi1>, vector<256xi32>
    %swap3A_2301 = arith.constant 7 : index
    %swap3A_2302 = arith.constant 0 : index
    %swap3A_2303 = vector.load %arg14[%swap3A_2301, %swap3A_2302] : memref<8x256xi32, #tpu.memory_space<vmem>>, vector<1x256xi32>
    %swap3A_2304 = vector.shape_cast %swap3A_2303 : vector<1x256xi32> to vector<256xi32>
    %swap3A_2305 = vector.shape_cast %select_n3A_2300 : vector<256xi32> to vector<1x256xi32>
    tpu.vector_store %arg14[%swap3A_2301, %swap3A_2302], %swap3A_2305 {strides = array<i32>} : memref<8x256xi32, #tpu.memory_space<vmem>>, vector<1x256xi32>,
    %lt3A_2306 = arith.constant 197 : i32
    %lt3A_2307 = vector.broadcast %lt3A_2306 : i32 to vector<256xi32>
    %lt3A_2308 = arith.cmpi slt, %iota3A_5, %lt3A_2307 : vector<256xi32>
    %jit3A_2309 = arith.constant 0.000000e+00 : f32
    %broadcast_in_dim3A_2310 = vector.broadcast %jit3A_2309 : f32 to vector<256xf32>
    %select_n3A_2311 = arith.select %lt3A_2308, %concatenate3A_2294, %broadcast_in_dim3A_2310 : vector<256xi1>, vector<256xf32>
    %swap3A_2312 = arith.constant 7 : index
    %swap3A_2313 = arith.constant 0 : index
    %swap3A_2314 = vector.load %arg15[%swap3A_2312, %swap3A_2313] : memref<8x256xf32, #tpu.memory_space<vmem>>, vector<1x256xf32>
    %swap3A_2315 = vector.shape_cast %swap3A_2314 : vector<1x256xf32> to vector<256xf32>
    %swap3A_2316 = vector.shape_cast %select_n3A_2311 : vector<256xf32> to vector<1x256xf32>
    tpu.vector_store %arg15[%swap3A_2312, %swap3A_2313], %swap3A_2316 {strides = array<i32>} : memref<8x256xf32, #tpu.memory_space<vmem>>, vector<1x256xf32>,
    %reduce_sum3A_2317 = arith.constant dense<0.000000e+00> : vector<16xf32>
    %reduce_sum3A_2318 = vector.multi_reduction <add>, %convert_element_type3A_2266, %reduce_sum3A_2317 [0] : vector<197x16xf32> to vector<16xf32>
    %add3A_2319 = arith.addf %add3A_2027, %reduce_sum3A_2318 : vector<16xf32>
    %reduce_sum3A_2320 = arith.constant dense<0.000000e+00> : vector<16xf32>
    %reduce_sum3A_2321 = vector.multi_reduction <add>, %div3A_2251, %reduce_sum3A_2320 [0] : vector<197x16xf32> to vector<16xf32>
    %add3A_2322 = arith.addf %add3A_2030, %reduce_sum3A_2321 : vector<16xf32>
    %div3A_2323 = arith.constant 1.576000e+03 : f32
    %div3A_2324 = vector.broadcast %div3A_2323 : f32 to vector<16xf32>
    %div3A_2325 = arith.divf %add3A_2322, %div3A_2324 : vector<16xf32>
    %div3A_2326 = arith.constant 1.576000e+03 : f32
    %div3A_2327 = vector.broadcast %div3A_2326 : f32 to vector<16xf32>
    %div3A_2328 = arith.divf %add3A_2319, %div3A_2327 : vector<16xf32>
    %mul3A_2329 = arith.mulf %div3A_2325, %div3A_2328 : vector<16xf32>
    %reduce_sum3A_2330 = vector.shape_cast %mul3A_2329 : vector<16xf32> to vector<1x16xf32>
    %reduce_sum3A_2331 = arith.constant dense<0.000000e+00> : vector<1xf32>
    %reduce_sum3A_2332 = vector.multi_reduction <add>, %reduce_sum3A_2330, %reduce_sum3A_2331 [1] : vector<1x16xf32> to vector<1xf32>
    %reduce_sum3A_2333 = vector.shape_cast %reduce_sum3A_2332 : vector<1xf32> to vector<1x1xf32>
    %reduce_sum3A_2334 = vector.extract %reduce_sum3A_2333[0, 0] : f32 from vector<1x1xf32>
    %mul3A_2335 = arith.constant 1.600000e+01 : f32
    %mul3A_2336 = arith.mulf %mul3A_2335, %reduce_sum3A_2334 : f32
    %reshape3A = vector.broadcast %mul3A_2336 : f32 to vector<1x1xf32>
    %swap3A_2337 = arith.constant 0 : index
    %swap3A_2338 = arith.constant 0 : index
    %swap3A_2339 = vector.load %arg16[%swap3A_2337, %swap3A_2338] : memref<1x1xf32, #tpu.memory_space<vmem>>, vector<1x1xf32>
    tpu.vector_store %arg16[%swap3A_2337, %swap3A_2338], %reshape3A {strides = array<i32>} : memref<1x1xf32, #tpu.memory_space<vmem>>, vector<1x1xf32>,
    return
  }
}

module attributes {stable_mosaic.version = 14 : i64} {
  func.func @_ffn_body(%arg0: i32, %arg1: memref<256x192xf32, #tpu.memory_space<vmem>>, %arg2: memref<1x192x768xf32, #tpu.memory_space<vmem>>, %arg3: memref<1x1x768xf32, #tpu.memory_space<vmem>>, %arg4: memref<1x768x192xf32, #tpu.memory_space<vmem>>, %arg5: memref<1x1x192xf32, #tpu.memory_space<vmem>>, %arg6: memref<256x192xf32, #tpu.memory_space<vmem>>) attributes {dimension_semantics = [#tpu.dimension_semantics<arbitrary>], iteration_bounds = array<i64: 16>, scalar_prefetch = 0 : i64, scratch_operands = 0 : i64, tpu.core_type = #tpu.core_type<tc>, window_params = [{transform_indices = @transform_0, window_bounds = array<i64: 256, 192>}, {transform_indices = @transform_1, window_bounds = array<i64: 1, 192, 768>}, {transform_indices = @transform_2, window_bounds = array<i64: 1, 1, 768>}, {transform_indices = @transform_3, window_bounds = array<i64: 1, 768, 192>}, {transform_indices = @transform_4, window_bounds = array<i64: 1, 1, 192>}, {transform_indices = @transform_5, window_bounds = array<i64: 256, 192>}]} {
    %get3A = arith.constant 0 : index
    %get3A_0 = arith.constant 0 : index
    %get3A_1 = vector.load %arg1[%get3A, %get3A_0] : memref<256x192xf32, #tpu.memory_space<vmem>>, vector<256x192xf32>
    %get3A_2 = arith.constant 0 : index
    %get3A_3 = arith.constant 0 : index
    %get3A_4 = arith.constant 0 : index
    %get3A_5 = vector.load %arg2[%get3A_2, %get3A_3, %get3A_4] : memref<1x192x768xf32, #tpu.memory_space<vmem>>, vector<1x192x768xf32>
    %get3A_6 = vector.shape_cast %get3A_5 : vector<1x192x768xf32> to vector<192x768xf32>
    %dot_general3A = arith.constant dense<0.000000e+00> : vector<256x768xf32>
    %dot_general3A_7 = tpu.matmul %get3A_1, %get3A_6, %dot_general3A {dimension_numbers = #tpu.dot_dimension_numbers<[1], [0], [0], [1], [0, 0, 1, 1], [], []>, transpose_lhs_hint = false} : vector<256x192xf32>, vector<192x768xf32>, vector<256x768xf32> -> vector<256x768xf32>
    %get3A_8 = arith.constant 0 : index
    %get3A_9 = arith.constant 0 : index
    %get3A_10 = arith.constant 0 : index
    %get3A_11 = vector.load %arg3[%get3A_8, %get3A_9, %get3A_10] : memref<1x1x768xf32, #tpu.memory_space<vmem>>, vector<1x1x768xf32>
    %get3A_12 = vector.shape_cast %get3A_11 : vector<1x1x768xf32> to vector<1x768xf32>
    %add3A = vector.broadcast %get3A_12 : vector<1x768xf32> to vector<256x768xf32>
    %add3A_13 = arith.addf %dot_general3A_7, %add3A : vector<256x768xf32>
    %integer_pow3A = arith.mulf %add3A_13, %add3A_13 : vector<256x768xf32>
    %integer_pow3A_14 = arith.mulf %add3A_13, %integer_pow3A : vector<256x768xf32>
    %mul3A = arith.constant 4.471500e-02 : f32
    %mul3A_15 = vector.broadcast %mul3A : f32 to vector<256x768xf32>
    %mul3A_16 = arith.mulf %mul3A_15, %integer_pow3A_14 : vector<256x768xf32>
    %add3A_17 = arith.addf %add3A_13, %mul3A_16 : vector<256x768xf32>
    %mul3A_18 = arith.constant 0.797884583 : f32
    %mul3A_19 = vector.broadcast %mul3A_18 : f32 to vector<256x768xf32>
    %mul3A_20 = arith.mulf %mul3A_19, %add3A_17 : vector<256x768xf32>
    %tanh3A = math.tanh %mul3A_20 : vector<256x768xf32>
    %add3A_21 = arith.constant 1.000000e+00 : f32
    %add3A_22 = vector.broadcast %add3A_21 : f32 to vector<256x768xf32>
    %add3A_23 = arith.addf %add3A_22, %tanh3A : vector<256x768xf32>
    %mul3A_24 = arith.constant 5.000000e-01 : f32
    %mul3A_25 = vector.broadcast %mul3A_24 : f32 to vector<256x768xf32>
    %mul3A_26 = arith.mulf %mul3A_25, %add3A_23 : vector<256x768xf32>
    %mul3A_27 = arith.mulf %add3A_13, %mul3A_26 : vector<256x768xf32>
    %get3A_28 = arith.constant 0 : index
    %get3A_29 = arith.constant 0 : index
    %get3A_30 = arith.constant 0 : index
    %get3A_31 = vector.load %arg4[%get3A_28, %get3A_29, %get3A_30] : memref<1x768x192xf32, #tpu.memory_space<vmem>>, vector<1x768x192xf32>
    %get3A_32 = vector.shape_cast %get3A_31 : vector<1x768x192xf32> to vector<768x192xf32>
    %dot_general3A_33 = arith.constant dense<0.000000e+00> : vector<256x192xf32>
    %dot_general3A_34 = tpu.matmul %mul3A_27, %get3A_32, %dot_general3A_33 {dimension_numbers = #tpu.dot_dimension_numbers<[1], [0], [0], [1], [0, 0, 1, 1], [], []>, transpose_lhs_hint = false} : vector<256x768xf32>, vector<768x192xf32>, vector<256x192xf32> -> vector<256x192xf32>
    %get3A_35 = arith.constant 0 : index
    %get3A_36 = arith.constant 0 : index
    %get3A_37 = arith.constant 0 : index
    %get3A_38 = vector.load %arg5[%get3A_35, %get3A_36, %get3A_37] : memref<1x1x192xf32, #tpu.memory_space<vmem>>, vector<1x1x192xf32>
    %get3A_39 = vector.shape_cast %get3A_38 : vector<1x1x192xf32> to vector<1x192xf32>
    %add3A_40 = vector.broadcast %get3A_39 : vector<1x192xf32> to vector<256x192xf32>
    %add3A_41 = arith.addf %dot_general3A_34, %add3A_40 : vector<256x192xf32>
    %swap3A = arith.constant 0 : index
    %swap3A_42 = arith.constant 0 : index
    %swap3A_43 = vector.load %arg6[%swap3A, %swap3A_42] : memref<256x192xf32, #tpu.memory_space<vmem>>, vector<256x192xf32>
    tpu.vector_store %arg6[%swap3A, %swap3A_42], %add3A_41 {strides = array<i32>} : memref<256x192xf32, #tpu.memory_space<vmem>>, vector<256x192xf32>,
    return
  }
  func.func @transform_0(%arg0: i32) -> (i32, i32) {
    %c0_i32 = arith.constant 0 : i32
    %c0_i32_0 = arith.constant 0 : i32
    return %arg0, %c0_i32 : i32, i32
  }
  func.func @transform_1(%arg0: i32) -> (i32, i32, i32) {
    %c0_i32 = arith.constant 0 : i32
    %c0_i32_0 = arith.constant 0 : i32
    %c0_i32_1 = arith.constant 0 : i32
    return %arg0, %c0_i32, %c0_i32_0 : i32, i32, i32
  }
  func.func @transform_2(%arg0: i32) -> (i32, i32, i32) {
    %c0_i32 = arith.constant 0 : i32
    %c0_i32_0 = arith.constant 0 : i32
    %c0_i32_1 = arith.constant 0 : i32
    return %arg0, %c0_i32, %c0_i32_0 : i32, i32, i32
  }
  func.func @transform_3(%arg0: i32) -> (i32, i32, i32) {
    %c0_i32 = arith.constant 0 : i32
    %c0_i32_0 = arith.constant 0 : i32
    %c0_i32_1 = arith.constant 0 : i32
    return %arg0, %c0_i32, %c0_i32_0 : i32, i32, i32
  }
  func.func @transform_4(%arg0: i32) -> (i32, i32, i32) {
    %c0_i32 = arith.constant 0 : i32
    %c0_i32_0 = arith.constant 0 : i32
    %c0_i32_1 = arith.constant 0 : i32
    return %arg0, %c0_i32, %c0_i32_0 : i32, i32, i32
  }
  func.func @transform_5(%arg0: i32) -> (i32, i32) {
    %c0_i32 = arith.constant 0 : i32
    %c0_i32_0 = arith.constant 0 : i32
    return %arg0, %c0_i32 : i32, i32
  }
}

module attributes {stable_mosaic.version = 14 : i64} {
  func.func @body(%arg0: memref<8x197x192xf32, #tpu.memory_space<vmem>>, %arg1: memref<8x256x192xf32, #tpu.memory_space<vmem>>, %arg2: memref<8x256xf32, #tpu.memory_space<vmem>>, %arg3: memref<192xf32, #tpu.memory_space<vmem>>, %arg4: memref<192xf32, #tpu.memory_space<vmem>>, %arg5: memref<192x1000xf32, #tpu.memory_space<vmem>>, %arg6: memref<1000xf32, #tpu.memory_space<vmem>>, %arg7: memref<1x8xf32, #tpu.memory_space<vmem>>, %arg8: memref<8x1000xf32, #tpu.memory_space<vmem>>, %arg9: memref<1x1xf32, #tpu.memory_space<vmem>>) attributes {dimension_semantics = [], scalar_prefetch = 0 : i64, scratch_operands = 0 : i64, tpu.core_type = #tpu.core_type<tc>} {
    %get3A = arith.constant 0 : index
    %get3A_0 = arith.constant 0 : index
    %get3A_1 = vector.load %arg2[%get3A, %get3A_0] : memref<8x256xf32, #tpu.memory_space<vmem>>, vector<1x1xf32>
    %get3A_2 = vector.extract %get3A_1[0, 0] : f32 from vector<1x1xf32>
    %get3A_3 = arith.constant 0 : index
    %get3A_4 = arith.constant 0 : index
    %get3A_5 = arith.constant 0 : index
    %get3A_6 = vector.load %arg0[%get3A_3, %get3A_4, %get3A_5] : memref<8x197x192xf32, #tpu.memory_space<vmem>>, vector<1x1x192xf32>
    %get3A_7 = vector.shape_cast %get3A_6 : vector<1x1x192xf32> to vector<1x192xf32>
    %gt3A = arith.constant 0.000000e+00 : f32
    %gt3A_8 = arith.cmpf ogt, %get3A_2, %gt3A : f32
    %get3A_9 = arith.constant 0 : index
    %get3A_10 = arith.constant 0 : index
    %get3A_11 = arith.constant 0 : index
    %get3A_12 = vector.load %arg1[%get3A_9, %get3A_10, %get3A_11] : memref<8x256x192xf32, #tpu.memory_space<vmem>>, vector<1x1x192xf32>
    %get3A_13 = vector.shape_cast %get3A_12 : vector<1x1x192xf32> to vector<1x192xf32>
    %mul3A = vector.broadcast %get3A_2 : f32 to vector<1x192xf32>
    %mul3A_14 = arith.mulf %get3A_13, %mul3A : vector<1x192xf32>
    %jit3A = arith.constant 0.000000e+00 : f32
    %broadcast_in_dim3A = vector.broadcast %jit3A : f32 to vector<1x192xf32>
    %select_n3A = arith.select %gt3A_8, %mul3A_14, %broadcast_in_dim3A : vector<1x192xf32>
    %add3A = arith.addf %get3A_7, %select_n3A : vector<1x192xf32>
    %get3A_15 = arith.constant 1 : index
    %get3A_16 = arith.constant 0 : index
    %get3A_17 = vector.load %arg2[%get3A_15, %get3A_16] : memref<8x256xf32, #tpu.memory_space<vmem>>, vector<1x1xf32>
    %get3A_18 = vector.extract %get3A_17[0, 0] : f32 from vector<1x1xf32>
    %get3A_19 = arith.constant 1 : index
    %get3A_20 = arith.constant 0 : index
    %get3A_21 = arith.constant 0 : index
    %get3A_22 = vector.load %arg0[%get3A_19, %get3A_20, %get3A_21] : memref<8x197x192xf32, #tpu.memory_space<vmem>>, vector<1x1x192xf32>
    %get3A_23 = vector.shape_cast %get3A_22 : vector<1x1x192xf32> to vector<1x192xf32>
    %gt3A_24 = arith.constant 0.000000e+00 : f32
    %gt3A_25 = arith.cmpf ogt, %get3A_18, %gt3A_24 : f32
    %get3A_26 = arith.constant 1 : index
    %get3A_27 = arith.constant 0 : index
    %get3A_28 = arith.constant 0 : index
    %get3A_29 = vector.load %arg1[%get3A_26, %get3A_27, %get3A_28] : memref<8x256x192xf32, #tpu.memory_space<vmem>>, vector<1x1x192xf32>
    %get3A_30 = vector.shape_cast %get3A_29 : vector<1x1x192xf32> to vector<1x192xf32>
    %mul3A_31 = vector.broadcast %get3A_18 : f32 to vector<1x192xf32>
    %mul3A_32 = arith.mulf %get3A_30, %mul3A_31 : vector<1x192xf32>
    %jit3A_33 = arith.constant 0.000000e+00 : f32
    %broadcast_in_dim3A_34 = vector.broadcast %jit3A_33 : f32 to vector<1x192xf32>
    %select_n3A_35 = arith.select %gt3A_25, %mul3A_32, %broadcast_in_dim3A_34 : vector<1x192xf32>
    %add3A_36 = arith.addf %get3A_23, %select_n3A_35 : vector<1x192xf32>
    %get3A_37 = arith.constant 2 : index
    %get3A_38 = arith.constant 0 : index
    %get3A_39 = vector.load %arg2[%get3A_37, %get3A_38] : memref<8x256xf32, #tpu.memory_space<vmem>>, vector<1x1xf32>
    %get3A_40 = vector.extract %get3A_39[0, 0] : f32 from vector<1x1xf32>
    %get3A_41 = arith.constant 2 : index
    %get3A_42 = arith.constant 0 : index
    %get3A_43 = arith.constant 0 : index
    %get3A_44 = vector.load %arg0[%get3A_41, %get3A_42, %get3A_43] : memref<8x197x192xf32, #tpu.memory_space<vmem>>, vector<1x1x192xf32>
    %get3A_45 = vector.shape_cast %get3A_44 : vector<1x1x192xf32> to vector<1x192xf32>
    %gt3A_46 = arith.constant 0.000000e+00 : f32
    %gt3A_47 = arith.cmpf ogt, %get3A_40, %gt3A_46 : f32
    %get3A_48 = arith.constant 2 : index
    %get3A_49 = arith.constant 0 : index
    %get3A_50 = arith.constant 0 : index
    %get3A_51 = vector.load %arg1[%get3A_48, %get3A_49, %get3A_50] : memref<8x256x192xf32, #tpu.memory_space<vmem>>, vector<1x1x192xf32>
    %get3A_52 = vector.shape_cast %get3A_51 : vector<1x1x192xf32> to vector<1x192xf32>
    %mul3A_53 = vector.broadcast %get3A_40 : f32 to vector<1x192xf32>
    %mul3A_54 = arith.mulf %get3A_52, %mul3A_53 : vector<1x192xf32>
    %jit3A_55 = arith.constant 0.000000e+00 : f32
    %broadcast_in_dim3A_56 = vector.broadcast %jit3A_55 : f32 to vector<1x192xf32>
    %select_n3A_57 = arith.select %gt3A_47, %mul3A_54, %broadcast_in_dim3A_56 : vector<1x192xf32>
    %add3A_58 = arith.addf %get3A_45, %select_n3A_57 : vector<1x192xf32>
    %get3A_59 = arith.constant 3 : index
    %get3A_60 = arith.constant 0 : index
    %get3A_61 = vector.load %arg2[%get3A_59, %get3A_60] : memref<8x256xf32, #tpu.memory_space<vmem>>, vector<1x1xf32>
    %get3A_62 = vector.extract %get3A_61[0, 0] : f32 from vector<1x1xf32>
    %get3A_63 = arith.constant 3 : index
    %get3A_64 = arith.constant 0 : index
    %get3A_65 = arith.constant 0 : index
    %get3A_66 = vector.load %arg0[%get3A_63, %get3A_64, %get3A_65] : memref<8x197x192xf32, #tpu.memory_space<vmem>>, vector<1x1x192xf32>
    %get3A_67 = vector.shape_cast %get3A_66 : vector<1x1x192xf32> to vector<1x192xf32>
    %gt3A_68 = arith.constant 0.000000e+00 : f32
    %gt3A_69 = arith.cmpf ogt, %get3A_62, %gt3A_68 : f32
    %get3A_70 = arith.constant 3 : index
    %get3A_71 = arith.constant 0 : index
    %get3A_72 = arith.constant 0 : index
    %get3A_73 = vector.load %arg1[%get3A_70, %get3A_71, %get3A_72] : memref<8x256x192xf32, #tpu.memory_space<vmem>>, vector<1x1x192xf32>
    %get3A_74 = vector.shape_cast %get3A_73 : vector<1x1x192xf32> to vector<1x192xf32>
    %mul3A_75 = vector.broadcast %get3A_62 : f32 to vector<1x192xf32>
    %mul3A_76 = arith.mulf %get3A_74, %mul3A_75 : vector<1x192xf32>
    %jit3A_77 = arith.constant 0.000000e+00 : f32
    %broadcast_in_dim3A_78 = vector.broadcast %jit3A_77 : f32 to vector<1x192xf32>
    %select_n3A_79 = arith.select %gt3A_69, %mul3A_76, %broadcast_in_dim3A_78 : vector<1x192xf32>
    %add3A_80 = arith.addf %get3A_67, %select_n3A_79 : vector<1x192xf32>
    %get3A_81 = arith.constant 4 : index
    %get3A_82 = arith.constant 0 : index
    %get3A_83 = vector.load %arg2[%get3A_81, %get3A_82] : memref<8x256xf32, #tpu.memory_space<vmem>>, vector<1x1xf32>
    %get3A_84 = vector.extract %get3A_83[0, 0] : f32 from vector<1x1xf32>
    %get3A_85 = arith.constant 4 : index
    %get3A_86 = arith.constant 0 : index
    %get3A_87 = arith.constant 0 : index
    %get3A_88 = vector.load %arg0[%get3A_85, %get3A_86, %get3A_87] : memref<8x197x192xf32, #tpu.memory_space<vmem>>, vector<1x1x192xf32>
    %get3A_89 = vector.shape_cast %get3A_88 : vector<1x1x192xf32> to vector<1x192xf32>
    %gt3A_90 = arith.constant 0.000000e+00 : f32
    %gt3A_91 = arith.cmpf ogt, %get3A_84, %gt3A_90 : f32
    %get3A_92 = arith.constant 4 : index
    %get3A_93 = arith.constant 0 : index
    %get3A_94 = arith.constant 0 : index
    %get3A_95 = vector.load %arg1[%get3A_92, %get3A_93, %get3A_94] : memref<8x256x192xf32, #tpu.memory_space<vmem>>, vector<1x1x192xf32>
    %get3A_96 = vector.shape_cast %get3A_95 : vector<1x1x192xf32> to vector<1x192xf32>
    %mul3A_97 = vector.broadcast %get3A_84 : f32 to vector<1x192xf32>
    %mul3A_98 = arith.mulf %get3A_96, %mul3A_97 : vector<1x192xf32>
    %jit3A_99 = arith.constant 0.000000e+00 : f32
    %broadcast_in_dim3A_100 = vector.broadcast %jit3A_99 : f32 to vector<1x192xf32>
    %select_n3A_101 = arith.select %gt3A_91, %mul3A_98, %broadcast_in_dim3A_100 : vector<1x192xf32>
    %add3A_102 = arith.addf %get3A_89, %select_n3A_101 : vector<1x192xf32>
    %get3A_103 = arith.constant 5 : index
    %get3A_104 = arith.constant 0 : index
    %get3A_105 = vector.load %arg2[%get3A_103, %get3A_104] : memref<8x256xf32, #tpu.memory_space<vmem>>, vector<1x1xf32>
    %get3A_106 = vector.extract %get3A_105[0, 0] : f32 from vector<1x1xf32>
    %get3A_107 = arith.constant 5 : index
    %get3A_108 = arith.constant 0 : index
    %get3A_109 = arith.constant 0 : index
    %get3A_110 = vector.load %arg0[%get3A_107, %get3A_108, %get3A_109] : memref<8x197x192xf32, #tpu.memory_space<vmem>>, vector<1x1x192xf32>
    %get3A_111 = vector.shape_cast %get3A_110 : vector<1x1x192xf32> to vector<1x192xf32>
    %gt3A_112 = arith.constant 0.000000e+00 : f32
    %gt3A_113 = arith.cmpf ogt, %get3A_106, %gt3A_112 : f32
    %get3A_114 = arith.constant 5 : index
    %get3A_115 = arith.constant 0 : index
    %get3A_116 = arith.constant 0 : index
    %get3A_117 = vector.load %arg1[%get3A_114, %get3A_115, %get3A_116] : memref<8x256x192xf32, #tpu.memory_space<vmem>>, vector<1x1x192xf32>
    %get3A_118 = vector.shape_cast %get3A_117 : vector<1x1x192xf32> to vector<1x192xf32>
    %mul3A_119 = vector.broadcast %get3A_106 : f32 to vector<1x192xf32>
    %mul3A_120 = arith.mulf %get3A_118, %mul3A_119 : vector<1x192xf32>
    %jit3A_121 = arith.constant 0.000000e+00 : f32
    %broadcast_in_dim3A_122 = vector.broadcast %jit3A_121 : f32 to vector<1x192xf32>
    %select_n3A_123 = arith.select %gt3A_113, %mul3A_120, %broadcast_in_dim3A_122 : vector<1x192xf32>
    %add3A_124 = arith.addf %get3A_111, %select_n3A_123 : vector<1x192xf32>
    %get3A_125 = arith.constant 6 : index
    %get3A_126 = arith.constant 0 : index
    %get3A_127 = vector.load %arg2[%get3A_125, %get3A_126] : memref<8x256xf32, #tpu.memory_space<vmem>>, vector<1x1xf32>
    %get3A_128 = vector.extract %get3A_127[0, 0] : f32 from vector<1x1xf32>
    %get3A_129 = arith.constant 6 : index
    %get3A_130 = arith.constant 0 : index
    %get3A_131 = arith.constant 0 : index
    %get3A_132 = vector.load %arg0[%get3A_129, %get3A_130, %get3A_131] : memref<8x197x192xf32, #tpu.memory_space<vmem>>, vector<1x1x192xf32>
    %get3A_133 = vector.shape_cast %get3A_132 : vector<1x1x192xf32> to vector<1x192xf32>
    %gt3A_134 = arith.constant 0.000000e+00 : f32
    %gt3A_135 = arith.cmpf ogt, %get3A_128, %gt3A_134 : f32
    %get3A_136 = arith.constant 6 : index
    %get3A_137 = arith.constant 0 : index
    %get3A_138 = arith.constant 0 : index
    %get3A_139 = vector.load %arg1[%get3A_136, %get3A_137, %get3A_138] : memref<8x256x192xf32, #tpu.memory_space<vmem>>, vector<1x1x192xf32>
    %get3A_140 = vector.shape_cast %get3A_139 : vector<1x1x192xf32> to vector<1x192xf32>
    %mul3A_141 = vector.broadcast %get3A_128 : f32 to vector<1x192xf32>
    %mul3A_142 = arith.mulf %get3A_140, %mul3A_141 : vector<1x192xf32>
    %jit3A_143 = arith.constant 0.000000e+00 : f32
    %broadcast_in_dim3A_144 = vector.broadcast %jit3A_143 : f32 to vector<1x192xf32>
    %select_n3A_145 = arith.select %gt3A_135, %mul3A_142, %broadcast_in_dim3A_144 : vector<1x192xf32>
    %add3A_146 = arith.addf %get3A_133, %select_n3A_145 : vector<1x192xf32>
    %get3A_147 = arith.constant 7 : index
    %get3A_148 = arith.constant 0 : index
    %get3A_149 = vector.load %arg2[%get3A_147, %get3A_148] : memref<8x256xf32, #tpu.memory_space<vmem>>, vector<1x1xf32>
    %get3A_150 = vector.extract %get3A_149[0, 0] : f32 from vector<1x1xf32>
    %get3A_151 = arith.constant 7 : index
    %get3A_152 = arith.constant 0 : index
    %get3A_153 = arith.constant 0 : index
    %get3A_154 = vector.load %arg0[%get3A_151, %get3A_152, %get3A_153] : memref<8x197x192xf32, #tpu.memory_space<vmem>>, vector<1x1x192xf32>
    %get3A_155 = vector.shape_cast %get3A_154 : vector<1x1x192xf32> to vector<1x192xf32>
    %gt3A_156 = arith.constant 0.000000e+00 : f32
    %gt3A_157 = arith.cmpf ogt, %get3A_150, %gt3A_156 : f32
    %get3A_158 = arith.constant 7 : index
    %get3A_159 = arith.constant 0 : index
    %get3A_160 = arith.constant 0 : index
    %get3A_161 = vector.load %arg1[%get3A_158, %get3A_159, %get3A_160] : memref<8x256x192xf32, #tpu.memory_space<vmem>>, vector<1x1x192xf32>
    %get3A_162 = vector.shape_cast %get3A_161 : vector<1x1x192xf32> to vector<1x192xf32>
    %mul3A_163 = vector.broadcast %get3A_150 : f32 to vector<1x192xf32>
    %mul3A_164 = arith.mulf %get3A_162, %mul3A_163 : vector<1x192xf32>
    %jit3A_165 = arith.constant 0.000000e+00 : f32
    %broadcast_in_dim3A_166 = vector.broadcast %jit3A_165 : f32 to vector<1x192xf32>
    %select_n3A_167 = arith.select %gt3A_157, %mul3A_164, %broadcast_in_dim3A_166 : vector<1x192xf32>
    %add3A_168 = arith.addf %get3A_155, %select_n3A_167 : vector<1x192xf32>
    %concatenate3A = tpu.concatenate %add3A, %add3A_36, %add3A_58, %add3A_80, %add3A_102, %add3A_124, %add3A_146, %add3A_168 in 0 : vector<1x192xf32>, vector<1x192xf32>, vector<1x192xf32>, vector<1x192xf32>, vector<1x192xf32>, vector<1x192xf32>, vector<1x192xf32>, vector<1x192xf32> -> vector<8x192xf32>
    %get3A_169 = arith.constant 0 : index
    %get3A_170 = vector.load %arg3[%get3A_169] : memref<192xf32, #tpu.memory_space<vmem>>, vector<192xf32>
    %get3A_171 = arith.constant 0 : index
    %get3A_172 = vector.load %arg4[%get3A_171] : memref<192xf32, #tpu.memory_space<vmem>>, vector<192xf32>
    %reduce_sum3A = arith.constant dense<0.000000e+00> : vector<8xf32>
    %reduce_sum3A_173 = vector.multi_reduction <add>, %concatenate3A, %reduce_sum3A [1] : vector<8x192xf32> to vector<8xf32>
    %broadcast_in_dim3A_174 = vector.shape_cast %reduce_sum3A_173 : vector<8xf32> to vector<8x1xf32>
    %div3A = arith.constant 1.920000e+02 : f32
    %div3A_175 = vector.broadcast %div3A : f32 to vector<8x1xf32>
    %div3A_176 = arith.divf %broadcast_in_dim3A_174, %div3A_175 : vector<8x1xf32>
    %sub3A = vector.broadcast %div3A_176 : vector<8x1xf32> to vector<8x192xf32>
    %sub3A_177 = arith.subf %concatenate3A, %sub3A : vector<8x192xf32>
    %integer_pow3A = arith.mulf %sub3A_177, %sub3A_177 : vector<8x192xf32>
    %reduce_sum3A_178 = arith.constant dense<0.000000e+00> : vector<8xf32>
    %reduce_sum3A_179 = vector.multi_reduction <add>, %integer_pow3A, %reduce_sum3A_178 [1] : vector<8x192xf32> to vector<8xf32>
    %broadcast_in_dim3A_180 = vector.shape_cast %reduce_sum3A_179 : vector<8xf32> to vector<8x1xf32>
    %div3A_181 = arith.constant 1.920000e+02 : f32
    %div3A_182 = vector.broadcast %div3A_181 : f32 to vector<8x1xf32>
    %div3A_183 = arith.divf %broadcast_in_dim3A_180, %div3A_182 : vector<8x1xf32>
    %sub3A_184 = vector.broadcast %div3A_176 : vector<8x1xf32> to vector<8x192xf32>
    %sub3A_185 = arith.subf %concatenate3A, %sub3A_184 : vector<8x192xf32>
    %add3A_186 = arith.constant 9.99999997E-7 : f32
    %add3A_187 = vector.broadcast %add3A_186 : f32 to vector<8x1xf32>
    %add3A_188 = arith.addf %div3A_183, %add3A_187 : vector<8x1xf32>
    %sqrt3A = math.sqrt %add3A_188 : vector<8x1xf32>
    %div3A_189 = vector.broadcast %sqrt3A : vector<8x1xf32> to vector<8x192xf32>
    %div3A_190 = arith.divf %sub3A_185, %div3A_189 : vector<8x192xf32>
    %broadcast_in_dim3A_191 = vector.shape_cast %get3A_170 : vector<192xf32> to vector<1x192xf32>
    %mul3A_192 = vector.broadcast %broadcast_in_dim3A_191 : vector<1x192xf32> to vector<8x192xf32>
    %mul3A_193 = arith.mulf %div3A_190, %mul3A_192 : vector<8x192xf32>
    %broadcast_in_dim3A_194 = vector.shape_cast %get3A_172 : vector<192xf32> to vector<1x192xf32>
    %add3A_195 = vector.broadcast %broadcast_in_dim3A_194 : vector<1x192xf32> to vector<8x192xf32>
    %add3A_196 = arith.addf %mul3A_193, %add3A_195 : vector<8x192xf32>
    %get3A_197 = arith.constant 0 : index
    %get3A_198 = arith.constant 0 : index
    %get3A_199 = vector.load %arg5[%get3A_197, %get3A_198] : memref<192x1000xf32, #tpu.memory_space<vmem>>, vector<192x1000xf32>
    %dot_general3A = arith.constant dense<0.000000e+00> : vector<8x1000xf32>
    %dot_general3A_200 = tpu.matmul %add3A_196, %get3A_199, %dot_general3A {dimension_numbers = #tpu.dot_dimension_numbers<[1], [0], [0], [1], [0, 0, 1, 1], [], []>, transpose_lhs_hint = false} : vector<8x192xf32>, vector<192x1000xf32>, vector<8x1000xf32> -> vector<8x1000xf32>
    %get3A_201 = arith.constant 0 : index
    %get3A_202 = vector.load %arg6[%get3A_201] : memref<1000xf32, #tpu.memory_space<vmem>>, vector<1000xf32>
    %broadcast_in_dim3A_203 = vector.shape_cast %get3A_202 : vector<1000xf32> to vector<1x1000xf32>
    %add3A_204 = vector.broadcast %broadcast_in_dim3A_203 : vector<1x1000xf32> to vector<8x1000xf32>
    %add3A_205 = arith.addf %dot_general3A_200, %add3A_204 : vector<8x1000xf32>
    %swap3A = arith.constant 0 : index
    %swap3A_206 = arith.constant 0 : index
    %swap3A_207 = vector.load %arg8[%swap3A, %swap3A_206] : memref<8x1000xf32, #tpu.memory_space<vmem>>, vector<8x1000xf32>
    tpu.vector_store %arg8[%swap3A, %swap3A_206], %add3A_205 {strides = array<i32>} : memref<8x1000xf32, #tpu.memory_space<vmem>>, vector<8x1000xf32>,
    %get3A_208 = arith.constant 0 : index
    %get3A_209 = arith.constant 0 : index
    %get3A_210 = vector.load %arg7[%get3A_208, %get3A_209] : memref<1x8xf32, #tpu.memory_space<vmem>>, vector<1x8xf32>
    %reduce_sum3A_211 = vector.shape_cast %get3A_210 : vector<1x8xf32> to vector<1x1x8xf32>
    %reduce_sum3A_212 = arith.constant dense<0.000000e+00> : vector<1xf32>
    %reduce_sum3A_213 = vector.multi_reduction <add>, %reduce_sum3A_211, %reduce_sum3A_212 [1, 2] : vector<1x1x8xf32> to vector<1xf32>
    %reduce_sum3A_214 = vector.shape_cast %reduce_sum3A_213 : vector<1xf32> to vector<1x1x1xf32>
    %reduce_sum3A_215 = vector.extract %reduce_sum3A_214[0, 0, 0] : f32 from vector<1x1x1xf32>
    %reshape3A = vector.broadcast %reduce_sum3A_215 : f32 to vector<1x1xf32>
    %swap3A_216 = arith.constant 0 : index
    %swap3A_217 = arith.constant 0 : index
    %swap3A_218 = vector.load %arg9[%swap3A_216, %swap3A_217] : memref<1x1xf32, #tpu.memory_space<vmem>>, vector<1x1xf32>
    tpu.vector_store %arg9[%swap3A_216, %swap3A_217], %reshape3A {strides = array<i32>} : memref<1x1xf32, #tpu.memory_space<vmem>>, vector<1x1xf32>,
    return
  }
}

</mosaic_0001>

<sc_bundles>
// kernel: kernel.28.cloned.1.call-start
scs
__scs_entry_jumppad:
0x0: {  	(pc) =	sbr.rel $0x88, $3  }
0x1: {  	(tag) =	ssettag $0x0;
	lr =	simm.s32 $0x1  }
0x2: {  	[smem:$0x3F8B] =	sst lr;
	_ =	strace $0xD0000000  }
0x3: {  	_ = 	snop  }
0x4: {  	_ = 	snop  }
0x5: {  	_ = 	snop  }
0x6: {  	_ = 	snop  }
0x7: {  	_ = 	snop  }
__scs_overlays_trampoline_lowered:
0x8: {  	[smem:$0x3F9A] =	sst s0  }
0x9: {  	[smem:$0x3F9B] =	sst s1  }
0xa: {  	[smem:$0x3F9C] =	sst s2  }
0xb: {  	[smem:$0x3F9D] =	sst s3  }
0xc: {  	[smem:$0x3F9E] =	sst s4  }
0xd: {  	[smem:$0x3F9F] =	sst s5  }
0xe: {  	[smem:$0x3FA0] =	sst s6  }
0xf: {  	[smem:$0x3FA1] =	sst s7  }
0x10: {  	[smem:$0x3FA2] =	sst s8  }
0x11: {  	[smem:$0x3FA3] =	sst s9;
	s0 =	simm.s32 @!p0 $0x0  }
0x12: {  	s1 =	sld [smem:$0x3F89];
	s0 =	simm.s32 @p0 $0x1  }
0x13: {  	[smem:$0x3FA4] =	sst s0;
	s0 =	simm.s32 @!p1 $0x0  }
0x14: {  	s2 =	sld [smem:$0x3F88];
	s0 =	simm.s32 @p1 $0x1  }
0x15: {  	[smem:$0x3FA5] =	sst s0;
	s0 =	simm.s32 @!p2 $0x0  }
0x16: {  	s3 =	sld [smem:$0x3FDB];
	s0 =	simm.s32 @p2 $0x1  }
0x17: {  	s4 =	simm.s32 $0x1BF5;
	[smem:$0x3FA7] =	sst s0  }
0x18: {  	s0 =	sld [smem:$0x3F8A];
	_ =	swait.ge [sflag:s4], $0x0  }
0x19: {  	s7 =	sld [smem:$0x3F8B]  }
0x1a: {  	s8 =	sadd.s32 $0xFFFFE003, lr  }
0x1b: {  	s9 =	sadd.s32 $0xFFFFFEF7, lr;
	s5 =	simm.s32 $0xFFFFFFFF;
	p2 =	slt.u32 s8, $0xFFFFF086  }
0x1c: {  	p1 =	slt.u32 s9, $0xF7A;
	s5 =	simm.s32 @!p2 $0x0  }
0x1d: {  	s5 =	simm.s32 @p1 $0x1;
	p0 =	seq.s32 s7, s2  }
0x1e: {  	s7 =	smul.u32 @!p0 $0xF7A, s2;
	p2 =	seq.s32 @!p0 s5, $0x0  }
0x1f: {  	s9 =	smul.u32 $0xF7A, s1;
	s8 =	simm.s32 @!p0 $0x1BF5;
	p2 =	por !p2, p0  }
0x20: {  	[sflag:s8] =	ssyncset.s32 @!p0 $0xFFFFF086;
	s6 =	sadd.s32 @!p0 s3, s7;
	s7 =	simm.s32 @!p0 $0x108  }
0x21: {  	s3 =	sadd.s32 s3, s9;
	s6 =	sadd.s32 @!p0 $0x88, s6;
	s7 =	simm.s32 @p2 $0x1082  }
0x22: {  	[simem:s7], [sflag:s8] =	dma.local @!p0 [hbm:s6], $0xF7A  }
0x23: {  	s9 =	sor.u32 $0xD0000000, s2;
	s6 =	simm.s32 $0x108;
	_ =	swait.ge @!p0 [sflag:s8], $0x0  }
0x24: {  	s3 =	sadd.s32 $0x88, s3;
	s6 =	simm.s32 @!p1 $0x1082;
	[sflag:s4] =	ssyncset.s32 $0xFFFFF086  }
0x25: {  	[simem:s6], [sflag:s4] =	dma.local [hbm:s3], $0xF7A  }
0x26: {  	[smem:$0x3F8B] =	sst s1;
	(tag) =	ssettag s2;
	_ =	strace s9  }
0x27: {  	s1 =	sld [smem:$0x3F9B]  }
0x28: {  	s2 =	sld [smem:$0x3F9C]  }
0x29: {  	s4 =	sld [smem:$0x3F9E]  }
0x2a: {  	p0 =	seq.s32 s5, $0x0;
	s5 =	sld [smem:$0x3F9F]  }
0x2b: {  	s6 =	sld [smem:$0x3FA0]  }
0x2c: {  	s7 =	sld [smem:$0x3FA1]  }
0x2d: {  	s3 =	simm.s32 $0x108;
	s8 =	sld [smem:$0x3FA2]  }
0x2e: {  	s3 =	simm.s32 @!p0 $0x1082;
	s9 =	sld [smem:$0x3FA3]  }
0x2f: {  	lr =	sadd.s32 s0, s3;
	s0 =	sld [smem:$0x3F9A]  }
0x30: {  	s3 =	sld [smem:$0x3F9D]  }
0x31: {  	[smem:$0x3FA6] =	sst s10  }
0x32: {  	s10 =	sld [smem:$0x3FA4];
	_ =	sdelay $0x3  }
0x33: {  	p0 =	seq.s32 s10, $0x1;
	s10 =	sld [smem:$0x3FA6];
	_ =	sdelay $0x3  }
0x34: {  	[smem:$0x3FA6] =	sst s10  }
0x35: {  	s10 =	sld [smem:$0x3FA5];
	_ =	sdelay $0x3  }
0x36: {  	p1 =	seq.s32 s10, $0x1;
	s10 =	sld [smem:$0x3FA6];
	_ =	sdelay $0x3  }
0x37: {  	[smem:$0x3FA6] =	sst s10  }
0x38: {  	s10 =	sld [smem:$0x3FA7]  }
0x39: {  	_ = 	snop;
	(pc) =	sbr.ind lr, $3  }
0x3a: {  	_ = 	snop  }
0x3b: {  	_ = 	snop  }
0x3c: {  	p2 =	seq.s32 s10, $0x1;
	s10 =	sld [smem:$0x3FA6]  }
0x3d: {  	_ =	shalt  }
0x3e: {  	_ =	shalt  }
0x3f: {  	_ =	shalt  }
0x40: {  	_ =	shalt  }
0x41: {  	_ =	shalt  }
0x42: {  	_ =	shalt  }
0x43: {  	_ =	shalt  }
0x44: {  	_ =	shalt  }
0x45: {  	_ =	shalt  }
0x46: {  	_ =	shalt  }
0x47: {  	_ =	shalt  }
0x48: {  	_ =	shalt  }
0x49: {  	_ =	shalt  }
0x4a: {  	_ =	shalt  }
0x4b: {  	_ =	shalt  }
0x4c: {  	_ =	shalt  }
0x4d: {  	_ =	shalt  }
0x4e: {  	_ =	shalt  }
0x4f: {  	_ =	shalt  }
0x50: {  	_ =	shalt  }
0x51: {  	_ =	shalt  }
0x52: {  	_ =	shalt  }
0x53: {  	_ =	shalt  }
0x54: {  	_ =	shalt  }
0x55: {  	_ =	shalt  }
0x56: {  	_ =	shalt  }
0x57: {  	_ =	shalt  }
0x58: {  	_ =	shalt  }
0x59: {  	_ =	shalt  }
0x5a: {  	_ =	shalt  }
0x5b: {  	_ =	shalt  }
0x5c: {  	_ =	shalt  }
0x5d: {  	_ =	shalt  }
0x5e: {  	_ =	shalt  }
0x5f: {  	_ =	shalt  }
0x60: {  	_ =	shalt  }
0x61: {  	_ =	shalt  }
0x62: {  	_ =	shalt  }
0x63: {  	_ =	shalt  }
0x64: {  	_ =	shalt  }
0x65: {  	_ =	shalt  }
0x66: {  	_ =	shalt  }
0x67: {  	_ =	shalt  }
0x68: {  	_ =	shalt  }
0x69: {  	_ =	shalt  }
0x6a: {  	_ =	shalt  }
0x6b: {  	_ =	shalt  }
0x6c: {  	_ =	shalt  }
0x6d: {  	_ =	shalt  }
0x6e: {  	_ =	shalt  }
0x6f: {  	_ =	shalt  }
0x70: {  	_ =	shalt  }
0x71: {  	_ =	shalt  }
0x72: {  	_ =	shalt  }
0x73: {  	_ =	shalt  }
0x74: {  	_ =	shalt  }
0x75: {  	_ =	shalt  }
0x76: {  	_ =	shalt  }
0x77: {  	_ =	shalt  }
0x78: {  	_ =	shalt  }
0x79: {  	_ =	shalt  }
0x7a: {  	_ =	shalt  }
0x7b: {  	_ =	shalt  }
0x7c: {  	_ =	shalt  }
0x7d: {  	_ =	shalt  }
0x7e: {  	_ =	shalt  }
0x7f: {  	_ =	shalt  }
0x80: {  	_ =	shalt  }
0x81: {  	_ =	shalt  }
0x82: {  	_ =	shalt  }
0x83: {  	_ =	shalt  }
0x84: {  	_ =	shalt  }
0x85: {  	_ =	shalt  }
0x86: {  	_ =	shalt  }
0x87: {  	_ =	shalt  }
.Lfunc_end0:
.L_simem_size_0:
called_computation_lowered:
.L_overlay_start_0:
0x88: {  	s2 =	sld [smem:$0x3FD9]  }
0x89: {  	s3 =	sld [smem:$0x3FFE];
	_ =	sdelay $0x1  }
0x8a: {  	s1 =	srdreg.scid  }
0x8b: {  	s0 =	sand.u32 $0x1, s1  }
0x8c: {  	s16 =	sshll.u32 s0, $0xA;
	s2 =	sadd.s32 s3, s2  }
0x8d: {  	s2 =	sadd.s32 s2, s16  }
0x8e: {  	[smem:$0x3FB2] =	sst s2  }
0x8f: {  	_ = 	snop  }
0x90: {  	(tm) =	ssettm $0x1  }
0x91: {  	s17 =	sld [smem:$0x3FFB];
	_ =	sdelay $0x3  }
0x92: {  	_ =	strace s17  }
0x93: {  	s2 =	sld [smem:$0x3FFC];
	_ =	sdelay $0x3  }
0x94: {  	_ =	strace s2  }
0x95: {  	s2 =	sld [smem:$0x3FFD];
	_ =	sdelay $0x3  }
0x96: {  	_ =	strace s2  }
0x97: {  	_ =	strace $0x8FFFFFFF  }
0x98: {  	s18 =	sld [smem:$0x3FDB];
	_ =	sdelay $0x1  }
0x99: {  	s19 =	simm.s32 $_scs_section_size  }
0x9a: {  	s4 =	simm.s32 $_size__tile_overlayer_lowered;
	s5 =	simm.s32 $_tile_overlayer_lowered  }
0x9b: {  	s22 =	simm.s32 $0x1BFF;
	s21 =	sshll.u32 s5, $0x1;
	s2 =	sadd.s32 s19, s18  }
0x9c: {  	s6 =	simm.s32 $0x0;
	s20 =	sshll.u32 s4, $0x1;
	s4 =	sadd.s32 s21, s2  }
0x9d: {  	[timem:s6], [sflag:s22] =	dma.local [hbm:s4], s20  }
0x9e: {  	_ =	swait.ge [sflag:s22], s20  }
0x9f: {  	s3 =	ssub.s32 $0x0, s20;
	[sflag:s22] =	ssyncset.done $0x0  }
0xa0: {  	[sflag:s22] =	ssyncadd.s32 s3;
	_ =	sdelay $0x1  }
0xa1: {  	s23 =	simm.s32 $0x1B8B  }
0xa2: {  	_ =	swait.ge [sflag:s23], $0x1  }
0xa3: {  	[sflag:s23] =	ssyncset.done $0x0  }
0xa4: {  	s25 =	simm.s32 $0x1B8E;
	s24 =	sld [smem:$0x3FFE];
	[sflag:s23] =	ssyncadd.s32 $0xFFFFFFFF  }
0xa5: {  	s26 =	simm.s32 $execute0_lowered;
	[smem:$0x3FD2] =	sst s25  }
0xa6: {  	s4 =	sshll.u32 s26, $0x1;
	_ =	strace $0x80000046;
	[dreg:$0x1] =	wrdreg $0xFFFFFFFF  }
0xa7: {  	s28 =	simm.s32 $_size_execute0_lowered;
	s2 =	sadd.s32 s2, s4;
	[dreg:$0x0] =	wrdreg $0x0  }
0xa8: {  	s4 =	sshll.u32 s28, $0x1;
	[dreg:$0x2] =	wrdreg s2  }
0xa9: {  	[dreg:$0x3] =	wrdreg s4  }
0xaa: {  	[dreg:$0x4] =	wrdreg $0xC0  }
0xab: {  	_ =	task [dreg:s6], $0x5FFFF  }
0xac: {  	[dreg:$0x1] =	wrdreg $0xFFFFFFFF  }
0xad: {  	[dreg:$0x0] =	wrdreg $0x60  }
0xae: {  	[dreg:$0x2] =	wrdreg s24  }
0xaf: {  	[dreg:$0x3] =	wrdreg $0x9  }
0xb0: {  	_ =	task.clear_ibuf [dreg:s6], $0x4FFFF;
	_ =	strace $0x90000046  }
0xb1: {  	s29 =	simm.s32 $0x9;
	_ =	strace $0x80000048  }
0xb2: {  	_ =	swait.ge [sflag:s29], $0x1  }
0xb3: {  	[sflag:s29] =	ssyncadd.s32 $0xFFFFFFFF  }
0xb4: {  	_ =	strace $0x90000048  }
0xb5: {  	_ =	sfence  }
0xb6: {  	s30 =	sld [smem:$0x0];
	_ =	sdelay $0x2  }
0xb7: {  	s31 =	sshll.u32 s1, $0xD;
	s1 =	sshrl.u32 s1, $0x2  }
0xb8: {  	s3 =	sand.u32 $0x4000, s31;
	s1 =	sadd.s32 s1, s30  }
0xb9: {  	s0 =	sor.u32 s3, s0;
	s1 =	sshll.u32 s1, $0x11  }
0xba: {  	s0 =	sor.u32 s1, s0  }
0xbb: {  	s0 =	sadd.s32 $0x8F2B, s0  }
0xbc: {  	[sflag:s0] =	ssyncadd.remote.s32 $0x1  }
0xbd: {  	_ =	sfence.sel $0xFFFF  }
0xbe: {  	[dreg:$0x0] =	wrdreg $0xFFFFFFFF;
	(pc) =	sbr.abs _section_cstart, $3  }
0xbf: {  	[dreg:$0x1] =	wrdreg $0xFFFFFFFF  }
0xc0: {  	_ =	task.clear_ibuf [dreg:s6], $0x2FFFF;
	_ =	strace $0x9FFFFFFF  }
0xc1: {  	(tm) =	ssettm $0x7FFFFFFF  }
tec
execute0_lowered:
.L_overlay_start_1:
0x0: {  	(tag) =	ssettag $0x1  }
0x1: {  	s1 =	srdreg.scid  }
0x2: {  	s0 =	stileid.u32;
	s5 =	sand.u32 $0x1, s1  }
0x3: {  	s7 =	rddreg [dreg:$0x0];
	s3 =	sshll.u32 s0, $0x7;
	s4 =	sshll.u32 s5, $0x6  }
0x4: {  	s2 =	simm.s32 $0x0;
	s1 =	rddreg [dreg:$0x1];
	s3 =	sor.u32 s4, s3  }
0x5: {  	[smem:$0x7FF] =	sst s2;
	s8 =	ssub.s32 $0x2, s5;
	s4 =	sshrl.u32 s3, $0x3  }
0x6: {  	_ =	strace $0x80000047;
	s9 =	sshrl.u32 s8, $0x1;
	s4 =	sadd.s32 s4, s7  }
0x7: {  	s6 =	smul.u32 $0x18, s3;
	s3 =	sadd.s32 $0x2AA00, s4;
	s4 =	simm.s32 $0x2  }
0x8: {  	[tilespmem:s2], [sflag:$0x2] =	stream.linear.gather [hbm4b:s3+s2], $0x40, $0x38;
	[tilespmem:$0x3040] =	vst v63  }
0x9: {  	s8 =	ssub.s32 s8, s9;
	_ =	swait.ge [sflag:s4], $0x40  }
0xa: {  	s9 =	smax.u32 s8, $0x1;
	s6 =	sadd.s32 s6, s7;
	[sflag:s4] =	ssyncset.done $0x0  }
0xb: {  	s5 =	sadd.s32 $0x2AC00, s6;
	s6 =	simm.s32 $0x40;
	[sflag:s4] =	ssyncadd.s32 $0xFFFFFFC0  }
0xc: {  	[tilespmem:s6], [sflag:$0x2] =	stream.linear.gather [hbm4b:s5+s2], $0x3000, $0x38;
	[tilespmem:$0x3040] =	vst v63  }
0xd: {  	p0 =	sne.s32 s9, $0x1;
	_ =	swait.ge [sflag:s4], $0x3000  }
.Ltmp0:
0xe: {  	[sflag:s4] =	ssyncset.done $0x0;
	(pc) =	sbr.rel @!p0 .LBB2_2-.Ltmp0, $4  }
0xf: {  	s8 =	simm.s32 $0x1;
	s7 =	sadd.s32 $0x36C00, s7;
	[sflag:s4] =	ssyncadd.s32 $0xFFFFD000  }
0x10: {  	[hbm4b:s7+s6] =	stream.indirect.scatter [tilespmem:s6], [sflag:$0x1], $0xC0, s2, s6, $0xb8;
	[tilespmem:$0x3040] =	vst v63  }
0x11: {  	_ =	swait.ge [sflag:s8], $0x3000  }
0x12: {  	s9 =	sadd.s32 $0xFFFFFFFF, s9;
	[sflag:s8] =	ssyncset.done $0x0  }
.LBB2_1:
0x13: {  	p0 =	sne.s32 s9, $0x1;
	s9 =	sadd.s32 $0xFFFFFFFF, s9;
	[sflag:s8] =	ssyncadd.s32 $0xFFFFD000  }
0x14: {  	[tilespmem:s2], [sflag:$0x2] =	stream.linear.gather [hbm4b:s3+s2], $0x40, $0x38;
	[tilespmem:$0x3040] =	vst v63  }
0x15: {  	_ =	swait.ge [sflag:s4], $0x40  }
0x16: {  	[sflag:s4] =	ssyncset.done $0x0  }
0x17: {  	[sflag:s4] =	ssyncadd.s32 $0xFFFFFFC0  }
0x18: {  	[tilespmem:s6], [sflag:$0x2] =	stream.linear.gather [hbm4b:s5+s2], $0x3000, $0x38;
	[tilespmem:$0x3040] =	vst v63  }
0x19: {  	_ =	swait.ge [sflag:s4], $0x3000  }
.Ltmp1:
0x1a: {  	[sflag:s4] =	ssyncset.done $0x0;
	(pc) =	sbr.rel @p0 .LBB2_1-.Ltmp1, $4  }
0x1b: {  	[sflag:s4] =	ssyncadd.s32 $0xFFFFD000  }
0x1c: {  	[hbm4b:s7+s6] =	stream.indirect.scatter [tilespmem:s6], [sflag:$0x1], $0xC0, s2, s6, $0xb8;
	[tilespmem:$0x3040] =	vst v63  }
0x1d: {  	_ =	swait.ge [sflag:s8], $0x3000  }
0x1e: {  	[sflag:s8] =	ssyncset.done $0x0  }
.LBB2_2:
0x1f: {  	[sflag:s8] =	ssyncadd.s32 $0xFFFFD000  }
0x20: {  	_ =	sfence.sel $0x180000  }
0x21: {  	[bflag:$0x0] =	sbarrier.arrive $0xFFFF  }
0x22: {  	p0 =	sne.s32 s0, $0x0;
	_ =	strace $0x90000047  }
0x23: {  	s0 =	sadd.s32 @!p0 $0x100000, s1;
	[bflag:$0x2] =	sbarrier.arrive $0xFFFF  }
0x24: {  	[sflag:s0] =	ssyncadd.tile.s32 @!p0 $0x1;
	_ =	shalt  }
.Lfunc_end2:
_tile_overlayer_lowered:
.L_overlay_start_2:
0x25: {  	(tag) =	ssettag $0x2  }
0x26: {  	s0 =	rddreg [dreg:$0x0];
	s2 =	stileid.u32  }
0x27: {  	s1 =	rddreg [dreg:$0x1];
	p0 =	sne.s32 s2, $0x0  }
0x28: {  	s3 =	rddreg [dreg:$0x2];
	[bflag:$0x3] =	sbarrier.arrive $0xFFFF;
	s2 =	simm.s32 @!p0 $0x1C02  }
0x29: {  	[timem:s3], [sflag:s2] =	dma.local @!p0 [hbm:s0], s1  }
0x2a: {  	s0 =	simm.s32 @!p0 $0x2  }
0x2b: {  	_ =	swait.ge @!p0 [sflag:s0], s1  }
0x2c: {  	s1 =	ssub.s32 @!p0 $0x0, s1;
	[sflag:s0] =	ssyncset.done @!p0 $0x0  }
0x2d: {  	[sflag:s0] =	ssyncadd.s32 @!p0 s1  }
0x2e: {  	[bflag:$0x3] =	sbarrier.arrive $0xFFFF  }
0x2f: {  	_ =	shalt  }

// kernel: kernel.31.cloned.1.call-start
scs
__scs_entry_jumppad:
0x0: {  	(pc) =	sbr.rel $0x88, $3  }
0x1: {  	(tag) =	ssettag $0x0;
	lr =	simm.s32 $0x1  }
0x2: {  	[smem:$0x3F8B] =	sst lr;
	_ =	strace $0xD0000000  }
0x3: {  	_ = 	snop  }
0x4: {  	_ = 	snop  }
0x5: {  	_ = 	snop  }
0x6: {  	_ = 	snop  }
0x7: {  	_ = 	snop  }
__scs_overlays_trampoline_lowered:
0x8: {  	[smem:$0x3F9A] =	sst s0  }
0x9: {  	[smem:$0x3F9B] =	sst s1  }
0xa: {  	[smem:$0x3F9C] =	sst s2  }
0xb: {  	[smem:$0x3F9D] =	sst s3  }
0xc: {  	[smem:$0x3F9E] =	sst s4  }
0xd: {  	[smem:$0x3F9F] =	sst s5  }
0xe: {  	[smem:$0x3FA0] =	sst s6  }
0xf: {  	[smem:$0x3FA1] =	sst s7  }
0x10: {  	[smem:$0x3FA2] =	sst s8  }
0x11: {  	[smem:$0x3FA3] =	sst s9;
	s0 =	simm.s32 @!p0 $0x0  }
0x12: {  	s1 =	sld [smem:$0x3F89];
	s0 =	simm.s32 @p0 $0x1  }
0x13: {  	[smem:$0x3FA4] =	sst s0;
	s0 =	simm.s32 @!p1 $0x0  }
0x14: {  	s2 =	sld [smem:$0x3F88];
	s0 =	simm.s32 @p1 $0x1  }
0x15: {  	[smem:$0x3FA5] =	sst s0;
	s0 =	simm.s32 @!p2 $0x0  }
0x16: {  	s3 =	sld [smem:$0x3FDB];
	s0 =	simm.s32 @p2 $0x1  }
0x17: {  	s4 =	simm.s32 $0x1BF5;
	[smem:$0x3FA7] =	sst s0  }
0x18: {  	s0 =	sld [smem:$0x3F8A];
	_ =	swait.ge [sflag:s4], $0x0  }
0x19: {  	s7 =	sld [smem:$0x3F8B]  }
0x1a: {  	s8 =	sadd.s32 $0xFFFFE003, lr  }
0x1b: {  	s9 =	sadd.s32 $0xFFFFFEF7, lr;
	s5 =	simm.s32 $0xFFFFFFFF;
	p2 =	slt.u32 s8, $0xFFFFF086  }
0x1c: {  	p1 =	slt.u32 s9, $0xF7A;
	s5 =	simm.s32 @!p2 $0x0  }
0x1d: {  	s5 =	simm.s32 @p1 $0x1;
	p0 =	seq.s32 s7, s2  }
0x1e: {  	s7 =	smul.u32 @!p0 $0xF7A, s2;
	p2 =	seq.s32 @!p0 s5, $0x0  }
0x1f: {  	s9 =	smul.u32 $0xF7A, s1;
	s8 =	simm.s32 @!p0 $0x1BF5;
	p2 =	por !p2, p0  }
0x20: {  	[sflag:s8] =	ssyncset.s32 @!p0 $0xFFFFF086;
	s6 =	sadd.s32 @!p0 s3, s7;
	s7 =	simm.s32 @!p0 $0x108  }
0x21: {  	s3 =	sadd.s32 s3, s9;
	s6 =	sadd.s32 @!p0 $0x88, s6;
	s7 =	simm.s32 @p2 $0x1082  }
0x22: {  	[simem:s7], [sflag:s8] =	dma.local @!p0 [hbm:s6], $0xF7A  }
0x23: {  	s9 =	sor.u32 $0xD0000000, s2;
	s6 =	simm.s32 $0x108;
	_ =	swait.ge @!p0 [sflag:s8], $0x0  }
0x24: {  	s3 =	sadd.s32 $0x88, s3;
	s6 =	simm.s32 @!p1 $0x1082;
	[sflag:s4] =	ssyncset.s32 $0xFFFFF086  }
0x25: {  	[simem:s6], [sflag:s4] =	dma.local [hbm:s3], $0xF7A  }
0x26: {  	[smem:$0x3F8B] =	sst s1;
	(tag) =	ssettag s2;
	_ =	strace s9  }
0x27: {  	s1 =	sld [smem:$0x3F9B]  }
0x28: {  	s2 =	sld [smem:$0x3F9C]  }
0x29: {  	s4 =	sld [smem:$0x3F9E]  }
0x2a: {  	p0 =	seq.s32 s5, $0x0;
	s5 =	sld [smem:$0x3F9F]  }
0x2b: {  	s6 =	sld [smem:$0x3FA0]  }
0x2c: {  	s7 =	sld [smem:$0x3FA1]  }
0x2d: {  	s3 =	simm.s32 $0x108;
	s8 =	sld [smem:$0x3FA2]  }
0x2e: {  	s3 =	simm.s32 @!p0 $0x1082;
	s9 =	sld [smem:$0x3FA3]  }
0x2f: {  	lr =	sadd.s32 s0, s3;
	s0 =	sld [smem:$0x3F9A]  }
0x30: {  	s3 =	sld [smem:$0x3F9D]  }
0x31: {  	[smem:$0x3FA6] =	sst s10  }
0x32: {  	s10 =	sld [smem:$0x3FA4];
	_ =	sdelay $0x3  }
0x33: {  	p0 =	seq.s32 s10, $0x1;
	s10 =	sld [smem:$0x3FA6];
	_ =	sdelay $0x3  }
0x34: {  	[smem:$0x3FA6] =	sst s10  }
0x35: {  	s10 =	sld [smem:$0x3FA5];
	_ =	sdelay $0x3  }
0x36: {  	p1 =	seq.s32 s10, $0x1;
	s10 =	sld [smem:$0x3FA6];
	_ =	sdelay $0x3  }
0x37: {  	[smem:$0x3FA6] =	sst s10  }
0x38: {  	s10 =	sld [smem:$0x3FA7]  }
0x39: {  	_ = 	snop;
	(pc) =	sbr.ind lr, $3  }
0x3a: {  	_ = 	snop  }
0x3b: {  	_ = 	snop  }
0x3c: {  	p2 =	seq.s32 s10, $0x1;
	s10 =	sld [smem:$0x3FA6]  }
0x3d: {  	_ =	shalt  }
0x3e: {  	_ =	shalt  }
0x3f: {  	_ =	shalt  }
0x40: {  	_ =	shalt  }
0x41: {  	_ =	shalt  }
0x42: {  	_ =	shalt  }
0x43: {  	_ =	shalt  }
0x44: {  	_ =	shalt  }
0x45: {  	_ =	shalt  }
0x46: {  	_ =	shalt  }
0x47: {  	_ =	shalt  }
0x48: {  	_ =	shalt  }
0x49: {  	_ =	shalt  }
0x4a: {  	_ =	shalt  }
0x4b: {  	_ =	shalt  }
0x4c: {  	_ =	shalt  }
0x4d: {  	_ =	shalt  }
0x4e: {  	_ =	shalt  }
0x4f: {  	_ =	shalt  }
0x50: {  	_ =	shalt  }
0x51: {  	_ =	shalt  }
0x52: {  	_ =	shalt  }
0x53: {  	_ =	shalt  }
0x54: {  	_ =	shalt  }
0x55: {  	_ =	shalt  }
0x56: {  	_ =	shalt  }
0x57: {  	_ =	shalt  }
0x58: {  	_ =	shalt  }
0x59: {  	_ =	shalt  }
0x5a: {  	_ =	shalt  }
0x5b: {  	_ =	shalt  }
0x5c: {  	_ =	shalt  }
0x5d: {  	_ =	shalt  }
0x5e: {  	_ =	shalt  }
0x5f: {  	_ =	shalt  }
0x60: {  	_ =	shalt  }
0x61: {  	_ =	shalt  }
0x62: {  	_ =	shalt  }
0x63: {  	_ =	shalt  }
0x64: {  	_ =	shalt  }
0x65: {  	_ =	shalt  }
0x66: {  	_ =	shalt  }
0x67: {  	_ =	shalt  }
0x68: {  	_ =	shalt  }
0x69: {  	_ =	shalt  }
0x6a: {  	_ =	shalt  }
0x6b: {  	_ =	shalt  }
0x6c: {  	_ =	shalt  }
0x6d: {  	_ =	shalt  }
0x6e: {  	_ =	shalt  }
0x6f: {  	_ =	shalt  }
0x70: {  	_ =	shalt  }
0x71: {  	_ =	shalt  }
0x72: {  	_ =	shalt  }
0x73: {  	_ =	shalt  }
0x74: {  	_ =	shalt  }
0x75: {  	_ =	shalt  }
0x76: {  	_ =	shalt  }
0x77: {  	_ =	shalt  }
0x78: {  	_ =	shalt  }
0x79: {  	_ =	shalt  }
0x7a: {  	_ =	shalt  }
0x7b: {  	_ =	shalt  }
0x7c: {  	_ =	shalt  }
0x7d: {  	_ =	shalt  }
0x7e: {  	_ =	shalt  }
0x7f: {  	_ =	shalt  }
0x80: {  	_ =	shalt  }
0x81: {  	_ =	shalt  }
0x82: {  	_ =	shalt  }
0x83: {  	_ =	shalt  }
0x84: {  	_ =	shalt  }
0x85: {  	_ =	shalt  }
0x86: {  	_ =	shalt  }
0x87: {  	_ =	shalt  }
.Lfunc_end0:
.L_simem_size_0:
called_computation.1_lowered:
.L_overlay_start_0:
0x88: {  	s2 =	sld [smem:$0x3FD9]  }
0x89: {  	s3 =	sld [smem:$0x3FFE];
	_ =	sdelay $0x1  }
0x8a: {  	s1 =	srdreg.scid  }
0x8b: {  	s0 =	sand.u32 $0x1, s1  }
0x8c: {  	s16 =	sshll.u32 s0, $0xA;
	s2 =	sadd.s32 s3, s2  }
0x8d: {  	s2 =	sadd.s32 s2, s16  }
0x8e: {  	[smem:$0x3FB2] =	sst s2  }
0x8f: {  	_ = 	snop  }
0x90: {  	(tm) =	ssettm $0x1  }
0x91: {  	s17 =	sld [smem:$0x3FFB];
	_ =	sdelay $0x3  }
0x92: {  	_ =	strace s17  }
0x93: {  	s2 =	sld [smem:$0x3FFC];
	_ =	sdelay $0x3  }
0x94: {  	_ =	strace s2  }
0x95: {  	s2 =	sld [smem:$0x3FFD];
	_ =	sdelay $0x3  }
0x96: {  	_ =	strace s2  }
0x97: {  	_ =	strace $0x8FFFFFFF  }
0x98: {  	s18 =	sld [smem:$0x3FDB];
	_ =	sdelay $0x1  }
0x99: {  	s19 =	simm.s32 $_scs_section_size  }
0x9a: {  	s4 =	simm.s32 $_size__tile_overlayer_lowered;
	s5 =	simm.s32 $_tile_overlayer_lowered  }
0x9b: {  	s22 =	simm.s32 $0x1BFF;
	s21 =	sshll.u32 s5, $0x1;
	s2 =	sadd.s32 s19, s18  }
0x9c: {  	s6 =	simm.s32 $0x0;
	s20 =	sshll.u32 s4, $0x1;
	s4 =	sadd.s32 s21, s2  }
0x9d: {  	[timem:s6], [sflag:s22] =	dma.local [hbm:s4], s20  }
0x9e: {  	_ =	swait.ge [sflag:s22], s20  }
0x9f: {  	s3 =	ssub.s32 $0x0, s20;
	[sflag:s22] =	ssyncset.done $0x0  }
0xa0: {  	[sflag:s22] =	ssyncadd.s32 s3;
	_ =	sdelay $0x1  }
0xa1: {  	s23 =	simm.s32 $0x1B8B  }
0xa2: {  	_ =	swait.ge [sflag:s23], $0x1  }
0xa3: {  	[sflag:s23] =	ssyncset.done $0x0  }
0xa4: {  	s25 =	simm.s32 $0x1B8E;
	s24 =	sld [smem:$0x3FFE];
	[sflag:s23] =	ssyncadd.s32 $0xFFFFFFFF  }
0xa5: {  	s26 =	simm.s32 $execute0_lowered;
	[smem:$0x3FD2] =	sst s25  }
0xa6: {  	s4 =	sshll.u32 s26, $0x1;
	_ =	strace $0x80000049;
	[dreg:$0x1] =	wrdreg $0xFFFFFFFF  }
0xa7: {  	s28 =	simm.s32 $_size_execute0_lowered;
	s2 =	sadd.s32 s2, s4;
	[dreg:$0x0] =	wrdreg $0x0  }
0xa8: {  	s4 =	sshll.u32 s28, $0x1;
	[dreg:$0x2] =	wrdreg s2  }
0xa9: {  	[dreg:$0x3] =	wrdreg s4  }
0xaa: {  	[dreg:$0x4] =	wrdreg $0xC0  }
0xab: {  	_ =	task [dreg:s6], $0x5FFFF  }
0xac: {  	[dreg:$0x1] =	wrdreg $0xFFFFFFFF  }
0xad: {  	[dreg:$0x0] =	wrdreg $0x60  }
0xae: {  	[dreg:$0x2] =	wrdreg s24  }
0xaf: {  	[dreg:$0x3] =	wrdreg $0x9  }
0xb0: {  	_ =	task.clear_ibuf [dreg:s6], $0x4FFFF;
	_ =	strace $0x90000049  }
0xb1: {  	s29 =	simm.s32 $0x9;
	_ =	strace $0x8000004B  }
0xb2: {  	_ =	swait.ge [sflag:s29], $0x1  }
0xb3: {  	[sflag:s29] =	ssyncadd.s32 $0xFFFFFFFF  }
0xb4: {  	_ =	strace $0x9000004B  }
0xb5: {  	_ =	sfence  }
0xb6: {  	s30 =	sld [smem:$0x0];
	_ =	sdelay $0x2  }
0xb7: {  	s31 =	sshll.u32 s1, $0xD;
	s1 =	sshrl.u32 s1, $0x2  }
0xb8: {  	s3 =	sand.u32 $0x4000, s31;
	s1 =	sadd.s32 s1, s30  }
0xb9: {  	s0 =	sor.u32 s3, s0;
	s1 =	sshll.u32 s1, $0x11  }
0xba: {  	s0 =	sor.u32 s1, s0  }
0xbb: {  	s0 =	sadd.s32 $0x8F2B, s0  }
0xbc: {  	[sflag:s0] =	ssyncadd.remote.s32 $0x1  }
0xbd: {  	_ =	sfence.sel $0xFFFF  }
0xbe: {  	[dreg:$0x0] =	wrdreg $0xFFFFFFFF;
	(pc) =	sbr.abs _section_cstart, $3  }
0xbf: {  	[dreg:$0x1] =	wrdreg $0xFFFFFFFF  }
0xc0: {  	_ =	task.clear_ibuf [dreg:s6], $0x2FFFF;
	_ =	strace $0x9FFFFFFF  }
0xc1: {  	(tm) =	ssettm $0x7FFFFFFF  }
tec
execute0_lowered:
.L_overlay_start_1:
0x0: {  	(tag) =	ssettag $0x1  }
0x1: {  	s1 =	srdreg.scid  }
0x2: {  	s0 =	stileid.u32;
	s6 =	sand.u32 $0x1, s1  }
0x3: {  	s8 =	rddreg [dreg:$0x0];
	s30 =	sshll.u32 s0, $0x7;
	s2 =	sshll.u32 s6, $0x6  }
0x4: {  	s1 =	rddreg [dreg:$0x1];
	s5 =	sadd.s32 $0x2AC00, s8;
	s7 =	sor.u32 s2, s30  }
0x5: {  	s10 =	ssub.s32 $0x2, s6;
	s2 =	simm.s32 $0x0;
	s3 =	sshrl.u32 s7, $0x3  }
0x6: {  	s6 =	simm.s32 $0x40;
	[smem:$0x7FF] =	sst s2;
	s3 =	sadd.s32 s3, s8  }
0x7: {  	_ =	strace $0x8000004A;
	s4 =	sadd.s32 $0x2AA00, s3;
	s3 =	simm.s32 $0x2  }
0x8: {  	[tilespmem:s2], [sflag:$0x2] =	stream.linear.gather [hbm4b:s4+s2], $0x40, $0x38;
	[tilespmem:$0x3040] =	vst v63  }
0x9: {  	s11 =	sshrl.u32 s10, $0x1;
	s9 =	smul.u32 $0x18, s7;
	_ =	swait.ge [sflag:s3], $0x40  }
0xa: {  	s7 =	simm.s32 $0x1;
	s31 =	ssub.s32 s10, s11;
	[sflag:s3] =	ssyncset.done $0x0  }
0xb: {  	s8 =	sadd.s32 s9, s8;
	s9 =	smax.u32 s31, $0x1;
	[sflag:s3] =	ssyncadd.s32 $0xFFFFFFC0  }
0xc: {  	[tilespmem:s6], [sflag:$0x1] =	stream.indirect.gather [hbm4b:s5+s6], $0xC0, s2, s6, $0xb8;
	[tilespmem:$0x3040] =	vst v63  }
0xd: {  	p0 =	sne.s32 s9, $0x1;
	_ =	swait.ge [sflag:s7], $0x3000  }
.Ltmp0:
0xe: {  	[sflag:s7] =	ssyncset.done $0x0;
	(pc) =	sbr.rel @!p0 .LBB2_2-.Ltmp0, $4  }
0xf: {  	s8 =	sadd.s32 $0x42C00, s8;
	[sflag:s7] =	ssyncadd.s32 $0xFFFFD000  }
0x10: {  	[hbm4b:s8+s2] =	stream.linear.scatter [tilespmem:s6], [sflag:$0x2], $0x3000, $0x38;
	[tilespmem:$0x3040] =	vst v63  }
0x11: {  	_ =	swait.ge [sflag:s3], $0x3000  }
0x12: {  	s9 =	sadd.s32 $0xFFFFFFFF, s9;
	[sflag:s3] =	ssyncset.done $0x0  }
.LBB2_1:
0x13: {  	p0 =	sne.s32 s9, $0x1;
	s9 =	sadd.s32 $0xFFFFFFFF, s9;
	[sflag:s3] =	ssyncadd.s32 $0xFFFFD000  }
0x14: {  	[tilespmem:s2], [sflag:$0x2] =	stream.linear.gather [hbm4b:s4+s2], $0x40, $0x38;
	[tilespmem:$0x3040] =	vst v63  }
0x15: {  	_ =	swait.ge [sflag:s3], $0x40  }
0x16: {  	[sflag:s3] =	ssyncset.done $0x0  }
0x17: {  	[sflag:s3] =	ssyncadd.s32 $0xFFFFFFC0  }
0x18: {  	[tilespmem:s6], [sflag:$0x1] =	stream.indirect.gather [hbm4b:s5+s6], $0xC0, s2, s6, $0xb8;
	[tilespmem:$0x3040] =	vst v63  }
0x19: {  	_ =	swait.ge [sflag:s7], $0x3000  }
.Ltmp1:
0x1a: {  	[sflag:s7] =	ssyncset.done $0x0;
	(pc) =	sbr.rel @p0 .LBB2_1-.Ltmp1, $4  }
0x1b: {  	[sflag:s7] =	ssyncadd.s32 $0xFFFFD000  }
0x1c: {  	[hbm4b:s8+s2] =	stream.linear.scatter [tilespmem:s6], [sflag:$0x2], $0x3000, $0x38;
	[tilespmem:$0x3040] =	vst v63  }
0x1d: {  	_ =	swait.ge [sflag:s3], $0x3000  }
0x1e: {  	[sflag:s3] =	ssyncset.done $0x0  }
.LBB2_2:
0x1f: {  	[sflag:s3] =	ssyncadd.s32 $0xFFFFD000  }
0x20: {  	_ =	sfence.sel $0x180000  }
0x21: {  	[bflag:$0x0] =	sbarrier.arrive $0xFFFF  }
0x22: {  	p0 =	sne.s32 s0, $0x0;
	_ =	strace $0x9000004A  }
0x23: {  	s0 =	sadd.s32 @!p0 $0x100000, s1;
	[bflag:$0x2] =	sbarrier.arrive $0xFFFF  }
0x24: {  	[sflag:s0] =	ssyncadd.tile.s32 @!p0 $0x1;
	_ =	shalt  }
.Lfunc_end2:
_tile_overlayer_lowered:
.L_overlay_start_2:
0x25: {  	(tag) =	ssettag $0x2  }
0x26: {  	s0 =	rddreg [dreg:$0x0];
	s2 =	stileid.u32  }
0x27: {  	s1 =	rddreg [dreg:$0x1];
	p0 =	sne.s32 s2, $0x0  }
0x28: {  	s3 =	rddreg [dreg:$0x2];
	[bflag:$0x3] =	sbarrier.arrive $0xFFFF;
	s2 =	simm.s32 @!p0 $0x1C02  }
0x29: {  	[timem:s3], [sflag:s2] =	dma.local @!p0 [hbm:s0], s1  }
0x2a: {  	s0 =	simm.s32 @!p0 $0x2  }
0x2b: {  	_ =	swait.ge @!p0 [sflag:s0], s1  }
0x2c: {  	s1 =	ssub.s32 @!p0 $0x0, s1;
	[sflag:s0] =	ssyncset.done @!p0 $0x0  }
0x2d: {  	[sflag:s0] =	ssyncadd.s32 @!p0 s1  }
0x2e: {  	[bflag:$0x3] =	sbarrier.arrive $0xFFFF  }
0x2f: {  	_ =	shalt  }

// kernel: kernel.34.cloned.1.call-start
scs
__scs_entry_jumppad:
0x0: {  	(pc) =	sbr.rel $0x88, $3  }
0x1: {  	(tag) =	ssettag $0x0;
	lr =	simm.s32 $0x1  }
0x2: {  	[smem:$0x3F8B] =	sst lr;
	_ =	strace $0xD0000000  }
0x3: {  	_ = 	snop  }
0x4: {  	_ = 	snop  }
0x5: {  	_ = 	snop  }
0x6: {  	_ = 	snop  }
0x7: {  	_ = 	snop  }
__scs_overlays_trampoline_lowered:
0x8: {  	[smem:$0x3F9A] =	sst s0  }
0x9: {  	[smem:$0x3F9B] =	sst s1  }
0xa: {  	[smem:$0x3F9C] =	sst s2  }
0xb: {  	[smem:$0x3F9D] =	sst s3  }
0xc: {  	[smem:$0x3F9E] =	sst s4  }
0xd: {  	[smem:$0x3F9F] =	sst s5  }
0xe: {  	[smem:$0x3FA0] =	sst s6  }
0xf: {  	[smem:$0x3FA1] =	sst s7  }
0x10: {  	[smem:$0x3FA2] =	sst s8  }
0x11: {  	[smem:$0x3FA3] =	sst s9;
	s0 =	simm.s32 @!p0 $0x0  }
0x12: {  	s1 =	sld [smem:$0x3F89];
	s0 =	simm.s32 @p0 $0x1  }
0x13: {  	[smem:$0x3FA4] =	sst s0;
	s0 =	simm.s32 @!p1 $0x0  }
0x14: {  	s2 =	sld [smem:$0x3F88];
	s0 =	simm.s32 @p1 $0x1  }
0x15: {  	[smem:$0x3FA5] =	sst s0;
	s0 =	simm.s32 @!p2 $0x0  }
0x16: {  	s3 =	sld [smem:$0x3FDB];
	s0 =	simm.s32 @p2 $0x1  }
0x17: {  	s4 =	simm.s32 $0x1BF5;
	[smem:$0x3FA7] =	sst s0  }
0x18: {  	s0 =	sld [smem:$0x3F8A];
	_ =	swait.ge [sflag:s4], $0x0  }
0x19: {  	s7 =	sld [smem:$0x3F8B]  }
0x1a: {  	s8 =	sadd.s32 $0xFFFFE003, lr  }
0x1b: {  	s9 =	sadd.s32 $0xFFFFFEF7, lr;
	s5 =	simm.s32 $0xFFFFFFFF;
	p2 =	slt.u32 s8, $0xFFFFF086  }
0x1c: {  	p1 =	slt.u32 s9, $0xF7A;
	s5 =	simm.s32 @!p2 $0x0  }
0x1d: {  	s5 =	simm.s32 @p1 $0x1;
	p0 =	seq.s32 s7, s2  }
0x1e: {  	s7 =	smul.u32 @!p0 $0xF7A, s2;
	p2 =	seq.s32 @!p0 s5, $0x0  }
0x1f: {  	s9 =	smul.u32 $0xF7A, s1;
	s8 =	simm.s32 @!p0 $0x1BF5;
	p2 =	por !p2, p0  }
0x20: {  	[sflag:s8] =	ssyncset.s32 @!p0 $0xFFFFF086;
	s6 =	sadd.s32 @!p0 s3, s7;
	s7 =	simm.s32 @!p0 $0x108  }
0x21: {  	s3 =	sadd.s32 s3, s9;
	s6 =	sadd.s32 @!p0 $0x88, s6;
	s7 =	simm.s32 @p2 $0x1082  }
0x22: {  	[simem:s7], [sflag:s8] =	dma.local @!p0 [hbm:s6], $0xF7A  }
0x23: {  	s9 =	sor.u32 $0xD0000000, s2;
	s6 =	simm.s32 $0x108;
	_ =	swait.ge @!p0 [sflag:s8], $0x0  }
0x24: {  	s3 =	sadd.s32 $0x88, s3;
	s6 =	simm.s32 @!p1 $0x1082;
	[sflag:s4] =	ssyncset.s32 $0xFFFFF086  }
0x25: {  	[simem:s6], [sflag:s4] =	dma.local [hbm:s3], $0xF7A  }
0x26: {  	[smem:$0x3F8B] =	sst s1;
	(tag) =	ssettag s2;
	_ =	strace s9  }
0x27: {  	s1 =	sld [smem:$0x3F9B]  }
0x28: {  	s2 =	sld [smem:$0x3F9C]  }
0x29: {  	s4 =	sld [smem:$0x3F9E]  }
0x2a: {  	p0 =	seq.s32 s5, $0x0;
	s5 =	sld [smem:$0x3F9F]  }
0x2b: {  	s6 =	sld [smem:$0x3FA0]  }
0x2c: {  	s7 =	sld [smem:$0x3FA1]  }
0x2d: {  	s3 =	simm.s32 $0x108;
	s8 =	sld [smem:$0x3FA2]  }
0x2e: {  	s3 =	simm.s32 @!p0 $0x1082;
	s9 =	sld [smem:$0x3FA3]  }
0x2f: {  	lr =	sadd.s32 s0, s3;
	s0 =	sld [smem:$0x3F9A]  }
0x30: {  	s3 =	sld [smem:$0x3F9D]  }
0x31: {  	[smem:$0x3FA6] =	sst s10  }
0x32: {  	s10 =	sld [smem:$0x3FA4];
	_ =	sdelay $0x3  }
0x33: {  	p0 =	seq.s32 s10, $0x1;
	s10 =	sld [smem:$0x3FA6];
	_ =	sdelay $0x3  }
0x34: {  	[smem:$0x3FA6] =	sst s10  }
0x35: {  	s10 =	sld [smem:$0x3FA5];
	_ =	sdelay $0x3  }
0x36: {  	p1 =	seq.s32 s10, $0x1;
	s10 =	sld [smem:$0x3FA6];
	_ =	sdelay $0x3  }
0x37: {  	[smem:$0x3FA6] =	sst s10  }
0x38: {  	s10 =	sld [smem:$0x3FA7]  }
0x39: {  	_ = 	snop;
	(pc) =	sbr.ind lr, $3  }
0x3a: {  	_ = 	snop  }
0x3b: {  	_ = 	snop  }
0x3c: {  	p2 =	seq.s32 s10, $0x1;
	s10 =	sld [smem:$0x3FA6]  }
0x3d: {  	_ =	shalt  }
0x3e: {  	_ =	shalt  }
0x3f: {  	_ =	shalt  }
0x40: {  	_ =	shalt  }
0x41: {  	_ =	shalt  }
0x42: {  	_ =	shalt  }
0x43: {  	_ =	shalt  }
0x44: {  	_ =	shalt  }
0x45: {  	_ =	shalt  }
0x46: {  	_ =	shalt  }
0x47: {  	_ =	shalt  }
0x48: {  	_ =	shalt  }
0x49: {  	_ =	shalt  }
0x4a: {  	_ =	shalt  }
0x4b: {  	_ =	shalt  }
0x4c: {  	_ =	shalt  }
0x4d: {  	_ =	shalt  }
0x4e: {  	_ =	shalt  }
0x4f: {  	_ =	shalt  }
0x50: {  	_ =	shalt  }
0x51: {  	_ =	shalt  }
0x52: {  	_ =	shalt  }
0x53: {  	_ =	shalt  }
0x54: {  	_ =	shalt  }
0x55: {  	_ =	shalt  }
0x56: {  	_ =	shalt  }
0x57: {  	_ =	shalt  }
0x58: {  	_ =	shalt  }
0x59: {  	_ =	shalt  }
0x5a: {  	_ =	shalt  }
0x5b: {  	_ =	shalt  }
0x5c: {  	_ =	shalt  }
0x5d: {  	_ =	shalt  }
0x5e: {  	_ =	shalt  }
0x5f: {  	_ =	shalt  }
0x60: {  	_ =	shalt  }
0x61: {  	_ =	shalt  }
0x62: {  	_ =	shalt  }
0x63: {  	_ =	shalt  }
0x64: {  	_ =	shalt  }
0x65: {  	_ =	shalt  }
0x66: {  	_ =	shalt  }
0x67: {  	_ =	shalt  }
0x68: {  	_ =	shalt  }
0x69: {  	_ =	shalt  }
0x6a: {  	_ =	shalt  }
0x6b: {  	_ =	shalt  }
0x6c: {  	_ =	shalt  }
0x6d: {  	_ =	shalt  }
0x6e: {  	_ =	shalt  }
0x6f: {  	_ =	shalt  }
0x70: {  	_ =	shalt  }
0x71: {  	_ =	shalt  }
0x72: {  	_ =	shalt  }
0x73: {  	_ =	shalt  }
0x74: {  	_ =	shalt  }
0x75: {  	_ =	shalt  }
0x76: {  	_ =	shalt  }
0x77: {  	_ =	shalt  }
0x78: {  	_ =	shalt  }
0x79: {  	_ =	shalt  }
0x7a: {  	_ =	shalt  }
0x7b: {  	_ =	shalt  }
0x7c: {  	_ =	shalt  }
0x7d: {  	_ =	shalt  }
0x7e: {  	_ =	shalt  }
0x7f: {  	_ =	shalt  }
0x80: {  	_ =	shalt  }
0x81: {  	_ =	shalt  }
0x82: {  	_ =	shalt  }
0x83: {  	_ =	shalt  }
0x84: {  	_ =	shalt  }
0x85: {  	_ =	shalt  }
0x86: {  	_ =	shalt  }
0x87: {  	_ =	shalt  }
.Lfunc_end0:
.L_simem_size_0:
called_computation.2_lowered:
.L_overlay_start_0:
0x88: {  	s2 =	sld [smem:$0x3FD9]  }
0x89: {  	s3 =	sld [smem:$0x3FFE];
	_ =	sdelay $0x1  }
0x8a: {  	s1 =	srdreg.scid  }
0x8b: {  	s0 =	sand.u32 $0x1, s1  }
0x8c: {  	s16 =	sshll.u32 s0, $0xA;
	s2 =	sadd.s32 s3, s2  }
0x8d: {  	s2 =	sadd.s32 s2, s16  }
0x8e: {  	[smem:$0x3FB2] =	sst s2  }
0x8f: {  	_ = 	snop  }
0x90: {  	(tm) =	ssettm $0x1  }
0x91: {  	s17 =	sld [smem:$0x3FFB];
	_ =	sdelay $0x3  }
0x92: {  	_ =	strace s17  }
0x93: {  	s2 =	sld [smem:$0x3FFC];
	_ =	sdelay $0x3  }
0x94: {  	_ =	strace s2  }
0x95: {  	s2 =	sld [smem:$0x3FFD];
	_ =	sdelay $0x3  }
0x96: {  	_ =	strace s2  }
0x97: {  	_ =	strace $0x8FFFFFFF  }
0x98: {  	s18 =	sld [smem:$0x3FDB];
	_ =	sdelay $0x1  }
0x99: {  	s19 =	simm.s32 $_scs_section_size  }
0x9a: {  	s4 =	simm.s32 $_size__tile_overlayer_lowered;
	s5 =	simm.s32 $_tile_overlayer_lowered  }
0x9b: {  	s22 =	simm.s32 $0x1BFF;
	s21 =	sshll.u32 s5, $0x1;
	s2 =	sadd.s32 s19, s18  }
0x9c: {  	s6 =	simm.s32 $0x0;
	s20 =	sshll.u32 s4, $0x1;
	s4 =	sadd.s32 s21, s2  }
0x9d: {  	[timem:s6], [sflag:s22] =	dma.local [hbm:s4], s20  }
0x9e: {  	_ =	swait.ge [sflag:s22], s20  }
0x9f: {  	s3 =	ssub.s32 $0x0, s20;
	[sflag:s22] =	ssyncset.done $0x0  }
0xa0: {  	[sflag:s22] =	ssyncadd.s32 s3;
	_ =	sdelay $0x1  }
0xa1: {  	s23 =	simm.s32 $0x1B8B  }
0xa2: {  	_ =	swait.ge [sflag:s23], $0x1  }
0xa3: {  	[sflag:s23] =	ssyncset.done $0x0  }
0xa4: {  	s25 =	simm.s32 $0x1B8E;
	s24 =	sld [smem:$0x3FFE];
	[sflag:s23] =	ssyncadd.s32 $0xFFFFFFFF  }
0xa5: {  	s26 =	simm.s32 $execute0_lowered;
	[smem:$0x3FD2] =	sst s25  }
0xa6: {  	s4 =	sshll.u32 s26, $0x1;
	_ =	strace $0x8000004C;
	[dreg:$0x1] =	wrdreg $0xFFFFFFFF  }
0xa7: {  	s28 =	simm.s32 $_size_execute0_lowered;
	s2 =	sadd.s32 s2, s4;
	[dreg:$0x0] =	wrdreg $0x0  }
0xa8: {  	s4 =	sshll.u32 s28, $0x1;
	[dreg:$0x2] =	wrdreg s2  }
0xa9: {  	[dreg:$0x3] =	wrdreg s4  }
0xaa: {  	[dreg:$0x4] =	wrdreg $0xC0  }
0xab: {  	_ =	task [dreg:s6], $0x5FFFF  }
0xac: {  	[dreg:$0x1] =	wrdreg $0xFFFFFFFF  }
0xad: {  	[dreg:$0x0] =	wrdreg $0x60  }
0xae: {  	[dreg:$0x2] =	wrdreg s24  }
0xaf: {  	[dreg:$0x3] =	wrdreg $0x9  }
0xb0: {  	_ =	task.clear_ibuf [dreg:s6], $0x4FFFF;
	_ =	strace $0x9000004C  }
0xb1: {  	s29 =	simm.s32 $0x9;
	_ =	strace $0x8000004E  }
0xb2: {  	_ =	swait.ge [sflag:s29], $0x1  }
0xb3: {  	[sflag:s29] =	ssyncadd.s32 $0xFFFFFFFF  }
0xb4: {  	_ =	strace $0x9000004E  }
0xb5: {  	_ =	sfence  }
0xb6: {  	s30 =	sld [smem:$0x0];
	_ =	sdelay $0x2  }
0xb7: {  	s31 =	sshll.u32 s1, $0xD;
	s1 =	sshrl.u32 s1, $0x2  }
0xb8: {  	s3 =	sand.u32 $0x4000, s31;
	s1 =	sadd.s32 s1, s30  }
0xb9: {  	s0 =	sor.u32 s3, s0;
	s1 =	sshll.u32 s1, $0x11  }
0xba: {  	s0 =	sor.u32 s1, s0  }
0xbb: {  	s0 =	sadd.s32 $0x8F2B, s0  }
0xbc: {  	[sflag:s0] =	ssyncadd.remote.s32 $0x1  }
0xbd: {  	_ =	sfence.sel $0xFFFF  }
0xbe: {  	[dreg:$0x0] =	wrdreg $0xFFFFFFFF;
	(pc) =	sbr.abs _section_cstart, $3  }
0xbf: {  	[dreg:$0x1] =	wrdreg $0xFFFFFFFF  }
0xc0: {  	_ =	task.clear_ibuf [dreg:s6], $0x2FFFF;
	_ =	strace $0x9FFFFFFF  }
0xc1: {  	(tm) =	ssettm $0x7FFFFFFF  }
tec
execute0_lowered:
.L_overlay_start_1:
0x0: {  	(tag) =	ssettag $0x1  }
0x1: {  	s1 =	srdreg.scid  }
0x2: {  	s0 =	stileid.u32;
	s5 =	sand.u32 $0x1, s1  }
0x3: {  	s7 =	rddreg [dreg:$0x0];
	s3 =	sshll.u32 s0, $0x7;
	s4 =	sshll.u32 s5, $0x6  }
0x4: {  	s2 =	simm.s32 $0x0;
	s1 =	rddreg [dreg:$0x1];
	s3 =	sor.u32 s4, s3  }
0x5: {  	[smem:$0x7FF] =	sst s2;
	s8 =	ssub.s32 $0x2, s5;
	s4 =	sshrl.u32 s3, $0x3  }
0x6: {  	_ =	strace $0x8000004D;
	s9 =	sshrl.u32 s8, $0x1;
	s4 =	sadd.s32 s4, s7  }
0x7: {  	s6 =	smul.u32 $0x18, s3;
	s3 =	sadd.s32 $0x2AC00, s4;
	s4 =	simm.s32 $0x2  }
0x8: {  	[tilespmem:s2], [sflag:$0x2] =	stream.linear.gather [hbm4b:s3+s2], $0x40, $0x38;
	[tilespmem:$0x3040] =	vst v63  }
0x9: {  	s8 =	ssub.s32 s8, s9;
	_ =	swait.ge [sflag:s4], $0x40  }
0xa: {  	s9 =	smax.u32 s8, $0x1;
	s6 =	sadd.s32 s6, s7;
	[sflag:s4] =	ssyncset.done $0x0  }
0xb: {  	s5 =	sadd.s32 $0x2AE00, s6;
	s6 =	simm.s32 $0x40;
	[sflag:s4] =	ssyncadd.s32 $0xFFFFFFC0  }
0xc: {  	[tilespmem:s6], [sflag:$0x2] =	stream.linear.gather [hbm4b:s5+s2], $0x3000, $0x38;
	[tilespmem:$0x3040] =	vst v63  }
0xd: {  	p0 =	sne.s32 s9, $0x1;
	_ =	swait.ge [sflag:s4], $0x3000  }
.Ltmp0:
0xe: {  	[sflag:s4] =	ssyncset.done $0x0;
	(pc) =	sbr.rel @!p0 .LBB2_2-.Ltmp0, $4  }
0xf: {  	s8 =	simm.s32 $0x1;
	s7 =	sadd.s32 $0x1B6C00, s7;
	[sflag:s4] =	ssyncadd.s32 $0xFFFFD000  }
0x10: {  	[hbm4b:s7+s6] =	stream.indirect.scatter [tilespmem:s6], [sflag:$0x1], $0xC0, s2, s6, $0xb8;
	[tilespmem:$0x3040] =	vst v63  }
0x11: {  	_ =	swait.ge [sflag:s8], $0x3000  }
0x12: {  	s9 =	sadd.s32 $0xFFFFFFFF, s9;
	[sflag:s8] =	ssyncset.done $0x0  }
.LBB2_1:
0x13: {  	p0 =	sne.s32 s9, $0x1;
	s9 =	sadd.s32 $0xFFFFFFFF, s9;
	[sflag:s8] =	ssyncadd.s32 $0xFFFFD000  }
0x14: {  	[tilespmem:s2], [sflag:$0x2] =	stream.linear.gather [hbm4b:s3+s2], $0x40, $0x38;
	[tilespmem:$0x3040] =	vst v63  }
0x15: {  	_ =	swait.ge [sflag:s4], $0x40  }
0x16: {  	[sflag:s4] =	ssyncset.done $0x0  }
0x17: {  	[sflag:s4] =	ssyncadd.s32 $0xFFFFFFC0  }
0x18: {  	[tilespmem:s6], [sflag:$0x2] =	stream.linear.gather [hbm4b:s5+s2], $0x3000, $0x38;
	[tilespmem:$0x3040] =	vst v63  }
0x19: {  	_ =	swait.ge [sflag:s4], $0x3000  }
.Ltmp1:
0x1a: {  	[sflag:s4] =	ssyncset.done $0x0;
	(pc) =	sbr.rel @p0 .LBB2_1-.Ltmp1, $4  }
0x1b: {  	[sflag:s4] =	ssyncadd.s32 $0xFFFFD000  }
0x1c: {  	[hbm4b:s7+s6] =	stream.indirect.scatter [tilespmem:s6], [sflag:$0x1], $0xC0, s2, s6, $0xb8;
	[tilespmem:$0x3040] =	vst v63  }
0x1d: {  	_ =	swait.ge [sflag:s8], $0x3000  }
0x1e: {  	[sflag:s8] =	ssyncset.done $0x0  }
.LBB2_2:
0x1f: {  	[sflag:s8] =	ssyncadd.s32 $0xFFFFD000  }
0x20: {  	_ =	sfence.sel $0x180000  }
0x21: {  	[bflag:$0x0] =	sbarrier.arrive $0xFFFF  }
0x22: {  	p0 =	sne.s32 s0, $0x0;
	_ =	strace $0x9000004D  }
0x23: {  	s0 =	sadd.s32 @!p0 $0x100000, s1;
	[bflag:$0x2] =	sbarrier.arrive $0xFFFF  }
0x24: {  	[sflag:s0] =	ssyncadd.tile.s32 @!p0 $0x1;
	_ =	shalt  }
.Lfunc_end2:
_tile_overlayer_lowered:
.L_overlay_start_2:
0x25: {  	(tag) =	ssettag $0x2  }
0x26: {  	s0 =	rddreg [dreg:$0x0];
	s2 =	stileid.u32  }
0x27: {  	s1 =	rddreg [dreg:$0x1];
	p0 =	sne.s32 s2, $0x0  }
0x28: {  	s3 =	rddreg [dreg:$0x2];
	[bflag:$0x3] =	sbarrier.arrive $0xFFFF;
	s2 =	simm.s32 @!p0 $0x1C02  }
0x29: {  	[timem:s3], [sflag:s2] =	dma.local @!p0 [hbm:s0], s1  }
0x2a: {  	s0 =	simm.s32 @!p0 $0x2  }
0x2b: {  	_ =	swait.ge @!p0 [sflag:s0], s1  }
0x2c: {  	s1 =	ssub.s32 @!p0 $0x0, s1;
	[sflag:s0] =	ssyncset.done @!p0 $0x0  }
0x2d: {  	[sflag:s0] =	ssyncadd.s32 @!p0 s1  }
0x2e: {  	[bflag:$0x3] =	sbarrier.arrive $0xFFFF  }
0x2f: {  	_ =	shalt  }

// kernel: kernel.37.cloned.1.call-start
scs
__scs_entry_jumppad:
0x0: {  	(pc) =	sbr.rel $0x88, $3  }
0x1: {  	(tag) =	ssettag $0x0;
	lr =	simm.s32 $0x1  }
0x2: {  	[smem:$0x3F8B] =	sst lr;
	_ =	strace $0xD0000000  }
0x3: {  	_ = 	snop  }
0x4: {  	_ = 	snop  }
0x5: {  	_ = 	snop  }
0x6: {  	_ = 	snop  }
0x7: {  	_ = 	snop  }
__scs_overlays_trampoline_lowered:
0x8: {  	[smem:$0x3F9A] =	sst s0  }
0x9: {  	[smem:$0x3F9B] =	sst s1  }
0xa: {  	[smem:$0x3F9C] =	sst s2  }
0xb: {  	[smem:$0x3F9D] =	sst s3  }
0xc: {  	[smem:$0x3F9E] =	sst s4  }
0xd: {  	[smem:$0x3F9F] =	sst s5  }
0xe: {  	[smem:$0x3FA0] =	sst s6  }
0xf: {  	[smem:$0x3FA1] =	sst s7  }
0x10: {  	[smem:$0x3FA2] =	sst s8  }
0x11: {  	[smem:$0x3FA3] =	sst s9;
	s0 =	simm.s32 @!p0 $0x0  }
0x12: {  	s1 =	sld [smem:$0x3F89];
	s0 =	simm.s32 @p0 $0x1  }
0x13: {  	[smem:$0x3FA4] =	sst s0;
	s0 =	simm.s32 @!p1 $0x0  }
0x14: {  	s2 =	sld [smem:$0x3F88];
	s0 =	simm.s32 @p1 $0x1  }
0x15: {  	[smem:$0x3FA5] =	sst s0;
	s0 =	simm.s32 @!p2 $0x0  }
0x16: {  	s3 =	sld [smem:$0x3FDB];
	s0 =	simm.s32 @p2 $0x1  }
0x17: {  	s4 =	simm.s32 $0x1BF5;
	[smem:$0x3FA7] =	sst s0  }
0x18: {  	s0 =	sld [smem:$0x3F8A];
	_ =	swait.ge [sflag:s4], $0x0  }
0x19: {  	s7 =	sld [smem:$0x3F8B]  }
0x1a: {  	s8 =	sadd.s32 $0xFFFFE003, lr  }
0x1b: {  	s9 =	sadd.s32 $0xFFFFFEF7, lr;
	s5 =	simm.s32 $0xFFFFFFFF;
	p2 =	slt.u32 s8, $0xFFFFF086  }
0x1c: {  	p1 =	slt.u32 s9, $0xF7A;
	s5 =	simm.s32 @!p2 $0x0  }
0x1d: {  	s5 =	simm.s32 @p1 $0x1;
	p0 =	seq.s32 s7, s2  }
0x1e: {  	s7 =	smul.u32 @!p0 $0xF7A, s2;
	p2 =	seq.s32 @!p0 s5, $0x0  }
0x1f: {  	s9 =	smul.u32 $0xF7A, s1;
	s8 =	simm.s32 @!p0 $0x1BF5;
	p2 =	por !p2, p0  }
0x20: {  	[sflag:s8] =	ssyncset.s32 @!p0 $0xFFFFF086;
	s6 =	sadd.s32 @!p0 s3, s7;
	s7 =	simm.s32 @!p0 $0x108  }
0x21: {  	s3 =	sadd.s32 s3, s9;
	s6 =	sadd.s32 @!p0 $0x88, s6;
	s7 =	simm.s32 @p2 $0x1082  }
0x22: {  	[simem:s7], [sflag:s8] =	dma.local @!p0 [hbm:s6], $0xF7A  }
0x23: {  	s9 =	sor.u32 $0xD0000000, s2;
	s6 =	simm.s32 $0x108;
	_ =	swait.ge @!p0 [sflag:s8], $0x0  }
0x24: {  	s3 =	sadd.s32 $0x88, s3;
	s6 =	simm.s32 @!p1 $0x1082;
	[sflag:s4] =	ssyncset.s32 $0xFFFFF086  }
0x25: {  	[simem:s6], [sflag:s4] =	dma.local [hbm:s3], $0xF7A  }
0x26: {  	[smem:$0x3F8B] =	sst s1;
	(tag) =	ssettag s2;
	_ =	strace s9  }
0x27: {  	s1 =	sld [smem:$0x3F9B]  }
0x28: {  	s2 =	sld [smem:$0x3F9C]  }
0x29: {  	s4 =	sld [smem:$0x3F9E]  }
0x2a: {  	p0 =	seq.s32 s5, $0x0;
	s5 =	sld [smem:$0x3F9F]  }
0x2b: {  	s6 =	sld [smem:$0x3FA0]  }
0x2c: {  	s7 =	sld [smem:$0x3FA1]  }
0x2d: {  	s3 =	simm.s32 $0x108;
	s8 =	sld [smem:$0x3FA2]  }
0x2e: {  	s3 =	simm.s32 @!p0 $0x1082;
	s9 =	sld [smem:$0x3FA3]  }
0x2f: {  	lr =	sadd.s32 s0, s3;
	s0 =	sld [smem:$0x3F9A]  }
0x30: {  	s3 =	sld [smem:$0x3F9D]  }
0x31: {  	[smem:$0x3FA6] =	sst s10  }
0x32: {  	s10 =	sld [smem:$0x3FA4];
	_ =	sdelay $0x3  }
0x33: {  	p0 =	seq.s32 s10, $0x1;
	s10 =	sld [smem:$0x3FA6];
	_ =	sdelay $0x3  }
0x34: {  	[smem:$0x3FA6] =	sst s10  }
0x35: {  	s10 =	sld [smem:$0x3FA5];
	_ =	sdelay $0x3  }
0x36: {  	p1 =	seq.s32 s10, $0x1;
	s10 =	sld [smem:$0x3FA6];
	_ =	sdelay $0x3  }
0x37: {  	[smem:$0x3FA6] =	sst s10  }
0x38: {  	s10 =	sld [smem:$0x3FA7]  }
0x39: {  	_ = 	snop;
	(pc) =	sbr.ind lr, $3  }
0x3a: {  	_ = 	snop  }
0x3b: {  	_ = 	snop  }
0x3c: {  	p2 =	seq.s32 s10, $0x1;
	s10 =	sld [smem:$0x3FA6]  }
0x3d: {  	_ =	shalt  }
0x3e: {  	_ =	shalt  }
0x3f: {  	_ =	shalt  }
0x40: {  	_ =	shalt  }
0x41: {  	_ =	shalt  }
0x42: {  	_ =	shalt  }
0x43: {  	_ =	shalt  }
0x44: {  	_ =	shalt  }
0x45: {  	_ =	shalt  }
0x46: {  	_ =	shalt  }
0x47: {  	_ =	shalt  }
0x48: {  	_ =	shalt  }
0x49: {  	_ =	shalt  }
0x4a: {  	_ =	shalt  }
0x4b: {  	_ =	shalt  }
0x4c: {  	_ =	shalt  }
0x4d: {  	_ =	shalt  }
0x4e: {  	_ =	shalt  }
0x4f: {  	_ =	shalt  }
0x50: {  	_ =	shalt  }
0x51: {  	_ =	shalt  }
0x52: {  	_ =	shalt  }
0x53: {  	_ =	shalt  }
0x54: {  	_ =	shalt  }
0x55: {  	_ =	shalt  }
0x56: {  	_ =	shalt  }
0x57: {  	_ =	shalt  }
0x58: {  	_ =	shalt  }
0x59: {  	_ =	shalt  }
0x5a: {  	_ =	shalt  }
0x5b: {  	_ =	shalt  }
0x5c: {  	_ =	shalt  }
0x5d: {  	_ =	shalt  }
0x5e: {  	_ =	shalt  }
0x5f: {  	_ =	shalt  }
0x60: {  	_ =	shalt  }
0x61: {  	_ =	shalt  }
0x62: {  	_ =	shalt  }
0x63: {  	_ =	shalt  }
0x64: {  	_ =	shalt  }
0x65: {  	_ =	shalt  }
0x66: {  	_ =	shalt  }
0x67: {  	_ =	shalt  }
0x68: {  	_ =	shalt  }
0x69: {  	_ =	shalt  }
0x6a: {  	_ =	shalt  }
0x6b: {  	_ =	shalt  }
0x6c: {  	_ =	shalt  }
0x6d: {  	_ =	shalt  }
0x6e: {  	_ =	shalt  }
0x6f: {  	_ =	shalt  }
0x70: {  	_ =	shalt  }
0x71: {  	_ =	shalt  }
0x72: {  	_ =	shalt  }
0x73: {  	_ =	shalt  }
0x74: {  	_ =	shalt  }
0x75: {  	_ =	shalt  }
0x76: {  	_ =	shalt  }
0x77: {  	_ =	shalt  }
0x78: {  	_ =	shalt  }
0x79: {  	_ =	shalt  }
0x7a: {  	_ =	shalt  }
0x7b: {  	_ =	shalt  }
0x7c: {  	_ =	shalt  }
0x7d: {  	_ =	shalt  }
0x7e: {  	_ =	shalt  }
0x7f: {  	_ =	shalt  }
0x80: {  	_ =	shalt  }
0x81: {  	_ =	shalt  }
0x82: {  	_ =	shalt  }
0x83: {  	_ =	shalt  }
0x84: {  	_ =	shalt  }
0x85: {  	_ =	shalt  }
0x86: {  	_ =	shalt  }
0x87: {  	_ =	shalt  }
.Lfunc_end0:
.L_simem_size_0:
called_computation.3_lowered:
.L_overlay_start_0:
0x88: {  	s2 =	sld [smem:$0x3FD9]  }
0x89: {  	s3 =	sld [smem:$0x3FFE];
	_ =	sdelay $0x1  }
0x8a: {  	s1 =	srdreg.scid  }
0x8b: {  	s0 =	sand.u32 $0x1, s1  }
0x8c: {  	s16 =	sshll.u32 s0, $0xA;
	s2 =	sadd.s32 s3, s2  }
0x8d: {  	s2 =	sadd.s32 s2, s16  }
0x8e: {  	[smem:$0x3FB2] =	sst s2  }
0x8f: {  	_ = 	snop  }
0x90: {  	(tm) =	ssettm $0x1  }
0x91: {  	s17 =	sld [smem:$0x3FFB];
	_ =	sdelay $0x3  }
0x92: {  	_ =	strace s17  }
0x93: {  	s2 =	sld [smem:$0x3FFC];
	_ =	sdelay $0x3  }
0x94: {  	_ =	strace s2  }
0x95: {  	s2 =	sld [smem:$0x3FFD];
	_ =	sdelay $0x3  }
0x96: {  	_ =	strace s2  }
0x97: {  	_ =	strace $0x8FFFFFFF  }
0x98: {  	s18 =	sld [smem:$0x3FDB];
	_ =	sdelay $0x1  }
0x99: {  	s19 =	simm.s32 $_scs_section_size  }
0x9a: {  	s4 =	simm.s32 $_size__tile_overlayer_lowered;
	s5 =	simm.s32 $_tile_overlayer_lowered  }
0x9b: {  	s22 =	simm.s32 $0x1BFF;
	s21 =	sshll.u32 s5, $0x1;
	s2 =	sadd.s32 s19, s18  }
0x9c: {  	s6 =	simm.s32 $0x0;
	s20 =	sshll.u32 s4, $0x1;
	s4 =	sadd.s32 s21, s2  }
0x9d: {  	[timem:s6], [sflag:s22] =	dma.local [hbm:s4], s20  }
0x9e: {  	_ =	swait.ge [sflag:s22], s20  }
0x9f: {  	s3 =	ssub.s32 $0x0, s20;
	[sflag:s22] =	ssyncset.done $0x0  }
0xa0: {  	[sflag:s22] =	ssyncadd.s32 s3;
	_ =	sdelay $0x1  }
0xa1: {  	s23 =	simm.s32 $0x1B8B  }
0xa2: {  	_ =	swait.ge [sflag:s23], $0x1  }
0xa3: {  	[sflag:s23] =	ssyncset.done $0x0  }
0xa4: {  	s25 =	simm.s32 $0x1B8E;
	s24 =	sld [smem:$0x3FFE];
	[sflag:s23] =	ssyncadd.s32 $0xFFFFFFFF  }
0xa5: {  	s26 =	simm.s32 $execute0_lowered;
	[smem:$0x3FD2] =	sst s25  }
0xa6: {  	s4 =	sshll.u32 s26, $0x1;
	_ =	strace $0x8000004F;
	[dreg:$0x1] =	wrdreg $0xFFFFFFFF  }
0xa7: {  	s28 =	simm.s32 $_size_execute0_lowered;
	s2 =	sadd.s32 s2, s4;
	[dreg:$0x0] =	wrdreg $0x0  }
0xa8: {  	s4 =	sshll.u32 s28, $0x1;
	[dreg:$0x2] =	wrdreg s2  }
0xa9: {  	[dreg:$0x3] =	wrdreg s4  }
0xaa: {  	[dreg:$0x4] =	wrdreg $0xC0  }
0xab: {  	_ =	task [dreg:s6], $0x5FFFF  }
0xac: {  	[dreg:$0x1] =	wrdreg $0xFFFFFFFF  }
0xad: {  	[dreg:$0x0] =	wrdreg $0x60  }
0xae: {  	[dreg:$0x2] =	wrdreg s24  }
0xaf: {  	[dreg:$0x3] =	wrdreg $0x9  }
0xb0: {  	_ =	task.clear_ibuf [dreg:s6], $0x4FFFF;
	_ =	strace $0x9000004F  }
0xb1: {  	s29 =	simm.s32 $0x9;
	_ =	strace $0x80000051  }
0xb2: {  	_ =	swait.ge [sflag:s29], $0x1  }
0xb3: {  	[sflag:s29] =	ssyncadd.s32 $0xFFFFFFFF  }
0xb4: {  	_ =	strace $0x90000051  }
0xb5: {  	_ =	sfence  }
0xb6: {  	s30 =	sld [smem:$0x0];
	_ =	sdelay $0x2  }
0xb7: {  	s31 =	sshll.u32 s1, $0xD;
	s1 =	sshrl.u32 s1, $0x2  }
0xb8: {  	s3 =	sand.u32 $0x4000, s31;
	s1 =	sadd.s32 s1, s30  }
0xb9: {  	s0 =	sor.u32 s3, s0;
	s1 =	sshll.u32 s1, $0x11  }
0xba: {  	s0 =	sor.u32 s1, s0  }
0xbb: {  	s0 =	sadd.s32 $0x8F2B, s0  }
0xbc: {  	[sflag:s0] =	ssyncadd.remote.s32 $0x1  }
0xbd: {  	_ =	sfence.sel $0xFFFF  }
0xbe: {  	[dreg:$0x0] =	wrdreg $0xFFFFFFFF;
	(pc) =	sbr.abs _section_cstart, $3  }
0xbf: {  	[dreg:$0x1] =	wrdreg $0xFFFFFFFF  }
0xc0: {  	_ =	task.clear_ibuf [dreg:s6], $0x2FFFF;
	_ =	strace $0x9FFFFFFF  }
0xc1: {  	(tm) =	ssettm $0x7FFFFFFF  }
tec
execute0_lowered:
.L_overlay_start_1:
0x0: {  	(tag) =	ssettag $0x1  }
0x1: {  	s1 =	srdreg.scid  }
0x2: {  	s0 =	stileid.u32;
	s6 =	sand.u32 $0x1, s1  }
0x3: {  	s8 =	rddreg [dreg:$0x0];
	s30 =	sshll.u32 s0, $0x7;
	s2 =	sshll.u32 s6, $0x6  }
0x4: {  	s1 =	rddreg [dreg:$0x1];
	s5 =	sadd.s32 $0x217C00, s8;
	s7 =	sor.u32 s2, s30  }
0x5: {  	s10 =	ssub.s32 $0x2, s6;
	s2 =	simm.s32 $0x0;
	s3 =	sshrl.u32 s7, $0x3  }
0x6: {  	s6 =	simm.s32 $0x40;
	[smem:$0x7FF] =	sst s2;
	s3 =	sadd.s32 s3, s8  }
0x7: {  	_ =	strace $0x80000050;
	s4 =	sadd.s32 $0x2AC00, s3;
	s3 =	simm.s32 $0x2  }
0x8: {  	[tilespmem:s2], [sflag:$0x2] =	stream.linear.gather [hbm4b:s4+s2], $0x40, $0x38;
	[tilespmem:$0x3040] =	vst v63  }
0x9: {  	s11 =	sshrl.u32 s10, $0x1;
	s9 =	smul.u32 $0x18, s7;
	_ =	swait.ge [sflag:s3], $0x40  }
0xa: {  	s7 =	simm.s32 $0x1;
	s31 =	ssub.s32 s10, s11;
	[sflag:s3] =	ssyncset.done $0x0  }
0xb: {  	s8 =	sadd.s32 s9, s8;
	s9 =	smax.u32 s31, $0x1;
	[sflag:s3] =	ssyncadd.s32 $0xFFFFFFC0  }
0xc: {  	[tilespmem:s6], [sflag:$0x1] =	stream.indirect.gather [hbm4b:s5+s6], $0xC0, s2, s6, $0xb8;
	[tilespmem:$0x3040] =	vst v63  }
0xd: {  	p0 =	sne.s32 s9, $0x1;
	_ =	swait.ge [sflag:s7], $0x3000  }
.Ltmp0:
0xe: {  	[sflag:s7] =	ssyncset.done $0x0;
	(pc) =	sbr.rel @!p0 .LBB2_2-.Ltmp0, $4  }
0xf: {  	s8 =	sadd.s32 $0x22FC00, s8;
	[sflag:s7] =	ssyncadd.s32 $0xFFFFD000  }
0x10: {  	[hbm4b:s8+s2] =	stream.linear.scatter [tilespmem:s6], [sflag:$0x2], $0x3000, $0x38;
	[tilespmem:$0x3040] =	vst v63  }
0x11: {  	_ =	swait.ge [sflag:s3], $0x3000  }
0x12: {  	s9 =	sadd.s32 $0xFFFFFFFF, s9;
	[sflag:s3] =	ssyncset.done $0x0  }
.LBB2_1:
0x13: {  	p0 =	sne.s32 s9, $0x1;
	s9 =	sadd.s32 $0xFFFFFFFF, s9;
	[sflag:s3] =	ssyncadd.s32 $0xFFFFD000  }
0x14: {  	[tilespmem:s2], [sflag:$0x2] =	stream.linear.gather [hbm4b:s4+s2], $0x40, $0x38;
	[tilespmem:$0x3040] =	vst v63  }
0x15: {  	_ =	swait.ge [sflag:s3], $0x40  }
0x16: {  	[sflag:s3] =	ssyncset.done $0x0  }
0x17: {  	[sflag:s3] =	ssyncadd.s32 $0xFFFFFFC0  }
0x18: {  	[tilespmem:s6], [sflag:$0x1] =	stream.indirect.gather [hbm4b:s5+s6], $0xC0, s2, s6, $0xb8;
	[tilespmem:$0x3040] =	vst v63  }
0x19: {  	_ =	swait.ge [sflag:s7], $0x3000  }
.Ltmp1:
0x1a: {  	[sflag:s7] =	ssyncset.done $0x0;
	(pc) =	sbr.rel @p0 .LBB2_1-.Ltmp1, $4  }
0x1b: {  	[sflag:s7] =	ssyncadd.s32 $0xFFFFD000  }
0x1c: {  	[hbm4b:s8+s2] =	stream.linear.scatter [tilespmem:s6], [sflag:$0x2], $0x3000, $0x38;
	[tilespmem:$0x3040] =	vst v63  }
0x1d: {  	_ =	swait.ge [sflag:s3], $0x3000  }
0x1e: {  	[sflag:s3] =	ssyncset.done $0x0  }
.LBB2_2:
0x1f: {  	[sflag:s3] =	ssyncadd.s32 $0xFFFFD000  }
0x20: {  	_ =	sfence.sel $0x180000  }
0x21: {  	[bflag:$0x0] =	sbarrier.arrive $0xFFFF  }
0x22: {  	p0 =	sne.s32 s0, $0x0;
	_ =	strace $0x90000050  }
0x23: {  	s0 =	sadd.s32 @!p0 $0x100000, s1;
	[bflag:$0x2] =	sbarrier.arrive $0xFFFF  }
0x24: {  	[sflag:s0] =	ssyncadd.tile.s32 @!p0 $0x1;
	_ =	shalt  }
.Lfunc_end2:
_tile_overlayer_lowered:
.L_overlay_start_2:
0x25: {  	(tag) =	ssettag $0x2  }
0x26: {  	s0 =	rddreg [dreg:$0x0];
	s2 =	stileid.u32  }
0x27: {  	s1 =	rddreg [dreg:$0x1];
	p0 =	sne.s32 s2, $0x0  }
0x28: {  	s3 =	rddreg [dreg:$0x2];
	[bflag:$0x3] =	sbarrier.arrive $0xFFFF;
	s2 =	simm.s32 @!p0 $0x1C02  }
0x29: {  	[timem:s3], [sflag:s2] =	dma.local @!p0 [hbm:s0], s1  }
0x2a: {  	s0 =	simm.s32 @!p0 $0x2  }
0x2b: {  	_ =	swait.ge @!p0 [sflag:s0], s1  }
0x2c: {  	s1 =	ssub.s32 @!p0 $0x0, s1;
	[sflag:s0] =	ssyncset.done @!p0 $0x0  }
0x2d: {  	[sflag:s0] =	ssyncadd.s32 @!p0 s1  }
0x2e: {  	[bflag:$0x3] =	sbarrier.arrive $0xFFFF  }
0x2f: {  	_ =	shalt  }

// kernel: kernel.40.cloned.1.call-start
scs
__scs_entry_jumppad:
0x0: {  	(pc) =	sbr.rel $0x88, $3  }
0x1: {  	(tag) =	ssettag $0x0;
	lr =	simm.s32 $0x1  }
0x2: {  	[smem:$0x3F8B] =	sst lr;
	_ =	strace $0xD0000000  }
0x3: {  	_ = 	snop  }
0x4: {  	_ = 	snop  }
0x5: {  	_ = 	snop  }
0x6: {  	_ = 	snop  }
0x7: {  	_ = 	snop  }
__scs_overlays_trampoline_lowered:
0x8: {  	[smem:$0x3F9A] =	sst s0  }
0x9: {  	[smem:$0x3F9B] =	sst s1  }
0xa: {  	[smem:$0x3F9C] =	sst s2  }
0xb: {  	[smem:$0x3F9D] =	sst s3  }
0xc: {  	[smem:$0x3F9E] =	sst s4  }
0xd: {  	[smem:$0x3F9F] =	sst s5  }
0xe: {  	[smem:$0x3FA0] =	sst s6  }
0xf: {  	[smem:$0x3FA1] =	sst s7  }
0x10: {  	[smem:$0x3FA2] =	sst s8  }
0x11: {  	[smem:$0x3FA3] =	sst s9;
	s0 =	simm.s32 @!p0 $0x0  }
0x12: {  	s1 =	sld [smem:$0x3F89];
	s0 =	simm.s32 @p0 $0x1  }
0x13: {  	[smem:$0x3FA4] =	sst s0;
	s0 =	simm.s32 @!p1 $0x0  }
0x14: {  	s2 =	sld [smem:$0x3F88];
	s0 =	simm.s32 @p1 $0x1  }
0x15: {  	[smem:$0x3FA5] =	sst s0;
	s0 =	simm.s32 @!p2 $0x0  }
0x16: {  	s3 =	sld [smem:$0x3FDB];
	s0 =	simm.s32 @p2 $0x1  }
0x17: {  	s4 =	simm.s32 $0x1BF5;
	[smem:$0x3FA7] =	sst s0  }
0x18: {  	s0 =	sld [smem:$0x3F8A];
	_ =	swait.ge [sflag:s4], $0x0  }
0x19: {  	s7 =	sld [smem:$0x3F8B]  }
0x1a: {  	s8 =	sadd.s32 $0xFFFFE003, lr  }
0x1b: {  	s9 =	sadd.s32 $0xFFFFFEF7, lr;
	s5 =	simm.s32 $0xFFFFFFFF;
	p2 =	slt.u32 s8, $0xFFFFF086  }
0x1c: {  	p1 =	slt.u32 s9, $0xF7A;
	s5 =	simm.s32 @!p2 $0x0  }
0x1d: {  	s5 =	simm.s32 @p1 $0x1;
	p0 =	seq.s32 s7, s2  }
0x1e: {  	s7 =	smul.u32 @!p0 $0xF7A, s2;
	p2 =	seq.s32 @!p0 s5, $0x0  }
0x1f: {  	s9 =	smul.u32 $0xF7A, s1;
	s8 =	simm.s32 @!p0 $0x1BF5;
	p2 =	por !p2, p0  }
0x20: {  	[sflag:s8] =	ssyncset.s32 @!p0 $0xFFFFF086;
	s6 =	sadd.s32 @!p0 s3, s7;
	s7 =	simm.s32 @!p0 $0x108  }
0x21: {  	s3 =	sadd.s32 s3, s9;
	s6 =	sadd.s32 @!p0 $0x88, s6;
	s7 =	simm.s32 @p2 $0x1082  }
0x22: {  	[simem:s7], [sflag:s8] =	dma.local @!p0 [hbm:s6], $0xF7A  }
0x23: {  	s9 =	sor.u32 $0xD0000000, s2;
	s6 =	simm.s32 $0x108;
	_ =	swait.ge @!p0 [sflag:s8], $0x0  }
0x24: {  	s3 =	sadd.s32 $0x88, s3;
	s6 =	simm.s32 @!p1 $0x1082;
	[sflag:s4] =	ssyncset.s32 $0xFFFFF086  }
0x25: {  	[simem:s6], [sflag:s4] =	dma.local [hbm:s3], $0xF7A  }
0x26: {  	[smem:$0x3F8B] =	sst s1;
	(tag) =	ssettag s2;
	_ =	strace s9  }
0x27: {  	s1 =	sld [smem:$0x3F9B]  }
0x28: {  	s2 =	sld [smem:$0x3F9C]  }
0x29: {  	s4 =	sld [smem:$0x3F9E]  }
0x2a: {  	p0 =	seq.s32 s5, $0x0;
	s5 =	sld [smem:$0x3F9F]  }
0x2b: {  	s6 =	sld [smem:$0x3FA0]  }
0x2c: {  	s7 =	sld [smem:$0x3FA1]  }
0x2d: {  	s3 =	simm.s32 $0x108;
	s8 =	sld [smem:$0x3FA2]  }
0x2e: {  	s3 =	simm.s32 @!p0 $0x1082;
	s9 =	sld [smem:$0x3FA3]  }
0x2f: {  	lr =	sadd.s32 s0, s3;
	s0 =	sld [smem:$0x3F9A]  }
0x30: {  	s3 =	sld [smem:$0x3F9D]  }
0x31: {  	[smem:$0x3FA6] =	sst s10  }
0x32: {  	s10 =	sld [smem:$0x3FA4];
	_ =	sdelay $0x3  }
0x33: {  	p0 =	seq.s32 s10, $0x1;
	s10 =	sld [smem:$0x3FA6];
	_ =	sdelay $0x3  }
0x34: {  	[smem:$0x3FA6] =	sst s10  }
0x35: {  	s10 =	sld [smem:$0x3FA5];
	_ =	sdelay $0x3  }
0x36: {  	p1 =	seq.s32 s10, $0x1;
	s10 =	sld [smem:$0x3FA6];
	_ =	sdelay $0x3  }
0x37: {  	[smem:$0x3FA6] =	sst s10  }
0x38: {  	s10 =	sld [smem:$0x3FA7]  }
0x39: {  	_ = 	snop;
	(pc) =	sbr.ind lr, $3  }
0x3a: {  	_ = 	snop  }
0x3b: {  	_ = 	snop  }
0x3c: {  	p2 =	seq.s32 s10, $0x1;
	s10 =	sld [smem:$0x3FA6]  }
0x3d: {  	_ =	shalt  }
0x3e: {  	_ =	shalt  }
0x3f: {  	_ =	shalt  }
0x40: {  	_ =	shalt  }
0x41: {  	_ =	shalt  }
0x42: {  	_ =	shalt  }
0x43: {  	_ =	shalt  }
0x44: {  	_ =	shalt  }
0x45: {  	_ =	shalt  }
0x46: {  	_ =	shalt  }
0x47: {  	_ =	shalt  }
0x48: {  	_ =	shalt  }
0x49: {  	_ =	shalt  }
0x4a: {  	_ =	shalt  }
0x4b: {  	_ =	shalt  }
0x4c: {  	_ =	shalt  }
0x4d: {  	_ =	shalt  }
0x4e: {  	_ =	shalt  }
0x4f: {  	_ =	shalt  }
0x50: {  	_ =	shalt  }
0x51: {  	_ =	shalt  }
0x52: {  	_ =	shalt  }
0x53: {  	_ =	shalt  }
0x54: {  	_ =	shalt  }
0x55: {  	_ =	shalt  }
0x56: {  	_ =	shalt  }
0x57: {  	_ =	shalt  }
0x58: {  	_ =	shalt  }
0x59: {  	_ =	shalt  }
0x5a: {  	_ =	shalt  }
0x5b: {  	_ =	shalt  }
0x5c: {  	_ =	shalt  }
0x5d: {  	_ =	shalt  }
0x5e: {  	_ =	shalt  }
0x5f: {  	_ =	shalt  }
0x60: {  	_ =	shalt  }
0x61: {  	_ =	shalt  }
0x62: {  	_ =	shalt  }
0x63: {  	_ =	shalt  }
0x64: {  	_ =	shalt  }
0x65: {  	_ =	shalt  }
0x66: {  	_ =	shalt  }
0x67: {  	_ =	shalt  }
0x68: {  	_ =	shalt  }
0x69: {  	_ =	shalt  }
0x6a: {  	_ =	shalt  }
0x6b: {  	_ =	shalt  }
0x6c: {  	_ =	shalt  }
0x6d: {  	_ =	shalt  }
0x6e: {  	_ =	shalt  }
0x6f: {  	_ =	shalt  }
0x70: {  	_ =	shalt  }
0x71: {  	_ =	shalt  }
0x72: {  	_ =	shalt  }
0x73: {  	_ =	shalt  }
0x74: {  	_ =	shalt  }
0x75: {  	_ =	shalt  }
0x76: {  	_ =	shalt  }
0x77: {  	_ =	shalt  }
0x78: {  	_ =	shalt  }
0x79: {  	_ =	shalt  }
0x7a: {  	_ =	shalt  }
0x7b: {  	_ =	shalt  }
0x7c: {  	_ =	shalt  }
0x7d: {  	_ =	shalt  }
0x7e: {  	_ =	shalt  }
0x7f: {  	_ =	shalt  }
0x80: {  	_ =	shalt  }
0x81: {  	_ =	shalt  }
0x82: {  	_ =	shalt  }
0x83: {  	_ =	shalt  }
0x84: {  	_ =	shalt  }
0x85: {  	_ =	shalt  }
0x86: {  	_ =	shalt  }
0x87: {  	_ =	shalt  }
.Lfunc_end0:
.L_simem_size_0:
called_computation.4_lowered:
.L_overlay_start_0:
0x88: {  	s2 =	sld [smem:$0x3FD9]  }
0x89: {  	s3 =	sld [smem:$0x3FFE];
	_ =	sdelay $0x1  }
0x8a: {  	s1 =	srdreg.scid  }
0x8b: {  	s0 =	sand.u32 $0x1, s1  }
0x8c: {  	s16 =	sshll.u32 s0, $0xA;
	s2 =	sadd.s32 s3, s2  }
0x8d: {  	s2 =	sadd.s32 s2, s16  }
0x8e: {  	[smem:$0x3FB2] =	sst s2  }
0x8f: {  	_ = 	snop  }
0x90: {  	(tm) =	ssettm $0x1  }
0x91: {  	s17 =	sld [smem:$0x3FFB];
	_ =	sdelay $0x3  }
0x92: {  	_ =	strace s17  }
0x93: {  	s2 =	sld [smem:$0x3FFC];
	_ =	sdelay $0x3  }
0x94: {  	_ =	strace s2  }
0x95: {  	s2 =	sld [smem:$0x3FFD];
	_ =	sdelay $0x3  }
0x96: {  	_ =	strace s2  }
0x97: {  	_ =	strace $0x8FFFFFFF  }
0x98: {  	s18 =	sld [smem:$0x3FDB];
	_ =	sdelay $0x1  }
0x99: {  	s19 =	simm.s32 $_scs_section_size  }
0x9a: {  	s4 =	simm.s32 $_size__tile_overlayer_lowered;
	s5 =	simm.s32 $_tile_overlayer_lowered  }
0x9b: {  	s22 =	simm.s32 $0x1BFF;
	s21 =	sshll.u32 s5, $0x1;
	s2 =	sadd.s32 s19, s18  }
0x9c: {  	s6 =	simm.s32 $0x0;
	s20 =	sshll.u32 s4, $0x1;
	s4 =	sadd.s32 s21, s2  }
0x9d: {  	[timem:s6], [sflag:s22] =	dma.local [hbm:s4], s20  }
0x9e: {  	_ =	swait.ge [sflag:s22], s20  }
0x9f: {  	s3 =	ssub.s32 $0x0, s20;
	[sflag:s22] =	ssyncset.done $0x0  }
0xa0: {  	[sflag:s22] =	ssyncadd.s32 s3;
	_ =	sdelay $0x1  }
0xa1: {  	s23 =	simm.s32 $0x1B8B  }
0xa2: {  	_ =	swait.ge [sflag:s23], $0x1  }
0xa3: {  	[sflag:s23] =	ssyncset.done $0x0  }
0xa4: {  	s25 =	simm.s32 $0x1B8E;
	s24 =	sld [smem:$0x3FFE];
	[sflag:s23] =	ssyncadd.s32 $0xFFFFFFFF  }
0xa5: {  	s26 =	simm.s32 $execute0_lowered;
	[smem:$0x3FD2] =	sst s25  }
0xa6: {  	s4 =	sshll.u32 s26, $0x1;
	_ =	strace $0x80000052;
	[dreg:$0x1] =	wrdreg $0xFFFFFFFF  }
0xa7: {  	s28 =	simm.s32 $_size_execute0_lowered;
	s2 =	sadd.s32 s2, s4;
	[dreg:$0x0] =	wrdreg $0x0  }
0xa8: {  	s4 =	sshll.u32 s28, $0x1;
	[dreg:$0x2] =	wrdreg s2  }
0xa9: {  	[dreg:$0x3] =	wrdreg s4  }
0xaa: {  	[dreg:$0x4] =	wrdreg $0xC0  }
0xab: {  	_ =	task [dreg:s6], $0x5FFFF  }
0xac: {  	[dreg:$0x1] =	wrdreg $0xFFFFFFFF  }
0xad: {  	[dreg:$0x0] =	wrdreg $0x60  }
0xae: {  	[dreg:$0x2] =	wrdreg s24  }
0xaf: {  	[dreg:$0x3] =	wrdreg $0x9  }
0xb0: {  	_ =	task.clear_ibuf [dreg:s6], $0x4FFFF;
	_ =	strace $0x90000052  }
0xb1: {  	s29 =	simm.s32 $0x9;
	_ =	strace $0x80000054  }
0xb2: {  	_ =	swait.ge [sflag:s29], $0x1  }
0xb3: {  	[sflag:s29] =	ssyncadd.s32 $0xFFFFFFFF  }
0xb4: {  	_ =	strace $0x90000054  }
0xb5: {  	_ =	sfence  }
0xb6: {  	s30 =	sld [smem:$0x0];
	_ =	sdelay $0x2  }
0xb7: {  	s31 =	sshll.u32 s1, $0xD;
	s1 =	sshrl.u32 s1, $0x2  }
0xb8: {  	s3 =	sand.u32 $0x4000, s31;
	s1 =	sadd.s32 s1, s30  }
0xb9: {  	s0 =	sor.u32 s3, s0;
	s1 =	sshll.u32 s1, $0x11  }
0xba: {  	s0 =	sor.u32 s1, s0  }
0xbb: {  	s0 =	sadd.s32 $0x8F2B, s0  }
0xbc: {  	[sflag:s0] =	ssyncadd.remote.s32 $0x1  }
0xbd: {  	_ =	sfence.sel $0xFFFF  }
0xbe: {  	[dreg:$0x0] =	wrdreg $0xFFFFFFFF;
	(pc) =	sbr.abs _section_cstart, $3  }
0xbf: {  	[dreg:$0x1] =	wrdreg $0xFFFFFFFF  }
0xc0: {  	_ =	task.clear_ibuf [dreg:s6], $0x2FFFF;
	_ =	strace $0x9FFFFFFF  }
0xc1: {  	(tm) =	ssettm $0x7FFFFFFF  }
tec
execute0_lowered:
.L_overlay_start_1:
0x0: {  	(tag) =	ssettag $0x1  }
0x1: {  	s1 =	srdreg.scid  }
0x2: {  	s0 =	stileid.u32;
	s5 =	sand.u32 $0x1, s1  }
0x3: {  	s7 =	rddreg [dreg:$0x0];
	s3 =	sshll.u32 s0, $0x7;
	s4 =	sshll.u32 s5, $0x6  }
0x4: {  	s2 =	simm.s32 $0x0;
	s1 =	rddreg [dreg:$0x1];
	s3 =	sor.u32 s4, s3  }
0x5: {  	[smem:$0x7FF] =	sst s2;
	s8 =	ssub.s32 $0x2, s5;
	s4 =	sshrl.u32 s3, $0x3  }
0x6: {  	_ =	strace $0x80000053;
	s9 =	sshrl.u32 s8, $0x1;
	s4 =	sadd.s32 s4, s7  }
0x7: {  	s6 =	smul.u32 $0x18, s3;
	s3 =	sadd.s32 $0x27400, s4;
	s4 =	simm.s32 $0x2  }
0x8: {  	[tilespmem:s2], [sflag:$0x2] =	stream.linear.gather [hbm4b:s3+s2], $0x40, $0x38;
	[tilespmem:$0x3040] =	vst v63  }
0x9: {  	s8 =	ssub.s32 s8, s9;
	_ =	swait.ge [sflag:s4], $0x40  }
0xa: {  	s9 =	smax.u32 s8, $0x1;
	s6 =	sadd.s32 s6, s7;
	[sflag:s4] =	ssyncset.done $0x0  }
0xb: {  	s5 =	sadd.s32 $0x217C00, s6;
	s6 =	simm.s32 $0x40;
	[sflag:s4] =	ssyncadd.s32 $0xFFFFFFC0  }
0xc: {  	[tilespmem:s6], [sflag:$0x2] =	stream.linear.gather [hbm4b:s5+s2], $0x3000, $0x38;
	[tilespmem:$0x3040] =	vst v63  }
0xd: {  	p0 =	sne.s32 s9, $0x1;
	_ =	swait.ge [sflag:s4], $0x3000  }
.Ltmp0:
0xe: {  	[sflag:s4] =	ssyncset.done $0x0;
	(pc) =	sbr.rel @!p0 .LBB2_2-.Ltmp0, $4  }
0xf: {  	s8 =	simm.s32 $0x1;
	s7 =	sadd.s32 $0x223C00, s7;
	[sflag:s4] =	ssyncadd.s32 $0xFFFFD000  }
0x10: {  	[hbm4b:s7+s6] =	stream.indirect.scatter [tilespmem:s6], [sflag:$0x1], $0xC0, s2, s6, $0xb8;
	[tilespmem:$0x3040] =	vst v63  }
0x11: {  	_ =	swait.ge [sflag:s8], $0x3000  }
0x12: {  	s9 =	sadd.s32 $0xFFFFFFFF, s9;
	[sflag:s8] =	ssyncset.done $0x0  }
.LBB2_1:
0x13: {  	p0 =	sne.s32 s9, $0x1;
	s9 =	sadd.s32 $0xFFFFFFFF, s9;
	[sflag:s8] =	ssyncadd.s32 $0xFFFFD000  }
0x14: {  	[tilespmem:s2], [sflag:$0x2] =	stream.linear.gather [hbm4b:s3+s2], $0x40, $0x38;
	[tilespmem:$0x3040] =	vst v63  }
0x15: {  	_ =	swait.ge [sflag:s4], $0x40  }
0x16: {  	[sflag:s4] =	ssyncset.done $0x0  }
0x17: {  	[sflag:s4] =	ssyncadd.s32 $0xFFFFFFC0  }
0x18: {  	[tilespmem:s6], [sflag:$0x2] =	stream.linear.gather [hbm4b:s5+s2], $0x3000, $0x38;
	[tilespmem:$0x3040] =	vst v63  }
0x19: {  	_ =	swait.ge [sflag:s4], $0x3000  }
.Ltmp1:
0x1a: {  	[sflag:s4] =	ssyncset.done $0x0;
	(pc) =	sbr.rel @p0 .LBB2_1-.Ltmp1, $4  }
0x1b: {  	[sflag:s4] =	ssyncadd.s32 $0xFFFFD000  }
0x1c: {  	[hbm4b:s7+s6] =	stream.indirect.scatter [tilespmem:s6], [sflag:$0x1], $0xC0, s2, s6, $0xb8;
	[tilespmem:$0x3040] =	vst v63  }
0x1d: {  	_ =	swait.ge [sflag:s8], $0x3000  }
0x1e: {  	[sflag:s8] =	ssyncset.done $0x0  }
.LBB2_2:
0x1f: {  	[sflag:s8] =	ssyncadd.s32 $0xFFFFD000  }
0x20: {  	_ =	sfence.sel $0x180000  }
0x21: {  	[bflag:$0x0] =	sbarrier.arrive $0xFFFF  }
0x22: {  	p0 =	sne.s32 s0, $0x0;
	_ =	strace $0x90000053  }
0x23: {  	s0 =	sadd.s32 @!p0 $0x100000, s1;
	[bflag:$0x2] =	sbarrier.arrive $0xFFFF  }
0x24: {  	[sflag:s0] =	ssyncadd.tile.s32 @!p0 $0x1;
	_ =	shalt  }
.Lfunc_end2:
_tile_overlayer_lowered:
.L_overlay_start_2:
0x25: {  	(tag) =	ssettag $0x2  }
0x26: {  	s0 =	rddreg [dreg:$0x0];
	s2 =	stileid.u32  }
0x27: {  	s1 =	rddreg [dreg:$0x1];
	p0 =	sne.s32 s2, $0x0  }
0x28: {  	s3 =	rddreg [dreg:$0x2];
	[bflag:$0x3] =	sbarrier.arrive $0xFFFF;
	s2 =	simm.s32 @!p0 $0x1C02  }
0x29: {  	[timem:s3], [sflag:s2] =	dma.local @!p0 [hbm:s0], s1  }
0x2a: {  	s0 =	simm.s32 @!p0 $0x2  }
0x2b: {  	_ =	swait.ge @!p0 [sflag:s0], s1  }
0x2c: {  	s1 =	ssub.s32 @!p0 $0x0, s1;
	[sflag:s0] =	ssyncset.done @!p0 $0x0  }
0x2d: {  	[sflag:s0] =	ssyncadd.s32 @!p0 s1  }
0x2e: {  	[bflag:$0x3] =	sbarrier.arrive $0xFFFF  }
0x2f: {  	_ =	shalt  }

// kernel: kernel.43.cloned.1.call-start
scs
__scs_entry_jumppad:
0x0: {  	(pc) =	sbr.rel $0x88, $3  }
0x1: {  	(tag) =	ssettag $0x0;
	lr =	simm.s32 $0x1  }
0x2: {  	[smem:$0x3F8B] =	sst lr;
	_ =	strace $0xD0000000  }
0x3: {  	_ = 	snop  }
0x4: {  	_ = 	snop  }
0x5: {  	_ = 	snop  }
0x6: {  	_ = 	snop  }
0x7: {  	_ = 	snop  }
__scs_overlays_trampoline_lowered:
0x8: {  	[smem:$0x3F9A] =	sst s0  }
0x9: {  	[smem:$0x3F9B] =	sst s1  }
0xa: {  	[smem:$0x3F9C] =	sst s2  }
0xb: {  	[smem:$0x3F9D] =	sst s3  }
0xc: {  	[smem:$0x3F9E] =	sst s4  }
0xd: {  	[smem:$0x3F9F] =	sst s5  }
0xe: {  	[smem:$0x3FA0] =	sst s6  }
0xf: {  	[smem:$0x3FA1] =	sst s7  }
0x10: {  	[smem:$0x3FA2] =	sst s8  }
0x11: {  	[smem:$0x3FA3] =	sst s9;
	s0 =	simm.s32 @!p0 $0x0  }
0x12: {  	s1 =	sld [smem:$0x3F89];
	s0 =	simm.s32 @p0 $0x1  }
0x13: {  	[smem:$0x3FA4] =	sst s0;
	s0 =	simm.s32 @!p1 $0x0  }
0x14: {  	s2 =	sld [smem:$0x3F88];
	s0 =	simm.s32 @p1 $0x1  }
0x15: {  	[smem:$0x3FA5] =	sst s0;
	s0 =	simm.s32 @!p2 $0x0  }
0x16: {  	s3 =	sld [smem:$0x3FDB];
	s0 =	simm.s32 @p2 $0x1  }
0x17: {  	s4 =	simm.s32 $0x1BF5;
	[smem:$0x3FA7] =	sst s0  }
0x18: {  	s0 =	sld [smem:$0x3F8A];
	_ =	swait.ge [sflag:s4], $0x0  }
0x19: {  	s7 =	sld [smem:$0x3F8B]  }
0x1a: {  	s8 =	sadd.s32 $0xFFFFE003, lr  }
0x1b: {  	s9 =	sadd.s32 $0xFFFFFEF7, lr;
	s5 =	simm.s32 $0xFFFFFFFF;
	p2 =	slt.u32 s8, $0xFFFFF086  }
0x1c: {  	p1 =	slt.u32 s9, $0xF7A;
	s5 =	simm.s32 @!p2 $0x0  }
0x1d: {  	s5 =	simm.s32 @p1 $0x1;
	p0 =	seq.s32 s7, s2  }
0x1e: {  	s7 =	smul.u32 @!p0 $0xF7A, s2;
	p2 =	seq.s32 @!p0 s5, $0x0  }
0x1f: {  	s9 =	smul.u32 $0xF7A, s1;
	s8 =	simm.s32 @!p0 $0x1BF5;
	p2 =	por !p2, p0  }
0x20: {  	[sflag:s8] =	ssyncset.s32 @!p0 $0xFFFFF086;
	s6 =	sadd.s32 @!p0 s3, s7;
	s7 =	simm.s32 @!p0 $0x108  }
0x21: {  	s3 =	sadd.s32 s3, s9;
	s6 =	sadd.s32 @!p0 $0x88, s6;
	s7 =	simm.s32 @p2 $0x1082  }
0x22: {  	[simem:s7], [sflag:s8] =	dma.local @!p0 [hbm:s6], $0xF7A  }
0x23: {  	s9 =	sor.u32 $0xD0000000, s2;
	s6 =	simm.s32 $0x108;
	_ =	swait.ge @!p0 [sflag:s8], $0x0  }
0x24: {  	s3 =	sadd.s32 $0x88, s3;
	s6 =	simm.s32 @!p1 $0x1082;
	[sflag:s4] =	ssyncset.s32 $0xFFFFF086  }
0x25: {  	[simem:s6], [sflag:s4] =	dma.local [hbm:s3], $0xF7A  }
0x26: {  	[smem:$0x3F8B] =	sst s1;
	(tag) =	ssettag s2;
	_ =	strace s9  }
0x27: {  	s1 =	sld [smem:$0x3F9B]  }
0x28: {  	s2 =	sld [smem:$0x3F9C]  }
0x29: {  	s4 =	sld [smem:$0x3F9E]  }
0x2a: {  	p0 =	seq.s32 s5, $0x0;
	s5 =	sld [smem:$0x3F9F]  }
0x2b: {  	s6 =	sld [smem:$0x3FA0]  }
0x2c: {  	s7 =	sld [smem:$0x3FA1]  }
0x2d: {  	s3 =	simm.s32 $0x108;
	s8 =	sld [smem:$0x3FA2]  }
0x2e: {  	s3 =	simm.s32 @!p0 $0x1082;
	s9 =	sld [smem:$0x3FA3]  }
0x2f: {  	lr =	sadd.s32 s0, s3;
	s0 =	sld [smem:$0x3F9A]  }
0x30: {  	s3 =	sld [smem:$0x3F9D]  }
0x31: {  	[smem:$0x3FA6] =	sst s10  }
0x32: {  	s10 =	sld [smem:$0x3FA4];
	_ =	sdelay $0x3  }
0x33: {  	p0 =	seq.s32 s10, $0x1;
	s10 =	sld [smem:$0x3FA6];
	_ =	sdelay $0x3  }
0x34: {  	[smem:$0x3FA6] =	sst s10  }
0x35: {  	s10 =	sld [smem:$0x3FA5];
	_ =	sdelay $0x3  }
0x36: {  	p1 =	seq.s32 s10, $0x1;
	s10 =	sld [smem:$0x3FA6];
	_ =	sdelay $0x3  }
0x37: {  	[smem:$0x3FA6] =	sst s10  }
0x38: {  	s10 =	sld [smem:$0x3FA7]  }
0x39: {  	_ = 	snop;
	(pc) =	sbr.ind lr, $3  }
0x3a: {  	_ = 	snop  }
0x3b: {  	_ = 	snop  }
0x3c: {  	p2 =	seq.s32 s10, $0x1;
	s10 =	sld [smem:$0x3FA6]  }
0x3d: {  	_ =	shalt  }
0x3e: {  	_ =	shalt  }
0x3f: {  	_ =	shalt  }
0x40: {  	_ =	shalt  }
0x41: {  	_ =	shalt  }
0x42: {  	_ =	shalt  }
0x43: {  	_ =	shalt  }
0x44: {  	_ =	shalt  }
0x45: {  	_ =	shalt  }
0x46: {  	_ =	shalt  }
0x47: {  	_ =	shalt  }
0x48: {  	_ =	shalt  }
0x49: {  	_ =	shalt  }
0x4a: {  	_ =	shalt  }
0x4b: {  	_ =	shalt  }
0x4c: {  	_ =	shalt  }
0x4d: {  	_ =	shalt  }
0x4e: {  	_ =	shalt  }
0x4f: {  	_ =	shalt  }
0x50: {  	_ =	shalt  }
0x51: {  	_ =	shalt  }
0x52: {  	_ =	shalt  }
0x53: {  	_ =	shalt  }
0x54: {  	_ =	shalt  }
0x55: {  	_ =	shalt  }
0x56: {  	_ =	shalt  }
0x57: {  	_ =	shalt  }
0x58: {  	_ =	shalt  }
0x59: {  	_ =	shalt  }
0x5a: {  	_ =	shalt  }
0x5b: {  	_ =	shalt  }
0x5c: {  	_ =	shalt  }
0x5d: {  	_ =	shalt  }
0x5e: {  	_ =	shalt  }
0x5f: {  	_ =	shalt  }
0x60: {  	_ =	shalt  }
0x61: {  	_ =	shalt  }
0x62: {  	_ =	shalt  }
0x63: {  	_ =	shalt  }
0x64: {  	_ =	shalt  }
0x65: {  	_ =	shalt  }
0x66: {  	_ =	shalt  }
0x67: {  	_ =	shalt  }
0x68: {  	_ =	shalt  }
0x69: {  	_ =	shalt  }
0x6a: {  	_ =	shalt  }
0x6b: {  	_ =	shalt  }
0x6c: {  	_ =	shalt  }
0x6d: {  	_ =	shalt  }
0x6e: {  	_ =	shalt  }
0x6f: {  	_ =	shalt  }
0x70: {  	_ =	shalt  }
0x71: {  	_ =	shalt  }
0x72: {  	_ =	shalt  }
0x73: {  	_ =	shalt  }
0x74: {  	_ =	shalt  }
0x75: {  	_ =	shalt  }
0x76: {  	_ =	shalt  }
0x77: {  	_ =	shalt  }
0x78: {  	_ =	shalt  }
0x79: {  	_ =	shalt  }
0x7a: {  	_ =	shalt  }
0x7b: {  	_ =	shalt  }
0x7c: {  	_ =	shalt  }
0x7d: {  	_ =	shalt  }
0x7e: {  	_ =	shalt  }
0x7f: {  	_ =	shalt  }
0x80: {  	_ =	shalt  }
0x81: {  	_ =	shalt  }
0x82: {  	_ =	shalt  }
0x83: {  	_ =	shalt  }
0x84: {  	_ =	shalt  }
0x85: {  	_ =	shalt  }
0x86: {  	_ =	shalt  }
0x87: {  	_ =	shalt  }
.Lfunc_end0:
.L_simem_size_0:
called_computation.5_lowered:
.L_overlay_start_0:
0x88: {  	s2 =	sld [smem:$0x3FD9]  }
0x89: {  	s3 =	sld [smem:$0x3FFE];
	_ =	sdelay $0x1  }
0x8a: {  	s1 =	srdreg.scid  }
0x8b: {  	s0 =	sand.u32 $0x1, s1  }
0x8c: {  	s16 =	sshll.u32 s0, $0xA;
	s2 =	sadd.s32 s3, s2  }
0x8d: {  	s2 =	sadd.s32 s2, s16  }
0x8e: {  	[smem:$0x3FB2] =	sst s2  }
0x8f: {  	_ = 	snop  }
0x90: {  	(tm) =	ssettm $0x1  }
0x91: {  	s17 =	sld [smem:$0x3FFB];
	_ =	sdelay $0x3  }
0x92: {  	_ =	strace s17  }
0x93: {  	s2 =	sld [smem:$0x3FFC];
	_ =	sdelay $0x3  }
0x94: {  	_ =	strace s2  }
0x95: {  	s2 =	sld [smem:$0x3FFD];
	_ =	sdelay $0x3  }
0x96: {  	_ =	strace s2  }
0x97: {  	_ =	strace $0x8FFFFFFF  }
0x98: {  	s18 =	sld [smem:$0x3FDB];
	_ =	sdelay $0x1  }
0x99: {  	s19 =	simm.s32 $_scs_section_size  }
0x9a: {  	s4 =	simm.s32 $_size__tile_overlayer_lowered;
	s5 =	simm.s32 $_tile_overlayer_lowered  }
0x9b: {  	s22 =	simm.s32 $0x1BFF;
	s21 =	sshll.u32 s5, $0x1;
	s2 =	sadd.s32 s19, s18  }
0x9c: {  	s6 =	simm.s32 $0x0;
	s20 =	sshll.u32 s4, $0x1;
	s4 =	sadd.s32 s21, s2  }
0x9d: {  	[timem:s6], [sflag:s22] =	dma.local [hbm:s4], s20  }
0x9e: {  	_ =	swait.ge [sflag:s22], s20  }
0x9f: {  	s3 =	ssub.s32 $0x0, s20;
	[sflag:s22] =	ssyncset.done $0x0  }
0xa0: {  	[sflag:s22] =	ssyncadd.s32 s3;
	_ =	sdelay $0x1  }
0xa1: {  	s23 =	simm.s32 $0x1B8B  }
0xa2: {  	_ =	swait.ge [sflag:s23], $0x1  }
0xa3: {  	[sflag:s23] =	ssyncset.done $0x0  }
0xa4: {  	s25 =	simm.s32 $0x1B8E;
	s24 =	sld [smem:$0x3FFE];
	[sflag:s23] =	ssyncadd.s32 $0xFFFFFFFF  }
0xa5: {  	s26 =	simm.s32 $execute0_lowered;
	[smem:$0x3FD2] =	sst s25  }
0xa6: {  	s4 =	sshll.u32 s26, $0x1;
	_ =	strace $0x80000055;
	[dreg:$0x1] =	wrdreg $0xFFFFFFFF  }
0xa7: {  	s28 =	simm.s32 $_size_execute0_lowered;
	s2 =	sadd.s32 s2, s4;
	[dreg:$0x0] =	wrdreg $0x0  }
0xa8: {  	s4 =	sshll.u32 s28, $0x1;
	[dreg:$0x2] =	wrdreg s2  }
0xa9: {  	[dreg:$0x3] =	wrdreg s4  }
0xaa: {  	[dreg:$0x4] =	wrdreg $0xC0  }
0xab: {  	_ =	task [dreg:s6], $0x5FFFF  }
0xac: {  	[dreg:$0x1] =	wrdreg $0xFFFFFFFF  }
0xad: {  	[dreg:$0x0] =	wrdreg $0x60  }
0xae: {  	[dreg:$0x2] =	wrdreg s24  }
0xaf: {  	[dreg:$0x3] =	wrdreg $0x9  }
0xb0: {  	_ =	task.clear_ibuf [dreg:s6], $0x4FFFF;
	_ =	strace $0x90000055  }
0xb1: {  	s29 =	simm.s32 $0x9;
	_ =	strace $0x80000057  }
0xb2: {  	_ =	swait.ge [sflag:s29], $0x1  }
0xb3: {  	[sflag:s29] =	ssyncadd.s32 $0xFFFFFFFF  }
0xb4: {  	_ =	strace $0x90000057  }
0xb5: {  	_ =	sfence  }
0xb6: {  	s30 =	sld [smem:$0x0];
	_ =	sdelay $0x2  }
0xb7: {  	s31 =	sshll.u32 s1, $0xD;
	s1 =	sshrl.u32 s1, $0x2  }
0xb8: {  	s3 =	sand.u32 $0x4000, s31;
	s1 =	sadd.s32 s1, s30  }
0xb9: {  	s0 =	sor.u32 s3, s0;
	s1 =	sshll.u32 s1, $0x11  }
0xba: {  	s0 =	sor.u32 s1, s0  }
0xbb: {  	s0 =	sadd.s32 $0x8F2B, s0  }
0xbc: {  	[sflag:s0] =	ssyncadd.remote.s32 $0x1  }
0xbd: {  	_ =	sfence.sel $0xFFFF  }
0xbe: {  	[dreg:$0x0] =	wrdreg $0xFFFFFFFF;
	(pc) =	sbr.abs _section_cstart, $3  }
0xbf: {  	[dreg:$0x1] =	wrdreg $0xFFFFFFFF  }
0xc0: {  	_ =	task.clear_ibuf [dreg:s6], $0x2FFFF;
	_ =	strace $0x9FFFFFFF  }
0xc1: {  	(tm) =	ssettm $0x7FFFFFFF  }
tec
execute0_lowered:
.L_overlay_start_1:
0x0: {  	(tag) =	ssettag $0x1  }
0x1: {  	s1 =	srdreg.scid  }
0x2: {  	s0 =	stileid.u32;
	s6 =	sand.u32 $0x1, s1  }
0x3: {  	s8 =	rddreg [dreg:$0x0];
	s30 =	sshll.u32 s0, $0x7;
	s2 =	sshll.u32 s6, $0x6  }
0x4: {  	s1 =	rddreg [dreg:$0x1];
	s5 =	sadd.s32 $0x1B6C00, s8;
	s7 =	sor.u32 s2, s30  }
0x5: {  	s10 =	ssub.s32 $0x2, s6;
	s2 =	simm.s32 $0x0;
	s3 =	sshrl.u32 s7, $0x3  }
0x6: {  	s6 =	simm.s32 $0x40;
	[smem:$0x7FF] =	sst s2;
	s3 =	sadd.s32 s3, s8  }
0x7: {  	_ =	strace $0x80000056;
	s4 =	sadd.s32 $0x27400, s3;
	s3 =	simm.s32 $0x2  }
0x8: {  	[tilespmem:s2], [sflag:$0x2] =	stream.linear.gather [hbm4b:s4+s2], $0x40, $0x38;
	[tilespmem:$0x3040] =	vst v63  }
0x9: {  	s11 =	sshrl.u32 s10, $0x1;
	s9 =	smul.u32 $0x18, s7;
	_ =	swait.ge [sflag:s3], $0x40  }
0xa: {  	s7 =	simm.s32 $0x1;
	s31 =	ssub.s32 s10, s11;
	[sflag:s3] =	ssyncset.done $0x0  }
0xb: {  	s8 =	sadd.s32 s9, s8;
	s9 =	smax.u32 s31, $0x1;
	[sflag:s3] =	ssyncadd.s32 $0xFFFFFFC0  }
0xc: {  	[tilespmem:s6], [sflag:$0x1] =	stream.indirect.gather [hbm4b:s5+s6], $0xC0, s2, s6, $0xb8;
	[tilespmem:$0x3040] =	vst v63  }
0xd: {  	p0 =	sne.s32 s9, $0x1;
	_ =	swait.ge [sflag:s7], $0x3000  }
.Ltmp0:
0xe: {  	[sflag:s7] =	ssyncset.done $0x0;
	(pc) =	sbr.rel @!p0 .LBB2_2-.Ltmp0, $4  }
0xf: {  	s8 =	sadd.s32 $0x1CEC00, s8;
	[sflag:s7] =	ssyncadd.s32 $0xFFFFD000  }
0x10: {  	[hbm4b:s8+s2] =	stream.linear.scatter [tilespmem:s6], [sflag:$0x2], $0x3000, $0x38;
	[tilespmem:$0x3040] =	vst v63  }
0x11: {  	_ =	swait.ge [sflag:s3], $0x3000  }
0x12: {  	s9 =	sadd.s32 $0xFFFFFFFF, s9;
	[sflag:s3] =	ssyncset.done $0x0  }
.LBB2_1:
0x13: {  	p0 =	sne.s32 s9, $0x1;
	s9 =	sadd.s32 $0xFFFFFFFF, s9;
	[sflag:s3] =	ssyncadd.s32 $0xFFFFD000  }
0x14: {  	[tilespmem:s2], [sflag:$0x2] =	stream.linear.gather [hbm4b:s4+s2], $0x40, $0x38;
	[tilespmem:$0x3040] =	vst v63  }
0x15: {  	_ =	swait.ge [sflag:s3], $0x40  }
0x16: {  	[sflag:s3] =	ssyncset.done $0x0  }
0x17: {  	[sflag:s3] =	ssyncadd.s32 $0xFFFFFFC0  }
0x18: {  	[tilespmem:s6], [sflag:$0x1] =	stream.indirect.gather [hbm4b:s5+s6], $0xC0, s2, s6, $0xb8;
	[tilespmem:$0x3040] =	vst v63  }
0x19: {  	_ =	swait.ge [sflag:s7], $0x3000  }
.Ltmp1:
0x1a: {  	[sflag:s7] =	ssyncset.done $0x0;
	(pc) =	sbr.rel @p0 .LBB2_1-.Ltmp1, $4  }
0x1b: {  	[sflag:s7] =	ssyncadd.s32 $0xFFFFD000  }
0x1c: {  	[hbm4b:s8+s2] =	stream.linear.scatter [tilespmem:s6], [sflag:$0x2], $0x3000, $0x38;
	[tilespmem:$0x3040] =	vst v63  }
0x1d: {  	_ =	swait.ge [sflag:s3], $0x3000  }
0x1e: {  	[sflag:s3] =	ssyncset.done $0x0  }
.LBB2_2:
0x1f: {  	[sflag:s3] =	ssyncadd.s32 $0xFFFFD000  }
0x20: {  	_ =	sfence.sel $0x180000  }
0x21: {  	[bflag:$0x0] =	sbarrier.arrive $0xFFFF  }
0x22: {  	p0 =	sne.s32 s0, $0x0;
	_ =	strace $0x90000056  }
0x23: {  	s0 =	sadd.s32 @!p0 $0x100000, s1;
	[bflag:$0x2] =	sbarrier.arrive $0xFFFF  }
0x24: {  	[sflag:s0] =	ssyncadd.tile.s32 @!p0 $0x1;
	_ =	shalt  }
.Lfunc_end2:
_tile_overlayer_lowered:
.L_overlay_start_2:
0x25: {  	(tag) =	ssettag $0x2  }
0x26: {  	s0 =	rddreg [dreg:$0x0];
	s2 =	stileid.u32  }
0x27: {  	s1 =	rddreg [dreg:$0x1];
	p0 =	sne.s32 s2, $0x0  }
0x28: {  	s3 =	rddreg [dreg:$0x2];
	[bflag:$0x3] =	sbarrier.arrive $0xFFFF;
	s2 =	simm.s32 @!p0 $0x1C02  }
0x29: {  	[timem:s3], [sflag:s2] =	dma.local @!p0 [hbm:s0], s1  }
0x2a: {  	s0 =	simm.s32 @!p0 $0x2  }
0x2b: {  	_ =	swait.ge @!p0 [sflag:s0], s1  }
0x2c: {  	s1 =	ssub.s32 @!p0 $0x0, s1;
	[sflag:s0] =	ssyncset.done @!p0 $0x0  }
0x2d: {  	[sflag:s0] =	ssyncadd.s32 @!p0 s1  }
0x2e: {  	[bflag:$0x3] =	sbarrier.arrive $0xFFFF  }
0x2f: {  	_ =	shalt  }

// kernel: kernel.46.cloned.1.call-start
scs
__scs_entry_jumppad:
0x0: {  	(pc) =	sbr.rel $0x88, $3  }
0x1: {  	(tag) =	ssettag $0x0;
	lr =	simm.s32 $0x1  }
0x2: {  	[smem:$0x3F8B] =	sst lr;
	_ =	strace $0xD0000000  }
0x3: {  	_ = 	snop  }
0x4: {  	_ = 	snop  }
0x5: {  	_ = 	snop  }
0x6: {  	_ = 	snop  }
0x7: {  	_ = 	snop  }
__scs_overlays_trampoline_lowered:
0x8: {  	[smem:$0x3F9A] =	sst s0  }
0x9: {  	[smem:$0x3F9B] =	sst s1  }
0xa: {  	[smem:$0x3F9C] =	sst s2  }
0xb: {  	[smem:$0x3F9D] =	sst s3  }
0xc: {  	[smem:$0x3F9E] =	sst s4  }
0xd: {  	[smem:$0x3F9F] =	sst s5  }
0xe: {  	[smem:$0x3FA0] =	sst s6  }
0xf: {  	[smem:$0x3FA1] =	sst s7  }
0x10: {  	[smem:$0x3FA2] =	sst s8  }
0x11: {  	[smem:$0x3FA3] =	sst s9;
	s0 =	simm.s32 @!p0 $0x0  }
0x12: {  	s1 =	sld [smem:$0x3F89];
	s0 =	simm.s32 @p0 $0x1  }
0x13: {  	[smem:$0x3FA4] =	sst s0;
	s0 =	simm.s32 @!p1 $0x0  }
0x14: {  	s2 =	sld [smem:$0x3F88];
	s0 =	simm.s32 @p1 $0x1  }
0x15: {  	[smem:$0x3FA5] =	sst s0;
	s0 =	simm.s32 @!p2 $0x0  }
0x16: {  	s3 =	sld [smem:$0x3FDB];
	s0 =	simm.s32 @p2 $0x1  }
0x17: {  	s4 =	simm.s32 $0x1BF5;
	[smem:$0x3FA7] =	sst s0  }
0x18: {  	s0 =	sld [smem:$0x3F8A];
	_ =	swait.ge [sflag:s4], $0x0  }
0x19: {  	s7 =	sld [smem:$0x3F8B]  }
0x1a: {  	s8 =	sadd.s32 $0xFFFFE003, lr  }
0x1b: {  	s9 =	sadd.s32 $0xFFFFFEF7, lr;
	s5 =	simm.s32 $0xFFFFFFFF;
	p2 =	slt.u32 s8, $0xFFFFF086  }
0x1c: {  	p1 =	slt.u32 s9, $0xF7A;
	s5 =	simm.s32 @!p2 $0x0  }
0x1d: {  	s5 =	simm.s32 @p1 $0x1;
	p0 =	seq.s32 s7, s2  }
0x1e: {  	s7 =	smul.u32 @!p0 $0xF7A, s2;
	p2 =	seq.s32 @!p0 s5, $0x0  }
0x1f: {  	s9 =	smul.u32 $0xF7A, s1;
	s8 =	simm.s32 @!p0 $0x1BF5;
	p2 =	por !p2, p0  }
0x20: {  	[sflag:s8] =	ssyncset.s32 @!p0 $0xFFFFF086;
	s6 =	sadd.s32 @!p0 s3, s7;
	s7 =	simm.s32 @!p0 $0x108  }
0x21: {  	s3 =	sadd.s32 s3, s9;
	s6 =	sadd.s32 @!p0 $0x88, s6;
	s7 =	simm.s32 @p2 $0x1082  }
0x22: {  	[simem:s7], [sflag:s8] =	dma.local @!p0 [hbm:s6], $0xF7A  }
0x23: {  	s9 =	sor.u32 $0xD0000000, s2;
	s6 =	simm.s32 $0x108;
	_ =	swait.ge @!p0 [sflag:s8], $0x0  }
0x24: {  	s3 =	sadd.s32 $0x88, s3;
	s6 =	simm.s32 @!p1 $0x1082;
	[sflag:s4] =	ssyncset.s32 $0xFFFFF086  }
0x25: {  	[simem:s6], [sflag:s4] =	dma.local [hbm:s3], $0xF7A  }
0x26: {  	[smem:$0x3F8B] =	sst s1;
	(tag) =	ssettag s2;
	_ =	strace s9  }
0x27: {  	s1 =	sld [smem:$0x3F9B]  }
0x28: {  	s2 =	sld [smem:$0x3F9C]  }
0x29: {  	s4 =	sld [smem:$0x3F9E]  }
0x2a: {  	p0 =	seq.s32 s5, $0x0;
	s5 =	sld [smem:$0x3F9F]  }
0x2b: {  	s6 =	sld [smem:$0x3FA0]  }
0x2c: {  	s7 =	sld [smem:$0x3FA1]  }
0x2d: {  	s3 =	simm.s32 $0x108;
	s8 =	sld [smem:$0x3FA2]  }
0x2e: {  	s3 =	simm.s32 @!p0 $0x1082;
	s9 =	sld [smem:$0x3FA3]  }
0x2f: {  	lr =	sadd.s32 s0, s3;
	s0 =	sld [smem:$0x3F9A]  }
0x30: {  	s3 =	sld [smem:$0x3F9D]  }
0x31: {  	[smem:$0x3FA6] =	sst s10  }
0x32: {  	s10 =	sld [smem:$0x3FA4];
	_ =	sdelay $0x3  }
0x33: {  	p0 =	seq.s32 s10, $0x1;
	s10 =	sld [smem:$0x3FA6];
	_ =	sdelay $0x3  }
0x34: {  	[smem:$0x3FA6] =	sst s10  }
0x35: {  	s10 =	sld [smem:$0x3FA5];
	_ =	sdelay $0x3  }
0x36: {  	p1 =	seq.s32 s10, $0x1;
	s10 =	sld [smem:$0x3FA6];
	_ =	sdelay $0x3  }
0x37: {  	[smem:$0x3FA6] =	sst s10  }
0x38: {  	s10 =	sld [smem:$0x3FA7]  }
0x39: {  	_ = 	snop;
	(pc) =	sbr.ind lr, $3  }
0x3a: {  	_ = 	snop  }
0x3b: {  	_ = 	snop  }
0x3c: {  	p2 =	seq.s32 s10, $0x1;
	s10 =	sld [smem:$0x3FA6]  }
0x3d: {  	_ =	shalt  }
0x3e: {  	_ =	shalt  }
0x3f: {  	_ =	shalt  }
0x40: {  	_ =	shalt  }
0x41: {  	_ =	shalt  }
0x42: {  	_ =	shalt  }
0x43: {  	_ =	shalt  }
0x44: {  	_ =	shalt  }
0x45: {  	_ =	shalt  }
0x46: {  	_ =	shalt  }
0x47: {  	_ =	shalt  }
0x48: {  	_ =	shalt  }
0x49: {  	_ =	shalt  }
0x4a: {  	_ =	shalt  }
0x4b: {  	_ =	shalt  }
0x4c: {  	_ =	shalt  }
0x4d: {  	_ =	shalt  }
0x4e: {  	_ =	shalt  }
0x4f: {  	_ =	shalt  }
0x50: {  	_ =	shalt  }
0x51: {  	_ =	shalt  }
0x52: {  	_ =	shalt  }
0x53: {  	_ =	shalt  }
0x54: {  	_ =	shalt  }
0x55: {  	_ =	shalt  }
0x56: {  	_ =	shalt  }
0x57: {  	_ =	shalt  }
0x58: {  	_ =	shalt  }
0x59: {  	_ =	shalt  }
0x5a: {  	_ =	shalt  }
0x5b: {  	_ =	shalt  }
0x5c: {  	_ =	shalt  }
0x5d: {  	_ =	shalt  }
0x5e: {  	_ =	shalt  }
0x5f: {  	_ =	shalt  }
0x60: {  	_ =	shalt  }
0x61: {  	_ =	shalt  }
0x62: {  	_ =	shalt  }
0x63: {  	_ =	shalt  }
0x64: {  	_ =	shalt  }
0x65: {  	_ =	shalt  }
0x66: {  	_ =	shalt  }
0x67: {  	_ =	shalt  }
0x68: {  	_ =	shalt  }
0x69: {  	_ =	shalt  }
0x6a: {  	_ =	shalt  }
0x6b: {  	_ =	shalt  }
0x6c: {  	_ =	shalt  }
0x6d: {  	_ =	shalt  }
0x6e: {  	_ =	shalt  }
0x6f: {  	_ =	shalt  }
0x70: {  	_ =	shalt  }
0x71: {  	_ =	shalt  }
0x72: {  	_ =	shalt  }
0x73: {  	_ =	shalt  }
0x74: {  	_ =	shalt  }
0x75: {  	_ =	shalt  }
0x76: {  	_ =	shalt  }
0x77: {  	_ =	shalt  }
0x78: {  	_ =	shalt  }
0x79: {  	_ =	shalt  }
0x7a: {  	_ =	shalt  }
0x7b: {  	_ =	shalt  }
0x7c: {  	_ =	shalt  }
0x7d: {  	_ =	shalt  }
0x7e: {  	_ =	shalt  }
0x7f: {  	_ =	shalt  }
0x80: {  	_ =	shalt  }
0x81: {  	_ =	shalt  }
0x82: {  	_ =	shalt  }
0x83: {  	_ =	shalt  }
0x84: {  	_ =	shalt  }
0x85: {  	_ =	shalt  }
0x86: {  	_ =	shalt  }
0x87: {  	_ =	shalt  }
.Lfunc_end0:
.L_simem_size_0:
called_computation.6_lowered:
.L_overlay_start_0:
0x88: {  	s2 =	sld [smem:$0x3FD9]  }
0x89: {  	s3 =	sld [smem:$0x3FFE];
	_ =	sdelay $0x1  }
0x8a: {  	s1 =	srdreg.scid  }
0x8b: {  	s0 =	sand.u32 $0x1, s1  }
0x8c: {  	s16 =	sshll.u32 s0, $0xA;
	s2 =	sadd.s32 s3, s2  }
0x8d: {  	s2 =	sadd.s32 s2, s16  }
0x8e: {  	[smem:$0x3FB2] =	sst s2  }
0x8f: {  	_ = 	snop  }
0x90: {  	(tm) =	ssettm $0x1  }
0x91: {  	s17 =	sld [smem:$0x3FFB];
	_ =	sdelay $0x3  }
0x92: {  	_ =	strace s17  }
0x93: {  	s2 =	sld [smem:$0x3FFC];
	_ =	sdelay $0x3  }
0x94: {  	_ =	strace s2  }
0x95: {  	s2 =	sld [smem:$0x3FFD];
	_ =	sdelay $0x3  }
0x96: {  	_ =	strace s2  }
0x97: {  	_ =	strace $0x8FFFFFFF  }
0x98: {  	s18 =	sld [smem:$0x3FDB];
	_ =	sdelay $0x1  }
0x99: {  	s19 =	simm.s32 $_scs_section_size  }
0x9a: {  	s4 =	simm.s32 $_size__tile_overlayer_lowered;
	s5 =	simm.s32 $_tile_overlayer_lowered  }
0x9b: {  	s22 =	simm.s32 $0x1BFF;
	s21 =	sshll.u32 s5, $0x1;
	s2 =	sadd.s32 s19, s18  }
0x9c: {  	s6 =	simm.s32 $0x0;
	s20 =	sshll.u32 s4, $0x1;
	s4 =	sadd.s32 s21, s2  }
0x9d: {  	[timem:s6], [sflag:s22] =	dma.local [hbm:s4], s20  }
0x9e: {  	_ =	swait.ge [sflag:s22], s20  }
0x9f: {  	s3 =	ssub.s32 $0x0, s20;
	[sflag:s22] =	ssyncset.done $0x0  }
0xa0: {  	[sflag:s22] =	ssyncadd.s32 s3;
	_ =	sdelay $0x1  }
0xa1: {  	s23 =	simm.s32 $0x1B8B  }
0xa2: {  	_ =	swait.ge [sflag:s23], $0x1  }
0xa3: {  	[sflag:s23] =	ssyncset.done $0x0  }
0xa4: {  	s25 =	simm.s32 $0x1B8E;
	s24 =	sld [smem:$0x3FFE];
	[sflag:s23] =	ssyncadd.s32 $0xFFFFFFFF  }
0xa5: {  	s26 =	simm.s32 $execute0_lowered;
	[smem:$0x3FD2] =	sst s25  }
0xa6: {  	s4 =	sshll.u32 s26, $0x1;
	_ =	strace $0x80000058;
	[dreg:$0x1] =	wrdreg $0xFFFFFFFF  }
0xa7: {  	s28 =	simm.s32 $_size_execute0_lowered;
	s2 =	sadd.s32 s2, s4;
	[dreg:$0x0] =	wrdreg $0x0  }
0xa8: {  	s4 =	sshll.u32 s28, $0x1;
	[dreg:$0x2] =	wrdreg s2  }
0xa9: {  	[dreg:$0x3] =	wrdreg s4  }
0xaa: {  	[dreg:$0x4] =	wrdreg $0xC0  }
0xab: {  	_ =	task [dreg:s6], $0x5FFFF  }
0xac: {  	[dreg:$0x1] =	wrdreg $0xFFFFFFFF  }
0xad: {  	[dreg:$0x0] =	wrdreg $0x60  }
0xae: {  	[dreg:$0x2] =	wrdreg s24  }
0xaf: {  	[dreg:$0x3] =	wrdreg $0x9  }
0xb0: {  	_ =	task.clear_ibuf [dreg:s6], $0x4FFFF;
	_ =	strace $0x90000058  }
0xb1: {  	s29 =	simm.s32 $0x9;
	_ =	strace $0x8000005A  }
0xb2: {  	_ =	swait.ge [sflag:s29], $0x1  }
0xb3: {  	[sflag:s29] =	ssyncadd.s32 $0xFFFFFFFF  }
0xb4: {  	_ =	strace $0x9000005A  }
0xb5: {  	_ =	sfence  }
0xb6: {  	s30 =	sld [smem:$0x0];
	_ =	sdelay $0x2  }
0xb7: {  	s31 =	sshll.u32 s1, $0xD;
	s1 =	sshrl.u32 s1, $0x2  }
0xb8: {  	s3 =	sand.u32 $0x4000, s31;
	s1 =	sadd.s32 s1, s30  }
0xb9: {  	s0 =	sor.u32 s3, s0;
	s1 =	sshll.u32 s1, $0x11  }
0xba: {  	s0 =	sor.u32 s1, s0  }
0xbb: {  	s0 =	sadd.s32 $0x8F2B, s0  }
0xbc: {  	[sflag:s0] =	ssyncadd.remote.s32 $0x1  }
0xbd: {  	_ =	sfence.sel $0xFFFF  }
0xbe: {  	[dreg:$0x0] =	wrdreg $0xFFFFFFFF;
	(pc) =	sbr.abs _section_cstart, $3  }
0xbf: {  	[dreg:$0x1] =	wrdreg $0xFFFFFFFF  }
0xc0: {  	_ =	task.clear_ibuf [dreg:s6], $0x2FFFF;
	_ =	strace $0x9FFFFFFF  }
0xc1: {  	(tm) =	ssettm $0x7FFFFFFF  }
tec
execute0_lowered:
.L_overlay_start_1:
0x0: {  	(tag) =	ssettag $0x1  }
0x1: {  	s1 =	srdreg.scid  }
0x2: {  	s0 =	stileid.u32;
	s5 =	sand.u32 $0x1, s1  }
0x3: {  	s7 =	rddreg [dreg:$0x0];
	s3 =	sshll.u32 s0, $0x7;
	s4 =	sshll.u32 s5, $0x6  }
0x4: {  	s2 =	simm.s32 $0x0;
	s1 =	rddreg [dreg:$0x1];
	s3 =	sor.u32 s4, s3  }
0x5: {  	[smem:$0x7FF] =	sst s2;
	s8 =	ssub.s32 $0x2, s5;
	s4 =	sshrl.u32 s3, $0x3  }
0x6: {  	_ =	strace $0x80000059;
	s9 =	sshrl.u32 s8, $0x1;
	s4 =	sadd.s32 s4, s7  }
0x7: {  	s6 =	smul.u32 $0x18, s3;
	s3 =	sadd.s32 $0x28A00, s4;
	s4 =	simm.s32 $0x2  }
0x8: {  	[tilespmem:s2], [sflag:$0x2] =	stream.linear.gather [hbm4b:s3+s2], $0x40, $0x38;
	[tilespmem:$0x3040] =	vst v63  }
0x9: {  	s8 =	ssub.s32 s8, s9;
	_ =	swait.ge [sflag:s4], $0x40  }
0xa: {  	s9 =	smax.u32 s8, $0x1;
	s6 =	sadd.s32 s6, s7;
	[sflag:s4] =	ssyncset.done $0x0  }
0xb: {  	s5 =	sadd.s32 $0x1B6C00, s6;
	s6 =	simm.s32 $0x40;
	[sflag:s4] =	ssyncadd.s32 $0xFFFFFFC0  }
0xc: {  	[tilespmem:s6], [sflag:$0x2] =	stream.linear.gather [hbm4b:s5+s2], $0x3000, $0x38;
	[tilespmem:$0x3040] =	vst v63  }
0xd: {  	p0 =	sne.s32 s9, $0x1;
	_ =	swait.ge [sflag:s4], $0x3000  }
.Ltmp0:
0xe: {  	[sflag:s4] =	ssyncset.done $0x0;
	(pc) =	sbr.rel @!p0 .LBB2_2-.Ltmp0, $4  }
0xf: {  	s8 =	simm.s32 $0x1;
	s7 =	sadd.s32 $0x1C2C00, s7;
	[sflag:s4] =	ssyncadd.s32 $0xFFFFD000  }
0x10: {  	[hbm4b:s7+s6] =	stream.indirect.scatter [tilespmem:s6], [sflag:$0x1], $0xC0, s2, s6, $0xb8;
	[tilespmem:$0x3040] =	vst v63  }
0x11: {  	_ =	swait.ge [sflag:s8], $0x3000  }
0x12: {  	s9 =	sadd.s32 $0xFFFFFFFF, s9;
	[sflag:s8] =	ssyncset.done $0x0  }
.LBB2_1:
0x13: {  	p0 =	sne.s32 s9, $0x1;
	s9 =	sadd.s32 $0xFFFFFFFF, s9;
	[sflag:s8] =	ssyncadd.s32 $0xFFFFD000  }
0x14: {  	[tilespmem:s2], [sflag:$0x2] =	stream.linear.gather [hbm4b:s3+s2], $0x40, $0x38;
	[tilespmem:$0x3040] =	vst v63  }
0x15: {  	_ =	swait.ge [sflag:s4], $0x40  }
0x16: {  	[sflag:s4] =	ssyncset.done $0x0  }
0x17: {  	[sflag:s4] =	ssyncadd.s32 $0xFFFFFFC0  }
0x18: {  	[tilespmem:s6], [sflag:$0x2] =	stream.linear.gather [hbm4b:s5+s2], $0x3000, $0x38;
	[tilespmem:$0x3040] =	vst v63  }
0x19: {  	_ =	swait.ge [sflag:s4], $0x3000  }
.Ltmp1:
0x1a: {  	[sflag:s4] =	ssyncset.done $0x0;
	(pc) =	sbr.rel @p0 .LBB2_1-.Ltmp1, $4  }
0x1b: {  	[sflag:s4] =	ssyncadd.s32 $0xFFFFD000  }
0x1c: {  	[hbm4b:s7+s6] =	stream.indirect.scatter [tilespmem:s6], [sflag:$0x1], $0xC0, s2, s6, $0xb8;
	[tilespmem:$0x3040] =	vst v63  }
0x1d: {  	_ =	swait.ge [sflag:s8], $0x3000  }
0x1e: {  	[sflag:s8] =	ssyncset.done $0x0  }
.LBB2_2:
0x1f: {  	[sflag:s8] =	ssyncadd.s32 $0xFFFFD000  }
0x20: {  	_ =	sfence.sel $0x180000  }
0x21: {  	[bflag:$0x0] =	sbarrier.arrive $0xFFFF  }
0x22: {  	p0 =	sne.s32 s0, $0x0;
	_ =	strace $0x90000059  }
0x23: {  	s0 =	sadd.s32 @!p0 $0x100000, s1;
	[bflag:$0x2] =	sbarrier.arrive $0xFFFF  }
0x24: {  	[sflag:s0] =	ssyncadd.tile.s32 @!p0 $0x1;
	_ =	shalt  }
.Lfunc_end2:
_tile_overlayer_lowered:
.L_overlay_start_2:
0x25: {  	(tag) =	ssettag $0x2  }
0x26: {  	s0 =	rddreg [dreg:$0x0];
	s2 =	stileid.u32  }
0x27: {  	s1 =	rddreg [dreg:$0x1];
	p0 =	sne.s32 s2, $0x0  }
0x28: {  	s3 =	rddreg [dreg:$0x2];
	[bflag:$0x3] =	sbarrier.arrive $0xFFFF;
	s2 =	simm.s32 @!p0 $0x1C02  }
0x29: {  	[timem:s3], [sflag:s2] =	dma.local @!p0 [hbm:s0], s1  }
0x2a: {  	s0 =	simm.s32 @!p0 $0x2  }
0x2b: {  	_ =	swait.ge @!p0 [sflag:s0], s1  }
0x2c: {  	s1 =	ssub.s32 @!p0 $0x0, s1;
	[sflag:s0] =	ssyncset.done @!p0 $0x0  }
0x2d: {  	[sflag:s0] =	ssyncadd.s32 @!p0 s1  }
0x2e: {  	[bflag:$0x3] =	sbarrier.arrive $0xFFFF  }
0x2f: {  	_ =	shalt  }

// kernel: kernel.49.cloned.1.call-start
scs
__scs_entry_jumppad:
0x0: {  	(pc) =	sbr.rel $0x88, $3  }
0x1: {  	(tag) =	ssettag $0x0;
	lr =	simm.s32 $0x1  }
0x2: {  	[smem:$0x3F8B] =	sst lr;
	_ =	strace $0xD0000000  }
0x3: {  	_ = 	snop  }
0x4: {  	_ = 	snop  }
0x5: {  	_ = 	snop  }
0x6: {  	_ = 	snop  }
0x7: {  	_ = 	snop  }
__scs_overlays_trampoline_lowered:
0x8: {  	[smem:$0x3F9A] =	sst s0  }
0x9: {  	[smem:$0x3F9B] =	sst s1  }
0xa: {  	[smem:$0x3F9C] =	sst s2  }
0xb: {  	[smem:$0x3F9D] =	sst s3  }
0xc: {  	[smem:$0x3F9E] =	sst s4  }
0xd: {  	[smem:$0x3F9F] =	sst s5  }
0xe: {  	[smem:$0x3FA0] =	sst s6  }
0xf: {  	[smem:$0x3FA1] =	sst s7  }
0x10: {  	[smem:$0x3FA2] =	sst s8  }
0x11: {  	[smem:$0x3FA3] =	sst s9;
	s0 =	simm.s32 @!p0 $0x0  }
0x12: {  	s1 =	sld [smem:$0x3F89];
	s0 =	simm.s32 @p0 $0x1  }
0x13: {  	[smem:$0x3FA4] =	sst s0;
	s0 =	simm.s32 @!p1 $0x0  }
0x14: {  	s2 =	sld [smem:$0x3F88];
	s0 =	simm.s32 @p1 $0x1  }
0x15: {  	[smem:$0x3FA5] =	sst s0;
	s0 =	simm.s32 @!p2 $0x0  }
0x16: {  	s3 =	sld [smem:$0x3FDB];
	s0 =	simm.s32 @p2 $0x1  }
0x17: {  	s4 =	simm.s32 $0x1BF5;
	[smem:$0x3FA7] =	sst s0  }
0x18: {  	s0 =	sld [smem:$0x3F8A];
	_ =	swait.ge [sflag:s4], $0x0  }
0x19: {  	s7 =	sld [smem:$0x3F8B]  }
0x1a: {  	s8 =	sadd.s32 $0xFFFFE003, lr  }
0x1b: {  	s9 =	sadd.s32 $0xFFFFFEF7, lr;
	s5 =	simm.s32 $0xFFFFFFFF;
	p2 =	slt.u32 s8, $0xFFFFF086  }
0x1c: {  	p1 =	slt.u32 s9, $0xF7A;
	s5 =	simm.s32 @!p2 $0x0  }
0x1d: {  	s5 =	simm.s32 @p1 $0x1;
	p0 =	seq.s32 s7, s2  }
0x1e: {  	s7 =	smul.u32 @!p0 $0xF7A, s2;
	p2 =	seq.s32 @!p0 s5, $0x0  }
0x1f: {  	s9 =	smul.u32 $0xF7A, s1;
	s8 =	simm.s32 @!p0 $0x1BF5;
	p2 =	por !p2, p0  }
0x20: {  	[sflag:s8] =	ssyncset.s32 @!p0 $0xFFFFF086;
	s6 =	sadd.s32 @!p0 s3, s7;
	s7 =	simm.s32 @!p0 $0x108  }
0x21: {  	s3 =	sadd.s32 s3, s9;
	s6 =	sadd.s32 @!p0 $0x88, s6;
	s7 =	simm.s32 @p2 $0x1082  }
0x22: {  	[simem:s7], [sflag:s8] =	dma.local @!p0 [hbm:s6], $0xF7A  }
0x23: {  	s9 =	sor.u32 $0xD0000000, s2;
	s6 =	simm.s32 $0x108;
	_ =	swait.ge @!p0 [sflag:s8], $0x0  }
0x24: {  	s3 =	sadd.s32 $0x88, s3;
	s6 =	simm.s32 @!p1 $0x1082;
	[sflag:s4] =	ssyncset.s32 $0xFFFFF086  }
0x25: {  	[simem:s6], [sflag:s4] =	dma.local [hbm:s3], $0xF7A  }
0x26: {  	[smem:$0x3F8B] =	sst s1;
	(tag) =	ssettag s2;
	_ =	strace s9  }
0x27: {  	s1 =	sld [smem:$0x3F9B]  }
0x28: {  	s2 =	sld [smem:$0x3F9C]  }
0x29: {  	s4 =	sld [smem:$0x3F9E]  }
0x2a: {  	p0 =	seq.s32 s5, $0x0;
	s5 =	sld [smem:$0x3F9F]  }
0x2b: {  	s6 =	sld [smem:$0x3FA0]  }
0x2c: {  	s7 =	sld [smem:$0x3FA1]  }
0x2d: {  	s3 =	simm.s32 $0x108;
	s8 =	sld [smem:$0x3FA2]  }
0x2e: {  	s3 =	simm.s32 @!p0 $0x1082;
	s9 =	sld [smem:$0x3FA3]  }
0x2f: {  	lr =	sadd.s32 s0, s3;
	s0 =	sld [smem:$0x3F9A]  }
0x30: {  	s3 =	sld [smem:$0x3F9D]  }
0x31: {  	[smem:$0x3FA6] =	sst s10  }
0x32: {  	s10 =	sld [smem:$0x3FA4];
	_ =	sdelay $0x3  }
0x33: {  	p0 =	seq.s32 s10, $0x1;
	s10 =	sld [smem:$0x3FA6];
	_ =	sdelay $0x3  }
0x34: {  	[smem:$0x3FA6] =	sst s10  }
0x35: {  	s10 =	sld [smem:$0x3FA5];
	_ =	sdelay $0x3  }
0x36: {  	p1 =	seq.s32 s10, $0x1;
	s10 =	sld [smem:$0x3FA6];
	_ =	sdelay $0x3  }
0x37: {  	[smem:$0x3FA6] =	sst s10  }
0x38: {  	s10 =	sld [smem:$0x3FA7]  }
0x39: {  	_ = 	snop;
	(pc) =	sbr.ind lr, $3  }
0x3a: {  	_ = 	snop  }
0x3b: {  	_ = 	snop  }
0x3c: {  	p2 =	seq.s32 s10, $0x1;
	s10 =	sld [smem:$0x3FA6]  }
0x3d: {  	_ =	shalt  }
0x3e: {  	_ =	shalt  }
0x3f: {  	_ =	shalt  }
0x40: {  	_ =	shalt  }
0x41: {  	_ =	shalt  }
0x42: {  	_ =	shalt  }
0x43: {  	_ =	shalt  }
0x44: {  	_ =	shalt  }
0x45: {  	_ =	shalt  }
0x46: {  	_ =	shalt  }
0x47: {  	_ =	shalt  }
0x48: {  	_ =	shalt  }
0x49: {  	_ =	shalt  }
0x4a: {  	_ =	shalt  }
0x4b: {  	_ =	shalt  }
0x4c: {  	_ =	shalt  }
0x4d: {  	_ =	shalt  }
0x4e: {  	_ =	shalt  }
0x4f: {  	_ =	shalt  }
0x50: {  	_ =	shalt  }
0x51: {  	_ =	shalt  }
0x52: {  	_ =	shalt  }
0x53: {  	_ =	shalt  }
0x54: {  	_ =	shalt  }
0x55: {  	_ =	shalt  }
0x56: {  	_ =	shalt  }
0x57: {  	_ =	shalt  }
0x58: {  	_ =	shalt  }
0x59: {  	_ =	shalt  }
0x5a: {  	_ =	shalt  }
0x5b: {  	_ =	shalt  }
0x5c: {  	_ =	shalt  }
0x5d: {  	_ =	shalt  }
0x5e: {  	_ =	shalt  }
0x5f: {  	_ =	shalt  }
0x60: {  	_ =	shalt  }
0x61: {  	_ =	shalt  }
0x62: {  	_ =	shalt  }
0x63: {  	_ =	shalt  }
0x64: {  	_ =	shalt  }
0x65: {  	_ =	shalt  }
0x66: {  	_ =	shalt  }
0x67: {  	_ =	shalt  }
0x68: {  	_ =	shalt  }
0x69: {  	_ =	shalt  }
0x6a: {  	_ =	shalt  }
0x6b: {  	_ =	shalt  }
0x6c: {  	_ =	shalt  }
0x6d: {  	_ =	shalt  }
0x6e: {  	_ =	shalt  }
0x6f: {  	_ =	shalt  }
0x70: {  	_ =	shalt  }
0x71: {  	_ =	shalt  }
0x72: {  	_ =	shalt  }
0x73: {  	_ =	shalt  }
0x74: {  	_ =	shalt  }
0x75: {  	_ =	shalt  }
0x76: {  	_ =	shalt  }
0x77: {  	_ =	shalt  }
0x78: {  	_ =	shalt  }
0x79: {  	_ =	shalt  }
0x7a: {  	_ =	shalt  }
0x7b: {  	_ =	shalt  }
0x7c: {  	_ =	shalt  }
0x7d: {  	_ =	shalt  }
0x7e: {  	_ =	shalt  }
0x7f: {  	_ =	shalt  }
0x80: {  	_ =	shalt  }
0x81: {  	_ =	shalt  }
0x82: {  	_ =	shalt  }
0x83: {  	_ =	shalt  }
0x84: {  	_ =	shalt  }
0x85: {  	_ =	shalt  }
0x86: {  	_ =	shalt  }
0x87: {  	_ =	shalt  }
.Lfunc_end0:
.L_simem_size_0:
called_computation.7_lowered:
.L_overlay_start_0:
0x88: {  	s2 =	sld [smem:$0x3FD9]  }
0x89: {  	s3 =	sld [smem:$0x3FFE];
	_ =	sdelay $0x1  }
0x8a: {  	s1 =	srdreg.scid  }
0x8b: {  	s0 =	sand.u32 $0x1, s1  }
0x8c: {  	s16 =	sshll.u32 s0, $0xA;
	s2 =	sadd.s32 s3, s2  }
0x8d: {  	s2 =	sadd.s32 s2, s16  }
0x8e: {  	[smem:$0x3FB2] =	sst s2  }
0x8f: {  	_ = 	snop  }
0x90: {  	(tm) =	ssettm $0x1  }
0x91: {  	s17 =	sld [smem:$0x3FFB];
	_ =	sdelay $0x3  }
0x92: {  	_ =	strace s17  }
0x93: {  	s2 =	sld [smem:$0x3FFC];
	_ =	sdelay $0x3  }
0x94: {  	_ =	strace s2  }
0x95: {  	s2 =	sld [smem:$0x3FFD];
	_ =	sdelay $0x3  }
0x96: {  	_ =	strace s2  }
0x97: {  	_ =	strace $0x8FFFFFFF  }
0x98: {  	s18 =	sld [smem:$0x3FDB];
	_ =	sdelay $0x1  }
0x99: {  	s19 =	simm.s32 $_scs_section_size  }
0x9a: {  	s4 =	simm.s32 $_size__tile_overlayer_lowered;
	s5 =	simm.s32 $_tile_overlayer_lowered  }
0x9b: {  	s22 =	simm.s32 $0x1BFF;
	s21 =	sshll.u32 s5, $0x1;
	s2 =	sadd.s32 s19, s18  }
0x9c: {  	s6 =	simm.s32 $0x0;
	s20 =	sshll.u32 s4, $0x1;
	s4 =	sadd.s32 s21, s2  }
0x9d: {  	[timem:s6], [sflag:s22] =	dma.local [hbm:s4], s20  }
0x9e: {  	_ =	swait.ge [sflag:s22], s20  }
0x9f: {  	s3 =	ssub.s32 $0x0, s20;
	[sflag:s22] =	ssyncset.done $0x0  }
0xa0: {  	[sflag:s22] =	ssyncadd.s32 s3;
	_ =	sdelay $0x1  }
0xa1: {  	s23 =	simm.s32 $0x1B8B  }
0xa2: {  	_ =	swait.ge [sflag:s23], $0x1  }
0xa3: {  	[sflag:s23] =	ssyncset.done $0x0  }
0xa4: {  	s25 =	simm.s32 $0x1B8E;
	s24 =	sld [smem:$0x3FFE];
	[sflag:s23] =	ssyncadd.s32 $0xFFFFFFFF  }
0xa5: {  	s26 =	simm.s32 $execute0_lowered;
	[smem:$0x3FD2] =	sst s25  }
0xa6: {  	s4 =	sshll.u32 s26, $0x1;
	_ =	strace $0x8000005B;
	[dreg:$0x1] =	wrdreg $0xFFFFFFFF  }
0xa7: {  	s28 =	simm.s32 $_size_execute0_lowered;
	s2 =	sadd.s32 s2, s4;
	[dreg:$0x0] =	wrdreg $0x0  }
0xa8: {  	s4 =	sshll.u32 s28, $0x1;
	[dreg:$0x2] =	wrdreg s2  }
0xa9: {  	[dreg:$0x3] =	wrdreg s4  }
0xaa: {  	[dreg:$0x4] =	wrdreg $0xC0  }
0xab: {  	_ =	task [dreg:s6], $0x5FFFF  }
0xac: {  	[dreg:$0x1] =	wrdreg $0xFFFFFFFF  }
0xad: {  	[dreg:$0x0] =	wrdreg $0x60  }
0xae: {  	[dreg:$0x2] =	wrdreg s24  }
0xaf: {  	[dreg:$0x3] =	wrdreg $0x9  }
0xb0: {  	_ =	task.clear_ibuf [dreg:s6], $0x4FFFF;
	_ =	strace $0x9000005B  }
0xb1: {  	s29 =	simm.s32 $0x9;
	_ =	strace $0x8000005D  }
0xb2: {  	_ =	swait.ge [sflag:s29], $0x1  }
0xb3: {  	[sflag:s29] =	ssyncadd.s32 $0xFFFFFFFF  }
0xb4: {  	_ =	strace $0x9000005D  }
0xb5: {  	_ =	sfence  }
0xb6: {  	s30 =	sld [smem:$0x0];
	_ =	sdelay $0x2  }
0xb7: {  	s31 =	sshll.u32 s1, $0xD;
	s1 =	sshrl.u32 s1, $0x2  }
0xb8: {  	s3 =	sand.u32 $0x4000, s31;
	s1 =	sadd.s32 s1, s30  }
0xb9: {  	s0 =	sor.u32 s3, s0;
	s1 =	sshll.u32 s1, $0x11  }
0xba: {  	s0 =	sor.u32 s1, s0  }
0xbb: {  	s0 =	sadd.s32 $0x8F2B, s0  }
0xbc: {  	[sflag:s0] =	ssyncadd.remote.s32 $0x1  }
0xbd: {  	_ =	sfence.sel $0xFFFF  }
0xbe: {  	[dreg:$0x0] =	wrdreg $0xFFFFFFFF;
	(pc) =	sbr.abs _section_cstart, $3  }
0xbf: {  	[dreg:$0x1] =	wrdreg $0xFFFFFFFF  }
0xc0: {  	_ =	task.clear_ibuf [dreg:s6], $0x2FFFF;
	_ =	strace $0x9FFFFFFF  }
0xc1: {  	(tm) =	ssettm $0x7FFFFFFF  }
tec
execute0_lowered:
.L_overlay_start_1:
0x0: {  	(tag) =	ssettag $0x1  }
0x1: {  	s1 =	srdreg.scid  }
0x2: {  	s0 =	stileid.u32;
	s6 =	sand.u32 $0x1, s1  }
0x3: {  	s8 =	rddreg [dreg:$0x0];
	s30 =	sshll.u32 s0, $0x7;
	s2 =	sshll.u32 s6, $0x6  }
0x4: {  	s1 =	rddreg [dreg:$0x1];
	s5 =	sadd.s32 $0x1B6C00, s8;
	s7 =	sor.u32 s2, s30  }
0x5: {  	s10 =	ssub.s32 $0x2, s6;
	s2 =	simm.s32 $0x0;
	s3 =	sshrl.u32 s7, $0x3  }
0x6: {  	s6 =	simm.s32 $0x40;
	[smem:$0x7FF] =	sst s2;
	s3 =	sadd.s32 s3, s8  }
0x7: {  	_ =	strace $0x8000005C;
	s4 =	sadd.s32 $0x28A00, s3;
	s3 =	simm.s32 $0x2  }
0x8: {  	[tilespmem:s2], [sflag:$0x2] =	stream.linear.gather [hbm4b:s4+s2], $0x40, $0x38;
	[tilespmem:$0x3040] =	vst v63  }
0x9: {  	s11 =	sshrl.u32 s10, $0x1;
	s9 =	smul.u32 $0x18, s7;
	_ =	swait.ge [sflag:s3], $0x40  }
0xa: {  	s7 =	simm.s32 $0x1;
	s31 =	ssub.s32 s10, s11;
	[sflag:s3] =	ssyncset.done $0x0  }
0xb: {  	s8 =	sadd.s32 s9, s8;
	s9 =	smax.u32 s31, $0x1;
	[sflag:s3] =	ssyncadd.s32 $0xFFFFFFC0  }
0xc: {  	[tilespmem:s6], [sflag:$0x1] =	stream.indirect.gather [hbm4b:s5+s6], $0xC0, s2, s6, $0xb8;
	[tilespmem:$0x3040] =	vst v63  }
0xd: {  	p0 =	sne.s32 s9, $0x1;
	_ =	swait.ge [sflag:s7], $0x3000  }
.Ltmp0:
0xe: {  	[sflag:s7] =	ssyncset.done $0x0;
	(pc) =	sbr.rel @!p0 .LBB2_2-.Ltmp0, $4  }
0xf: {  	s8 =	sadd.s32 $0x1CEC00, s8;
	[sflag:s7] =	ssyncadd.s32 $0xFFFFD000  }
0x10: {  	[hbm4b:s8+s2] =	stream.linear.scatter [tilespmem:s6], [sflag:$0x2], $0x3000, $0x38;
	[tilespmem:$0x3040] =	vst v63  }
0x11: {  	_ =	swait.ge [sflag:s3], $0x3000  }
0x12: {  	s9 =	sadd.s32 $0xFFFFFFFF, s9;
	[sflag:s3] =	ssyncset.done $0x0  }
.LBB2_1:
0x13: {  	p0 =	sne.s32 s9, $0x1;
	s9 =	sadd.s32 $0xFFFFFFFF, s9;
	[sflag:s3] =	ssyncadd.s32 $0xFFFFD000  }
0x14: {  	[tilespmem:s2], [sflag:$0x2] =	stream.linear.gather [hbm4b:s4+s2], $0x40, $0x38;
	[tilespmem:$0x3040] =	vst v63  }
0x15: {  	_ =	swait.ge [sflag:s3], $0x40  }
0x16: {  	[sflag:s3] =	ssyncset.done $0x0  }
0x17: {  	[sflag:s3] =	ssyncadd.s32 $0xFFFFFFC0  }
0x18: {  	[tilespmem:s6], [sflag:$0x1] =	stream.indirect.gather [hbm4b:s5+s6], $0xC0, s2, s6, $0xb8;
	[tilespmem:$0x3040] =	vst v63  }
0x19: {  	_ =	swait.ge [sflag:s7], $0x3000  }
.Ltmp1:
0x1a: {  	[sflag:s7] =	ssyncset.done $0x0;
	(pc) =	sbr.rel @p0 .LBB2_1-.Ltmp1, $4  }
0x1b: {  	[sflag:s7] =	ssyncadd.s32 $0xFFFFD000  }
0x1c: {  	[hbm4b:s8+s2] =	stream.linear.scatter [tilespmem:s6], [sflag:$0x2], $0x3000, $0x38;
	[tilespmem:$0x3040] =	vst v63  }
0x1d: {  	_ =	swait.ge [sflag:s3], $0x3000  }
0x1e: {  	[sflag:s3] =	ssyncset.done $0x0  }
.LBB2_2:
0x1f: {  	[sflag:s3] =	ssyncadd.s32 $0xFFFFD000  }
0x20: {  	_ =	sfence.sel $0x180000  }
0x21: {  	[bflag:$0x0] =	sbarrier.arrive $0xFFFF  }
0x22: {  	p0 =	sne.s32 s0, $0x0;
	_ =	strace $0x9000005C  }
0x23: {  	s0 =	sadd.s32 @!p0 $0x100000, s1;
	[bflag:$0x2] =	sbarrier.arrive $0xFFFF  }
0x24: {  	[sflag:s0] =	ssyncadd.tile.s32 @!p0 $0x1;
	_ =	shalt  }
.Lfunc_end2:
_tile_overlayer_lowered:
.L_overlay_start_2:
0x25: {  	(tag) =	ssettag $0x2  }
0x26: {  	s0 =	rddreg [dreg:$0x0];
	s2 =	stileid.u32  }
0x27: {  	s1 =	rddreg [dreg:$0x1];
	p0 =	sne.s32 s2, $0x0  }
0x28: {  	s3 =	rddreg [dreg:$0x2];
	[bflag:$0x3] =	sbarrier.arrive $0xFFFF;
	s2 =	simm.s32 @!p0 $0x1C02  }
0x29: {  	[timem:s3], [sflag:s2] =	dma.local @!p0 [hbm:s0], s1  }
0x2a: {  	s0 =	simm.s32 @!p0 $0x2  }
0x2b: {  	_ =	swait.ge @!p0 [sflag:s0], s1  }
0x2c: {  	s1 =	ssub.s32 @!p0 $0x0, s1;
	[sflag:s0] =	ssyncset.done @!p0 $0x0  }
0x2d: {  	[sflag:s0] =	ssyncadd.s32 @!p0 s1  }
0x2e: {  	[bflag:$0x3] =	sbarrier.arrive $0xFFFF  }
0x2f: {  	_ =	shalt  }

// kernel: kernel.52.cloned.1.call-start
scs
__scs_entry_jumppad:
0x0: {  	(pc) =	sbr.rel $0x88, $3  }
0x1: {  	(tag) =	ssettag $0x0;
	lr =	simm.s32 $0x1  }
0x2: {  	[smem:$0x3F8B] =	sst lr;
	_ =	strace $0xD0000000  }
0x3: {  	_ = 	snop  }
0x4: {  	_ = 	snop  }
0x5: {  	_ = 	snop  }
0x6: {  	_ = 	snop  }
0x7: {  	_ = 	snop  }
__scs_overlays_trampoline_lowered:
0x8: {  	[smem:$0x3F9A] =	sst s0  }
0x9: {  	[smem:$0x3F9B] =	sst s1  }
0xa: {  	[smem:$0x3F9C] =	sst s2  }
0xb: {  	[smem:$0x3F9D] =	sst s3  }
0xc: {  	[smem:$0x3F9E] =	sst s4  }
0xd: {  	[smem:$0x3F9F] =	sst s5  }
0xe: {  	[smem:$0x3FA0] =	sst s6  }
0xf: {  	[smem:$0x3FA1] =	sst s7  }
0x10: {  	[smem:$0x3FA2] =	sst s8  }
0x11: {  	[smem:$0x3FA3] =	sst s9;
	s0 =	simm.s32 @!p0 $0x0  }
0x12: {  	s1 =	sld [smem:$0x3F89];
	s0 =	simm.s32 @p0 $0x1  }
0x13: {  	[smem:$0x3FA4] =	sst s0;
	s0 =	simm.s32 @!p1 $0x0  }
0x14: {  	s2 =	sld [smem:$0x3F88];
	s0 =	simm.s32 @p1 $0x1  }
0x15: {  	[smem:$0x3FA5] =	sst s0;
	s0 =	simm.s32 @!p2 $0x0  }
0x16: {  	s3 =	sld [smem:$0x3FDB];
	s0 =	simm.s32 @p2 $0x1  }
0x17: {  	s4 =	simm.s32 $0x1BF5;
	[smem:$0x3FA7] =	sst s0  }
0x18: {  	s0 =	sld [smem:$0x3F8A];
	_ =	swait.ge [sflag:s4], $0x0  }
0x19: {  	s7 =	sld [smem:$0x3F8B]  }
0x1a: {  	s8 =	sadd.s32 $0xFFFFE003, lr  }
0x1b: {  	s9 =	sadd.s32 $0xFFFFFEF7, lr;
	s5 =	simm.s32 $0xFFFFFFFF;
	p2 =	slt.u32 s8, $0xFFFFF086  }
0x1c: {  	p1 =	slt.u32 s9, $0xF7A;
	s5 =	simm.s32 @!p2 $0x0  }
0x1d: {  	s5 =	simm.s32 @p1 $0x1;
	p0 =	seq.s32 s7, s2  }
0x1e: {  	s7 =	smul.u32 @!p0 $0xF7A, s2;
	p2 =	seq.s32 @!p0 s5, $0x0  }
0x1f: {  	s9 =	smul.u32 $0xF7A, s1;
	s8 =	simm.s32 @!p0 $0x1BF5;
	p2 =	por !p2, p0  }
0x20: {  	[sflag:s8] =	ssyncset.s32 @!p0 $0xFFFFF086;
	s6 =	sadd.s32 @!p0 s3, s7;
	s7 =	simm.s32 @!p0 $0x108  }
0x21: {  	s3 =	sadd.s32 s3, s9;
	s6 =	sadd.s32 @!p0 $0x88, s6;
	s7 =	simm.s32 @p2 $0x1082  }
0x22: {  	[simem:s7], [sflag:s8] =	dma.local @!p0 [hbm:s6], $0xF7A  }
0x23: {  	s9 =	sor.u32 $0xD0000000, s2;
	s6 =	simm.s32 $0x108;
	_ =	swait.ge @!p0 [sflag:s8], $0x0  }
0x24: {  	s3 =	sadd.s32 $0x88, s3;
	s6 =	simm.s32 @!p1 $0x1082;
	[sflag:s4] =	ssyncset.s32 $0xFFFFF086  }
0x25: {  	[simem:s6], [sflag:s4] =	dma.local [hbm:s3], $0xF7A  }
0x26: {  	[smem:$0x3F8B] =	sst s1;
	(tag) =	ssettag s2;
	_ =	strace s9  }
0x27: {  	s1 =	sld [smem:$0x3F9B]  }
0x28: {  	s2 =	sld [smem:$0x3F9C]  }
0x29: {  	s4 =	sld [smem:$0x3F9E]  }
0x2a: {  	p0 =	seq.s32 s5, $0x0;
	s5 =	sld [smem:$0x3F9F]  }
0x2b: {  	s6 =	sld [smem:$0x3FA0]  }
0x2c: {  	s7 =	sld [smem:$0x3FA1]  }
0x2d: {  	s3 =	simm.s32 $0x108;
	s8 =	sld [smem:$0x3FA2]  }
0x2e: {  	s3 =	simm.s32 @!p0 $0x1082;
	s9 =	sld [smem:$0x3FA3]  }
0x2f: {  	lr =	sadd.s32 s0, s3;
	s0 =	sld [smem:$0x3F9A]  }
0x30: {  	s3 =	sld [smem:$0x3F9D]  }
0x31: {  	[smem:$0x3FA6] =	sst s10  }
0x32: {  	s10 =	sld [smem:$0x3FA4];
	_ =	sdelay $0x3  }
0x33: {  	p0 =	seq.s32 s10, $0x1;
	s10 =	sld [smem:$0x3FA6];
	_ =	sdelay $0x3  }
0x34: {  	[smem:$0x3FA6] =	sst s10  }
0x35: {  	s10 =	sld [smem:$0x3FA5];
	_ =	sdelay $0x3  }
0x36: {  	p1 =	seq.s32 s10, $0x1;
	s10 =	sld [smem:$0x3FA6];
	_ =	sdelay $0x3  }
0x37: {  	[smem:$0x3FA6] =	sst s10  }
0x38: {  	s10 =	sld [smem:$0x3FA7]  }
0x39: {  	_ = 	snop;
	(pc) =	sbr.ind lr, $3  }
0x3a: {  	_ = 	snop  }
0x3b: {  	_ = 	snop  }
0x3c: {  	p2 =	seq.s32 s10, $0x1;
	s10 =	sld [smem:$0x3FA6]  }
0x3d: {  	_ =	shalt  }
0x3e: {  	_ =	shalt  }
0x3f: {  	_ =	shalt  }
0x40: {  	_ =	shalt  }
0x41: {  	_ =	shalt  }
0x42: {  	_ =	shalt  }
0x43: {  	_ =	shalt  }
0x44: {  	_ =	shalt  }
0x45: {  	_ =	shalt  }
0x46: {  	_ =	shalt  }
0x47: {  	_ =	shalt  }
0x48: {  	_ =	shalt  }
0x49: {  	_ =	shalt  }
0x4a: {  	_ =	shalt  }
0x4b: {  	_ =	shalt  }
0x4c: {  	_ =	shalt  }
0x4d: {  	_ =	shalt  }
0x4e: {  	_ =	shalt  }
0x4f: {  	_ =	shalt  }
0x50: {  	_ =	shalt  }
0x51: {  	_ =	shalt  }
0x52: {  	_ =	shalt  }
0x53: {  	_ =	shalt  }
0x54: {  	_ =	shalt  }
0x55: {  	_ =	shalt  }
0x56: {  	_ =	shalt  }
0x57: {  	_ =	shalt  }
0x58: {  	_ =	shalt  }
0x59: {  	_ =	shalt  }
0x5a: {  	_ =	shalt  }
0x5b: {  	_ =	shalt  }
0x5c: {  	_ =	shalt  }
0x5d: {  	_ =	shalt  }
0x5e: {  	_ =	shalt  }
0x5f: {  	_ =	shalt  }
0x60: {  	_ =	shalt  }
0x61: {  	_ =	shalt  }
0x62: {  	_ =	shalt  }
0x63: {  	_ =	shalt  }
0x64: {  	_ =	shalt  }
0x65: {  	_ =	shalt  }
0x66: {  	_ =	shalt  }
0x67: {  	_ =	shalt  }
0x68: {  	_ =	shalt  }
0x69: {  	_ =	shalt  }
0x6a: {  	_ =	shalt  }
0x6b: {  	_ =	shalt  }
0x6c: {  	_ =	shalt  }
0x6d: {  	_ =	shalt  }
0x6e: {  	_ =	shalt  }
0x6f: {  	_ =	shalt  }
0x70: {  	_ =	shalt  }
0x71: {  	_ =	shalt  }
0x72: {  	_ =	shalt  }
0x73: {  	_ =	shalt  }
0x74: {  	_ =	shalt  }
0x75: {  	_ =	shalt  }
0x76: {  	_ =	shalt  }
0x77: {  	_ =	shalt  }
0x78: {  	_ =	shalt  }
0x79: {  	_ =	shalt  }
0x7a: {  	_ =	shalt  }
0x7b: {  	_ =	shalt  }
0x7c: {  	_ =	shalt  }
0x7d: {  	_ =	shalt  }
0x7e: {  	_ =	shalt  }
0x7f: {  	_ =	shalt  }
0x80: {  	_ =	shalt  }
0x81: {  	_ =	shalt  }
0x82: {  	_ =	shalt  }
0x83: {  	_ =	shalt  }
0x84: {  	_ =	shalt  }
0x85: {  	_ =	shalt  }
0x86: {  	_ =	shalt  }
0x87: {  	_ =	shalt  }
.Lfunc_end0:
.L_simem_size_0:
called_computation.8_lowered:
.L_overlay_start_0:
0x88: {  	s2 =	sld [smem:$0x3FD9]  }
0x89: {  	s3 =	sld [smem:$0x3FFE];
	_ =	sdelay $0x1  }
0x8a: {  	s1 =	srdreg.scid  }
0x8b: {  	s0 =	sand.u32 $0x1, s1  }
0x8c: {  	s16 =	sshll.u32 s0, $0xA;
	s2 =	sadd.s32 s3, s2  }
0x8d: {  	s2 =	sadd.s32 s2, s16  }
0x8e: {  	[smem:$0x3FB2] =	sst s2  }
0x8f: {  	_ = 	snop  }
0x90: {  	(tm) =	ssettm $0x1  }
0x91: {  	s17 =	sld [smem:$0x3FFB];
	_ =	sdelay $0x3  }
0x92: {  	_ =	strace s17  }
0x93: {  	s2 =	sld [smem:$0x3FFC];
	_ =	sdelay $0x3  }
0x94: {  	_ =	strace s2  }
0x95: {  	s2 =	sld [smem:$0x3FFD];
	_ =	sdelay $0x3  }
0x96: {  	_ =	strace s2  }
0x97: {  	_ =	strace $0x8FFFFFFF  }
0x98: {  	s18 =	sld [smem:$0x3FDB];
	_ =	sdelay $0x1  }
0x99: {  	s19 =	simm.s32 $_scs_section_size  }
0x9a: {  	s4 =	simm.s32 $_size__tile_overlayer_lowered;
	s5 =	simm.s32 $_tile_overlayer_lowered  }
0x9b: {  	s22 =	simm.s32 $0x1BFF;
	s21 =	sshll.u32 s5, $0x1;
	s2 =	sadd.s32 s19, s18  }
0x9c: {  	s6 =	simm.s32 $0x0;
	s20 =	sshll.u32 s4, $0x1;
	s4 =	sadd.s32 s21, s2  }
0x9d: {  	[timem:s6], [sflag:s22] =	dma.local [hbm:s4], s20  }
0x9e: {  	_ =	swait.ge [sflag:s22], s20  }
0x9f: {  	s3 =	ssub.s32 $0x0, s20;
	[sflag:s22] =	ssyncset.done $0x0  }
0xa0: {  	[sflag:s22] =	ssyncadd.s32 s3;
	_ =	sdelay $0x1  }
0xa1: {  	s23 =	simm.s32 $0x1B8B  }
0xa2: {  	_ =	swait.ge [sflag:s23], $0x1  }
0xa3: {  	[sflag:s23] =	ssyncset.done $0x0  }
0xa4: {  	s25 =	simm.s32 $0x1B8E;
	s24 =	sld [smem:$0x3FFE];
	[sflag:s23] =	ssyncadd.s32 $0xFFFFFFFF  }
0xa5: {  	s26 =	simm.s32 $execute0_lowered;
	[smem:$0x3FD2] =	sst s25  }
0xa6: {  	s4 =	sshll.u32 s26, $0x1;
	_ =	strace $0x8000005E;
	[dreg:$0x1] =	wrdreg $0xFFFFFFFF  }
0xa7: {  	s28 =	simm.s32 $_size_execute0_lowered;
	s2 =	sadd.s32 s2, s4;
	[dreg:$0x0] =	wrdreg $0x0  }
0xa8: {  	s4 =	sshll.u32 s28, $0x1;
	[dreg:$0x2] =	wrdreg s2  }
0xa9: {  	[dreg:$0x3] =	wrdreg s4  }
0xaa: {  	[dreg:$0x4] =	wrdreg $0xC0  }
0xab: {  	_ =	task [dreg:s6], $0x5FFFF  }
0xac: {  	[dreg:$0x1] =	wrdreg $0xFFFFFFFF  }
0xad: {  	[dreg:$0x0] =	wrdreg $0x60  }
0xae: {  	[dreg:$0x2] =	wrdreg s24  }
0xaf: {  	[dreg:$0x3] =	wrdreg $0x9  }
0xb0: {  	_ =	task.clear_ibuf [dreg:s6], $0x4FFFF;
	_ =	strace $0x9000005E  }
0xb1: {  	s29 =	simm.s32 $0x9;
	_ =	strace $0x80000060  }
0xb2: {  	_ =	swait.ge [sflag:s29], $0x1  }
0xb3: {  	[sflag:s29] =	ssyncadd.s32 $0xFFFFFFFF  }
0xb4: {  	_ =	strace $0x90000060  }
0xb5: {  	_ =	sfence  }
0xb6: {  	s30 =	sld [smem:$0x0];
	_ =	sdelay $0x2  }
0xb7: {  	s31 =	sshll.u32 s1, $0xD;
	s1 =	sshrl.u32 s1, $0x2  }
0xb8: {  	s3 =	sand.u32 $0x4000, s31;
	s1 =	sadd.s32 s1, s30  }
0xb9: {  	s0 =	sor.u32 s3, s0;
	s1 =	sshll.u32 s1, $0x11  }
0xba: {  	s0 =	sor.u32 s1, s0  }
0xbb: {  	s0 =	sadd.s32 $0x8F2B, s0  }
0xbc: {  	[sflag:s0] =	ssyncadd.remote.s32 $0x1  }
0xbd: {  	_ =	sfence.sel $0xFFFF  }
0xbe: {  	[dreg:$0x0] =	wrdreg $0xFFFFFFFF;
	(pc) =	sbr.abs _section_cstart, $3  }
0xbf: {  	[dreg:$0x1] =	wrdreg $0xFFFFFFFF  }
0xc0: {  	_ =	task.clear_ibuf [dreg:s6], $0x2FFFF;
	_ =	strace $0x9FFFFFFF  }
0xc1: {  	(tm) =	ssettm $0x7FFFFFFF  }
tec
execute0_lowered:
.L_overlay_start_1:
0x0: {  	(tag) =	ssettag $0x1  }
0x1: {  	s1 =	srdreg.scid  }
0x2: {  	s0 =	stileid.u32;
	s5 =	sand.u32 $0x1, s1  }
0x3: {  	s7 =	rddreg [dreg:$0x0];
	s3 =	sshll.u32 s0, $0x7;
	s4 =	sshll.u32 s5, $0x6  }
0x4: {  	s2 =	simm.s32 $0x0;
	s1 =	rddreg [dreg:$0x1];
	s3 =	sor.u32 s4, s3  }
0x5: {  	[smem:$0x7FF] =	sst s2;
	s8 =	ssub.s32 $0x2, s5;
	s4 =	sshrl.u32 s3, $0x3  }
0x6: {  	_ =	strace $0x8000005F;
	s9 =	sshrl.u32 s8, $0x1;
	s4 =	sadd.s32 s4, s7  }
0x7: {  	s6 =	smul.u32 $0x18, s3;
	s3 =	sadd.s32 $0x28A00, s4;
	s4 =	simm.s32 $0x2  }
0x8: {  	[tilespmem:s2], [sflag:$0x2] =	stream.linear.gather [hbm4b:s3+s2], $0x40, $0x38;
	[tilespmem:$0x3040] =	vst v63  }
0x9: {  	s8 =	ssub.s32 s8, s9;
	_ =	swait.ge [sflag:s4], $0x40  }
0xa: {  	s9 =	smax.u32 s8, $0x1;
	s6 =	sadd.s32 s6, s7;
	[sflag:s4] =	ssyncset.done $0x0  }
0xb: {  	s5 =	sadd.s32 $0x1B6C00, s6;
	s6 =	simm.s32 $0x40;
	[sflag:s4] =	ssyncadd.s32 $0xFFFFFFC0  }
0xc: {  	[tilespmem:s6], [sflag:$0x2] =	stream.linear.gather [hbm4b:s5+s2], $0x3000, $0x38;
	[tilespmem:$0x3040] =	vst v63  }
0xd: {  	p0 =	sne.s32 s9, $0x1;
	_ =	swait.ge [sflag:s4], $0x3000  }
.Ltmp0:
0xe: {  	[sflag:s4] =	ssyncset.done $0x0;
	(pc) =	sbr.rel @!p0 .LBB2_2-.Ltmp0, $4  }
0xf: {  	s8 =	simm.s32 $0x1;
	s7 =	sadd.s32 $0x1C2C00, s7;
	[sflag:s4] =	ssyncadd.s32 $0xFFFFD000  }
0x10: {  	[hbm4b:s7+s6] =	stream.indirect.scatter [tilespmem:s6], [sflag:$0x1], $0xC0, s2, s6, $0xb8;
	[tilespmem:$0x3040] =	vst v63  }
0x11: {  	_ =	swait.ge [sflag:s8], $0x3000  }
0x12: {  	s9 =	sadd.s32 $0xFFFFFFFF, s9;
	[sflag:s8] =	ssyncset.done $0x0  }
.LBB2_1:
0x13: {  	p0 =	sne.s32 s9, $0x1;
	s9 =	sadd.s32 $0xFFFFFFFF, s9;
	[sflag:s8] =	ssyncadd.s32 $0xFFFFD000  }
0x14: {  	[tilespmem:s2], [sflag:$0x2] =	stream.linear.gather [hbm4b:s3+s2], $0x40, $0x38;
	[tilespmem:$0x3040] =	vst v63  }
0x15: {  	_ =	swait.ge [sflag:s4], $0x40  }
0x16: {  	[sflag:s4] =	ssyncset.done $0x0  }
0x17: {  	[sflag:s4] =	ssyncadd.s32 $0xFFFFFFC0  }
0x18: {  	[tilespmem:s6], [sflag:$0x2] =	stream.linear.gather [hbm4b:s5+s2], $0x3000, $0x38;
	[tilespmem:$0x3040] =	vst v63  }
0x19: {  	_ =	swait.ge [sflag:s4], $0x3000  }
.Ltmp1:
0x1a: {  	[sflag:s4] =	ssyncset.done $0x0;
	(pc) =	sbr.rel @p0 .LBB2_1-.Ltmp1, $4  }
0x1b: {  	[sflag:s4] =	ssyncadd.s32 $0xFFFFD000  }
0x1c: {  	[hbm4b:s7+s6] =	stream.indirect.scatter [tilespmem:s6], [sflag:$0x1], $0xC0, s2, s6, $0xb8;
	[tilespmem:$0x3040] =	vst v63  }
0x1d: {  	_ =	swait.ge [sflag:s8], $0x3000  }
0x1e: {  	[sflag:s8] =	ssyncset.done $0x0  }
.LBB2_2:
0x1f: {  	[sflag:s8] =	ssyncadd.s32 $0xFFFFD000  }
0x20: {  	_ =	sfence.sel $0x180000  }
0x21: {  	[bflag:$0x0] =	sbarrier.arrive $0xFFFF  }
0x22: {  	p0 =	sne.s32 s0, $0x0;
	_ =	strace $0x9000005F  }
0x23: {  	s0 =	sadd.s32 @!p0 $0x100000, s1;
	[bflag:$0x2] =	sbarrier.arrive $0xFFFF  }
0x24: {  	[sflag:s0] =	ssyncadd.tile.s32 @!p0 $0x1;
	_ =	shalt  }
.Lfunc_end2:
_tile_overlayer_lowered:
.L_overlay_start_2:
0x25: {  	(tag) =	ssettag $0x2  }
0x26: {  	s0 =	rddreg [dreg:$0x0];
	s2 =	stileid.u32  }
0x27: {  	s1 =	rddreg [dreg:$0x1];
	p0 =	sne.s32 s2, $0x0  }
0x28: {  	s3 =	rddreg [dreg:$0x2];
	[bflag:$0x3] =	sbarrier.arrive $0xFFFF;
	s2 =	simm.s32 @!p0 $0x1C02  }
0x29: {  	[timem:s3], [sflag:s2] =	dma.local @!p0 [hbm:s0], s1  }
0x2a: {  	s0 =	simm.s32 @!p0 $0x2  }
0x2b: {  	_ =	swait.ge @!p0 [sflag:s0], s1  }
0x2c: {  	s1 =	ssub.s32 @!p0 $0x0, s1;
	[sflag:s0] =	ssyncset.done @!p0 $0x0  }
0x2d: {  	[sflag:s0] =	ssyncadd.s32 @!p0 s1  }
0x2e: {  	[bflag:$0x3] =	sbarrier.arrive $0xFFFF  }
0x2f: {  	_ =	shalt  }

// kernel: kernel.55.cloned.1.call-start
scs
__scs_entry_jumppad:
0x0: {  	(pc) =	sbr.rel $0x88, $3  }
0x1: {  	(tag) =	ssettag $0x0;
	lr =	simm.s32 $0x1  }
0x2: {  	[smem:$0x3F8B] =	sst lr;
	_ =	strace $0xD0000000  }
0x3: {  	_ = 	snop  }
0x4: {  	_ = 	snop  }
0x5: {  	_ = 	snop  }
0x6: {  	_ = 	snop  }
0x7: {  	_ = 	snop  }
__scs_overlays_trampoline_lowered:
0x8: {  	[smem:$0x3F9A] =	sst s0  }
0x9: {  	[smem:$0x3F9B] =	sst s1  }
0xa: {  	[smem:$0x3F9C] =	sst s2  }
0xb: {  	[smem:$0x3F9D] =	sst s3  }
0xc: {  	[smem:$0x3F9E] =	sst s4  }
0xd: {  	[smem:$0x3F9F] =	sst s5  }
0xe: {  	[smem:$0x3FA0] =	sst s6  }
0xf: {  	[smem:$0x3FA1] =	sst s7  }
0x10: {  	[smem:$0x3FA2] =	sst s8  }
0x11: {  	[smem:$0x3FA3] =	sst s9;
	s0 =	simm.s32 @!p0 $0x0  }
0x12: {  	s1 =	sld [smem:$0x3F89];
	s0 =	simm.s32 @p0 $0x1  }
0x13: {  	[smem:$0x3FA4] =	sst s0;
	s0 =	simm.s32 @!p1 $0x0  }
0x14: {  	s2 =	sld [smem:$0x3F88];
	s0 =	simm.s32 @p1 $0x1  }
0x15: {  	[smem:$0x3FA5] =	sst s0;
	s0 =	simm.s32 @!p2 $0x0  }
0x16: {  	s3 =	sld [smem:$0x3FDB];
	s0 =	simm.s32 @p2 $0x1  }
0x17: {  	s4 =	simm.s32 $0x1BF5;
	[smem:$0x3FA7] =	sst s0  }
0x18: {  	s0 =	sld [smem:$0x3F8A];
	_ =	swait.ge [sflag:s4], $0x0  }
0x19: {  	s7 =	sld [smem:$0x3F8B]  }
0x1a: {  	s8 =	sadd.s32 $0xFFFFE003, lr  }
0x1b: {  	s9 =	sadd.s32 $0xFFFFFEF7, lr;
	s5 =	simm.s32 $0xFFFFFFFF;
	p2 =	slt.u32 s8, $0xFFFFF086  }
0x1c: {  	p1 =	slt.u32 s9, $0xF7A;
	s5 =	simm.s32 @!p2 $0x0  }
0x1d: {  	s5 =	simm.s32 @p1 $0x1;
	p0 =	seq.s32 s7, s2  }
0x1e: {  	s7 =	smul.u32 @!p0 $0xF7A, s2;
	p2 =	seq.s32 @!p0 s5, $0x0  }
0x1f: {  	s9 =	smul.u32 $0xF7A, s1;
	s8 =	simm.s32 @!p0 $0x1BF5;
	p2 =	por !p2, p0  }
0x20: {  	[sflag:s8] =	ssyncset.s32 @!p0 $0xFFFFF086;
	s6 =	sadd.s32 @!p0 s3, s7;
	s7 =	simm.s32 @!p0 $0x108  }
0x21: {  	s3 =	sadd.s32 s3, s9;
	s6 =	sadd.s32 @!p0 $0x88, s6;
	s7 =	simm.s32 @p2 $0x1082  }
0x22: {  	[simem:s7], [sflag:s8] =	dma.local @!p0 [hbm:s6], $0xF7A  }
0x23: {  	s9 =	sor.u32 $0xD0000000, s2;
	s6 =	simm.s32 $0x108;
	_ =	swait.ge @!p0 [sflag:s8], $0x0  }
0x24: {  	s3 =	sadd.s32 $0x88, s3;
	s6 =	simm.s32 @!p1 $0x1082;
	[sflag:s4] =	ssyncset.s32 $0xFFFFF086  }
0x25: {  	[simem:s6], [sflag:s4] =	dma.local [hbm:s3], $0xF7A  }
0x26: {  	[smem:$0x3F8B] =	sst s1;
	(tag) =	ssettag s2;
	_ =	strace s9  }
0x27: {  	s1 =	sld [smem:$0x3F9B]  }
0x28: {  	s2 =	sld [smem:$0x3F9C]  }
0x29: {  	s4 =	sld [smem:$0x3F9E]  }
0x2a: {  	p0 =	seq.s32 s5, $0x0;
	s5 =	sld [smem:$0x3F9F]  }
0x2b: {  	s6 =	sld [smem:$0x3FA0]  }
0x2c: {  	s7 =	sld [smem:$0x3FA1]  }
0x2d: {  	s3 =	simm.s32 $0x108;
	s8 =	sld [smem:$0x3FA2]  }
0x2e: {  	s3 =	simm.s32 @!p0 $0x1082;
	s9 =	sld [smem:$0x3FA3]  }
0x2f: {  	lr =	sadd.s32 s0, s3;
	s0 =	sld [smem:$0x3F9A]  }
0x30: {  	s3 =	sld [smem:$0x3F9D]  }
0x31: {  	[smem:$0x3FA6] =	sst s10  }
0x32: {  	s10 =	sld [smem:$0x3FA4];
	_ =	sdelay $0x3  }
0x33: {  	p0 =	seq.s32 s10, $0x1;
	s10 =	sld [smem:$0x3FA6];
	_ =	sdelay $0x3  }
0x34: {  	[smem:$0x3FA6] =	sst s10  }
0x35: {  	s10 =	sld [smem:$0x3FA5];
	_ =	sdelay $0x3  }
0x36: {  	p1 =	seq.s32 s10, $0x1;
	s10 =	sld [smem:$0x3FA6];
	_ =	sdelay $0x3  }
0x37: {  	[smem:$0x3FA6] =	sst s10  }
0x38: {  	s10 =	sld [smem:$0x3FA7]  }
0x39: {  	_ = 	snop;
	(pc) =	sbr.ind lr, $3  }
0x3a: {  	_ = 	snop  }
0x3b: {  	_ = 	snop  }
0x3c: {  	p2 =	seq.s32 s10, $0x1;
	s10 =	sld [smem:$0x3FA6]  }
0x3d: {  	_ =	shalt  }
0x3e: {  	_ =	shalt  }
0x3f: {  	_ =	shalt  }
0x40: {  	_ =	shalt  }
0x41: {  	_ =	shalt  }
0x42: {  	_ =	shalt  }
0x43: {  	_ =	shalt  }
0x44: {  	_ =	shalt  }
0x45: {  	_ =	shalt  }
0x46: {  	_ =	shalt  }
0x47: {  	_ =	shalt  }
0x48: {  	_ =	shalt  }
0x49: {  	_ =	shalt  }
0x4a: {  	_ =	shalt  }
0x4b: {  	_ =	shalt  }
0x4c: {  	_ =	shalt  }
0x4d: {  	_ =	shalt  }
0x4e: {  	_ =	shalt  }
0x4f: {  	_ =	shalt  }
0x50: {  	_ =	shalt  }
0x51: {  	_ =	shalt  }
0x52: {  	_ =	shalt  }
0x53: {  	_ =	shalt  }
0x54: {  	_ =	shalt  }
0x55: {  	_ =	shalt  }
0x56: {  	_ =	shalt  }
0x57: {  	_ =	shalt  }
0x58: {  	_ =	shalt  }
0x59: {  	_ =	shalt  }
0x5a: {  	_ =	shalt  }
0x5b: {  	_ =	shalt  }
0x5c: {  	_ =	shalt  }
0x5d: {  	_ =	shalt  }
0x5e: {  	_ =	shalt  }
0x5f: {  	_ =	shalt  }
0x60: {  	_ =	shalt  }
0x61: {  	_ =	shalt  }
0x62: {  	_ =	shalt  }
0x63: {  	_ =	shalt  }
0x64: {  	_ =	shalt  }
0x65: {  	_ =	shalt  }
0x66: {  	_ =	shalt  }
0x67: {  	_ =	shalt  }
0x68: {  	_ =	shalt  }
0x69: {  	_ =	shalt  }
0x6a: {  	_ =	shalt  }
0x6b: {  	_ =	shalt  }
0x6c: {  	_ =	shalt  }
0x6d: {  	_ =	shalt  }
0x6e: {  	_ =	shalt  }
0x6f: {  	_ =	shalt  }
0x70: {  	_ =	shalt  }
0x71: {  	_ =	shalt  }
0x72: {  	_ =	shalt  }
0x73: {  	_ =	shalt  }
0x74: {  	_ =	shalt  }
0x75: {  	_ =	shalt  }
0x76: {  	_ =	shalt  }
0x77: {  	_ =	shalt  }
0x78: {  	_ =	shalt  }
0x79: {  	_ =	shalt  }
0x7a: {  	_ =	shalt  }
0x7b: {  	_ =	shalt  }
0x7c: {  	_ =	shalt  }
0x7d: {  	_ =	shalt  }
0x7e: {  	_ =	shalt  }
0x7f: {  	_ =	shalt  }
0x80: {  	_ =	shalt  }
0x81: {  	_ =	shalt  }
0x82: {  	_ =	shalt  }
0x83: {  	_ =	shalt  }
0x84: {  	_ =	shalt  }
0x85: {  	_ =	shalt  }
0x86: {  	_ =	shalt  }
0x87: {  	_ =	shalt  }
.Lfunc_end0:
.L_simem_size_0:
called_computation.9_lowered:
.L_overlay_start_0:
0x88: {  	s2 =	sld [smem:$0x3FD9]  }
0x89: {  	s3 =	sld [smem:$0x3FFE];
	_ =	sdelay $0x1  }
0x8a: {  	s1 =	srdreg.scid  }
0x8b: {  	s0 =	sand.u32 $0x1, s1  }
0x8c: {  	s16 =	sshll.u32 s0, $0xA;
	s2 =	sadd.s32 s3, s2  }
0x8d: {  	s2 =	sadd.s32 s2, s16  }
0x8e: {  	[smem:$0x3FB2] =	sst s2  }
0x8f: {  	_ = 	snop  }
0x90: {  	(tm) =	ssettm $0x1  }
0x91: {  	s17 =	sld [smem:$0x3FFB];
	_ =	sdelay $0x3  }
0x92: {  	_ =	strace s17  }
0x93: {  	s2 =	sld [smem:$0x3FFC];
	_ =	sdelay $0x3  }
0x94: {  	_ =	strace s2  }
0x95: {  	s2 =	sld [smem:$0x3FFD];
	_ =	sdelay $0x3  }
0x96: {  	_ =	strace s2  }
0x97: {  	_ =	strace $0x8FFFFFFF  }
0x98: {  	s18 =	sld [smem:$0x3FDB];
	_ =	sdelay $0x1  }
0x99: {  	s19 =	simm.s32 $_scs_section_size  }
0x9a: {  	s4 =	simm.s32 $_size__tile_overlayer_lowered;
	s5 =	simm.s32 $_tile_overlayer_lowered  }
0x9b: {  	s22 =	simm.s32 $0x1BFF;
	s21 =	sshll.u32 s5, $0x1;
	s2 =	sadd.s32 s19, s18  }
0x9c: {  	s6 =	simm.s32 $0x0;
	s20 =	sshll.u32 s4, $0x1;
	s4 =	sadd.s32 s21, s2  }
0x9d: {  	[timem:s6], [sflag:s22] =	dma.local [hbm:s4], s20  }
0x9e: {  	_ =	swait.ge [sflag:s22], s20  }
0x9f: {  	s3 =	ssub.s32 $0x0, s20;
	[sflag:s22] =	ssyncset.done $0x0  }
0xa0: {  	[sflag:s22] =	ssyncadd.s32 s3;
	_ =	sdelay $0x1  }
0xa1: {  	s23 =	simm.s32 $0x1B8B  }
0xa2: {  	_ =	swait.ge [sflag:s23], $0x1  }
0xa3: {  	[sflag:s23] =	ssyncset.done $0x0  }
0xa4: {  	s25 =	simm.s32 $0x1B8E;
	s24 =	sld [smem:$0x3FFE];
	[sflag:s23] =	ssyncadd.s32 $0xFFFFFFFF  }
0xa5: {  	s26 =	simm.s32 $execute0_lowered;
	[smem:$0x3FD2] =	sst s25  }
0xa6: {  	s4 =	sshll.u32 s26, $0x1;
	_ =	strace $0x80000061;
	[dreg:$0x1] =	wrdreg $0xFFFFFFFF  }
0xa7: {  	s28 =	simm.s32 $_size_execute0_lowered;
	s2 =	sadd.s32 s2, s4;
	[dreg:$0x0] =	wrdreg $0x0  }
0xa8: {  	s4 =	sshll.u32 s28, $0x1;
	[dreg:$0x2] =	wrdreg s2  }
0xa9: {  	[dreg:$0x3] =	wrdreg s4  }
0xaa: {  	[dreg:$0x4] =	wrdreg $0xC0  }
0xab: {  	_ =	task [dreg:s6], $0x5FFFF  }
0xac: {  	[dreg:$0x1] =	wrdreg $0xFFFFFFFF  }
0xad: {  	[dreg:$0x0] =	wrdreg $0x60  }
0xae: {  	[dreg:$0x2] =	wrdreg s24  }
0xaf: {  	[dreg:$0x3] =	wrdreg $0x9  }
0xb0: {  	_ =	task.clear_ibuf [dreg:s6], $0x4FFFF;
	_ =	strace $0x90000061  }
0xb1: {  	s29 =	simm.s32 $0x9;
	_ =	strace $0x80000063  }
0xb2: {  	_ =	swait.ge [sflag:s29], $0x1  }
0xb3: {  	[sflag:s29] =	ssyncadd.s32 $0xFFFFFFFF  }
0xb4: {  	_ =	strace $0x90000063  }
0xb5: {  	_ =	sfence  }
0xb6: {  	s30 =	sld [smem:$0x0];
	_ =	sdelay $0x2  }
0xb7: {  	s31 =	sshll.u32 s1, $0xD;
	s1 =	sshrl.u32 s1, $0x2  }
0xb8: {  	s3 =	sand.u32 $0x4000, s31;
	s1 =	sadd.s32 s1, s30  }
0xb9: {  	s0 =	sor.u32 s3, s0;
	s1 =	sshll.u32 s1, $0x11  }
0xba: {  	s0 =	sor.u32 s1, s0  }
0xbb: {  	s0 =	sadd.s32 $0x8F2B, s0  }
0xbc: {  	[sflag:s0] =	ssyncadd.remote.s32 $0x1  }
0xbd: {  	_ =	sfence.sel $0xFFFF  }
0xbe: {  	[dreg:$0x0] =	wrdreg $0xFFFFFFFF;
	(pc) =	sbr.abs _section_cstart, $3  }
0xbf: {  	[dreg:$0x1] =	wrdreg $0xFFFFFFFF  }
0xc0: {  	_ =	task.clear_ibuf [dreg:s6], $0x2FFFF;
	_ =	strace $0x9FFFFFFF  }
0xc1: {  	(tm) =	ssettm $0x7FFFFFFF  }
tec
execute0_lowered:
.L_overlay_start_1:
0x0: {  	(tag) =	ssettag $0x1  }
0x1: {  	s1 =	srdreg.scid  }
0x2: {  	s0 =	stileid.u32;
	s6 =	sand.u32 $0x1, s1  }
0x3: {  	s8 =	rddreg [dreg:$0x0];
	s30 =	sshll.u32 s0, $0x7;
	s2 =	sshll.u32 s6, $0x6  }
0x4: {  	s1 =	rddreg [dreg:$0x1];
	s5 =	sadd.s32 $0x1B6C00, s8;
	s7 =	sor.u32 s2, s30  }
0x5: {  	s10 =	ssub.s32 $0x2, s6;
	s2 =	simm.s32 $0x0;
	s3 =	sshrl.u32 s7, $0x3  }
0x6: {  	s6 =	simm.s32 $0x40;
	[smem:$0x7FF] =	sst s2;
	s3 =	sadd.s32 s3, s8  }
0x7: {  	_ =	strace $0x80000062;
	s4 =	sadd.s32 $0x28A00, s3;
	s3 =	simm.s32 $0x2  }
0x8: {  	[tilespmem:s2], [sflag:$0x2] =	stream.linear.gather [hbm4b:s4+s2], $0x40, $0x38;
	[tilespmem:$0x3040] =	vst v63  }
0x9: {  	s11 =	sshrl.u32 s10, $0x1;
	s9 =	smul.u32 $0x18, s7;
	_ =	swait.ge [sflag:s3], $0x40  }
0xa: {  	s7 =	simm.s32 $0x1;
	s31 =	ssub.s32 s10, s11;
	[sflag:s3] =	ssyncset.done $0x0  }
0xb: {  	s8 =	sadd.s32 s9, s8;
	s9 =	smax.u32 s31, $0x1;
	[sflag:s3] =	ssyncadd.s32 $0xFFFFFFC0  }
0xc: {  	[tilespmem:s6], [sflag:$0x1] =	stream.indirect.gather [hbm4b:s5+s6], $0xC0, s2, s6, $0xb8;
	[tilespmem:$0x3040] =	vst v63  }
0xd: {  	p0 =	sne.s32 s9, $0x1;
	_ =	swait.ge [sflag:s7], $0x3000  }
.Ltmp0:
0xe: {  	[sflag:s7] =	ssyncset.done $0x0;
	(pc) =	sbr.rel @!p0 .LBB2_2-.Ltmp0, $4  }
0xf: {  	s8 =	sadd.s32 $0x1CEC00, s8;
	[sflag:s7] =	ssyncadd.s32 $0xFFFFD000  }
0x10: {  	[hbm4b:s8+s2] =	stream.linear.scatter [tilespmem:s6], [sflag:$0x2], $0x3000, $0x38;
	[tilespmem:$0x3040] =	vst v63  }
0x11: {  	_ =	swait.ge [sflag:s3], $0x3000  }
0x12: {  	s9 =	sadd.s32 $0xFFFFFFFF, s9;
	[sflag:s3] =	ssyncset.done $0x0  }
.LBB2_1:
0x13: {  	p0 =	sne.s32 s9, $0x1;
	s9 =	sadd.s32 $0xFFFFFFFF, s9;
	[sflag:s3] =	ssyncadd.s32 $0xFFFFD000  }
0x14: {  	[tilespmem:s2], [sflag:$0x2] =	stream.linear.gather [hbm4b:s4+s2], $0x40, $0x38;
	[tilespmem:$0x3040] =	vst v63  }
0x15: {  	_ =	swait.ge [sflag:s3], $0x40  }
0x16: {  	[sflag:s3] =	ssyncset.done $0x0  }
0x17: {  	[sflag:s3] =	ssyncadd.s32 $0xFFFFFFC0  }
0x18: {  	[tilespmem:s6], [sflag:$0x1] =	stream.indirect.gather [hbm4b:s5+s6], $0xC0, s2, s6, $0xb8;
	[tilespmem:$0x3040] =	vst v63  }
0x19: {  	_ =	swait.ge [sflag:s7], $0x3000  }
.Ltmp1:
0x1a: {  	[sflag:s7] =	ssyncset.done $0x0;
	(pc) =	sbr.rel @p0 .LBB2_1-.Ltmp1, $4  }
0x1b: {  	[sflag:s7] =	ssyncadd.s32 $0xFFFFD000  }
0x1c: {  	[hbm4b:s8+s2] =	stream.linear.scatter [tilespmem:s6], [sflag:$0x2], $0x3000, $0x38;
	[tilespmem:$0x3040] =	vst v63  }
0x1d: {  	_ =	swait.ge [sflag:s3], $0x3000  }
0x1e: {  	[sflag:s3] =	ssyncset.done $0x0  }
.LBB2_2:
0x1f: {  	[sflag:s3] =	ssyncadd.s32 $0xFFFFD000  }
0x20: {  	_ =	sfence.sel $0x180000  }
0x21: {  	[bflag:$0x0] =	sbarrier.arrive $0xFFFF  }
0x22: {  	p0 =	sne.s32 s0, $0x0;
	_ =	strace $0x90000062  }
0x23: {  	s0 =	sadd.s32 @!p0 $0x100000, s1;
	[bflag:$0x2] =	sbarrier.arrive $0xFFFF  }
0x24: {  	[sflag:s0] =	ssyncadd.tile.s32 @!p0 $0x1;
	_ =	shalt  }
.Lfunc_end2:
_tile_overlayer_lowered:
.L_overlay_start_2:
0x25: {  	(tag) =	ssettag $0x2  }
0x26: {  	s0 =	rddreg [dreg:$0x0];
	s2 =	stileid.u32  }
0x27: {  	s1 =	rddreg [dreg:$0x1];
	p0 =	sne.s32 s2, $0x0  }
0x28: {  	s3 =	rddreg [dreg:$0x2];
	[bflag:$0x3] =	sbarrier.arrive $0xFFFF;
	s2 =	simm.s32 @!p0 $0x1C02  }
0x29: {  	[timem:s3], [sflag:s2] =	dma.local @!p0 [hbm:s0], s1  }
0x2a: {  	s0 =	simm.s32 @!p0 $0x2  }
0x2b: {  	_ =	swait.ge @!p0 [sflag:s0], s1  }
0x2c: {  	s1 =	ssub.s32 @!p0 $0x0, s1;
	[sflag:s0] =	ssyncset.done @!p0 $0x0  }
0x2d: {  	[sflag:s0] =	ssyncadd.s32 @!p0 s1  }
0x2e: {  	[bflag:$0x3] =	sbarrier.arrive $0xFFFF  }
0x2f: {  	_ =	shalt  }

// kernel: kernel.58.cloned.1.call-start
scs
__scs_entry_jumppad:
0x0: {  	(pc) =	sbr.rel $0x88, $3  }
0x1: {  	(tag) =	ssettag $0x0;
	lr =	simm.s32 $0x1  }
0x2: {  	[smem:$0x3F8B] =	sst lr;
	_ =	strace $0xD0000000  }
0x3: {  	_ = 	snop  }
0x4: {  	_ = 	snop  }
0x5: {  	_ = 	snop  }
0x6: {  	_ = 	snop  }
0x7: {  	_ = 	snop  }
__scs_overlays_trampoline_lowered:
0x8: {  	[smem:$0x3F9A] =	sst s0  }
0x9: {  	[smem:$0x3F9B] =	sst s1  }
0xa: {  	[smem:$0x3F9C] =	sst s2  }
0xb: {  	[smem:$0x3F9D] =	sst s3  }
0xc: {  	[smem:$0x3F9E] =	sst s4  }
0xd: {  	[smem:$0x3F9F] =	sst s5  }
0xe: {  	[smem:$0x3FA0] =	sst s6  }
0xf: {  	[smem:$0x3FA1] =	sst s7  }
0x10: {  	[smem:$0x3FA2] =	sst s8  }
0x11: {  	[smem:$0x3FA3] =	sst s9;
	s0 =	simm.s32 @!p0 $0x0  }
0x12: {  	s1 =	sld [smem:$0x3F89];
	s0 =	simm.s32 @p0 $0x1  }
0x13: {  	[smem:$0x3FA4] =	sst s0;
	s0 =	simm.s32 @!p1 $0x0  }
0x14: {  	s2 =	sld [smem:$0x3F88];
	s0 =	simm.s32 @p1 $0x1  }
0x15: {  	[smem:$0x3FA5] =	sst s0;
	s0 =	simm.s32 @!p2 $0x0  }
0x16: {  	s3 =	sld [smem:$0x3FDB];
	s0 =	simm.s32 @p2 $0x1  }
0x17: {  	s4 =	simm.s32 $0x1BF5;
	[smem:$0x3FA7] =	sst s0  }
0x18: {  	s0 =	sld [smem:$0x3F8A];
	_ =	swait.ge [sflag:s4], $0x0  }
0x19: {  	s7 =	sld [smem:$0x3F8B]  }
0x1a: {  	s8 =	sadd.s32 $0xFFFFE003, lr  }
0x1b: {  	s9 =	sadd.s32 $0xFFFFFEF7, lr;
	s5 =	simm.s32 $0xFFFFFFFF;
	p2 =	slt.u32 s8, $0xFFFFF086  }
0x1c: {  	p1 =	slt.u32 s9, $0xF7A;
	s5 =	simm.s32 @!p2 $0x0  }
0x1d: {  	s5 =	simm.s32 @p1 $0x1;
	p0 =	seq.s32 s7, s2  }
0x1e: {  	s7 =	smul.u32 @!p0 $0xF7A, s2;
	p2 =	seq.s32 @!p0 s5, $0x0  }
0x1f: {  	s9 =	smul.u32 $0xF7A, s1;
	s8 =	simm.s32 @!p0 $0x1BF5;
	p2 =	por !p2, p0  }
0x20: {  	[sflag:s8] =	ssyncset.s32 @!p0 $0xFFFFF086;
	s6 =	sadd.s32 @!p0 s3, s7;
	s7 =	simm.s32 @!p0 $0x108  }
0x21: {  	s3 =	sadd.s32 s3, s9;
	s6 =	sadd.s32 @!p0 $0x88, s6;
	s7 =	simm.s32 @p2 $0x1082  }
0x22: {  	[simem:s7], [sflag:s8] =	dma.local @!p0 [hbm:s6], $0xF7A  }
0x23: {  	s9 =	sor.u32 $0xD0000000, s2;
	s6 =	simm.s32 $0x108;
	_ =	swait.ge @!p0 [sflag:s8], $0x0  }
0x24: {  	s3 =	sadd.s32 $0x88, s3;
	s6 =	simm.s32 @!p1 $0x1082;
	[sflag:s4] =	ssyncset.s32 $0xFFFFF086  }
0x25: {  	[simem:s6], [sflag:s4] =	dma.local [hbm:s3], $0xF7A  }
0x26: {  	[smem:$0x3F8B] =	sst s1;
	(tag) =	ssettag s2;
	_ =	strace s9  }
0x27: {  	s1 =	sld [smem:$0x3F9B]  }
0x28: {  	s2 =	sld [smem:$0x3F9C]  }
0x29: {  	s4 =	sld [smem:$0x3F9E]  }
0x2a: {  	p0 =	seq.s32 s5, $0x0;
	s5 =	sld [smem:$0x3F9F]  }
0x2b: {  	s6 =	sld [smem:$0x3FA0]  }
0x2c: {  	s7 =	sld [smem:$0x3FA1]  }
0x2d: {  	s3 =	simm.s32 $0x108;
	s8 =	sld [smem:$0x3FA2]  }
0x2e: {  	s3 =	simm.s32 @!p0 $0x1082;
	s9 =	sld [smem:$0x3FA3]  }
0x2f: {  	lr =	sadd.s32 s0, s3;
	s0 =	sld [smem:$0x3F9A]  }
0x30: {  	s3 =	sld [smem:$0x3F9D]  }
0x31: {  	[smem:$0x3FA6] =	sst s10  }
0x32: {  	s10 =	sld [smem:$0x3FA4];
	_ =	sdelay $0x3  }
0x33: {  	p0 =	seq.s32 s10, $0x1;
	s10 =	sld [smem:$0x3FA6];
	_ =	sdelay $0x3  }
0x34: {  	[smem:$0x3FA6] =	sst s10  }
0x35: {  	s10 =	sld [smem:$0x3FA5];
	_ =	sdelay $0x3  }
0x36: {  	p1 =	seq.s32 s10, $0x1;
	s10 =	sld [smem:$0x3FA6];
	_ =	sdelay $0x3  }
0x37: {  	[smem:$0x3FA6] =	sst s10  }
0x38: {  	s10 =	sld [smem:$0x3FA7]  }
0x39: {  	_ = 	snop;
	(pc) =	sbr.ind lr, $3  }
0x3a: {  	_ = 	snop  }
0x3b: {  	_ = 	snop  }
0x3c: {  	p2 =	seq.s32 s10, $0x1;
	s10 =	sld [smem:$0x3FA6]  }
0x3d: {  	_ =	shalt  }
0x3e: {  	_ =	shalt  }
0x3f: {  	_ =	shalt  }
0x40: {  	_ =	shalt  }
0x41: {  	_ =	shalt  }
0x42: {  	_ =	shalt  }
0x43: {  	_ =	shalt  }
0x44: {  	_ =	shalt  }
0x45: {  	_ =	shalt  }
0x46: {  	_ =	shalt  }
0x47: {  	_ =	shalt  }
0x48: {  	_ =	shalt  }
0x49: {  	_ =	shalt  }
0x4a: {  	_ =	shalt  }
0x4b: {  	_ =	shalt  }
0x4c: {  	_ =	shalt  }
0x4d: {  	_ =	shalt  }
0x4e: {  	_ =	shalt  }
0x4f: {  	_ =	shalt  }
0x50: {  	_ =	shalt  }
0x51: {  	_ =	shalt  }
0x52: {  	_ =	shalt  }
0x53: {  	_ =	shalt  }
0x54: {  	_ =	shalt  }
0x55: {  	_ =	shalt  }
0x56: {  	_ =	shalt  }
0x57: {  	_ =	shalt  }
0x58: {  	_ =	shalt  }
0x59: {  	_ =	shalt  }
0x5a: {  	_ =	shalt  }
0x5b: {  	_ =	shalt  }
0x5c: {  	_ =	shalt  }
0x5d: {  	_ =	shalt  }
0x5e: {  	_ =	shalt  }
0x5f: {  	_ =	shalt  }
0x60: {  	_ =	shalt  }
0x61: {  	_ =	shalt  }
0x62: {  	_ =	shalt  }
0x63: {  	_ =	shalt  }
0x64: {  	_ =	shalt  }
0x65: {  	_ =	shalt  }
0x66: {  	_ =	shalt  }
0x67: {  	_ =	shalt  }
0x68: {  	_ =	shalt  }
0x69: {  	_ =	shalt  }
0x6a: {  	_ =	shalt  }
0x6b: {  	_ =	shalt  }
0x6c: {  	_ =	shalt  }
0x6d: {  	_ =	shalt  }
0x6e: {  	_ =	shalt  }
0x6f: {  	_ =	shalt  }
0x70: {  	_ =	shalt  }
0x71: {  	_ =	shalt  }
0x72: {  	_ =	shalt  }
0x73: {  	_ =	shalt  }
0x74: {  	_ =	shalt  }
0x75: {  	_ =	shalt  }
0x76: {  	_ =	shalt  }
0x77: {  	_ =	shalt  }
0x78: {  	_ =	shalt  }
0x79: {  	_ =	shalt  }
0x7a: {  	_ =	shalt  }
0x7b: {  	_ =	shalt  }
0x7c: {  	_ =	shalt  }
0x7d: {  	_ =	shalt  }
0x7e: {  	_ =	shalt  }
0x7f: {  	_ =	shalt  }
0x80: {  	_ =	shalt  }
0x81: {  	_ =	shalt  }
0x82: {  	_ =	shalt  }
0x83: {  	_ =	shalt  }
0x84: {  	_ =	shalt  }
0x85: {  	_ =	shalt  }
0x86: {  	_ =	shalt  }
0x87: {  	_ =	shalt  }
.Lfunc_end0:
.L_simem_size_0:
called_computation.10_lowered:
.L_overlay_start_0:
0x88: {  	s2 =	sld [smem:$0x3FD9]  }
0x89: {  	s3 =	sld [smem:$0x3FFE];
	_ =	sdelay $0x1  }
0x8a: {  	s1 =	srdreg.scid  }
0x8b: {  	s0 =	sand.u32 $0x1, s1  }
0x8c: {  	s14 =	sshll.u32 s0, $0xA;
	s2 =	sadd.s32 s3, s2  }
0x8d: {  	s2 =	sadd.s32 s2, s14  }
0x8e: {  	[smem:$0x3FB2] =	sst s2  }
0x8f: {  	_ = 	snop  }
0x90: {  	s2 =	sld [smem:$0x3FD0];
	_ =	sdelay $0x2  }
0x91: {  	s15 =	simm.s32 $0xA;
	s4 =	simm.s32 $0x10  }
0x92: {  	[smem:s4], [sflag:s15] =	dma.local [hbm:s2], $0x1  }
0x93: {  	_ =	swait.eq [sflag:s15], $0x1  }
0x94: {  	[sflag:s15] =	ssyncset.done $0x0  }
0x95: {  	[sflag:s15] =	ssyncadd.s32 $0xFFFFFFFF  }
0x96: {  	s16 =	sld [smem:$0x10];
	(tm) =	ssettm $0x1  }
0x97: {  	s17 =	sld [smem:$0x3FFB];
	_ =	sdelay $0x3  }
0x98: {  	_ =	strace s17  }
0x99: {  	s3 =	sld [smem:$0x3FFC];
	_ =	sdelay $0x3  }
0x9a: {  	_ =	strace s3  }
0x9b: {  	s3 =	sld [smem:$0x3FFD];
	_ =	sdelay $0x3  }
0x9c: {  	_ =	strace s3  }
0x9d: {  	_ =	strace $0x8FFFFFFF  }
0x9e: {  	s18 =	sld [smem:$0x3FDB];
	_ =	sdelay $0x1  }
0x9f: {  	s19 =	simm.s32 $_scs_section_size  }
0xa0: {  	s5 =	simm.s32 $_size__tile_overlayer_lowered;
	s6 =	simm.s32 $_tile_overlayer_lowered  }
0xa1: {  	s22 =	simm.s32 $0x1BFF;
	s21 =	sshll.u32 s6, $0x1;
	s3 =	sadd.s32 s19, s18  }
0xa2: {  	s7 =	simm.s32 $0x0;
	s20 =	sshll.u32 s5, $0x1;
	s5 =	sadd.s32 s21, s3  }
0xa3: {  	[timem:s7], [sflag:s22] =	dma.local [hbm:s5], s20  }
0xa4: {  	_ =	swait.ge [sflag:s22], s20  }
0xa5: {  	s4 =	ssub.s32 $0x0, s20;
	[sflag:s22] =	ssyncset.done $0x0  }
0xa6: {  	[sflag:s22] =	ssyncadd.s32 s4;
	_ =	sdelay $0x1  }
0xa7: {  	s23 =	simm.s32 $0x1B8B  }
0xa8: {  	_ =	swait.ge [sflag:s23], $0x1  }
0xa9: {  	[sflag:s23] =	ssyncset.done $0x0  }
0xaa: {  	s25 =	simm.s32 $0x1B8E;
	s24 =	sld [smem:$0x3FFE];
	[sflag:s23] =	ssyncadd.s32 $0xFFFFFFFF  }
0xab: {  	s26 =	simm.s32 $execute0_lowered;
	[smem:$0x3FD2] =	sst s25  }
0xac: {  	s5 =	sshll.u32 s26, $0x1;
	_ =	strace $0x80000064;
	[dreg:$0x1] =	wrdreg $0xFFFFFFFF  }
0xad: {  	s28 =	simm.s32 $_size_execute0_lowered;
	s3 =	sadd.s32 s3, s5;
	[dreg:$0x0] =	wrdreg $0x0  }
0xae: {  	s5 =	sshll.u32 s28, $0x1;
	[dreg:$0x2] =	wrdreg s3  }
0xaf: {  	[dreg:$0x3] =	wrdreg s5  }
0xb0: {  	[dreg:$0x4] =	wrdreg $0xC0  }
0xb1: {  	_ =	task [dreg:s7], $0x5FFFF  }
0xb2: {  	[dreg:$0x1] =	wrdreg $0xFFFFFFFF  }
0xb3: {  	[dreg:$0x0] =	wrdreg $0x60  }
0xb4: {  	[dreg:$0x2] =	wrdreg s24  }
0xb5: {  	[dreg:$0x3] =	wrdreg s16  }
0xb6: {  	[dreg:$0x4] =	wrdreg $0x9  }
0xb7: {  	_ =	task.clear_ibuf [dreg:s7], $0x5FFFF;
	_ =	strace $0x90000064  }
0xb8: {  	s29 =	simm.s32 $0x9;
	_ =	strace $0x80000066  }
0xb9: {  	_ =	swait.ge [sflag:s29], $0x1  }
0xba: {  	[sflag:s29] =	ssyncadd.s32 $0xFFFFFFFF  }
0xbb: {  	_ =	strace $0x90000066  }
0xbc: {  	_ =	sfence  }
0xbd: {  	s30 =	sld [smem:$0x0];
	_ =	sdelay $0x2  }
0xbe: {  	s31 =	sshll.u32 s1, $0xD;
	s1 =	sshrl.u32 s1, $0x2  }
0xbf: {  	s3 =	sand.u32 $0x4000, s31;
	s1 =	sadd.s32 s1, s30  }
0xc0: {  	s0 =	sor.u32 s3, s0;
	s1 =	sshll.u32 s1, $0x11  }
0xc1: {  	s0 =	sor.u32 s1, s0  }
0xc2: {  	s0 =	sadd.s32 $0x8F2B, s0  }
0xc3: {  	[sflag:s0] =	ssyncadd.remote.s32 $0x1  }
0xc4: {  	_ =	sfence.sel $0xFFFF  }
0xc5: {  	[dreg:$0x0] =	wrdreg $0xFFFFFFFF;
	(pc) =	sbr.abs _section_cstart, $3  }
0xc6: {  	[dreg:$0x1] =	wrdreg $0xFFFFFFFF  }
0xc7: {  	_ =	task.clear_ibuf [dreg:s7], $0x2FFFF;
	_ =	strace $0x9FFFFFFF  }
0xc8: {  	(tm) =	ssettm $0x7FFFFFFF  }
0xc9: {  	_ =	shalt  }
tec
execute0_lowered:
.L_overlay_start_1:
0x0: {  	(tag) =	ssettag $0x1  }
0x1: {  	s7 =	rddreg [dreg:$0x0]  }
0x2: {  	s3 =	rddreg [dreg:$0x1];
	s2 =	srdreg.scid  }
0x3: {  	s0 =	rddreg [dreg:$0x2];
	s1 =	stileid.u32;
	s5 =	sand.u32 $0x1, s2  }
0x4: {  	s2 =	simm.s32 $0x0;
	s4 =	sshll.u32 s1, $0x7;
	s6 =	sshll.u32 s5, $0x6  }
0x5: {  	[smem:$0x7FF] =	sst s2;
	s4 =	sor.u32 s6, s4  }
0x6: {  	s31 =	ssub.s32 $0x2, s5;
	_ =	strace $0x80000065;
	s6 =	sshrl.u32 s4, $0x3  }
0x7: {  	s8 =	smul.u32 $0x18, s4;
	s4 =	simm.s32 $0x2;
	s3 =	sadd.s32 s3, s6  }
0x8: {  	[tilespmem:s2], [sflag:$0x2] =	stream.linear.gather [hbm4b:s3+s2], $0x40, $0x38;
	[tilespmem:$0x3040] =	vst v63  }
0x9: {  	s9 =	sshrl.u32 s31, $0x1;
	s6 =	simm.s32 $0x40;
	_ =	swait.ge [sflag:s4], $0x40  }
0xa: {  	s30 =	sadd.s32 s8, s7;
	s8 =	ssub.s32 s31, s9;
	[sflag:s4] =	ssyncset.done $0x0  }
0xb: {  	s5 =	sadd.s32 $0x12400, s30;
	s9 =	smax.u32 s8, $0x1;
	[sflag:s4] =	ssyncadd.s32 $0xFFFFFFC0  }
0xc: {  	[tilespmem:s6], [sflag:$0x2] =	stream.linear.gather [hbm4b:s5+s2], $0x3000, $0x38;
	[tilespmem:$0x3040] =	vst v63  }
0xd: {  	p0 =	sne.s32 s9, $0x1;
	_ =	swait.ge [sflag:s4], $0x3000  }
.Ltmp0:
0xe: {  	[sflag:s4] =	ssyncset.done $0x0;
	(pc) =	sbr.rel @!p0 .LBB2_2-.Ltmp0, $4  }
0xf: {  	s7 =	sadd.s32 $0x1B6C00, s7;
	s8 =	simm.s32 $0x1;
	[sflag:s4] =	ssyncadd.s32 $0xFFFFD000  }
0x10: {  	[hbm4b:s7+s6] =	stream.indirect.scatter [tilespmem:s6], [sflag:$0x1], $0xC0, s2, s6, $0xb8;
	[tilespmem:$0x3040] =	vst v63  }
0x11: {  	_ =	swait.ge [sflag:s8], $0x3000  }
0x12: {  	s9 =	sadd.s32 $0xFFFFFFFF, s9;
	[sflag:s8] =	ssyncset.done $0x0  }
.LBB2_1:
0x13: {  	p0 =	sne.s32 s9, $0x1;
	s9 =	sadd.s32 $0xFFFFFFFF, s9;
	[sflag:s8] =	ssyncadd.s32 $0xFFFFD000  }
0x14: {  	[tilespmem:s2], [sflag:$0x2] =	stream.linear.gather [hbm4b:s3+s2], $0x40, $0x38;
	[tilespmem:$0x3040] =	vst v63  }
0x15: {  	_ =	swait.ge [sflag:s4], $0x40  }
0x16: {  	[sflag:s4] =	ssyncset.done $0x0  }
0x17: {  	[sflag:s4] =	ssyncadd.s32 $0xFFFFFFC0  }
0x18: {  	[tilespmem:s6], [sflag:$0x2] =	stream.linear.gather [hbm4b:s5+s2], $0x3000, $0x38;
	[tilespmem:$0x3040] =	vst v63  }
0x19: {  	_ =	swait.ge [sflag:s4], $0x3000  }
.Ltmp1:
0x1a: {  	[sflag:s4] =	ssyncset.done $0x0;
	(pc) =	sbr.rel @p0 .LBB2_1-.Ltmp1, $4  }
0x1b: {  	[sflag:s4] =	ssyncadd.s32 $0xFFFFD000  }
0x1c: {  	[hbm4b:s7+s6] =	stream.indirect.scatter [tilespmem:s6], [sflag:$0x1], $0xC0, s2, s6, $0xb8;
	[tilespmem:$0x3040] =	vst v63  }
0x1d: {  	_ =	swait.ge [sflag:s8], $0x3000  }
0x1e: {  	[sflag:s8] =	ssyncset.done $0x0  }
.LBB2_2:
0x1f: {  	[sflag:s8] =	ssyncadd.s32 $0xFFFFD000  }
0x20: {  	_ =	sfence.sel $0x180000  }
0x21: {  	[bflag:$0x0] =	sbarrier.arrive $0xFFFF  }
0x22: {  	p0 =	sne.s32 s1, $0x0;
	_ =	strace $0x90000065  }
0x23: {  	s0 =	sadd.s32 @!p0 $0x100000, s0;
	[bflag:$0x2] =	sbarrier.arrive $0xFFFF  }
0x24: {  	[sflag:s0] =	ssyncadd.tile.s32 @!p0 $0x1;
	_ =	shalt  }
.Lfunc_end2:
_tile_overlayer_lowered:
.L_overlay_start_2:
0x25: {  	(tag) =	ssettag $0x2  }
0x26: {  	s0 =	rddreg [dreg:$0x0];
	s2 =	stileid.u32  }
0x27: {  	s1 =	rddreg [dreg:$0x1];
	p0 =	sne.s32 s2, $0x0  }
0x28: {  	s3 =	rddreg [dreg:$0x2];
	[bflag:$0x3] =	sbarrier.arrive $0xFFFF;
	s2 =	simm.s32 @!p0 $0x1C02  }
0x29: {  	[timem:s3], [sflag:s2] =	dma.local @!p0 [hbm:s0], s1  }
0x2a: {  	s0 =	simm.s32 @!p0 $0x2  }
0x2b: {  	_ =	swait.ge @!p0 [sflag:s0], s1  }
0x2c: {  	s1 =	ssub.s32 @!p0 $0x0, s1;
	[sflag:s0] =	ssyncset.done @!p0 $0x0  }
0x2d: {  	[sflag:s0] =	ssyncadd.s32 @!p0 s1  }
0x2e: {  	[bflag:$0x3] =	sbarrier.arrive $0xFFFF  }
0x2f: {  	_ =	shalt  }

// kernel: kernel.61.cloned.1.call-start
scs
__scs_entry_jumppad:
0x0: {  	(pc) =	sbr.rel $0x88, $3  }
0x1: {  	(tag) =	ssettag $0x0;
	lr =	simm.s32 $0x1  }
0x2: {  	[smem:$0x3F8B] =	sst lr;
	_ =	strace $0xD0000000  }
0x3: {  	_ = 	snop  }
0x4: {  	_ = 	snop  }
0x5: {  	_ = 	snop  }
0x6: {  	_ = 	snop  }
0x7: {  	_ = 	snop  }
__scs_overlays_trampoline_lowered:
0x8: {  	[smem:$0x3F9A] =	sst s0  }
0x9: {  	[smem:$0x3F9B] =	sst s1  }
0xa: {  	[smem:$0x3F9C] =	sst s2  }
0xb: {  	[smem:$0x3F9D] =	sst s3  }
0xc: {  	[smem:$0x3F9E] =	sst s4  }
0xd: {  	[smem:$0x3F9F] =	sst s5  }
0xe: {  	[smem:$0x3FA0] =	sst s6  }
0xf: {  	[smem:$0x3FA1] =	sst s7  }
0x10: {  	[smem:$0x3FA2] =	sst s8  }
0x11: {  	[smem:$0x3FA3] =	sst s9;
	s0 =	simm.s32 @!p0 $0x0  }
0x12: {  	s1 =	sld [smem:$0x3F89];
	s0 =	simm.s32 @p0 $0x1  }
0x13: {  	[smem:$0x3FA4] =	sst s0;
	s0 =	simm.s32 @!p1 $0x0  }
0x14: {  	s2 =	sld [smem:$0x3F88];
	s0 =	simm.s32 @p1 $0x1  }
0x15: {  	[smem:$0x3FA5] =	sst s0;
	s0 =	simm.s32 @!p2 $0x0  }
0x16: {  	s3 =	sld [smem:$0x3FDB];
	s0 =	simm.s32 @p2 $0x1  }
0x17: {  	s4 =	simm.s32 $0x1BF5;
	[smem:$0x3FA7] =	sst s0  }
0x18: {  	s0 =	sld [smem:$0x3F8A];
	_ =	swait.ge [sflag:s4], $0x0  }
0x19: {  	s7 =	sld [smem:$0x3F8B]  }
0x1a: {  	s8 =	sadd.s32 $0xFFFFE003, lr  }
0x1b: {  	s9 =	sadd.s32 $0xFFFFFEF7, lr;
	s5 =	simm.s32 $0xFFFFFFFF;
	p2 =	slt.u32 s8, $0xFFFFF086  }
0x1c: {  	p1 =	slt.u32 s9, $0xF7A;
	s5 =	simm.s32 @!p2 $0x0  }
0x1d: {  	s5 =	simm.s32 @p1 $0x1;
	p0 =	seq.s32 s7, s2  }
0x1e: {  	s7 =	smul.u32 @!p0 $0xF7A, s2;
	p2 =	seq.s32 @!p0 s5, $0x0  }
0x1f: {  	s9 =	smul.u32 $0xF7A, s1;
	s8 =	simm.s32 @!p0 $0x1BF5;
	p2 =	por !p2, p0  }
0x20: {  	[sflag:s8] =	ssyncset.s32 @!p0 $0xFFFFF086;
	s6 =	sadd.s32 @!p0 s3, s7;
	s7 =	simm.s32 @!p0 $0x108  }
0x21: {  	s3 =	sadd.s32 s3, s9;
	s6 =	sadd.s32 @!p0 $0x88, s6;
	s7 =	simm.s32 @p2 $0x1082  }
0x22: {  	[simem:s7], [sflag:s8] =	dma.local @!p0 [hbm:s6], $0xF7A  }
0x23: {  	s9 =	sor.u32 $0xD0000000, s2;
	s6 =	simm.s32 $0x108;
	_ =	swait.ge @!p0 [sflag:s8], $0x0  }
0x24: {  	s3 =	sadd.s32 $0x88, s3;
	s6 =	simm.s32 @!p1 $0x1082;
	[sflag:s4] =	ssyncset.s32 $0xFFFFF086  }
0x25: {  	[simem:s6], [sflag:s4] =	dma.local [hbm:s3], $0xF7A  }
0x26: {  	[smem:$0x3F8B] =	sst s1;
	(tag) =	ssettag s2;
	_ =	strace s9  }
0x27: {  	s1 =	sld [smem:$0x3F9B]  }
0x28: {  	s2 =	sld [smem:$0x3F9C]  }
0x29: {  	s4 =	sld [smem:$0x3F9E]  }
0x2a: {  	p0 =	seq.s32 s5, $0x0;
	s5 =	sld [smem:$0x3F9F]  }
0x2b: {  	s6 =	sld [smem:$0x3FA0]  }
0x2c: {  	s7 =	sld [smem:$0x3FA1]  }
0x2d: {  	s3 =	simm.s32 $0x108;
	s8 =	sld [smem:$0x3FA2]  }
0x2e: {  	s3 =	simm.s32 @!p0 $0x1082;
	s9 =	sld [smem:$0x3FA3]  }
0x2f: {  	lr =	sadd.s32 s0, s3;
	s0 =	sld [smem:$0x3F9A]  }
0x30: {  	s3 =	sld [smem:$0x3F9D]  }
0x31: {  	[smem:$0x3FA6] =	sst s10  }
0x32: {  	s10 =	sld [smem:$0x3FA4];
	_ =	sdelay $0x3  }
0x33: {  	p0 =	seq.s32 s10, $0x1;
	s10 =	sld [smem:$0x3FA6];
	_ =	sdelay $0x3  }
0x34: {  	[smem:$0x3FA6] =	sst s10  }
0x35: {  	s10 =	sld [smem:$0x3FA5];
	_ =	sdelay $0x3  }
0x36: {  	p1 =	seq.s32 s10, $0x1;
	s10 =	sld [smem:$0x3FA6];
	_ =	sdelay $0x3  }
0x37: {  	[smem:$0x3FA6] =	sst s10  }
0x38: {  	s10 =	sld [smem:$0x3FA7]  }
0x39: {  	_ = 	snop;
	(pc) =	sbr.ind lr, $3  }
0x3a: {  	_ = 	snop  }
0x3b: {  	_ = 	snop  }
0x3c: {  	p2 =	seq.s32 s10, $0x1;
	s10 =	sld [smem:$0x3FA6]  }
0x3d: {  	_ =	shalt  }
0x3e: {  	_ =	shalt  }
0x3f: {  	_ =	shalt  }
0x40: {  	_ =	shalt  }
0x41: {  	_ =	shalt  }
0x42: {  	_ =	shalt  }
0x43: {  	_ =	shalt  }
0x44: {  	_ =	shalt  }
0x45: {  	_ =	shalt  }
0x46: {  	_ =	shalt  }
0x47: {  	_ =	shalt  }
0x48: {  	_ =	shalt  }
0x49: {  	_ =	shalt  }
0x4a: {  	_ =	shalt  }
0x4b: {  	_ =	shalt  }
0x4c: {  	_ =	shalt  }
0x4d: {  	_ =	shalt  }
0x4e: {  	_ =	shalt  }
0x4f: {  	_ =	shalt  }
0x50: {  	_ =	shalt  }
0x51: {  	_ =	shalt  }
0x52: {  	_ =	shalt  }
0x53: {  	_ =	shalt  }
0x54: {  	_ =	shalt  }
0x55: {  	_ =	shalt  }
0x56: {  	_ =	shalt  }
0x57: {  	_ =	shalt  }
0x58: {  	_ =	shalt  }
0x59: {  	_ =	shalt  }
0x5a: {  	_ =	shalt  }
0x5b: {  	_ =	shalt  }
0x5c: {  	_ =	shalt  }
0x5d: {  	_ =	shalt  }
0x5e: {  	_ =	shalt  }
0x5f: {  	_ =	shalt  }
0x60: {  	_ =	shalt  }
0x61: {  	_ =	shalt  }
0x62: {  	_ =	shalt  }
0x63: {  	_ =	shalt  }
0x64: {  	_ =	shalt  }
0x65: {  	_ =	shalt  }
0x66: {  	_ =	shalt  }
0x67: {  	_ =	shalt  }
0x68: {  	_ =	shalt  }
0x69: {  	_ =	shalt  }
0x6a: {  	_ =	shalt  }
0x6b: {  	_ =	shalt  }
0x6c: {  	_ =	shalt  }
0x6d: {  	_ =	shalt  }
0x6e: {  	_ =	shalt  }
0x6f: {  	_ =	shalt  }
0x70: {  	_ =	shalt  }
0x71: {  	_ =	shalt  }
0x72: {  	_ =	shalt  }
0x73: {  	_ =	shalt  }
0x74: {  	_ =	shalt  }
0x75: {  	_ =	shalt  }
0x76: {  	_ =	shalt  }
0x77: {  	_ =	shalt  }
0x78: {  	_ =	shalt  }
0x79: {  	_ =	shalt  }
0x7a: {  	_ =	shalt  }
0x7b: {  	_ =	shalt  }
0x7c: {  	_ =	shalt  }
0x7d: {  	_ =	shalt  }
0x7e: {  	_ =	shalt  }
0x7f: {  	_ =	shalt  }
0x80: {  	_ =	shalt  }
0x81: {  	_ =	shalt  }
0x82: {  	_ =	shalt  }
0x83: {  	_ =	shalt  }
0x84: {  	_ =	shalt  }
0x85: {  	_ =	shalt  }
0x86: {  	_ =	shalt  }
0x87: {  	_ =	shalt  }
.Lfunc_end0:
.L_simem_size_0:
called_computation.11_lowered:
.L_overlay_start_0:
0x88: {  	s2 =	sld [smem:$0x3FD9]  }
0x89: {  	s3 =	sld [smem:$0x3FFE];
	_ =	sdelay $0x1  }
0x8a: {  	s1 =	srdreg.scid  }
0x8b: {  	s0 =	sand.u32 $0x1, s1  }
0x8c: {  	s14 =	sshll.u32 s0, $0xA;
	s2 =	sadd.s32 s3, s2  }
0x8d: {  	s2 =	sadd.s32 s2, s14  }
0x8e: {  	[smem:$0x3FB2] =	sst s2  }
0x8f: {  	_ = 	snop  }
0x90: {  	s2 =	sld [smem:$0x3FD0];
	_ =	sdelay $0x2  }
0x91: {  	s15 =	simm.s32 $0xA;
	s4 =	simm.s32 $0x10  }
0x92: {  	[smem:s4], [sflag:s15] =	dma.local [hbm:s2], $0x1  }
0x93: {  	_ =	swait.eq [sflag:s15], $0x1  }
0x94: {  	[sflag:s15] =	ssyncset.done $0x0  }
0x95: {  	[sflag:s15] =	ssyncadd.s32 $0xFFFFFFFF  }
0x96: {  	s16 =	sld [smem:$0x10];
	(tm) =	ssettm $0x1  }
0x97: {  	s17 =	sld [smem:$0x3FFB];
	_ =	sdelay $0x3  }
0x98: {  	_ =	strace s17  }
0x99: {  	s3 =	sld [smem:$0x3FFC];
	_ =	sdelay $0x3  }
0x9a: {  	_ =	strace s3  }
0x9b: {  	s3 =	sld [smem:$0x3FFD];
	_ =	sdelay $0x3  }
0x9c: {  	_ =	strace s3  }
0x9d: {  	_ =	strace $0x8FFFFFFF  }
0x9e: {  	s18 =	sld [smem:$0x3FDB];
	_ =	sdelay $0x1  }
0x9f: {  	s19 =	simm.s32 $_scs_section_size  }
0xa0: {  	s5 =	simm.s32 $_size__tile_overlayer_lowered;
	s6 =	simm.s32 $_tile_overlayer_lowered  }
0xa1: {  	s22 =	simm.s32 $0x1BFF;
	s21 =	sshll.u32 s6, $0x1;
	s3 =	sadd.s32 s19, s18  }
0xa2: {  	s7 =	simm.s32 $0x0;
	s20 =	sshll.u32 s5, $0x1;
	s5 =	sadd.s32 s21, s3  }
0xa3: {  	[timem:s7], [sflag:s22] =	dma.local [hbm:s5], s20  }
0xa4: {  	_ =	swait.ge [sflag:s22], s20  }
0xa5: {  	s4 =	ssub.s32 $0x0, s20;
	[sflag:s22] =	ssyncset.done $0x0  }
0xa6: {  	[sflag:s22] =	ssyncadd.s32 s4;
	_ =	sdelay $0x1  }
0xa7: {  	s23 =	simm.s32 $0x1B8B  }
0xa8: {  	_ =	swait.ge [sflag:s23], $0x1  }
0xa9: {  	[sflag:s23] =	ssyncset.done $0x0  }
0xaa: {  	s25 =	simm.s32 $0x1B8E;
	s24 =	sld [smem:$0x3FFE];
	[sflag:s23] =	ssyncadd.s32 $0xFFFFFFFF  }
0xab: {  	s26 =	simm.s32 $execute0_lowered;
	[smem:$0x3FD2] =	sst s25  }
0xac: {  	s5 =	sshll.u32 s26, $0x1;
	_ =	strace $0x80000067;
	[dreg:$0x1] =	wrdreg $0xFFFFFFFF  }
0xad: {  	s28 =	simm.s32 $_size_execute0_lowered;
	s3 =	sadd.s32 s3, s5;
	[dreg:$0x0] =	wrdreg $0x0  }
0xae: {  	s5 =	sshll.u32 s28, $0x1;
	[dreg:$0x2] =	wrdreg s3  }
0xaf: {  	[dreg:$0x3] =	wrdreg s5  }
0xb0: {  	[dreg:$0x4] =	wrdreg $0xC0  }
0xb1: {  	_ =	task [dreg:s7], $0x5FFFF  }
0xb2: {  	[dreg:$0x1] =	wrdreg $0xFFFFFFFF  }
0xb3: {  	[dreg:$0x0] =	wrdreg $0x60  }
0xb4: {  	[dreg:$0x2] =	wrdreg s24  }
0xb5: {  	[dreg:$0x3] =	wrdreg s16  }
0xb6: {  	[dreg:$0x4] =	wrdreg $0x9  }
0xb7: {  	_ =	task.clear_ibuf [dreg:s7], $0x5FFFF;
	_ =	strace $0x90000067  }
0xb8: {  	s29 =	simm.s32 $0x9;
	_ =	strace $0x80000069  }
0xb9: {  	_ =	swait.ge [sflag:s29], $0x1  }
0xba: {  	[sflag:s29] =	ssyncadd.s32 $0xFFFFFFFF  }
0xbb: {  	_ =	strace $0x90000069  }
0xbc: {  	_ =	sfence  }
0xbd: {  	s30 =	sld [smem:$0x0];
	_ =	sdelay $0x2  }
0xbe: {  	s31 =	sshll.u32 s1, $0xD;
	s1 =	sshrl.u32 s1, $0x2  }
0xbf: {  	s3 =	sand.u32 $0x4000, s31;
	s1 =	sadd.s32 s1, s30  }
0xc0: {  	s0 =	sor.u32 s3, s0;
	s1 =	sshll.u32 s1, $0x11  }
0xc1: {  	s0 =	sor.u32 s1, s0  }
0xc2: {  	s0 =	sadd.s32 $0x8F2B, s0  }
0xc3: {  	[sflag:s0] =	ssyncadd.remote.s32 $0x1  }
0xc4: {  	_ =	sfence.sel $0xFFFF  }
0xc5: {  	[dreg:$0x0] =	wrdreg $0xFFFFFFFF;
	(pc) =	sbr.abs _section_cstart, $3  }
0xc6: {  	[dreg:$0x1] =	wrdreg $0xFFFFFFFF  }
0xc7: {  	_ =	task.clear_ibuf [dreg:s7], $0x2FFFF;
	_ =	strace $0x9FFFFFFF  }
0xc8: {  	(tm) =	ssettm $0x7FFFFFFF  }
0xc9: {  	_ =	shalt  }
tec
execute0_lowered:
.L_overlay_start_1:
0x0: {  	(tag) =	ssettag $0x1  }
0x1: {  	s1 =	srdreg.scid  }
0x2: {  	s8 =	rddreg [dreg:$0x0];
	s0 =	stileid.u32  }
0x3: {  	s3 =	rddreg [dreg:$0x1];
	s2 =	simm.s32 $0x0;
	s6 =	sand.u32 $0x1, s1  }
0x4: {  	s4 =	sshll.u32 s0, $0x7;
	[smem:$0x7FF] =	sst s2;
	s5 =	sshll.u32 s6, $0x6  }
0x5: {  	s1 =	rddreg [dreg:$0x2];
	_ =	strace $0x80000068;
	s7 =	sor.u32 s5, s4  }
0x6: {  	s10 =	ssub.s32 $0x2, s6;
	s6 =	simm.s32 $0x40;
	s4 =	sshrl.u32 s7, $0x3  }
0x7: {  	s5 =	sadd.s32 $0x2AC00, s8;
	s4 =	sadd.s32 s3, s4;
	s3 =	simm.s32 $0x2  }
0x8: {  	[tilespmem:s2], [sflag:$0x2] =	stream.linear.gather [hbm4b:s4+s2], $0x40, $0x38;
	[tilespmem:$0x3040] =	vst v63  }
0x9: {  	s11 =	sshrl.u32 s10, $0x1;
	s9 =	smul.u32 $0x18, s7;
	_ =	swait.ge [sflag:s3], $0x40  }
0xa: {  	s7 =	simm.s32 $0x1;
	s31 =	ssub.s32 s10, s11;
	[sflag:s3] =	ssyncset.done $0x0  }
0xb: {  	s8 =	sadd.s32 s9, s8;
	s9 =	smax.u32 s31, $0x1;
	[sflag:s3] =	ssyncadd.s32 $0xFFFFFFC0  }
0xc: {  	[tilespmem:s6], [sflag:$0x1] =	stream.indirect.gather [hbm4b:s5+s6], $0xC0, s2, s6, $0xb8;
	[tilespmem:$0x3040] =	vst v63  }
0xd: {  	p0 =	sne.s32 s9, $0x1;
	_ =	swait.ge [sflag:s7], $0x3000  }
.Ltmp0:
0xe: {  	[sflag:s7] =	ssyncset.done $0x0;
	(pc) =	sbr.rel @!p0 .LBB2_2-.Ltmp0, $4  }
0xf: {  	s8 =	sadd.s32 $0x12400, s8;
	[sflag:s7] =	ssyncadd.s32 $0xFFFFD000  }
0x10: {  	[hbm4b:s8+s2] =	stream.linear.scatter [tilespmem:s6], [sflag:$0x2], $0x3000, $0x38;
	[tilespmem:$0x3040] =	vst v63  }
0x11: {  	_ =	swait.ge [sflag:s3], $0x3000  }
0x12: {  	s9 =	sadd.s32 $0xFFFFFFFF, s9;
	[sflag:s3] =	ssyncset.done $0x0  }
.LBB2_1:
0x13: {  	p0 =	sne.s32 s9, $0x1;
	s9 =	sadd.s32 $0xFFFFFFFF, s9;
	[sflag:s3] =	ssyncadd.s32 $0xFFFFD000  }
0x14: {  	[tilespmem:s2], [sflag:$0x2] =	stream.linear.gather [hbm4b:s4+s2], $0x40, $0x38;
	[tilespmem:$0x3040] =	vst v63  }
0x15: {  	_ =	swait.ge [sflag:s3], $0x40  }
0x16: {  	[sflag:s3] =	ssyncset.done $0x0  }
0x17: {  	[sflag:s3] =	ssyncadd.s32 $0xFFFFFFC0  }
0x18: {  	[tilespmem:s6], [sflag:$0x1] =	stream.indirect.gather [hbm4b:s5+s6], $0xC0, s2, s6, $0xb8;
	[tilespmem:$0x3040] =	vst v63  }
0x19: {  	_ =	swait.ge [sflag:s7], $0x3000  }
.Ltmp1:
0x1a: {  	[sflag:s7] =	ssyncset.done $0x0;
	(pc) =	sbr.rel @p0 .LBB2_1-.Ltmp1, $4  }
0x1b: {  	[sflag:s7] =	ssyncadd.s32 $0xFFFFD000  }
0x1c: {  	[hbm4b:s8+s2] =	stream.linear.scatter [tilespmem:s6], [sflag:$0x2], $0x3000, $0x38;
	[tilespmem:$0x3040] =	vst v63  }
0x1d: {  	_ =	swait.ge [sflag:s3], $0x3000  }
0x1e: {  	[sflag:s3] =	ssyncset.done $0x0  }
.LBB2_2:
0x1f: {  	[sflag:s3] =	ssyncadd.s32 $0xFFFFD000  }
0x20: {  	_ =	sfence.sel $0x180000  }
0x21: {  	[bflag:$0x0] =	sbarrier.arrive $0xFFFF  }
0x22: {  	p0 =	sne.s32 s0, $0x0;
	_ =	strace $0x90000068  }
0x23: {  	s0 =	sadd.s32 @!p0 $0x100000, s1;
	[bflag:$0x2] =	sbarrier.arrive $0xFFFF  }
0x24: {  	[sflag:s0] =	ssyncadd.tile.s32 @!p0 $0x1;
	_ =	shalt  }
.Lfunc_end2:
_tile_overlayer_lowered:
.L_overlay_start_2:
0x25: {  	(tag) =	ssettag $0x2  }
0x26: {  	s0 =	rddreg [dreg:$0x0];
	s2 =	stileid.u32  }
0x27: {  	s1 =	rddreg [dreg:$0x1];
	p0 =	sne.s32 s2, $0x0  }
0x28: {  	s3 =	rddreg [dreg:$0x2];
	[bflag:$0x3] =	sbarrier.arrive $0xFFFF;
	s2 =	simm.s32 @!p0 $0x1C02  }
0x29: {  	[timem:s3], [sflag:s2] =	dma.local @!p0 [hbm:s0], s1  }
0x2a: {  	s0 =	simm.s32 @!p0 $0x2  }
0x2b: {  	_ =	swait.ge @!p0 [sflag:s0], s1  }
0x2c: {  	s1 =	ssub.s32 @!p0 $0x0, s1;
	[sflag:s0] =	ssyncset.done @!p0 $0x0  }
0x2d: {  	[sflag:s0] =	ssyncadd.s32 @!p0 s1  }
0x2e: {  	[bflag:$0x3] =	sbarrier.arrive $0xFFFF  }
0x2f: {  	_ =	shalt  }

</sc_bundles>
